<compile_context>
chip_gen: v7x
topology: tpu7x:2x2x1
jax: 0.10.2.dev20260603
libtpu: 0.0.44.dev20260713+nightly
codegen_flags: <defaults>
</compile_context>

<pallas_src>
import jax
import jax.numpy as jnp
from jax import lax
from jax.experimental import pallas as pl
from jax.experimental.pallas import tpu as pltpu
from jax.experimental.pallas import tpu_sc as plsc

VOCAB = 1000000
DIM = 32
B, T, L = 4096, 50, 20
NC, NS = 2, 16
NW = NC * NS
BW = 16
R = BW * T
B_PER_W = B // NW
NCHUNK = B_PER_W // BW


def _body(idx_hbm, table_hbm, out_hbm,
          raw0, raw1, idx0, idx1, acc0, acc1,
          gsem0, gsem1, isem0, isem1, osem0, osem1):
    wid = lax.axis_index("s") * NC + lax.axis_index("c")
    zeros = jnp.zeros((16,), jnp.float32)
    iota = lax.iota(jnp.int32, 16)

    def zero(acc):
        def zrow(r, _):
            acc[r, pl.ds(0, 16)] = zeros
            acc[r, pl.ds(16, 16)] = zeros
            return 0
        lax.fori_loop(0, R, zrow, 0)

    def transpose(raw, idx):
        def jstep(j, _):
            r = j * 16 + iota
            d_i = r // T
            d_t = r % T
            for l in range(L):
                v = plsc.load_gather(raw, [jnp.full((16,), l, jnp.int32), d_t, d_i])
                idx[l, pl.ds(j * 16, 16)] = v
            return 0
        lax.fori_loop(0, R // 16, jstep, 0)

    def fire(idx, acc, gsem):
        return [pltpu.async_copy(table_hbm.at[idx.at[l]], acc, gsem, add=True)
                for l in range(L)]

    def drain(copies):
        for c in copies:
            c.wait()

    def idx_async(g, raw, isem):
        b0 = (wid * NCHUNK + g) * BW
        return pltpu.async_copy(idx_hbm.at[:, :, pl.ds(b0, BW)], raw, isem)

    def out_async(g, acc, osem):
        b0 = (wid * NCHUNK + g) * BW
        for i in range(BW):
            pltpu.async_copy(acc.at[pl.ds(i * T, T)], out_hbm.at[b0 + i], osem)

    def wait_idx(raw, isem):
        pltpu.make_async_copy(idx_hbm.at[:, :, pl.ds(0, BW)], raw, isem).wait()

    def wait_out(acc, osem):
        for i in range(BW):
            pltpu.make_async_copy(acc.at[pl.ds(0, T)], out_hbm.at[0], osem).wait()

    idx_async(0, raw0, isem0).wait()
    transpose(raw0, idx0)
    zero(acc0)
    c0 = fire(idx0, acc0, gsem0)
    idx_async(1, raw1, isem1)

    def step(it, carry):
        g = it * 2
        wait_idx(raw1, isem1)
        transpose(raw1, idx1)

        @pl.when(it > 0)
        def _():
            wait_out(acc1, osem1)
        zero(acc1)
        c1 = fire(idx1, acc1, gsem1)
        drain(c0)
        out_async(g, acc0, osem0)

        @pl.when(g + 2 < NCHUNK)
        def _():
            idx_async(g + 2, raw0, isem0)
            wait_idx(raw0, isem0)
            transpose(raw0, idx0)
            wait_out(acc0, osem0)
            zero(acc0)
            fire(idx0, acc0, gsem0)
        drain(c1)
        out_async(g + 1, acc1, osem1)

        @pl.when(g + 3 < NCHUNK)
        def _():
            idx_async(g + 3, raw1, isem1)
        return carry

    lax.fori_loop(0, NCHUNK // 2, step, 0)
    wait_out(acc0, osem0)
    wait_out(acc1, osem1)


@jax.jit
def _run(sentences, table):
    mesh = plsc.VectorSubcoreMesh(core_axis_name="c", subcore_axis_name="s")
    return pl.kernel(
        _body,
        out_type=jax.ShapeDtypeStruct((B, T, DIM), jnp.float32),
        mesh=mesh,
        scratch_types=[
            pltpu.VMEM((L, T, BW), jnp.int32),
            pltpu.VMEM((L, T, BW), jnp.int32),
            pltpu.VMEM((L, R), jnp.int32),
            pltpu.VMEM((L, R), jnp.int32),
            pltpu.VMEM((R, DIM), jnp.float32),
            pltpu.VMEM((R, DIM), jnp.float32),
            pltpu.SemaphoreType.DMA,
            pltpu.SemaphoreType.DMA,
            pltpu.SemaphoreType.DMA,
            pltpu.SemaphoreType.DMA,
            pltpu.SemaphoreType.DMA,
            pltpu.SemaphoreType.DMA,
        ],
        compiler_params=pltpu.CompilerParams(
            use_tc_tiling_on_sc=False, needs_layout_passes=False),
    )(sentences, table)


def kernel(sentences, table):
    return _run(sentences.transpose(2, 1, 0), table)

# --- scband reference (transcript-rebuilt; emitter-appended) ---
"""Pipeline reference for scband-encoding-layer-33019708572200 (READ-ONLY COPY).

The authoritative reference and input builder live on the scoring server;
editing this copy changes nothing except your own understanding.
"""

import jax, jax.numpy as jnp
import numpy as np

VOCAB = 1000000
DIM = 32
PAD = 0
B, T, L = 4096, 50, 20


def setup_inputs(seed: int = 0) -> dict:
    key = jax.random.key(seed)
    k1, k2 = jax.random.split(key)
    sentences = jax.random.randint(k1, (B, T, L), 0, VOCAB, dtype=jnp.int32)
    table = jax.random.normal(k2, (VOCAB, DIM), dtype=jnp.float32)
    # padding_idx row is zero (nn.Embedding padding_idx semantics)
    table = table.at[PAD].set(0.0)
    return {"sentences": sentences, "table": table}


def reference(sentences, table):
    # 3D path of EncodingLayer.forward (non-bert branch)
    b, t, sl = sentences.shape
    flattened = sentences.reshape(-1, sl)          # [b*t, sl]
    encoded_flat = jnp.take(table, flattened, axis=0)  # [b*t, sl, DIM] gather
    pooled_flat = encoded_flat.sum(axis=1)         # sum-pool over sentence length
    enc_size = pooled_flat.shape[1]
    encoded = pooled_flat.reshape(-1, t, enc_size)  # [b, t, DIM]
    return encoded

if __name__ == "__main__":
    import jax
    _d = setup_inputs()
    print(jax.jit(kernel)(*tuple(_d.values())))

</pallas_src>

<mosaic_0001>
#map = affine_map<(d0, d1) -> (0, 0, 0)>
#map1 = affine_map<(d0, d1) -> (0, 0)>
module attributes {stable_mosaic.version = 14 : i64} {
  func.func @_body(%arg0: i32, %arg1: i32, %arg2: memref<20x50x4096xi32, #tpu.memory_space<hbm>>, %arg3: memref<1000000x32xf32, #tpu.memory_space<hbm>>, %arg4: memref<4096x50x32xf32, #tpu.memory_space<hbm>>, %arg5: memref<20x50x16xi32, #tpu.memory_space<vmem>>, %arg6: memref<20x50x16xi32, #tpu.memory_space<vmem>>, %arg7: memref<20x800xi32, #tpu.memory_space<vmem>>, %arg8: memref<20x800xi32, #tpu.memory_space<vmem>>, %arg9: memref<800x32xf32, #tpu.memory_space<vmem>>, %arg10: memref<800x32xf32, #tpu.memory_space<vmem>>, %arg11: memref<!tpu.dma_semaphore, #tpu.memory_space<semaphore_mem>>, %arg12: memref<!tpu.dma_semaphore, #tpu.memory_space<semaphore_mem>>, %arg13: memref<!tpu.dma_semaphore, #tpu.memory_space<semaphore_mem>>, %arg14: memref<!tpu.dma_semaphore, #tpu.memory_space<semaphore_mem>>, %arg15: memref<!tpu.dma_semaphore, #tpu.memory_space<semaphore_mem>>, %arg16: memref<!tpu.dma_semaphore, #tpu.memory_space<semaphore_mem>>) attributes {dimension_semantics = [#tpu.dimension_semantics<core_parallel>, #tpu.dimension_semantics<subcore_parallel>], iteration_bounds = array<i64: 2, 16>, scalar_prefetch = 0 : i64, scratch_operands = 12 : i64, tpu.core_type = #tpu.core_type<sc_vector_subcore>, window_params = [{transform_indices = #map}, {transform_indices = #map1}, {transform_indices = #map}]} {
    %mul3A = arith.constant 2 : i32
    %mul3A_0 = arith.muli %arg1, %mul3A : i32
    %add3A = arith.addi %mul3A_0, %arg0 : i32
    %broadcast_in_dim3A = arith.constant 0.000000e+00 : f32
    %broadcast_in_dim3A_1 = vector.broadcast %broadcast_in_dim3A : f32 to vector<16xf32>
    %iota3A = tpu.iota {dimensions = array<i32: 0>} : vector<16xi32>
    %mul3A_2 = arith.constant 8 : i32
    %mul3A_3 = arith.muli %add3A, %mul3A_2 : i32
    %add3A_4 = arith.constant 0 : i32
    %add3A_5 = arith.addi %mul3A_3, %add3A_4 : i32
    %mul3A_6 = arith.constant 16 : i32
    %mul3A_7 = arith.muli %add3A_5, %mul3A_6 : i32
    %dma_start3A = arith.constant 0 : i32
    %dma_start3A_8 = arith.constant 0 : i32
    %dma_start3A_9 = tpu.memref_slice %arg2[%dma_start3A, %dma_start3A_8, %mul3A_7] : memref<20x50x4096xi32, #tpu.memory_space<hbm>> -> memref<20x50x16xi32, #tpu.memory_space<hbm>>
    %dma_start3A_10 = arith.constant 0 : i32
    %dma_start3A_11 = arith.constant 0 : i32
    %dma_start3A_12 = tpu.memref_slice %arg2[%dma_start3A_10, %dma_start3A_11, %mul3A_7] : memref<20x50x4096xi32, #tpu.memory_space<hbm>> -> memref<20x50x16xi32, #tpu.memory_space<hbm>>
    tpu.enqueue_dma source(%dma_start3A_12 : memref<20x50x16xi32, #tpu.memory_space<hbm>>) target(%arg5 : memref<20x50x16xi32, #tpu.memory_space<vmem>>) target_semaphore(%arg13 : memref<!tpu.dma_semaphore, #tpu.memory_space<semaphore_mem>>)
    %dma_wait3A = arith.constant 0 : i32
    %dma_wait3A_13 = arith.constant 0 : i32
    %dma_wait3A_14 = tpu.memref_slice %arg2[%dma_wait3A, %dma_wait3A_13, %mul3A_7] : memref<20x50x4096xi32, #tpu.memory_space<hbm>> -> memref<20x50x16xi32, #tpu.memory_space<hbm>>
    %dma_wait3A_15 = arith.constant 0 : i32
    %dma_wait3A_16 = arith.constant 0 : i32
    %dma_wait3A_17 = tpu.memref_slice %arg2[%dma_wait3A_15, %dma_wait3A_16, %mul3A_7] : memref<20x50x4096xi32, #tpu.memory_space<hbm>> -> memref<20x50x16xi32, #tpu.memory_space<hbm>>
    tpu.wait_dma2 semaphore(%arg13 : memref<!tpu.dma_semaphore, #tpu.memory_space<semaphore_mem>>) src(%dma_wait3A_17 : memref<20x50x16xi32, #tpu.memory_space<hbm>>) dst(%arg5 : memref<20x50x16xi32, #tpu.memory_space<vmem>>)
    %scan3A = arith.constant 0 : i32
    %scan3A_18 = arith.constant 0 : i32
    %scan3A_19 = arith.constant 50 : i32
    %scan3A_20 = arith.addi %scan3A_18, %scan3A_19 : i32
    %scan3A_21 = arith.constant 1 : i32
    %scan3A_22 = scf.for %scan3A_689 = %scan3A_18 to %scan3A_20 step %scan3A_21 iter_args(%scan3A_690 = %scan3A) -> (i32)  : i32 {
      %mul3A_691 = arith.constant 16 : i32
      %mul3A_692 = arith.muli %scan3A_689, %mul3A_691 : i32
      %add3A_693 = vector.broadcast %mul3A_692 : i32 to vector<16xi32>
      %add3A_694 = arith.addi %add3A_693, %iota3A : vector<16xi32>
      %jit3A = arith.constant 50 : i32
      %div3A = vector.broadcast %jit3A : i32 to vector<16xi32>
      %div3A_695 = arith.divsi %add3A_694, %div3A : vector<16xi32>
      %sign3A = arith.constant 0 : i32
      %sign3A_696 = vector.broadcast %sign3A : i32 to vector<16xi32>
      %sign3A_697 = arith.cmpi sgt, %add3A_694, %sign3A_696 : vector<16xi32>
      %sign3A_698 = arith.extui %sign3A_697 : vector<16xi1> to vector<16xi32>
      %sign3A_699 = arith.constant 0 : i32
      %sign3A_700 = vector.broadcast %sign3A_699 : i32 to vector<16xi32>
      %sign3A_701 = arith.cmpi slt, %add3A_694, %sign3A_700 : vector<16xi32>
      %sign3A_702 = arith.extui %sign3A_701 : vector<16xi1> to vector<16xi32>
      %sign3A_703 = arith.subi %sign3A_698, %sign3A_702 : vector<16xi32>
      %sign3A_704 = arith.constant 0 : i32
      %sign3A_705 = arith.cmpi sgt, %jit3A, %sign3A_704 : i32
      %sign3A_706 = arith.extui %sign3A_705 : i1 to i32
      %sign3A_707 = arith.constant 0 : i32
      %sign3A_708 = arith.cmpi slt, %jit3A, %sign3A_707 : i32
      %sign3A_709 = arith.extui %sign3A_708 : i1 to i32
      %sign3A_710 = arith.subi %sign3A_706, %sign3A_709 : i32
      %ne3A = vector.broadcast %sign3A_710 : i32 to vector<16xi32>
      %ne3A_711 = arith.cmpi ne, %sign3A_703, %ne3A : vector<16xi32>
      %rem3A = vector.broadcast %jit3A : i32 to vector<16xi32>
      %rem3A_712 = arith.remsi %add3A_694, %rem3A : vector<16xi32>
      %ne3A_713 = arith.constant 0 : i32
      %ne3A_714 = vector.broadcast %ne3A_713 : i32 to vector<16xi32>
      %ne3A_715 = arith.cmpi ne, %rem3A_712, %ne3A_714 : vector<16xi32>
      %and3A = arith.andi %ne3A_711, %ne3A_715 : vector<16xi1>
      %sub3A = arith.constant 1 : i32
      %sub3A_716 = vector.broadcast %sub3A : i32 to vector<16xi32>
      %sub3A_717 = arith.subi %div3A_695, %sub3A_716 : vector<16xi32>
      %select_n3A = arith.select %and3A, %sub3A_717, %div3A_695 : vector<16xi1>, vector<16xi32>
      %jit3A_718 = arith.constant 50 : i32
      %eq3A = arith.constant 0 : i32
      %eq3A_719 = arith.cmpi eq, %jit3A_718, %eq3A : i32
      %jit3A_720 = arith.constant 1 : i32
      %select_n3A_721 = arith.select %eq3A_719, %jit3A_720, %jit3A_718 : i32
      %rem3A_722 = vector.broadcast %select_n3A_721 : i32 to vector<16xi32>
      %rem3A_723 = arith.remsi %add3A_694, %rem3A_722 : vector<16xi32>
      %ne3A_724 = arith.constant 0 : i32
      %ne3A_725 = vector.broadcast %ne3A_724 : i32 to vector<16xi32>
      %ne3A_726 = arith.cmpi ne, %rem3A_723, %ne3A_725 : vector<16xi32>
      %lt3A = arith.constant 0 : i32
      %lt3A_727 = vector.broadcast %lt3A : i32 to vector<16xi32>
      %lt3A_728 = arith.cmpi slt, %rem3A_723, %lt3A_727 : vector<16xi32>
      %lt3A_729 = arith.constant 0 : i32
      %lt3A_730 = arith.cmpi slt, %select_n3A_721, %lt3A_729 : i32
      %ne3A_731 = vector.broadcast %lt3A_730 : i1 to vector<16xi1>
      %ne3A_732 = vector.broadcast %ne3A_731 : vector<16xi1> to vector<16xi1>
      %ne3A_733 = arith.xori %lt3A_728, %ne3A_732 : vector<16xi1>
      %and3A_734 = arith.andi %ne3A_733, %ne3A_726 : vector<16xi1>
      %add3A_735 = vector.broadcast %select_n3A_721 : i32 to vector<16xi32>
      %add3A_736 = arith.addi %rem3A_723, %add3A_735 : vector<16xi32>
      %select_n3A_737 = arith.select %and3A_734, %add3A_736, %rem3A_723 : vector<16xi1>, vector<16xi32>
      %broadcast_in_dim3A_738 = arith.constant 0 : i32
      %broadcast_in_dim3A_739 = vector.broadcast %broadcast_in_dim3A_738 : i32 to vector<16xi32>
      %gather3A = tpu.vector_load_idx %arg5[%broadcast_in_dim3A_739, %select_n3A_737, %select_n3A] : memref<20x50x16xi32, #tpu.memory_space<vmem>>[vector<16xi32>, vector<16xi32>, vector<16xi32>], vector<16xi32>,
      %mul3A_740 = arith.constant 16 : i32
      %mul3A_741 = arith.muli %scan3A_689, %mul3A_740 : i32
      %swap3A = arith.constant 0 : i32
      %swap3A_742 = arith.index_cast %swap3A : i32 to index
      %swap3A_743 = arith.index_cast %mul3A_741 : i32 to index
      %swap3A_744 = tpu.vector_load %arg7[%swap3A_742, %swap3A_743] {strides = array<i32>} : memref<20x800xi32, #tpu.memory_space<vmem>>, vector<16xi32>,
      tpu.vector_store %arg7[%swap3A_742, %swap3A_743], %gather3A {strides = array<i32>} : memref<20x800xi32, #tpu.memory_space<vmem>>, vector<16xi32>,
      %broadcast_in_dim3A_745 = arith.constant 1 : i32
      %broadcast_in_dim3A_746 = vector.broadcast %broadcast_in_dim3A_745 : i32 to vector<16xi32>
      %gather3A_747 = tpu.vector_load_idx %arg5[%broadcast_in_dim3A_746, %select_n3A_737, %select_n3A] : memref<20x50x16xi32, #tpu.memory_space<vmem>>[vector<16xi32>, vector<16xi32>, vector<16xi32>], vector<16xi32>,
      %mul3A_748 = arith.constant 16 : i32
      %mul3A_749 = arith.muli %scan3A_689, %mul3A_748 : i32
      %swap3A_750 = arith.constant 1 : i32
      %swap3A_751 = arith.index_cast %swap3A_750 : i32 to index
      %swap3A_752 = arith.index_cast %mul3A_749 : i32 to index
      %swap3A_753 = tpu.vector_load %arg7[%swap3A_751, %swap3A_752] {strides = array<i32>} : memref<20x800xi32, #tpu.memory_space<vmem>>, vector<16xi32>,
      tpu.vector_store %arg7[%swap3A_751, %swap3A_752], %gather3A_747 {strides = array<i32>} : memref<20x800xi32, #tpu.memory_space<vmem>>, vector<16xi32>,
      %broadcast_in_dim3A_754 = arith.constant 2 : i32
      %broadcast_in_dim3A_755 = vector.broadcast %broadcast_in_dim3A_754 : i32 to vector<16xi32>
      %gather3A_756 = tpu.vector_load_idx %arg5[%broadcast_in_dim3A_755, %select_n3A_737, %select_n3A] : memref<20x50x16xi32, #tpu.memory_space<vmem>>[vector<16xi32>, vector<16xi32>, vector<16xi32>], vector<16xi32>,
      %mul3A_757 = arith.constant 16 : i32
      %mul3A_758 = arith.muli %scan3A_689, %mul3A_757 : i32
      %swap3A_759 = arith.constant 2 : i32
      %swap3A_760 = arith.index_cast %swap3A_759 : i32 to index
      %swap3A_761 = arith.index_cast %mul3A_758 : i32 to index
      %swap3A_762 = tpu.vector_load %arg7[%swap3A_760, %swap3A_761] {strides = array<i32>} : memref<20x800xi32, #tpu.memory_space<vmem>>, vector<16xi32>,
      tpu.vector_store %arg7[%swap3A_760, %swap3A_761], %gather3A_756 {strides = array<i32>} : memref<20x800xi32, #tpu.memory_space<vmem>>, vector<16xi32>,
      %broadcast_in_dim3A_763 = arith.constant 3 : i32
      %broadcast_in_dim3A_764 = vector.broadcast %broadcast_in_dim3A_763 : i32 to vector<16xi32>
      %gather3A_765 = tpu.vector_load_idx %arg5[%broadcast_in_dim3A_764, %select_n3A_737, %select_n3A] : memref<20x50x16xi32, #tpu.memory_space<vmem>>[vector<16xi32>, vector<16xi32>, vector<16xi32>], vector<16xi32>,
      %mul3A_766 = arith.constant 16 : i32
      %mul3A_767 = arith.muli %scan3A_689, %mul3A_766 : i32
      %swap3A_768 = arith.constant 3 : i32
      %swap3A_769 = arith.index_cast %swap3A_768 : i32 to index
      %swap3A_770 = arith.index_cast %mul3A_767 : i32 to index
      %swap3A_771 = tpu.vector_load %arg7[%swap3A_769, %swap3A_770] {strides = array<i32>} : memref<20x800xi32, #tpu.memory_space<vmem>>, vector<16xi32>,
      tpu.vector_store %arg7[%swap3A_769, %swap3A_770], %gather3A_765 {strides = array<i32>} : memref<20x800xi32, #tpu.memory_space<vmem>>, vector<16xi32>,
      %broadcast_in_dim3A_772 = arith.constant 4 : i32
      %broadcast_in_dim3A_773 = vector.broadcast %broadcast_in_dim3A_772 : i32 to vector<16xi32>
      %gather3A_774 = tpu.vector_load_idx %arg5[%broadcast_in_dim3A_773, %select_n3A_737, %select_n3A] : memref<20x50x16xi32, #tpu.memory_space<vmem>>[vector<16xi32>, vector<16xi32>, vector<16xi32>], vector<16xi32>,
      %mul3A_775 = arith.constant 16 : i32
      %mul3A_776 = arith.muli %scan3A_689, %mul3A_775 : i32
      %swap3A_777 = arith.constant 4 : i32
      %swap3A_778 = arith.index_cast %swap3A_777 : i32 to index
      %swap3A_779 = arith.index_cast %mul3A_776 : i32 to index
      %swap3A_780 = tpu.vector_load %arg7[%swap3A_778, %swap3A_779] {strides = array<i32>} : memref<20x800xi32, #tpu.memory_space<vmem>>, vector<16xi32>,
      tpu.vector_store %arg7[%swap3A_778, %swap3A_779], %gather3A_774 {strides = array<i32>} : memref<20x800xi32, #tpu.memory_space<vmem>>, vector<16xi32>,
      %broadcast_in_dim3A_781 = arith.constant 5 : i32
      %broadcast_in_dim3A_782 = vector.broadcast %broadcast_in_dim3A_781 : i32 to vector<16xi32>
      %gather3A_783 = tpu.vector_load_idx %arg5[%broadcast_in_dim3A_782, %select_n3A_737, %select_n3A] : memref<20x50x16xi32, #tpu.memory_space<vmem>>[vector<16xi32>, vector<16xi32>, vector<16xi32>], vector<16xi32>,
      %mul3A_784 = arith.constant 16 : i32
      %mul3A_785 = arith.muli %scan3A_689, %mul3A_784 : i32
      %swap3A_786 = arith.constant 5 : i32
      %swap3A_787 = arith.index_cast %swap3A_786 : i32 to index
      %swap3A_788 = arith.index_cast %mul3A_785 : i32 to index
      %swap3A_789 = tpu.vector_load %arg7[%swap3A_787, %swap3A_788] {strides = array<i32>} : memref<20x800xi32, #tpu.memory_space<vmem>>, vector<16xi32>,
      tpu.vector_store %arg7[%swap3A_787, %swap3A_788], %gather3A_783 {strides = array<i32>} : memref<20x800xi32, #tpu.memory_space<vmem>>, vector<16xi32>,
      %broadcast_in_dim3A_790 = arith.constant 6 : i32
      %broadcast_in_dim3A_791 = vector.broadcast %broadcast_in_dim3A_790 : i32 to vector<16xi32>
      %gather3A_792 = tpu.vector_load_idx %arg5[%broadcast_in_dim3A_791, %select_n3A_737, %select_n3A] : memref<20x50x16xi32, #tpu.memory_space<vmem>>[vector<16xi32>, vector<16xi32>, vector<16xi32>], vector<16xi32>,
      %mul3A_793 = arith.constant 16 : i32
      %mul3A_794 = arith.muli %scan3A_689, %mul3A_793 : i32
      %swap3A_795 = arith.constant 6 : i32
      %swap3A_796 = arith.index_cast %swap3A_795 : i32 to index
      %swap3A_797 = arith.index_cast %mul3A_794 : i32 to index
      %swap3A_798 = tpu.vector_load %arg7[%swap3A_796, %swap3A_797] {strides = array<i32>} : memref<20x800xi32, #tpu.memory_space<vmem>>, vector<16xi32>,
      tpu.vector_store %arg7[%swap3A_796, %swap3A_797], %gather3A_792 {strides = array<i32>} : memref<20x800xi32, #tpu.memory_space<vmem>>, vector<16xi32>,
      %broadcast_in_dim3A_799 = arith.constant 7 : i32
      %broadcast_in_dim3A_800 = vector.broadcast %broadcast_in_dim3A_799 : i32 to vector<16xi32>
      %gather3A_801 = tpu.vector_load_idx %arg5[%broadcast_in_dim3A_800, %select_n3A_737, %select_n3A] : memref<20x50x16xi32, #tpu.memory_space<vmem>>[vector<16xi32>, vector<16xi32>, vector<16xi32>], vector<16xi32>,
      %mul3A_802 = arith.constant 16 : i32
      %mul3A_803 = arith.muli %scan3A_689, %mul3A_802 : i32
      %swap3A_804 = arith.constant 7 : i32
      %swap3A_805 = arith.index_cast %swap3A_804 : i32 to index
      %swap3A_806 = arith.index_cast %mul3A_803 : i32 to index
      %swap3A_807 = tpu.vector_load %arg7[%swap3A_805, %swap3A_806] {strides = array<i32>} : memref<20x800xi32, #tpu.memory_space<vmem>>, vector<16xi32>,
      tpu.vector_store %arg7[%swap3A_805, %swap3A_806], %gather3A_801 {strides = array<i32>} : memref<20x800xi32, #tpu.memory_space<vmem>>, vector<16xi32>,
      %broadcast_in_dim3A_808 = arith.constant 8 : i32
      %broadcast_in_dim3A_809 = vector.broadcast %broadcast_in_dim3A_808 : i32 to vector<16xi32>
      %gather3A_810 = tpu.vector_load_idx %arg5[%broadcast_in_dim3A_809, %select_n3A_737, %select_n3A] : memref<20x50x16xi32, #tpu.memory_space<vmem>>[vector<16xi32>, vector<16xi32>, vector<16xi32>], vector<16xi32>,
      %mul3A_811 = arith.constant 16 : i32
      %mul3A_812 = arith.muli %scan3A_689, %mul3A_811 : i32
      %swap3A_813 = arith.constant 8 : i32
      %swap3A_814 = arith.index_cast %swap3A_813 : i32 to index
      %swap3A_815 = arith.index_cast %mul3A_812 : i32 to index
      %swap3A_816 = tpu.vector_load %arg7[%swap3A_814, %swap3A_815] {strides = array<i32>} : memref<20x800xi32, #tpu.memory_space<vmem>>, vector<16xi32>,
      tpu.vector_store %arg7[%swap3A_814, %swap3A_815], %gather3A_810 {strides = array<i32>} : memref<20x800xi32, #tpu.memory_space<vmem>>, vector<16xi32>,
      %broadcast_in_dim3A_817 = arith.constant 9 : i32
      %broadcast_in_dim3A_818 = vector.broadcast %broadcast_in_dim3A_817 : i32 to vector<16xi32>
      %gather3A_819 = tpu.vector_load_idx %arg5[%broadcast_in_dim3A_818, %select_n3A_737, %select_n3A] : memref<20x50x16xi32, #tpu.memory_space<vmem>>[vector<16xi32>, vector<16xi32>, vector<16xi32>], vector<16xi32>,
      %mul3A_820 = arith.constant 16 : i32
      %mul3A_821 = arith.muli %scan3A_689, %mul3A_820 : i32
      %swap3A_822 = arith.constant 9 : i32
      %swap3A_823 = arith.index_cast %swap3A_822 : i32 to index
      %swap3A_824 = arith.index_cast %mul3A_821 : i32 to index
      %swap3A_825 = tpu.vector_load %arg7[%swap3A_823, %swap3A_824] {strides = array<i32>} : memref<20x800xi32, #tpu.memory_space<vmem>>, vector<16xi32>,
      tpu.vector_store %arg7[%swap3A_823, %swap3A_824], %gather3A_819 {strides = array<i32>} : memref<20x800xi32, #tpu.memory_space<vmem>>, vector<16xi32>,
      %broadcast_in_dim3A_826 = arith.constant 10 : i32
      %broadcast_in_dim3A_827 = vector.broadcast %broadcast_in_dim3A_826 : i32 to vector<16xi32>
      %gather3A_828 = tpu.vector_load_idx %arg5[%broadcast_in_dim3A_827, %select_n3A_737, %select_n3A] : memref<20x50x16xi32, #tpu.memory_space<vmem>>[vector<16xi32>, vector<16xi32>, vector<16xi32>], vector<16xi32>,
      %mul3A_829 = arith.constant 16 : i32
      %mul3A_830 = arith.muli %scan3A_689, %mul3A_829 : i32
      %swap3A_831 = arith.constant 10 : i32
      %swap3A_832 = arith.index_cast %swap3A_831 : i32 to index
      %swap3A_833 = arith.index_cast %mul3A_830 : i32 to index
      %swap3A_834 = tpu.vector_load %arg7[%swap3A_832, %swap3A_833] {strides = array<i32>} : memref<20x800xi32, #tpu.memory_space<vmem>>, vector<16xi32>,
      tpu.vector_store %arg7[%swap3A_832, %swap3A_833], %gather3A_828 {strides = array<i32>} : memref<20x800xi32, #tpu.memory_space<vmem>>, vector<16xi32>,
      %broadcast_in_dim3A_835 = arith.constant 11 : i32
      %broadcast_in_dim3A_836 = vector.broadcast %broadcast_in_dim3A_835 : i32 to vector<16xi32>
      %gather3A_837 = tpu.vector_load_idx %arg5[%broadcast_in_dim3A_836, %select_n3A_737, %select_n3A] : memref<20x50x16xi32, #tpu.memory_space<vmem>>[vector<16xi32>, vector<16xi32>, vector<16xi32>], vector<16xi32>,
      %mul3A_838 = arith.constant 16 : i32
      %mul3A_839 = arith.muli %scan3A_689, %mul3A_838 : i32
      %swap3A_840 = arith.constant 11 : i32
      %swap3A_841 = arith.index_cast %swap3A_840 : i32 to index
      %swap3A_842 = arith.index_cast %mul3A_839 : i32 to index
      %swap3A_843 = tpu.vector_load %arg7[%swap3A_841, %swap3A_842] {strides = array<i32>} : memref<20x800xi32, #tpu.memory_space<vmem>>, vector<16xi32>,
      tpu.vector_store %arg7[%swap3A_841, %swap3A_842], %gather3A_837 {strides = array<i32>} : memref<20x800xi32, #tpu.memory_space<vmem>>, vector<16xi32>,
      %broadcast_in_dim3A_844 = arith.constant 12 : i32
      %broadcast_in_dim3A_845 = vector.broadcast %broadcast_in_dim3A_844 : i32 to vector<16xi32>
      %gather3A_846 = tpu.vector_load_idx %arg5[%broadcast_in_dim3A_845, %select_n3A_737, %select_n3A] : memref<20x50x16xi32, #tpu.memory_space<vmem>>[vector<16xi32>, vector<16xi32>, vector<16xi32>], vector<16xi32>,
      %mul3A_847 = arith.constant 16 : i32
      %mul3A_848 = arith.muli %scan3A_689, %mul3A_847 : i32
      %swap3A_849 = arith.constant 12 : i32
      %swap3A_850 = arith.index_cast %swap3A_849 : i32 to index
      %swap3A_851 = arith.index_cast %mul3A_848 : i32 to index
      %swap3A_852 = tpu.vector_load %arg7[%swap3A_850, %swap3A_851] {strides = array<i32>} : memref<20x800xi32, #tpu.memory_space<vmem>>, vector<16xi32>,
      tpu.vector_store %arg7[%swap3A_850, %swap3A_851], %gather3A_846 {strides = array<i32>} : memref<20x800xi32, #tpu.memory_space<vmem>>, vector<16xi32>,
      %broadcast_in_dim3A_853 = arith.constant 13 : i32
      %broadcast_in_dim3A_854 = vector.broadcast %broadcast_in_dim3A_853 : i32 to vector<16xi32>
      %gather3A_855 = tpu.vector_load_idx %arg5[%broadcast_in_dim3A_854, %select_n3A_737, %select_n3A] : memref<20x50x16xi32, #tpu.memory_space<vmem>>[vector<16xi32>, vector<16xi32>, vector<16xi32>], vector<16xi32>,
      %mul3A_856 = arith.constant 16 : i32
      %mul3A_857 = arith.muli %scan3A_689, %mul3A_856 : i32
      %swap3A_858 = arith.constant 13 : i32
      %swap3A_859 = arith.index_cast %swap3A_858 : i32 to index
      %swap3A_860 = arith.index_cast %mul3A_857 : i32 to index
      %swap3A_861 = tpu.vector_load %arg7[%swap3A_859, %swap3A_860] {strides = array<i32>} : memref<20x800xi32, #tpu.memory_space<vmem>>, vector<16xi32>,
      tpu.vector_store %arg7[%swap3A_859, %swap3A_860], %gather3A_855 {strides = array<i32>} : memref<20x800xi32, #tpu.memory_space<vmem>>, vector<16xi32>,
      %broadcast_in_dim3A_862 = arith.constant 14 : i32
      %broadcast_in_dim3A_863 = vector.broadcast %broadcast_in_dim3A_862 : i32 to vector<16xi32>
      %gather3A_864 = tpu.vector_load_idx %arg5[%broadcast_in_dim3A_863, %select_n3A_737, %select_n3A] : memref<20x50x16xi32, #tpu.memory_space<vmem>>[vector<16xi32>, vector<16xi32>, vector<16xi32>], vector<16xi32>,
      %mul3A_865 = arith.constant 16 : i32
      %mul3A_866 = arith.muli %scan3A_689, %mul3A_865 : i32
      %swap3A_867 = arith.constant 14 : i32
      %swap3A_868 = arith.index_cast %swap3A_867 : i32 to index
      %swap3A_869 = arith.index_cast %mul3A_866 : i32 to index
      %swap3A_870 = tpu.vector_load %arg7[%swap3A_868, %swap3A_869] {strides = array<i32>} : memref<20x800xi32, #tpu.memory_space<vmem>>, vector<16xi32>,
      tpu.vector_store %arg7[%swap3A_868, %swap3A_869], %gather3A_864 {strides = array<i32>} : memref<20x800xi32, #tpu.memory_space<vmem>>, vector<16xi32>,
      %broadcast_in_dim3A_871 = arith.constant 15 : i32
      %broadcast_in_dim3A_872 = vector.broadcast %broadcast_in_dim3A_871 : i32 to vector<16xi32>
      %gather3A_873 = tpu.vector_load_idx %arg5[%broadcast_in_dim3A_872, %select_n3A_737, %select_n3A] : memref<20x50x16xi32, #tpu.memory_space<vmem>>[vector<16xi32>, vector<16xi32>, vector<16xi32>], vector<16xi32>,
      %mul3A_874 = arith.constant 16 : i32
      %mul3A_875 = arith.muli %scan3A_689, %mul3A_874 : i32
      %swap3A_876 = arith.constant 15 : i32
      %swap3A_877 = arith.index_cast %swap3A_876 : i32 to index
      %swap3A_878 = arith.index_cast %mul3A_875 : i32 to index
      %swap3A_879 = tpu.vector_load %arg7[%swap3A_877, %swap3A_878] {strides = array<i32>} : memref<20x800xi32, #tpu.memory_space<vmem>>, vector<16xi32>,
      tpu.vector_store %arg7[%swap3A_877, %swap3A_878], %gather3A_873 {strides = array<i32>} : memref<20x800xi32, #tpu.memory_space<vmem>>, vector<16xi32>,
      %broadcast_in_dim3A_880 = arith.constant 16 : i32
      %broadcast_in_dim3A_881 = vector.broadcast %broadcast_in_dim3A_880 : i32 to vector<16xi32>
      %gather3A_882 = tpu.vector_load_idx %arg5[%broadcast_in_dim3A_881, %select_n3A_737, %select_n3A] : memref<20x50x16xi32, #tpu.memory_space<vmem>>[vector<16xi32>, vector<16xi32>, vector<16xi32>], vector<16xi32>,
      %mul3A_883 = arith.constant 16 : i32
      %mul3A_884 = arith.muli %scan3A_689, %mul3A_883 : i32
      %swap3A_885 = arith.constant 16 : i32
      %swap3A_886 = arith.index_cast %swap3A_885 : i32 to index
      %swap3A_887 = arith.index_cast %mul3A_884 : i32 to index
      %swap3A_888 = tpu.vector_load %arg7[%swap3A_886, %swap3A_887] {strides = array<i32>} : memref<20x800xi32, #tpu.memory_space<vmem>>, vector<16xi32>,
      tpu.vector_store %arg7[%swap3A_886, %swap3A_887], %gather3A_882 {strides = array<i32>} : memref<20x800xi32, #tpu.memory_space<vmem>>, vector<16xi32>,
      %broadcast_in_dim3A_889 = arith.constant 17 : i32
      %broadcast_in_dim3A_890 = vector.broadcast %broadcast_in_dim3A_889 : i32 to vector<16xi32>
      %gather3A_891 = tpu.vector_load_idx %arg5[%broadcast_in_dim3A_890, %select_n3A_737, %select_n3A] : memref<20x50x16xi32, #tpu.memory_space<vmem>>[vector<16xi32>, vector<16xi32>, vector<16xi32>], vector<16xi32>,
      %mul3A_892 = arith.constant 16 : i32
      %mul3A_893 = arith.muli %scan3A_689, %mul3A_892 : i32
      %swap3A_894 = arith.constant 17 : i32
      %swap3A_895 = arith.index_cast %swap3A_894 : i32 to index
      %swap3A_896 = arith.index_cast %mul3A_893 : i32 to index
      %swap3A_897 = tpu.vector_load %arg7[%swap3A_895, %swap3A_896] {strides = array<i32>} : memref<20x800xi32, #tpu.memory_space<vmem>>, vector<16xi32>,
      tpu.vector_store %arg7[%swap3A_895, %swap3A_896], %gather3A_891 {strides = array<i32>} : memref<20x800xi32, #tpu.memory_space<vmem>>, vector<16xi32>,
      %broadcast_in_dim3A_898 = arith.constant 18 : i32
      %broadcast_in_dim3A_899 = vector.broadcast %broadcast_in_dim3A_898 : i32 to vector<16xi32>
      %gather3A_900 = tpu.vector_load_idx %arg5[%broadcast_in_dim3A_899, %select_n3A_737, %select_n3A] : memref<20x50x16xi32, #tpu.memory_space<vmem>>[vector<16xi32>, vector<16xi32>, vector<16xi32>], vector<16xi32>,
      %mul3A_901 = arith.constant 16 : i32
      %mul3A_902 = arith.muli %scan3A_689, %mul3A_901 : i32
      %swap3A_903 = arith.constant 18 : i32
      %swap3A_904 = arith.index_cast %swap3A_903 : i32 to index
      %swap3A_905 = arith.index_cast %mul3A_902 : i32 to index
      %swap3A_906 = tpu.vector_load %arg7[%swap3A_904, %swap3A_905] {strides = array<i32>} : memref<20x800xi32, #tpu.memory_space<vmem>>, vector<16xi32>,
      tpu.vector_store %arg7[%swap3A_904, %swap3A_905], %gather3A_900 {strides = array<i32>} : memref<20x800xi32, #tpu.memory_space<vmem>>, vector<16xi32>,
      %broadcast_in_dim3A_907 = arith.constant 19 : i32
      %broadcast_in_dim3A_908 = vector.broadcast %broadcast_in_dim3A_907 : i32 to vector<16xi32>
      %gather3A_909 = tpu.vector_load_idx %arg5[%broadcast_in_dim3A_908, %select_n3A_737, %select_n3A] : memref<20x50x16xi32, #tpu.memory_space<vmem>>[vector<16xi32>, vector<16xi32>, vector<16xi32>], vector<16xi32>,
      %mul3A_910 = arith.constant 16 : i32
      %mul3A_911 = arith.muli %scan3A_689, %mul3A_910 : i32
      %swap3A_912 = arith.constant 19 : i32
      %swap3A_913 = arith.index_cast %swap3A_912 : i32 to index
      %swap3A_914 = arith.index_cast %mul3A_911 : i32 to index
      %swap3A_915 = tpu.vector_load %arg7[%swap3A_913, %swap3A_914] {strides = array<i32>} : memref<20x800xi32, #tpu.memory_space<vmem>>, vector<16xi32>,
      tpu.vector_store %arg7[%swap3A_913, %swap3A_914], %gather3A_909 {strides = array<i32>} : memref<20x800xi32, #tpu.memory_space<vmem>>, vector<16xi32>,
      %scan3A_916 = arith.constant 0 : i32
      scf.yield %scan3A_916 : i32
    }
    %scan3A_23 = arith.constant 50 : i32
    %scan3A_24 = arith.constant 0 : i32
    %scan3A_25 = arith.constant 0 : i32
    %scan3A_26 = arith.constant 800 : i32
    %scan3A_27 = arith.addi %scan3A_25, %scan3A_26 : i32
    %scan3A_28 = arith.constant 1 : i32
    %scan3A_29 = scf.for %scan3A_689 = %scan3A_25 to %scan3A_27 step %scan3A_28 iter_args(%scan3A_690 = %scan3A_24) -> (i32)  : i32 {
      %swap3A = arith.index_cast %scan3A_689 : i32 to index
      %swap3A_691 = arith.constant 0 : index
      %swap3A_692 = tpu.vector_load %arg9[%swap3A, %swap3A_691] {strides = array<i32>} : memref<800x32xf32, #tpu.memory_space<vmem>>, vector<16xf32>,
      tpu.vector_store %arg9[%swap3A, %swap3A_691], %broadcast_in_dim3A_1 {strides = array<i32>} : memref<800x32xf32, #tpu.memory_space<vmem>>, vector<16xf32>,
      %swap3A_693 = arith.index_cast %scan3A_689 : i32 to index
      %swap3A_694 = arith.constant 16 : index
      %swap3A_695 = tpu.vector_load %arg9[%swap3A_693, %swap3A_694] {strides = array<i32>} : memref<800x32xf32, #tpu.memory_space<vmem>>, vector<16xf32>,
      tpu.vector_store %arg9[%swap3A_693, %swap3A_694], %broadcast_in_dim3A_1 {strides = array<i32>} : memref<800x32xf32, #tpu.memory_space<vmem>>, vector<16xf32>,
      %scan3A_696 = arith.constant 0 : i32
      scf.yield %scan3A_696 : i32
    }
    %scan3A_30 = arith.constant 800 : i32
    %dma_start3A_31 = arith.constant 0 : i32
    %dma_start3A_32 = arith.constant 0 : i32
    %dma_start3A_33 = tpu.memref_slice %arg7[%dma_start3A_31, %dma_start3A_32] : memref<20x800xi32, #tpu.memory_space<vmem>> -> memref<1x800xi32, #tpu.memory_space<vmem>>
    %dma_start3A_34 = tpu.memref_squeeze %dma_start3A_33 : memref<1x800xi32, #tpu.memory_space<vmem>> -> memref<800xi32, #tpu.memory_space<vmem>>
    %dma_start3A_35 = arith.constant 0 : i32
    %dma_start3A_36 = arith.constant 0 : i32
    %dma_start3A_37 = tpu.memref_slice %arg3[%dma_start3A_35, %dma_start3A_36] : memref<1000000x32xf32, #tpu.memory_space<hbm>> -> memref<1000000x32xf32, #tpu.memory_space<hbm>>
    tpu.enqueue_indirect_dma source(%dma_start3A_37 : memref<1000000x32xf32, #tpu.memory_space<hbm>>) target(%arg9 : memref<800x32xf32, #tpu.memory_space<vmem>>) offsets(%dma_start3A_34 : memref<800xi32, #tpu.memory_space<vmem>>) semaphore(%arg11 : memref<!tpu.dma_semaphore, #tpu.memory_space<semaphore_mem>>) {add = true}
    %dma_start3A_38 = arith.constant 1 : i32
    %dma_start3A_39 = arith.constant 0 : i32
    %dma_start3A_40 = tpu.memref_slice %arg7[%dma_start3A_38, %dma_start3A_39] : memref<20x800xi32, #tpu.memory_space<vmem>> -> memref<1x800xi32, #tpu.memory_space<vmem>>
    %dma_start3A_41 = tpu.memref_squeeze %dma_start3A_40 : memref<1x800xi32, #tpu.memory_space<vmem>> -> memref<800xi32, #tpu.memory_space<vmem>>
    %dma_start3A_42 = arith.constant 0 : i32
    %dma_start3A_43 = arith.constant 0 : i32
    %dma_start3A_44 = tpu.memref_slice %arg3[%dma_start3A_42, %dma_start3A_43] : memref<1000000x32xf32, #tpu.memory_space<hbm>> -> memref<1000000x32xf32, #tpu.memory_space<hbm>>
    tpu.enqueue_indirect_dma source(%dma_start3A_44 : memref<1000000x32xf32, #tpu.memory_space<hbm>>) target(%arg9 : memref<800x32xf32, #tpu.memory_space<vmem>>) offsets(%dma_start3A_41 : memref<800xi32, #tpu.memory_space<vmem>>) semaphore(%arg11 : memref<!tpu.dma_semaphore, #tpu.memory_space<semaphore_mem>>) {add = true}
    %dma_start3A_45 = arith.constant 2 : i32
    %dma_start3A_46 = arith.constant 0 : i32
    %dma_start3A_47 = tpu.memref_slice %arg7[%dma_start3A_45, %dma_start3A_46] : memref<20x800xi32, #tpu.memory_space<vmem>> -> memref<1x800xi32, #tpu.memory_space<vmem>>
    %dma_start3A_48 = tpu.memref_squeeze %dma_start3A_47 : memref<1x800xi32, #tpu.memory_space<vmem>> -> memref<800xi32, #tpu.memory_space<vmem>>
    %dma_start3A_49 = arith.constant 0 : i32
    %dma_start3A_50 = arith.constant 0 : i32
    %dma_start3A_51 = tpu.memref_slice %arg3[%dma_start3A_49, %dma_start3A_50] : memref<1000000x32xf32, #tpu.memory_space<hbm>> -> memref<1000000x32xf32, #tpu.memory_space<hbm>>
    tpu.enqueue_indirect_dma source(%dma_start3A_51 : memref<1000000x32xf32, #tpu.memory_space<hbm>>) target(%arg9 : memref<800x32xf32, #tpu.memory_space<vmem>>) offsets(%dma_start3A_48 : memref<800xi32, #tpu.memory_space<vmem>>) semaphore(%arg11 : memref<!tpu.dma_semaphore, #tpu.memory_space<semaphore_mem>>) {add = true}
    %dma_start3A_52 = arith.constant 3 : i32
    %dma_start3A_53 = arith.constant 0 : i32
    %dma_start3A_54 = tpu.memref_slice %arg7[%dma_start3A_52, %dma_start3A_53] : memref<20x800xi32, #tpu.memory_space<vmem>> -> memref<1x800xi32, #tpu.memory_space<vmem>>
    %dma_start3A_55 = tpu.memref_squeeze %dma_start3A_54 : memref<1x800xi32, #tpu.memory_space<vmem>> -> memref<800xi32, #tpu.memory_space<vmem>>
    %dma_start3A_56 = arith.constant 0 : i32
    %dma_start3A_57 = arith.constant 0 : i32
    %dma_start3A_58 = tpu.memref_slice %arg3[%dma_start3A_56, %dma_start3A_57] : memref<1000000x32xf32, #tpu.memory_space<hbm>> -> memref<1000000x32xf32, #tpu.memory_space<hbm>>
    tpu.enqueue_indirect_dma source(%dma_start3A_58 : memref<1000000x32xf32, #tpu.memory_space<hbm>>) target(%arg9 : memref<800x32xf32, #tpu.memory_space<vmem>>) offsets(%dma_start3A_55 : memref<800xi32, #tpu.memory_space<vmem>>) semaphore(%arg11 : memref<!tpu.dma_semaphore, #tpu.memory_space<semaphore_mem>>) {add = true}
    %dma_start3A_59 = arith.constant 4 : i32
    %dma_start3A_60 = arith.constant 0 : i32
    %dma_start3A_61 = tpu.memref_slice %arg7[%dma_start3A_59, %dma_start3A_60] : memref<20x800xi32, #tpu.memory_space<vmem>> -> memref<1x800xi32, #tpu.memory_space<vmem>>
    %dma_start3A_62 = tpu.memref_squeeze %dma_start3A_61 : memref<1x800xi32, #tpu.memory_space<vmem>> -> memref<800xi32, #tpu.memory_space<vmem>>
    %dma_start3A_63 = arith.constant 0 : i32
    %dma_start3A_64 = arith.constant 0 : i32
    %dma_start3A_65 = tpu.memref_slice %arg3[%dma_start3A_63, %dma_start3A_64] : memref<1000000x32xf32, #tpu.memory_space<hbm>> -> memref<1000000x32xf32, #tpu.memory_space<hbm>>
    tpu.enqueue_indirect_dma source(%dma_start3A_65 : memref<1000000x32xf32, #tpu.memory_space<hbm>>) target(%arg9 : memref<800x32xf32, #tpu.memory_space<vmem>>) offsets(%dma_start3A_62 : memref<800xi32, #tpu.memory_space<vmem>>) semaphore(%arg11 : memref<!tpu.dma_semaphore, #tpu.memory_space<semaphore_mem>>) {add = true}
    %dma_start3A_66 = arith.constant 5 : i32
    %dma_start3A_67 = arith.constant 0 : i32
    %dma_start3A_68 = tpu.memref_slice %arg7[%dma_start3A_66, %dma_start3A_67] : memref<20x800xi32, #tpu.memory_space<vmem>> -> memref<1x800xi32, #tpu.memory_space<vmem>>
    %dma_start3A_69 = tpu.memref_squeeze %dma_start3A_68 : memref<1x800xi32, #tpu.memory_space<vmem>> -> memref<800xi32, #tpu.memory_space<vmem>>
    %dma_start3A_70 = arith.constant 0 : i32
    %dma_start3A_71 = arith.constant 0 : i32
    %dma_start3A_72 = tpu.memref_slice %arg3[%dma_start3A_70, %dma_start3A_71] : memref<1000000x32xf32, #tpu.memory_space<hbm>> -> memref<1000000x32xf32, #tpu.memory_space<hbm>>
    tpu.enqueue_indirect_dma source(%dma_start3A_72 : memref<1000000x32xf32, #tpu.memory_space<hbm>>) target(%arg9 : memref<800x32xf32, #tpu.memory_space<vmem>>) offsets(%dma_start3A_69 : memref<800xi32, #tpu.memory_space<vmem>>) semaphore(%arg11 : memref<!tpu.dma_semaphore, #tpu.memory_space<semaphore_mem>>) {add = true}
    %dma_start3A_73 = arith.constant 6 : i32
    %dma_start3A_74 = arith.constant 0 : i32
    %dma_start3A_75 = tpu.memref_slice %arg7[%dma_start3A_73, %dma_start3A_74] : memref<20x800xi32, #tpu.memory_space<vmem>> -> memref<1x800xi32, #tpu.memory_space<vmem>>
    %dma_start3A_76 = tpu.memref_squeeze %dma_start3A_75 : memref<1x800xi32, #tpu.memory_space<vmem>> -> memref<800xi32, #tpu.memory_space<vmem>>
    %dma_start3A_77 = arith.constant 0 : i32
    %dma_start3A_78 = arith.constant 0 : i32
    %dma_start3A_79 = tpu.memref_slice %arg3[%dma_start3A_77, %dma_start3A_78] : memref<1000000x32xf32, #tpu.memory_space<hbm>> -> memref<1000000x32xf32, #tpu.memory_space<hbm>>
    tpu.enqueue_indirect_dma source(%dma_start3A_79 : memref<1000000x32xf32, #tpu.memory_space<hbm>>) target(%arg9 : memref<800x32xf32, #tpu.memory_space<vmem>>) offsets(%dma_start3A_76 : memref<800xi32, #tpu.memory_space<vmem>>) semaphore(%arg11 : memref<!tpu.dma_semaphore, #tpu.memory_space<semaphore_mem>>) {add = true}
    %dma_start3A_80 = arith.constant 7 : i32
    %dma_start3A_81 = arith.constant 0 : i32
    %dma_start3A_82 = tpu.memref_slice %arg7[%dma_start3A_80, %dma_start3A_81] : memref<20x800xi32, #tpu.memory_space<vmem>> -> memref<1x800xi32, #tpu.memory_space<vmem>>
    %dma_start3A_83 = tpu.memref_squeeze %dma_start3A_82 : memref<1x800xi32, #tpu.memory_space<vmem>> -> memref<800xi32, #tpu.memory_space<vmem>>
    %dma_start3A_84 = arith.constant 0 : i32
    %dma_start3A_85 = arith.constant 0 : i32
    %dma_start3A_86 = tpu.memref_slice %arg3[%dma_start3A_84, %dma_start3A_85] : memref<1000000x32xf32, #tpu.memory_space<hbm>> -> memref<1000000x32xf32, #tpu.memory_space<hbm>>
    tpu.enqueue_indirect_dma source(%dma_start3A_86 : memref<1000000x32xf32, #tpu.memory_space<hbm>>) target(%arg9 : memref<800x32xf32, #tpu.memory_space<vmem>>) offsets(%dma_start3A_83 : memref<800xi32, #tpu.memory_space<vmem>>) semaphore(%arg11 : memref<!tpu.dma_semaphore, #tpu.memory_space<semaphore_mem>>) {add = true}
    %dma_start3A_87 = arith.constant 8 : i32
    %dma_start3A_88 = arith.constant 0 : i32
    %dma_start3A_89 = tpu.memref_slice %arg7[%dma_start3A_87, %dma_start3A_88] : memref<20x800xi32, #tpu.memory_space<vmem>> -> memref<1x800xi32, #tpu.memory_space<vmem>>
    %dma_start3A_90 = tpu.memref_squeeze %dma_start3A_89 : memref<1x800xi32, #tpu.memory_space<vmem>> -> memref<800xi32, #tpu.memory_space<vmem>>
    %dma_start3A_91 = arith.constant 0 : i32
    %dma_start3A_92 = arith.constant 0 : i32
    %dma_start3A_93 = tpu.memref_slice %arg3[%dma_start3A_91, %dma_start3A_92] : memref<1000000x32xf32, #tpu.memory_space<hbm>> -> memref<1000000x32xf32, #tpu.memory_space<hbm>>
    tpu.enqueue_indirect_dma source(%dma_start3A_93 : memref<1000000x32xf32, #tpu.memory_space<hbm>>) target(%arg9 : memref<800x32xf32, #tpu.memory_space<vmem>>) offsets(%dma_start3A_90 : memref<800xi32, #tpu.memory_space<vmem>>) semaphore(%arg11 : memref<!tpu.dma_semaphore, #tpu.memory_space<semaphore_mem>>) {add = true}
    %dma_start3A_94 = arith.constant 9 : i32
    %dma_start3A_95 = arith.constant 0 : i32
    %dma_start3A_96 = tpu.memref_slice %arg7[%dma_start3A_94, %dma_start3A_95] : memref<20x800xi32, #tpu.memory_space<vmem>> -> memref<1x800xi32, #tpu.memory_space<vmem>>
    %dma_start3A_97 = tpu.memref_squeeze %dma_start3A_96 : memref<1x800xi32, #tpu.memory_space<vmem>> -> memref<800xi32, #tpu.memory_space<vmem>>
    %dma_start3A_98 = arith.constant 0 : i32
    %dma_start3A_99 = arith.constant 0 : i32
    %dma_start3A_100 = tpu.memref_slice %arg3[%dma_start3A_98, %dma_start3A_99] : memref<1000000x32xf32, #tpu.memory_space<hbm>> -> memref<1000000x32xf32, #tpu.memory_space<hbm>>
    tpu.enqueue_indirect_dma source(%dma_start3A_100 : memref<1000000x32xf32, #tpu.memory_space<hbm>>) target(%arg9 : memref<800x32xf32, #tpu.memory_space<vmem>>) offsets(%dma_start3A_97 : memref<800xi32, #tpu.memory_space<vmem>>) semaphore(%arg11 : memref<!tpu.dma_semaphore, #tpu.memory_space<semaphore_mem>>) {add = true}
    %dma_start3A_101 = arith.constant 10 : i32
    %dma_start3A_102 = arith.constant 0 : i32
    %dma_start3A_103 = tpu.memref_slice %arg7[%dma_start3A_101, %dma_start3A_102] : memref<20x800xi32, #tpu.memory_space<vmem>> -> memref<1x800xi32, #tpu.memory_space<vmem>>
    %dma_start3A_104 = tpu.memref_squeeze %dma_start3A_103 : memref<1x800xi32, #tpu.memory_space<vmem>> -> memref<800xi32, #tpu.memory_space<vmem>>
    %dma_start3A_105 = arith.constant 0 : i32
    %dma_start3A_106 = arith.constant 0 : i32
    %dma_start3A_107 = tpu.memref_slice %arg3[%dma_start3A_105, %dma_start3A_106] : memref<1000000x32xf32, #tpu.memory_space<hbm>> -> memref<1000000x32xf32, #tpu.memory_space<hbm>>
    tpu.enqueue_indirect_dma source(%dma_start3A_107 : memref<1000000x32xf32, #tpu.memory_space<hbm>>) target(%arg9 : memref<800x32xf32, #tpu.memory_space<vmem>>) offsets(%dma_start3A_104 : memref<800xi32, #tpu.memory_space<vmem>>) semaphore(%arg11 : memref<!tpu.dma_semaphore, #tpu.memory_space<semaphore_mem>>) {add = true}
    %dma_start3A_108 = arith.constant 11 : i32
    %dma_start3A_109 = arith.constant 0 : i32
    %dma_start3A_110 = tpu.memref_slice %arg7[%dma_start3A_108, %dma_start3A_109] : memref<20x800xi32, #tpu.memory_space<vmem>> -> memref<1x800xi32, #tpu.memory_space<vmem>>
    %dma_start3A_111 = tpu.memref_squeeze %dma_start3A_110 : memref<1x800xi32, #tpu.memory_space<vmem>> -> memref<800xi32, #tpu.memory_space<vmem>>
    %dma_start3A_112 = arith.constant 0 : i32
    %dma_start3A_113 = arith.constant 0 : i32
    %dma_start3A_114 = tpu.memref_slice %arg3[%dma_start3A_112, %dma_start3A_113] : memref<1000000x32xf32, #tpu.memory_space<hbm>> -> memref<1000000x32xf32, #tpu.memory_space<hbm>>
    tpu.enqueue_indirect_dma source(%dma_start3A_114 : memref<1000000x32xf32, #tpu.memory_space<hbm>>) target(%arg9 : memref<800x32xf32, #tpu.memory_space<vmem>>) offsets(%dma_start3A_111 : memref<800xi32, #tpu.memory_space<vmem>>) semaphore(%arg11 : memref<!tpu.dma_semaphore, #tpu.memory_space<semaphore_mem>>) {add = true}
    %dma_start3A_115 = arith.constant 12 : i32
    %dma_start3A_116 = arith.constant 0 : i32
    %dma_start3A_117 = tpu.memref_slice %arg7[%dma_start3A_115, %dma_start3A_116] : memref<20x800xi32, #tpu.memory_space<vmem>> -> memref<1x800xi32, #tpu.memory_space<vmem>>
    %dma_start3A_118 = tpu.memref_squeeze %dma_start3A_117 : memref<1x800xi32, #tpu.memory_space<vmem>> -> memref<800xi32, #tpu.memory_space<vmem>>
    %dma_start3A_119 = arith.constant 0 : i32
    %dma_start3A_120 = arith.constant 0 : i32
    %dma_start3A_121 = tpu.memref_slice %arg3[%dma_start3A_119, %dma_start3A_120] : memref<1000000x32xf32, #tpu.memory_space<hbm>> -> memref<1000000x32xf32, #tpu.memory_space<hbm>>
    tpu.enqueue_indirect_dma source(%dma_start3A_121 : memref<1000000x32xf32, #tpu.memory_space<hbm>>) target(%arg9 : memref<800x32xf32, #tpu.memory_space<vmem>>) offsets(%dma_start3A_118 : memref<800xi32, #tpu.memory_space<vmem>>) semaphore(%arg11 : memref<!tpu.dma_semaphore, #tpu.memory_space<semaphore_mem>>) {add = true}
    %dma_start3A_122 = arith.constant 13 : i32
    %dma_start3A_123 = arith.constant 0 : i32
    %dma_start3A_124 = tpu.memref_slice %arg7[%dma_start3A_122, %dma_start3A_123] : memref<20x800xi32, #tpu.memory_space<vmem>> -> memref<1x800xi32, #tpu.memory_space<vmem>>
    %dma_start3A_125 = tpu.memref_squeeze %dma_start3A_124 : memref<1x800xi32, #tpu.memory_space<vmem>> -> memref<800xi32, #tpu.memory_space<vmem>>
    %dma_start3A_126 = arith.constant 0 : i32
    %dma_start3A_127 = arith.constant 0 : i32
    %dma_start3A_128 = tpu.memref_slice %arg3[%dma_start3A_126, %dma_start3A_127] : memref<1000000x32xf32, #tpu.memory_space<hbm>> -> memref<1000000x32xf32, #tpu.memory_space<hbm>>
    tpu.enqueue_indirect_dma source(%dma_start3A_128 : memref<1000000x32xf32, #tpu.memory_space<hbm>>) target(%arg9 : memref<800x32xf32, #tpu.memory_space<vmem>>) offsets(%dma_start3A_125 : memref<800xi32, #tpu.memory_space<vmem>>) semaphore(%arg11 : memref<!tpu.dma_semaphore, #tpu.memory_space<semaphore_mem>>) {add = true}
    %dma_start3A_129 = arith.constant 14 : i32
    %dma_start3A_130 = arith.constant 0 : i32
    %dma_start3A_131 = tpu.memref_slice %arg7[%dma_start3A_129, %dma_start3A_130] : memref<20x800xi32, #tpu.memory_space<vmem>> -> memref<1x800xi32, #tpu.memory_space<vmem>>
    %dma_start3A_132 = tpu.memref_squeeze %dma_start3A_131 : memref<1x800xi32, #tpu.memory_space<vmem>> -> memref<800xi32, #tpu.memory_space<vmem>>
    %dma_start3A_133 = arith.constant 0 : i32
    %dma_start3A_134 = arith.constant 0 : i32
    %dma_start3A_135 = tpu.memref_slice %arg3[%dma_start3A_133, %dma_start3A_134] : memref<1000000x32xf32, #tpu.memory_space<hbm>> -> memref<1000000x32xf32, #tpu.memory_space<hbm>>
    tpu.enqueue_indirect_dma source(%dma_start3A_135 : memref<1000000x32xf32, #tpu.memory_space<hbm>>) target(%arg9 : memref<800x32xf32, #tpu.memory_space<vmem>>) offsets(%dma_start3A_132 : memref<800xi32, #tpu.memory_space<vmem>>) semaphore(%arg11 : memref<!tpu.dma_semaphore, #tpu.memory_space<semaphore_mem>>) {add = true}
    %dma_start3A_136 = arith.constant 15 : i32
    %dma_start3A_137 = arith.constant 0 : i32
    %dma_start3A_138 = tpu.memref_slice %arg7[%dma_start3A_136, %dma_start3A_137] : memref<20x800xi32, #tpu.memory_space<vmem>> -> memref<1x800xi32, #tpu.memory_space<vmem>>
    %dma_start3A_139 = tpu.memref_squeeze %dma_start3A_138 : memref<1x800xi32, #tpu.memory_space<vmem>> -> memref<800xi32, #tpu.memory_space<vmem>>
    %dma_start3A_140 = arith.constant 0 : i32
    %dma_start3A_141 = arith.constant 0 : i32
    %dma_start3A_142 = tpu.memref_slice %arg3[%dma_start3A_140, %dma_start3A_141] : memref<1000000x32xf32, #tpu.memory_space<hbm>> -> memref<1000000x32xf32, #tpu.memory_space<hbm>>
    tpu.enqueue_indirect_dma source(%dma_start3A_142 : memref<1000000x32xf32, #tpu.memory_space<hbm>>) target(%arg9 : memref<800x32xf32, #tpu.memory_space<vmem>>) offsets(%dma_start3A_139 : memref<800xi32, #tpu.memory_space<vmem>>) semaphore(%arg11 : memref<!tpu.dma_semaphore, #tpu.memory_space<semaphore_mem>>) {add = true}
    %dma_start3A_143 = arith.constant 16 : i32
    %dma_start3A_144 = arith.constant 0 : i32
    %dma_start3A_145 = tpu.memref_slice %arg7[%dma_start3A_143, %dma_start3A_144] : memref<20x800xi32, #tpu.memory_space<vmem>> -> memref<1x800xi32, #tpu.memory_space<vmem>>
    %dma_start3A_146 = tpu.memref_squeeze %dma_start3A_145 : memref<1x800xi32, #tpu.memory_space<vmem>> -> memref<800xi32, #tpu.memory_space<vmem>>
    %dma_start3A_147 = arith.constant 0 : i32
    %dma_start3A_148 = arith.constant 0 : i32
    %dma_start3A_149 = tpu.memref_slice %arg3[%dma_start3A_147, %dma_start3A_148] : memref<1000000x32xf32, #tpu.memory_space<hbm>> -> memref<1000000x32xf32, #tpu.memory_space<hbm>>
    tpu.enqueue_indirect_dma source(%dma_start3A_149 : memref<1000000x32xf32, #tpu.memory_space<hbm>>) target(%arg9 : memref<800x32xf32, #tpu.memory_space<vmem>>) offsets(%dma_start3A_146 : memref<800xi32, #tpu.memory_space<vmem>>) semaphore(%arg11 : memref<!tpu.dma_semaphore, #tpu.memory_space<semaphore_mem>>) {add = true}
    %dma_start3A_150 = arith.constant 17 : i32
    %dma_start3A_151 = arith.constant 0 : i32
    %dma_start3A_152 = tpu.memref_slice %arg7[%dma_start3A_150, %dma_start3A_151] : memref<20x800xi32, #tpu.memory_space<vmem>> -> memref<1x800xi32, #tpu.memory_space<vmem>>
    %dma_start3A_153 = tpu.memref_squeeze %dma_start3A_152 : memref<1x800xi32, #tpu.memory_space<vmem>> -> memref<800xi32, #tpu.memory_space<vmem>>
    %dma_start3A_154 = arith.constant 0 : i32
    %dma_start3A_155 = arith.constant 0 : i32
    %dma_start3A_156 = tpu.memref_slice %arg3[%dma_start3A_154, %dma_start3A_155] : memref<1000000x32xf32, #tpu.memory_space<hbm>> -> memref<1000000x32xf32, #tpu.memory_space<hbm>>
    tpu.enqueue_indirect_dma source(%dma_start3A_156 : memref<1000000x32xf32, #tpu.memory_space<hbm>>) target(%arg9 : memref<800x32xf32, #tpu.memory_space<vmem>>) offsets(%dma_start3A_153 : memref<800xi32, #tpu.memory_space<vmem>>) semaphore(%arg11 : memref<!tpu.dma_semaphore, #tpu.memory_space<semaphore_mem>>) {add = true}
    %dma_start3A_157 = arith.constant 18 : i32
    %dma_start3A_158 = arith.constant 0 : i32
    %dma_start3A_159 = tpu.memref_slice %arg7[%dma_start3A_157, %dma_start3A_158] : memref<20x800xi32, #tpu.memory_space<vmem>> -> memref<1x800xi32, #tpu.memory_space<vmem>>
    %dma_start3A_160 = tpu.memref_squeeze %dma_start3A_159 : memref<1x800xi32, #tpu.memory_space<vmem>> -> memref<800xi32, #tpu.memory_space<vmem>>
    %dma_start3A_161 = arith.constant 0 : i32
    %dma_start3A_162 = arith.constant 0 : i32
    %dma_start3A_163 = tpu.memref_slice %arg3[%dma_start3A_161, %dma_start3A_162] : memref<1000000x32xf32, #tpu.memory_space<hbm>> -> memref<1000000x32xf32, #tpu.memory_space<hbm>>
    tpu.enqueue_indirect_dma source(%dma_start3A_163 : memref<1000000x32xf32, #tpu.memory_space<hbm>>) target(%arg9 : memref<800x32xf32, #tpu.memory_space<vmem>>) offsets(%dma_start3A_160 : memref<800xi32, #tpu.memory_space<vmem>>) semaphore(%arg11 : memref<!tpu.dma_semaphore, #tpu.memory_space<semaphore_mem>>) {add = true}
    %dma_start3A_164 = arith.constant 19 : i32
    %dma_start3A_165 = arith.constant 0 : i32
    %dma_start3A_166 = tpu.memref_slice %arg7[%dma_start3A_164, %dma_start3A_165] : memref<20x800xi32, #tpu.memory_space<vmem>> -> memref<1x800xi32, #tpu.memory_space<vmem>>
    %dma_start3A_167 = tpu.memref_squeeze %dma_start3A_166 : memref<1x800xi32, #tpu.memory_space<vmem>> -> memref<800xi32, #tpu.memory_space<vmem>>
    %dma_start3A_168 = arith.constant 0 : i32
    %dma_start3A_169 = arith.constant 0 : i32
    %dma_start3A_170 = tpu.memref_slice %arg3[%dma_start3A_168, %dma_start3A_169] : memref<1000000x32xf32, #tpu.memory_space<hbm>> -> memref<1000000x32xf32, #tpu.memory_space<hbm>>
    tpu.enqueue_indirect_dma source(%dma_start3A_170 : memref<1000000x32xf32, #tpu.memory_space<hbm>>) target(%arg9 : memref<800x32xf32, #tpu.memory_space<vmem>>) offsets(%dma_start3A_167 : memref<800xi32, #tpu.memory_space<vmem>>) semaphore(%arg11 : memref<!tpu.dma_semaphore, #tpu.memory_space<semaphore_mem>>) {add = true}
    %mul3A_171 = arith.constant 8 : i32
    %mul3A_172 = arith.muli %add3A, %mul3A_171 : i32
    %add3A_173 = arith.constant 1 : i32
    %add3A_174 = arith.addi %mul3A_172, %add3A_173 : i32
    %mul3A_175 = arith.constant 16 : i32
    %mul3A_176 = arith.muli %add3A_174, %mul3A_175 : i32
    %dma_start3A_177 = arith.constant 0 : i32
    %dma_start3A_178 = arith.constant 0 : i32
    %dma_start3A_179 = tpu.memref_slice %arg2[%dma_start3A_177, %dma_start3A_178, %mul3A_176] : memref<20x50x4096xi32, #tpu.memory_space<hbm>> -> memref<20x50x16xi32, #tpu.memory_space<hbm>>
    %dma_start3A_180 = arith.constant 0 : i32
    %dma_start3A_181 = arith.constant 0 : i32
    %dma_start3A_182 = tpu.memref_slice %arg2[%dma_start3A_180, %dma_start3A_181, %mul3A_176] : memref<20x50x4096xi32, #tpu.memory_space<hbm>> -> memref<20x50x16xi32, #tpu.memory_space<hbm>>
    tpu.enqueue_dma source(%dma_start3A_182 : memref<20x50x16xi32, #tpu.memory_space<hbm>>) target(%arg6 : memref<20x50x16xi32, #tpu.memory_space<vmem>>) target_semaphore(%arg14 : memref<!tpu.dma_semaphore, #tpu.memory_space<semaphore_mem>>)
    %scan3A_183 = arith.constant 0 : i32
    %scan3A_184 = arith.constant 0 : i32
    %scan3A_185 = arith.constant 1 : i32
    %scan3A_186 = arith.constant 2 : i32
    %scan3A_187 = arith.constant 3 : i32
    %scan3A_188 = arith.constant 4 : i32
    %scan3A_189 = arith.constant 5 : i32
    %scan3A_190 = arith.constant 6 : i32
    %scan3A_191 = arith.constant 7 : i32
    %scan3A_192 = arith.constant 8 : i32
    %scan3A_193 = arith.constant 9 : i32
    %scan3A_194 = arith.constant 10 : i32
    %scan3A_195 = arith.constant 11 : i32
    %scan3A_196 = arith.constant 12 : i32
    %scan3A_197 = arith.constant 13 : i32
    %scan3A_198 = arith.constant 14 : i32
    %scan3A_199 = arith.constant 15 : i32
    %scan3A_200 = arith.constant 16 : i32
    %scan3A_201 = arith.constant 17 : i32
    %scan3A_202 = arith.constant 18 : i32
    %scan3A_203 = arith.constant 19 : i32
    %scan3A_204 = arith.constant 0 : i32
    %scan3A_205 = arith.constant 4 : i32
    %scan3A_206 = arith.addi %scan3A_204, %scan3A_205 : i32
    %scan3A_207 = arith.constant 1 : i32
    scf.for %scan3A_689 = %scan3A_204 to %scan3A_206 step %scan3A_207  : i32 {
      %mul3A_690 = arith.constant 2 : i32
      %mul3A_691 = arith.muli %scan3A_689, %mul3A_690 : i32
      %dma_wait3A_692 = arith.constant 0 : i32
      %dma_wait3A_693 = arith.constant 0 : i32
      %dma_wait3A_694 = arith.constant 0 : i32
      %dma_wait3A_695 = tpu.memref_slice %arg2[%dma_wait3A_692, %dma_wait3A_693, %dma_wait3A_694] : memref<20x50x4096xi32, #tpu.memory_space<hbm>> -> memref<20x50x16xi32, #tpu.memory_space<hbm>>
      %dma_wait3A_696 = arith.constant 0 : i32
      %dma_wait3A_697 = arith.constant 0 : i32
      %dma_wait3A_698 = arith.constant 0 : i32
      %dma_wait3A_699 = tpu.memref_slice %arg2[%dma_wait3A_696, %dma_wait3A_697, %dma_wait3A_698] : memref<20x50x4096xi32, #tpu.memory_space<hbm>> -> memref<20x50x16xi32, #tpu.memory_space<hbm>>
      tpu.wait_dma2 semaphore(%arg14 : memref<!tpu.dma_semaphore, #tpu.memory_space<semaphore_mem>>) src(%dma_wait3A_699 : memref<20x50x16xi32, #tpu.memory_space<hbm>>) dst(%arg6 : memref<20x50x16xi32, #tpu.memory_space<vmem>>)
      %scan3A_700 = arith.constant 0 : i32
      %scan3A_701 = arith.constant 0 : i32
      %scan3A_702 = arith.constant 50 : i32
      %scan3A_703 = arith.addi %scan3A_701, %scan3A_702 : i32
      %scan3A_704 = arith.constant 1 : i32
      %scan3A_705 = scf.for %scan3A_1653 = %scan3A_701 to %scan3A_703 step %scan3A_704 iter_args(%scan3A_1654 = %scan3A_700) -> (i32)  : i32 {
        %mul3A_1655 = arith.constant 16 : i32
        %mul3A_1656 = arith.muli %scan3A_1653, %mul3A_1655 : i32
        %add3A_1657 = vector.broadcast %mul3A_1656 : i32 to vector<16xi32>
        %add3A_1658 = arith.addi %add3A_1657, %iota3A : vector<16xi32>
        %jit3A = arith.constant 50 : i32
        %div3A = vector.broadcast %jit3A : i32 to vector<16xi32>
        %div3A_1659 = arith.divsi %add3A_1658, %div3A : vector<16xi32>
        %sign3A = arith.constant 0 : i32
        %sign3A_1660 = vector.broadcast %sign3A : i32 to vector<16xi32>
        %sign3A_1661 = arith.cmpi sgt, %add3A_1658, %sign3A_1660 : vector<16xi32>
        %sign3A_1662 = arith.extui %sign3A_1661 : vector<16xi1> to vector<16xi32>
        %sign3A_1663 = arith.constant 0 : i32
        %sign3A_1664 = vector.broadcast %sign3A_1663 : i32 to vector<16xi32>
        %sign3A_1665 = arith.cmpi slt, %add3A_1658, %sign3A_1664 : vector<16xi32>
        %sign3A_1666 = arith.extui %sign3A_1665 : vector<16xi1> to vector<16xi32>
        %sign3A_1667 = arith.subi %sign3A_1662, %sign3A_1666 : vector<16xi32>
        %sign3A_1668 = arith.constant 0 : i32
        %sign3A_1669 = arith.cmpi sgt, %jit3A, %sign3A_1668 : i32
        %sign3A_1670 = arith.extui %sign3A_1669 : i1 to i32
        %sign3A_1671 = arith.constant 0 : i32
        %sign3A_1672 = arith.cmpi slt, %jit3A, %sign3A_1671 : i32
        %sign3A_1673 = arith.extui %sign3A_1672 : i1 to i32
        %sign3A_1674 = arith.subi %sign3A_1670, %sign3A_1673 : i32
        %ne3A = vector.broadcast %sign3A_1674 : i32 to vector<16xi32>
        %ne3A_1675 = arith.cmpi ne, %sign3A_1667, %ne3A : vector<16xi32>
        %rem3A = vector.broadcast %jit3A : i32 to vector<16xi32>
        %rem3A_1676 = arith.remsi %add3A_1658, %rem3A : vector<16xi32>
        %ne3A_1677 = arith.constant 0 : i32
        %ne3A_1678 = vector.broadcast %ne3A_1677 : i32 to vector<16xi32>
        %ne3A_1679 = arith.cmpi ne, %rem3A_1676, %ne3A_1678 : vector<16xi32>
        %and3A = arith.andi %ne3A_1675, %ne3A_1679 : vector<16xi1>
        %sub3A = arith.constant 1 : i32
        %sub3A_1680 = vector.broadcast %sub3A : i32 to vector<16xi32>
        %sub3A_1681 = arith.subi %div3A_1659, %sub3A_1680 : vector<16xi32>
        %select_n3A = arith.select %and3A, %sub3A_1681, %div3A_1659 : vector<16xi1>, vector<16xi32>
        %jit3A_1682 = arith.constant 50 : i32
        %eq3A = arith.constant 0 : i32
        %eq3A_1683 = arith.cmpi eq, %jit3A_1682, %eq3A : i32
        %jit3A_1684 = arith.constant 1 : i32
        %select_n3A_1685 = arith.select %eq3A_1683, %jit3A_1684, %jit3A_1682 : i32
        %rem3A_1686 = vector.broadcast %select_n3A_1685 : i32 to vector<16xi32>
        %rem3A_1687 = arith.remsi %add3A_1658, %rem3A_1686 : vector<16xi32>
        %ne3A_1688 = arith.constant 0 : i32
        %ne3A_1689 = vector.broadcast %ne3A_1688 : i32 to vector<16xi32>
        %ne3A_1690 = arith.cmpi ne, %rem3A_1687, %ne3A_1689 : vector<16xi32>
        %lt3A_1691 = arith.constant 0 : i32
        %lt3A_1692 = vector.broadcast %lt3A_1691 : i32 to vector<16xi32>
        %lt3A_1693 = arith.cmpi slt, %rem3A_1687, %lt3A_1692 : vector<16xi32>
        %lt3A_1694 = arith.constant 0 : i32
        %lt3A_1695 = arith.cmpi slt, %select_n3A_1685, %lt3A_1694 : i32
        %ne3A_1696 = vector.broadcast %lt3A_1695 : i1 to vector<16xi1>
        %ne3A_1697 = vector.broadcast %ne3A_1696 : vector<16xi1> to vector<16xi1>
        %ne3A_1698 = arith.xori %lt3A_1693, %ne3A_1697 : vector<16xi1>
        %and3A_1699 = arith.andi %ne3A_1698, %ne3A_1690 : vector<16xi1>
        %add3A_1700 = vector.broadcast %select_n3A_1685 : i32 to vector<16xi32>
        %add3A_1701 = arith.addi %rem3A_1687, %add3A_1700 : vector<16xi32>
        %select_n3A_1702 = arith.select %and3A_1699, %add3A_1701, %rem3A_1687 : vector<16xi1>, vector<16xi32>
        %broadcast_in_dim3A_1703 = arith.constant 0 : i32
        %broadcast_in_dim3A_1704 = vector.broadcast %broadcast_in_dim3A_1703 : i32 to vector<16xi32>
        %gather3A = tpu.vector_load_idx %arg6[%broadcast_in_dim3A_1704, %select_n3A_1702, %select_n3A] : memref<20x50x16xi32, #tpu.memory_space<vmem>>[vector<16xi32>, vector<16xi32>, vector<16xi32>], vector<16xi32>,
        %mul3A_1705 = arith.constant 16 : i32
        %mul3A_1706 = arith.muli %scan3A_1653, %mul3A_1705 : i32
        %swap3A = arith.constant 0 : i32
        %swap3A_1707 = arith.index_cast %swap3A : i32 to index
        %swap3A_1708 = arith.index_cast %mul3A_1706 : i32 to index
        %swap3A_1709 = tpu.vector_load %arg8[%swap3A_1707, %swap3A_1708] {strides = array<i32>} : memref<20x800xi32, #tpu.memory_space<vmem>>, vector<16xi32>,
        tpu.vector_store %arg8[%swap3A_1707, %swap3A_1708], %gather3A {strides = array<i32>} : memref<20x800xi32, #tpu.memory_space<vmem>>, vector<16xi32>,
        %broadcast_in_dim3A_1710 = arith.constant 1 : i32
        %broadcast_in_dim3A_1711 = vector.broadcast %broadcast_in_dim3A_1710 : i32 to vector<16xi32>
        %gather3A_1712 = tpu.vector_load_idx %arg6[%broadcast_in_dim3A_1711, %select_n3A_1702, %select_n3A] : memref<20x50x16xi32, #tpu.memory_space<vmem>>[vector<16xi32>, vector<16xi32>, vector<16xi32>], vector<16xi32>,
        %mul3A_1713 = arith.constant 16 : i32
        %mul3A_1714 = arith.muli %scan3A_1653, %mul3A_1713 : i32
        %swap3A_1715 = arith.constant 1 : i32
        %swap3A_1716 = arith.index_cast %swap3A_1715 : i32 to index
        %swap3A_1717 = arith.index_cast %mul3A_1714 : i32 to index
        %swap3A_1718 = tpu.vector_load %arg8[%swap3A_1716, %swap3A_1717] {strides = array<i32>} : memref<20x800xi32, #tpu.memory_space<vmem>>, vector<16xi32>,
        tpu.vector_store %arg8[%swap3A_1716, %swap3A_1717], %gather3A_1712 {strides = array<i32>} : memref<20x800xi32, #tpu.memory_space<vmem>>, vector<16xi32>,
        %broadcast_in_dim3A_1719 = arith.constant 2 : i32
        %broadcast_in_dim3A_1720 = vector.broadcast %broadcast_in_dim3A_1719 : i32 to vector<16xi32>
        %gather3A_1721 = tpu.vector_load_idx %arg6[%broadcast_in_dim3A_1720, %select_n3A_1702, %select_n3A] : memref<20x50x16xi32, #tpu.memory_space<vmem>>[vector<16xi32>, vector<16xi32>, vector<16xi32>], vector<16xi32>,
        %mul3A_1722 = arith.constant 16 : i32
        %mul3A_1723 = arith.muli %scan3A_1653, %mul3A_1722 : i32
        %swap3A_1724 = arith.constant 2 : i32
        %swap3A_1725 = arith.index_cast %swap3A_1724 : i32 to index
        %swap3A_1726 = arith.index_cast %mul3A_1723 : i32 to index
        %swap3A_1727 = tpu.vector_load %arg8[%swap3A_1725, %swap3A_1726] {strides = array<i32>} : memref<20x800xi32, #tpu.memory_space<vmem>>, vector<16xi32>,
        tpu.vector_store %arg8[%swap3A_1725, %swap3A_1726], %gather3A_1721 {strides = array<i32>} : memref<20x800xi32, #tpu.memory_space<vmem>>, vector<16xi32>,
        %broadcast_in_dim3A_1728 = arith.constant 3 : i32
        %broadcast_in_dim3A_1729 = vector.broadcast %broadcast_in_dim3A_1728 : i32 to vector<16xi32>
        %gather3A_1730 = tpu.vector_load_idx %arg6[%broadcast_in_dim3A_1729, %select_n3A_1702, %select_n3A] : memref<20x50x16xi32, #tpu.memory_space<vmem>>[vector<16xi32>, vector<16xi32>, vector<16xi32>], vector<16xi32>,
        %mul3A_1731 = arith.constant 16 : i32
        %mul3A_1732 = arith.muli %scan3A_1653, %mul3A_1731 : i32
        %swap3A_1733 = arith.constant 3 : i32
        %swap3A_1734 = arith.index_cast %swap3A_1733 : i32 to index
        %swap3A_1735 = arith.index_cast %mul3A_1732 : i32 to index
        %swap3A_1736 = tpu.vector_load %arg8[%swap3A_1734, %swap3A_1735] {strides = array<i32>} : memref<20x800xi32, #tpu.memory_space<vmem>>, vector<16xi32>,
        tpu.vector_store %arg8[%swap3A_1734, %swap3A_1735], %gather3A_1730 {strides = array<i32>} : memref<20x800xi32, #tpu.memory_space<vmem>>, vector<16xi32>,
        %broadcast_in_dim3A_1737 = arith.constant 4 : i32
        %broadcast_in_dim3A_1738 = vector.broadcast %broadcast_in_dim3A_1737 : i32 to vector<16xi32>
        %gather3A_1739 = tpu.vector_load_idx %arg6[%broadcast_in_dim3A_1738, %select_n3A_1702, %select_n3A] : memref<20x50x16xi32, #tpu.memory_space<vmem>>[vector<16xi32>, vector<16xi32>, vector<16xi32>], vector<16xi32>,
        %mul3A_1740 = arith.constant 16 : i32
        %mul3A_1741 = arith.muli %scan3A_1653, %mul3A_1740 : i32
        %swap3A_1742 = arith.constant 4 : i32
        %swap3A_1743 = arith.index_cast %swap3A_1742 : i32 to index
        %swap3A_1744 = arith.index_cast %mul3A_1741 : i32 to index
        %swap3A_1745 = tpu.vector_load %arg8[%swap3A_1743, %swap3A_1744] {strides = array<i32>} : memref<20x800xi32, #tpu.memory_space<vmem>>, vector<16xi32>,
        tpu.vector_store %arg8[%swap3A_1743, %swap3A_1744], %gather3A_1739 {strides = array<i32>} : memref<20x800xi32, #tpu.memory_space<vmem>>, vector<16xi32>,
        %broadcast_in_dim3A_1746 = arith.constant 5 : i32
        %broadcast_in_dim3A_1747 = vector.broadcast %broadcast_in_dim3A_1746 : i32 to vector<16xi32>
        %gather3A_1748 = tpu.vector_load_idx %arg6[%broadcast_in_dim3A_1747, %select_n3A_1702, %select_n3A] : memref<20x50x16xi32, #tpu.memory_space<vmem>>[vector<16xi32>, vector<16xi32>, vector<16xi32>], vector<16xi32>,
        %mul3A_1749 = arith.constant 16 : i32
        %mul3A_1750 = arith.muli %scan3A_1653, %mul3A_1749 : i32
        %swap3A_1751 = arith.constant 5 : i32
        %swap3A_1752 = arith.index_cast %swap3A_1751 : i32 to index
        %swap3A_1753 = arith.index_cast %mul3A_1750 : i32 to index
        %swap3A_1754 = tpu.vector_load %arg8[%swap3A_1752, %swap3A_1753] {strides = array<i32>} : memref<20x800xi32, #tpu.memory_space<vmem>>, vector<16xi32>,
        tpu.vector_store %arg8[%swap3A_1752, %swap3A_1753], %gather3A_1748 {strides = array<i32>} : memref<20x800xi32, #tpu.memory_space<vmem>>, vector<16xi32>,
        %broadcast_in_dim3A_1755 = arith.constant 6 : i32
        %broadcast_in_dim3A_1756 = vector.broadcast %broadcast_in_dim3A_1755 : i32 to vector<16xi32>
        %gather3A_1757 = tpu.vector_load_idx %arg6[%broadcast_in_dim3A_1756, %select_n3A_1702, %select_n3A] : memref<20x50x16xi32, #tpu.memory_space<vmem>>[vector<16xi32>, vector<16xi32>, vector<16xi32>], vector<16xi32>,
        %mul3A_1758 = arith.constant 16 : i32
        %mul3A_1759 = arith.muli %scan3A_1653, %mul3A_1758 : i32
        %swap3A_1760 = arith.constant 6 : i32
        %swap3A_1761 = arith.index_cast %swap3A_1760 : i32 to index
        %swap3A_1762 = arith.index_cast %mul3A_1759 : i32 to index
        %swap3A_1763 = tpu.vector_load %arg8[%swap3A_1761, %swap3A_1762] {strides = array<i32>} : memref<20x800xi32, #tpu.memory_space<vmem>>, vector<16xi32>,
        tpu.vector_store %arg8[%swap3A_1761, %swap3A_1762], %gather3A_1757 {strides = array<i32>} : memref<20x800xi32, #tpu.memory_space<vmem>>, vector<16xi32>,
        %broadcast_in_dim3A_1764 = arith.constant 7 : i32
        %broadcast_in_dim3A_1765 = vector.broadcast %broadcast_in_dim3A_1764 : i32 to vector<16xi32>
        %gather3A_1766 = tpu.vector_load_idx %arg6[%broadcast_in_dim3A_1765, %select_n3A_1702, %select_n3A] : memref<20x50x16xi32, #tpu.memory_space<vmem>>[vector<16xi32>, vector<16xi32>, vector<16xi32>], vector<16xi32>,
        %mul3A_1767 = arith.constant 16 : i32
        %mul3A_1768 = arith.muli %scan3A_1653, %mul3A_1767 : i32
        %swap3A_1769 = arith.constant 7 : i32
        %swap3A_1770 = arith.index_cast %swap3A_1769 : i32 to index
        %swap3A_1771 = arith.index_cast %mul3A_1768 : i32 to index
        %swap3A_1772 = tpu.vector_load %arg8[%swap3A_1770, %swap3A_1771] {strides = array<i32>} : memref<20x800xi32, #tpu.memory_space<vmem>>, vector<16xi32>,
        tpu.vector_store %arg8[%swap3A_1770, %swap3A_1771], %gather3A_1766 {strides = array<i32>} : memref<20x800xi32, #tpu.memory_space<vmem>>, vector<16xi32>,
        %broadcast_in_dim3A_1773 = arith.constant 8 : i32
        %broadcast_in_dim3A_1774 = vector.broadcast %broadcast_in_dim3A_1773 : i32 to vector<16xi32>
        %gather3A_1775 = tpu.vector_load_idx %arg6[%broadcast_in_dim3A_1774, %select_n3A_1702, %select_n3A] : memref<20x50x16xi32, #tpu.memory_space<vmem>>[vector<16xi32>, vector<16xi32>, vector<16xi32>], vector<16xi32>,
        %mul3A_1776 = arith.constant 16 : i32
        %mul3A_1777 = arith.muli %scan3A_1653, %mul3A_1776 : i32
        %swap3A_1778 = arith.constant 8 : i32
        %swap3A_1779 = arith.index_cast %swap3A_1778 : i32 to index
        %swap3A_1780 = arith.index_cast %mul3A_1777 : i32 to index
        %swap3A_1781 = tpu.vector_load %arg8[%swap3A_1779, %swap3A_1780] {strides = array<i32>} : memref<20x800xi32, #tpu.memory_space<vmem>>, vector<16xi32>,
        tpu.vector_store %arg8[%swap3A_1779, %swap3A_1780], %gather3A_1775 {strides = array<i32>} : memref<20x800xi32, #tpu.memory_space<vmem>>, vector<16xi32>,
        %broadcast_in_dim3A_1782 = arith.constant 9 : i32
        %broadcast_in_dim3A_1783 = vector.broadcast %broadcast_in_dim3A_1782 : i32 to vector<16xi32>
        %gather3A_1784 = tpu.vector_load_idx %arg6[%broadcast_in_dim3A_1783, %select_n3A_1702, %select_n3A] : memref<20x50x16xi32, #tpu.memory_space<vmem>>[vector<16xi32>, vector<16xi32>, vector<16xi32>], vector<16xi32>,
        %mul3A_1785 = arith.constant 16 : i32
        %mul3A_1786 = arith.muli %scan3A_1653, %mul3A_1785 : i32
        %swap3A_1787 = arith.constant 9 : i32
        %swap3A_1788 = arith.index_cast %swap3A_1787 : i32 to index
        %swap3A_1789 = arith.index_cast %mul3A_1786 : i32 to index
        %swap3A_1790 = tpu.vector_load %arg8[%swap3A_1788, %swap3A_1789] {strides = array<i32>} : memref<20x800xi32, #tpu.memory_space<vmem>>, vector<16xi32>,
        tpu.vector_store %arg8[%swap3A_1788, %swap3A_1789], %gather3A_1784 {strides = array<i32>} : memref<20x800xi32, #tpu.memory_space<vmem>>, vector<16xi32>,
        %broadcast_in_dim3A_1791 = arith.constant 10 : i32
        %broadcast_in_dim3A_1792 = vector.broadcast %broadcast_in_dim3A_1791 : i32 to vector<16xi32>
        %gather3A_1793 = tpu.vector_load_idx %arg6[%broadcast_in_dim3A_1792, %select_n3A_1702, %select_n3A] : memref<20x50x16xi32, #tpu.memory_space<vmem>>[vector<16xi32>, vector<16xi32>, vector<16xi32>], vector<16xi32>,
        %mul3A_1794 = arith.constant 16 : i32
        %mul3A_1795 = arith.muli %scan3A_1653, %mul3A_1794 : i32
        %swap3A_1796 = arith.constant 10 : i32
        %swap3A_1797 = arith.index_cast %swap3A_1796 : i32 to index
        %swap3A_1798 = arith.index_cast %mul3A_1795 : i32 to index
        %swap3A_1799 = tpu.vector_load %arg8[%swap3A_1797, %swap3A_1798] {strides = array<i32>} : memref<20x800xi32, #tpu.memory_space<vmem>>, vector<16xi32>,
        tpu.vector_store %arg8[%swap3A_1797, %swap3A_1798], %gather3A_1793 {strides = array<i32>} : memref<20x800xi32, #tpu.memory_space<vmem>>, vector<16xi32>,
        %broadcast_in_dim3A_1800 = arith.constant 11 : i32
        %broadcast_in_dim3A_1801 = vector.broadcast %broadcast_in_dim3A_1800 : i32 to vector<16xi32>
        %gather3A_1802 = tpu.vector_load_idx %arg6[%broadcast_in_dim3A_1801, %select_n3A_1702, %select_n3A] : memref<20x50x16xi32, #tpu.memory_space<vmem>>[vector<16xi32>, vector<16xi32>, vector<16xi32>], vector<16xi32>,
        %mul3A_1803 = arith.constant 16 : i32
        %mul3A_1804 = arith.muli %scan3A_1653, %mul3A_1803 : i32
        %swap3A_1805 = arith.constant 11 : i32
        %swap3A_1806 = arith.index_cast %swap3A_1805 : i32 to index
        %swap3A_1807 = arith.index_cast %mul3A_1804 : i32 to index
        %swap3A_1808 = tpu.vector_load %arg8[%swap3A_1806, %swap3A_1807] {strides = array<i32>} : memref<20x800xi32, #tpu.memory_space<vmem>>, vector<16xi32>,
        tpu.vector_store %arg8[%swap3A_1806, %swap3A_1807], %gather3A_1802 {strides = array<i32>} : memref<20x800xi32, #tpu.memory_space<vmem>>, vector<16xi32>,
        %broadcast_in_dim3A_1809 = arith.constant 12 : i32
        %broadcast_in_dim3A_1810 = vector.broadcast %broadcast_in_dim3A_1809 : i32 to vector<16xi32>
        %gather3A_1811 = tpu.vector_load_idx %arg6[%broadcast_in_dim3A_1810, %select_n3A_1702, %select_n3A] : memref<20x50x16xi32, #tpu.memory_space<vmem>>[vector<16xi32>, vector<16xi32>, vector<16xi32>], vector<16xi32>,
        %mul3A_1812 = arith.constant 16 : i32
        %mul3A_1813 = arith.muli %scan3A_1653, %mul3A_1812 : i32
        %swap3A_1814 = arith.constant 12 : i32
        %swap3A_1815 = arith.index_cast %swap3A_1814 : i32 to index
        %swap3A_1816 = arith.index_cast %mul3A_1813 : i32 to index
        %swap3A_1817 = tpu.vector_load %arg8[%swap3A_1815, %swap3A_1816] {strides = array<i32>} : memref<20x800xi32, #tpu.memory_space<vmem>>, vector<16xi32>,
        tpu.vector_store %arg8[%swap3A_1815, %swap3A_1816], %gather3A_1811 {strides = array<i32>} : memref<20x800xi32, #tpu.memory_space<vmem>>, vector<16xi32>,
        %broadcast_in_dim3A_1818 = arith.constant 13 : i32
        %broadcast_in_dim3A_1819 = vector.broadcast %broadcast_in_dim3A_1818 : i32 to vector<16xi32>
        %gather3A_1820 = tpu.vector_load_idx %arg6[%broadcast_in_dim3A_1819, %select_n3A_1702, %select_n3A] : memref<20x50x16xi32, #tpu.memory_space<vmem>>[vector<16xi32>, vector<16xi32>, vector<16xi32>], vector<16xi32>,
        %mul3A_1821 = arith.constant 16 : i32
        %mul3A_1822 = arith.muli %scan3A_1653, %mul3A_1821 : i32
        %swap3A_1823 = arith.constant 13 : i32
        %swap3A_1824 = arith.index_cast %swap3A_1823 : i32 to index
        %swap3A_1825 = arith.index_cast %mul3A_1822 : i32 to index
        %swap3A_1826 = tpu.vector_load %arg8[%swap3A_1824, %swap3A_1825] {strides = array<i32>} : memref<20x800xi32, #tpu.memory_space<vmem>>, vector<16xi32>,
        tpu.vector_store %arg8[%swap3A_1824, %swap3A_1825], %gather3A_1820 {strides = array<i32>} : memref<20x800xi32, #tpu.memory_space<vmem>>, vector<16xi32>,
        %broadcast_in_dim3A_1827 = arith.constant 14 : i32
        %broadcast_in_dim3A_1828 = vector.broadcast %broadcast_in_dim3A_1827 : i32 to vector<16xi32>
        %gather3A_1829 = tpu.vector_load_idx %arg6[%broadcast_in_dim3A_1828, %select_n3A_1702, %select_n3A] : memref<20x50x16xi32, #tpu.memory_space<vmem>>[vector<16xi32>, vector<16xi32>, vector<16xi32>], vector<16xi32>,
        %mul3A_1830 = arith.constant 16 : i32
        %mul3A_1831 = arith.muli %scan3A_1653, %mul3A_1830 : i32
        %swap3A_1832 = arith.constant 14 : i32
        %swap3A_1833 = arith.index_cast %swap3A_1832 : i32 to index
        %swap3A_1834 = arith.index_cast %mul3A_1831 : i32 to index
        %swap3A_1835 = tpu.vector_load %arg8[%swap3A_1833, %swap3A_1834] {strides = array<i32>} : memref<20x800xi32, #tpu.memory_space<vmem>>, vector<16xi32>,
        tpu.vector_store %arg8[%swap3A_1833, %swap3A_1834], %gather3A_1829 {strides = array<i32>} : memref<20x800xi32, #tpu.memory_space<vmem>>, vector<16xi32>,
        %broadcast_in_dim3A_1836 = arith.constant 15 : i32
        %broadcast_in_dim3A_1837 = vector.broadcast %broadcast_in_dim3A_1836 : i32 to vector<16xi32>
        %gather3A_1838 = tpu.vector_load_idx %arg6[%broadcast_in_dim3A_1837, %select_n3A_1702, %select_n3A] : memref<20x50x16xi32, #tpu.memory_space<vmem>>[vector<16xi32>, vector<16xi32>, vector<16xi32>], vector<16xi32>,
        %mul3A_1839 = arith.constant 16 : i32
        %mul3A_1840 = arith.muli %scan3A_1653, %mul3A_1839 : i32
        %swap3A_1841 = arith.constant 15 : i32
        %swap3A_1842 = arith.index_cast %swap3A_1841 : i32 to index
        %swap3A_1843 = arith.index_cast %mul3A_1840 : i32 to index
        %swap3A_1844 = tpu.vector_load %arg8[%swap3A_1842, %swap3A_1843] {strides = array<i32>} : memref<20x800xi32, #tpu.memory_space<vmem>>, vector<16xi32>,
        tpu.vector_store %arg8[%swap3A_1842, %swap3A_1843], %gather3A_1838 {strides = array<i32>} : memref<20x800xi32, #tpu.memory_space<vmem>>, vector<16xi32>,
        %broadcast_in_dim3A_1845 = arith.constant 16 : i32
        %broadcast_in_dim3A_1846 = vector.broadcast %broadcast_in_dim3A_1845 : i32 to vector<16xi32>
        %gather3A_1847 = tpu.vector_load_idx %arg6[%broadcast_in_dim3A_1846, %select_n3A_1702, %select_n3A] : memref<20x50x16xi32, #tpu.memory_space<vmem>>[vector<16xi32>, vector<16xi32>, vector<16xi32>], vector<16xi32>,
        %mul3A_1848 = arith.constant 16 : i32
        %mul3A_1849 = arith.muli %scan3A_1653, %mul3A_1848 : i32
        %swap3A_1850 = arith.constant 16 : i32
        %swap3A_1851 = arith.index_cast %swap3A_1850 : i32 to index
        %swap3A_1852 = arith.index_cast %mul3A_1849 : i32 to index
        %swap3A_1853 = tpu.vector_load %arg8[%swap3A_1851, %swap3A_1852] {strides = array<i32>} : memref<20x800xi32, #tpu.memory_space<vmem>>, vector<16xi32>,
        tpu.vector_store %arg8[%swap3A_1851, %swap3A_1852], %gather3A_1847 {strides = array<i32>} : memref<20x800xi32, #tpu.memory_space<vmem>>, vector<16xi32>,
        %broadcast_in_dim3A_1854 = arith.constant 17 : i32
        %broadcast_in_dim3A_1855 = vector.broadcast %broadcast_in_dim3A_1854 : i32 to vector<16xi32>
        %gather3A_1856 = tpu.vector_load_idx %arg6[%broadcast_in_dim3A_1855, %select_n3A_1702, %select_n3A] : memref<20x50x16xi32, #tpu.memory_space<vmem>>[vector<16xi32>, vector<16xi32>, vector<16xi32>], vector<16xi32>,
        %mul3A_1857 = arith.constant 16 : i32
        %mul3A_1858 = arith.muli %scan3A_1653, %mul3A_1857 : i32
        %swap3A_1859 = arith.constant 17 : i32
        %swap3A_1860 = arith.index_cast %swap3A_1859 : i32 to index
        %swap3A_1861 = arith.index_cast %mul3A_1858 : i32 to index
        %swap3A_1862 = tpu.vector_load %arg8[%swap3A_1860, %swap3A_1861] {strides = array<i32>} : memref<20x800xi32, #tpu.memory_space<vmem>>, vector<16xi32>,
        tpu.vector_store %arg8[%swap3A_1860, %swap3A_1861], %gather3A_1856 {strides = array<i32>} : memref<20x800xi32, #tpu.memory_space<vmem>>, vector<16xi32>,
        %broadcast_in_dim3A_1863 = arith.constant 18 : i32
        %broadcast_in_dim3A_1864 = vector.broadcast %broadcast_in_dim3A_1863 : i32 to vector<16xi32>
        %gather3A_1865 = tpu.vector_load_idx %arg6[%broadcast_in_dim3A_1864, %select_n3A_1702, %select_n3A] : memref<20x50x16xi32, #tpu.memory_space<vmem>>[vector<16xi32>, vector<16xi32>, vector<16xi32>], vector<16xi32>,
        %mul3A_1866 = arith.constant 16 : i32
        %mul3A_1867 = arith.muli %scan3A_1653, %mul3A_1866 : i32
        %swap3A_1868 = arith.constant 18 : i32
        %swap3A_1869 = arith.index_cast %swap3A_1868 : i32 to index
        %swap3A_1870 = arith.index_cast %mul3A_1867 : i32 to index
        %swap3A_1871 = tpu.vector_load %arg8[%swap3A_1869, %swap3A_1870] {strides = array<i32>} : memref<20x800xi32, #tpu.memory_space<vmem>>, vector<16xi32>,
        tpu.vector_store %arg8[%swap3A_1869, %swap3A_1870], %gather3A_1865 {strides = array<i32>} : memref<20x800xi32, #tpu.memory_space<vmem>>, vector<16xi32>,
        %broadcast_in_dim3A_1872 = arith.constant 19 : i32
        %broadcast_in_dim3A_1873 = vector.broadcast %broadcast_in_dim3A_1872 : i32 to vector<16xi32>
        %gather3A_1874 = tpu.vector_load_idx %arg6[%broadcast_in_dim3A_1873, %select_n3A_1702, %select_n3A] : memref<20x50x16xi32, #tpu.memory_space<vmem>>[vector<16xi32>, vector<16xi32>, vector<16xi32>], vector<16xi32>,
        %mul3A_1875 = arith.constant 16 : i32
        %mul3A_1876 = arith.muli %scan3A_1653, %mul3A_1875 : i32
        %swap3A_1877 = arith.constant 19 : i32
        %swap3A_1878 = arith.index_cast %swap3A_1877 : i32 to index
        %swap3A_1879 = arith.index_cast %mul3A_1876 : i32 to index
        %swap3A_1880 = tpu.vector_load %arg8[%swap3A_1878, %swap3A_1879] {strides = array<i32>} : memref<20x800xi32, #tpu.memory_space<vmem>>, vector<16xi32>,
        tpu.vector_store %arg8[%swap3A_1878, %swap3A_1879], %gather3A_1874 {strides = array<i32>} : memref<20x800xi32, #tpu.memory_space<vmem>>, vector<16xi32>,
        %scan3A_1881 = arith.constant 0 : i32
        scf.yield %scan3A_1881 : i32
      }
      %scan3A_706 = arith.constant 50 : i32
      %gt3A = arith.constant 0 : i32
      %gt3A_707 = arith.cmpi sgt, %scan3A_689, %gt3A : i32
      %convert_element_type3A = arith.extui %gt3A_707 : i1 to i32
      %cond3A = arith.constant 0 : i32
      %cond3A_708 = arith.cmpi ne, %convert_element_type3A, %cond3A : i32
      scf.if %cond3A_708 {
        %dma_wait3A_1653 = arith.constant 0 : i32
        %dma_wait3A_1654 = arith.constant 0 : i32
        %dma_wait3A_1655 = arith.constant 0 : i32
        %dma_wait3A_1656 = tpu.memref_slice %arg10[%dma_wait3A_1654, %dma_wait3A_1655] : memref<800x32xf32, #tpu.memory_space<vmem>> -> memref<50x32xf32, #tpu.memory_space<vmem>>
        %dma_wait3A_1657 = arith.constant 0 : i32
        %dma_wait3A_1658 = arith.constant 0 : i32
        %dma_wait3A_1659 = tpu.memref_slice %arg4[%dma_wait3A_1653, %dma_wait3A_1657, %dma_wait3A_1658] : memref<4096x50x32xf32, #tpu.memory_space<hbm>> -> memref<1x50x32xf32, #tpu.memory_space<hbm>>
        %dma_wait3A_1660 = tpu.memref_squeeze %dma_wait3A_1659 : memref<1x50x32xf32, #tpu.memory_space<hbm>> -> memref<50x32xf32, #tpu.memory_space<hbm>>
        %dma_wait3A_1661 = arith.constant 0 : i32
        %dma_wait3A_1662 = arith.constant 0 : i32
        %dma_wait3A_1663 = tpu.memref_slice %arg4[%dma_wait3A_1653, %dma_wait3A_1661, %dma_wait3A_1662] : memref<4096x50x32xf32, #tpu.memory_space<hbm>> -> memref<1x50x32xf32, #tpu.memory_space<hbm>>
        %dma_wait3A_1664 = tpu.memref_squeeze %dma_wait3A_1663 : memref<1x50x32xf32, #tpu.memory_space<hbm>> -> memref<50x32xf32, #tpu.memory_space<hbm>>
        %dma_wait3A_1665 = arith.constant 0 : i32
        %dma_wait3A_1666 = arith.constant 0 : i32
        %dma_wait3A_1667 = tpu.memref_slice %arg10[%dma_wait3A_1665, %dma_wait3A_1666] : memref<800x32xf32, #tpu.memory_space<vmem>> -> memref<50x32xf32, #tpu.memory_space<vmem>>
        tpu.wait_dma2 semaphore(%arg16 : memref<!tpu.dma_semaphore, #tpu.memory_space<semaphore_mem>>) src(%dma_wait3A_1667 : memref<50x32xf32, #tpu.memory_space<vmem>>) dst(%dma_wait3A_1664 : memref<50x32xf32, #tpu.memory_space<hbm>>)
        %dma_wait3A_1668 = arith.constant 0 : i32
        %dma_wait3A_1669 = arith.constant 0 : i32
        %dma_wait3A_1670 = arith.constant 0 : i32
        %dma_wait3A_1671 = tpu.memref_slice %arg10[%dma_wait3A_1669, %dma_wait3A_1670] : memref<800x32xf32, #tpu.memory_space<vmem>> -> memref<50x32xf32, #tpu.memory_space<vmem>>
        %dma_wait3A_1672 = arith.constant 0 : i32
        %dma_wait3A_1673 = arith.constant 0 : i32
        %dma_wait3A_1674 = tpu.memref_slice %arg4[%dma_wait3A_1668, %dma_wait3A_1672, %dma_wait3A_1673] : memref<4096x50x32xf32, #tpu.memory_space<hbm>> -> memref<1x50x32xf32, #tpu.memory_space<hbm>>
        %dma_wait3A_1675 = tpu.memref_squeeze %dma_wait3A_1674 : memref<1x50x32xf32, #tpu.memory_space<hbm>> -> memref<50x32xf32, #tpu.memory_space<hbm>>
        %dma_wait3A_1676 = arith.constant 0 : i32
        %dma_wait3A_1677 = arith.constant 0 : i32
        %dma_wait3A_1678 = tpu.memref_slice %arg4[%dma_wait3A_1668, %dma_wait3A_1676, %dma_wait3A_1677] : memref<4096x50x32xf32, #tpu.memory_space<hbm>> -> memref<1x50x32xf32, #tpu.memory_space<hbm>>
        %dma_wait3A_1679 = tpu.memref_squeeze %dma_wait3A_1678 : memref<1x50x32xf32, #tpu.memory_space<hbm>> -> memref<50x32xf32, #tpu.memory_space<hbm>>
        %dma_wait3A_1680 = arith.constant 0 : i32
        %dma_wait3A_1681 = arith.constant 0 : i32
        %dma_wait3A_1682 = tpu.memref_slice %arg10[%dma_wait3A_1680, %dma_wait3A_1681] : memref<800x32xf32, #tpu.memory_space<vmem>> -> memref<50x32xf32, #tpu.memory_space<vmem>>
        tpu.wait_dma2 semaphore(%arg16 : memref<!tpu.dma_semaphore, #tpu.memory_space<semaphore_mem>>) src(%dma_wait3A_1682 : memref<50x32xf32, #tpu.memory_space<vmem>>) dst(%dma_wait3A_1679 : memref<50x32xf32, #tpu.memory_space<hbm>>)
        %dma_wait3A_1683 = arith.constant 0 : i32
        %dma_wait3A_1684 = arith.constant 0 : i32
        %dma_wait3A_1685 = arith.constant 0 : i32
        %dma_wait3A_1686 = tpu.memref_slice %arg10[%dma_wait3A_1684, %dma_wait3A_1685] : memref<800x32xf32, #tpu.memory_space<vmem>> -> memref<50x32xf32, #tpu.memory_space<vmem>>
        %dma_wait3A_1687 = arith.constant 0 : i32
        %dma_wait3A_1688 = arith.constant 0 : i32
        %dma_wait3A_1689 = tpu.memref_slice %arg4[%dma_wait3A_1683, %dma_wait3A_1687, %dma_wait3A_1688] : memref<4096x50x32xf32, #tpu.memory_space<hbm>> -> memref<1x50x32xf32, #tpu.memory_space<hbm>>
        %dma_wait3A_1690 = tpu.memref_squeeze %dma_wait3A_1689 : memref<1x50x32xf32, #tpu.memory_space<hbm>> -> memref<50x32xf32, #tpu.memory_space<hbm>>
        %dma_wait3A_1691 = arith.constant 0 : i32
        %dma_wait3A_1692 = arith.constant 0 : i32
        %dma_wait3A_1693 = tpu.memref_slice %arg4[%dma_wait3A_1683, %dma_wait3A_1691, %dma_wait3A_1692] : memref<4096x50x32xf32, #tpu.memory_space<hbm>> -> memref<1x50x32xf32, #tpu.memory_space<hbm>>
        %dma_wait3A_1694 = tpu.memref_squeeze %dma_wait3A_1693 : memref<1x50x32xf32, #tpu.memory_space<hbm>> -> memref<50x32xf32, #tpu.memory_space<hbm>>
        %dma_wait3A_1695 = arith.constant 0 : i32
        %dma_wait3A_1696 = arith.constant 0 : i32
        %dma_wait3A_1697 = tpu.memref_slice %arg10[%dma_wait3A_1695, %dma_wait3A_1696] : memref<800x32xf32, #tpu.memory_space<vmem>> -> memref<50x32xf32, #tpu.memory_space<vmem>>
        tpu.wait_dma2 semaphore(%arg16 : memref<!tpu.dma_semaphore, #tpu.memory_space<semaphore_mem>>) src(%dma_wait3A_1697 : memref<50x32xf32, #tpu.memory_space<vmem>>) dst(%dma_wait3A_1694 : memref<50x32xf32, #tpu.memory_space<hbm>>)
        %dma_wait3A_1698 = arith.constant 0 : i32
        %dma_wait3A_1699 = arith.constant 0 : i32
        %dma_wait3A_1700 = arith.constant 0 : i32
        %dma_wait3A_1701 = tpu.memref_slice %arg10[%dma_wait3A_1699, %dma_wait3A_1700] : memref<800x32xf32, #tpu.memory_space<vmem>> -> memref<50x32xf32, #tpu.memory_space<vmem>>
        %dma_wait3A_1702 = arith.constant 0 : i32
        %dma_wait3A_1703 = arith.constant 0 : i32
        %dma_wait3A_1704 = tpu.memref_slice %arg4[%dma_wait3A_1698, %dma_wait3A_1702, %dma_wait3A_1703] : memref<4096x50x32xf32, #tpu.memory_space<hbm>> -> memref<1x50x32xf32, #tpu.memory_space<hbm>>
        %dma_wait3A_1705 = tpu.memref_squeeze %dma_wait3A_1704 : memref<1x50x32xf32, #tpu.memory_space<hbm>> -> memref<50x32xf32, #tpu.memory_space<hbm>>
        %dma_wait3A_1706 = arith.constant 0 : i32
        %dma_wait3A_1707 = arith.constant 0 : i32
        %dma_wait3A_1708 = tpu.memref_slice %arg4[%dma_wait3A_1698, %dma_wait3A_1706, %dma_wait3A_1707] : memref<4096x50x32xf32, #tpu.memory_space<hbm>> -> memref<1x50x32xf32, #tpu.memory_space<hbm>>
        %dma_wait3A_1709 = tpu.memref_squeeze %dma_wait3A_1708 : memref<1x50x32xf32, #tpu.memory_space<hbm>> -> memref<50x32xf32, #tpu.memory_space<hbm>>
        %dma_wait3A_1710 = arith.constant 0 : i32
        %dma_wait3A_1711 = arith.constant 0 : i32
        %dma_wait3A_1712 = tpu.memref_slice %arg10[%dma_wait3A_1710, %dma_wait3A_1711] : memref<800x32xf32, #tpu.memory_space<vmem>> -> memref<50x32xf32, #tpu.memory_space<vmem>>
        tpu.wait_dma2 semaphore(%arg16 : memref<!tpu.dma_semaphore, #tpu.memory_space<semaphore_mem>>) src(%dma_wait3A_1712 : memref<50x32xf32, #tpu.memory_space<vmem>>) dst(%dma_wait3A_1709 : memref<50x32xf32, #tpu.memory_space<hbm>>)
        %dma_wait3A_1713 = arith.constant 0 : i32
        %dma_wait3A_1714 = arith.constant 0 : i32
        %dma_wait3A_1715 = arith.constant 0 : i32
        %dma_wait3A_1716 = tpu.memref_slice %arg10[%dma_wait3A_1714, %dma_wait3A_1715] : memref<800x32xf32, #tpu.memory_space<vmem>> -> memref<50x32xf32, #tpu.memory_space<vmem>>
        %dma_wait3A_1717 = arith.constant 0 : i32
        %dma_wait3A_1718 = arith.constant 0 : i32
        %dma_wait3A_1719 = tpu.memref_slice %arg4[%dma_wait3A_1713, %dma_wait3A_1717, %dma_wait3A_1718] : memref<4096x50x32xf32, #tpu.memory_space<hbm>> -> memref<1x50x32xf32, #tpu.memory_space<hbm>>
        %dma_wait3A_1720 = tpu.memref_squeeze %dma_wait3A_1719 : memref<1x50x32xf32, #tpu.memory_space<hbm>> -> memref<50x32xf32, #tpu.memory_space<hbm>>
        %dma_wait3A_1721 = arith.constant 0 : i32
        %dma_wait3A_1722 = arith.constant 0 : i32
        %dma_wait3A_1723 = tpu.memref_slice %arg4[%dma_wait3A_1713, %dma_wait3A_1721, %dma_wait3A_1722] : memref<4096x50x32xf32, #tpu.memory_space<hbm>> -> memref<1x50x32xf32, #tpu.memory_space<hbm>>
        %dma_wait3A_1724 = tpu.memref_squeeze %dma_wait3A_1723 : memref<1x50x32xf32, #tpu.memory_space<hbm>> -> memref<50x32xf32, #tpu.memory_space<hbm>>
        %dma_wait3A_1725 = arith.constant 0 : i32
        %dma_wait3A_1726 = arith.constant 0 : i32
        %dma_wait3A_1727 = tpu.memref_slice %arg10[%dma_wait3A_1725, %dma_wait3A_1726] : memref<800x32xf32, #tpu.memory_space<vmem>> -> memref<50x32xf32, #tpu.memory_space<vmem>>
        tpu.wait_dma2 semaphore(%arg16 : memref<!tpu.dma_semaphore, #tpu.memory_space<semaphore_mem>>) src(%dma_wait3A_1727 : memref<50x32xf32, #tpu.memory_space<vmem>>) dst(%dma_wait3A_1724 : memref<50x32xf32, #tpu.memory_space<hbm>>)
        %dma_wait3A_1728 = arith.constant 0 : i32
        %dma_wait3A_1729 = arith.constant 0 : i32
        %dma_wait3A_1730 = arith.constant 0 : i32
        %dma_wait3A_1731 = tpu.memref_slice %arg10[%dma_wait3A_1729, %dma_wait3A_1730] : memref<800x32xf32, #tpu.memory_space<vmem>> -> memref<50x32xf32, #tpu.memory_space<vmem>>
        %dma_wait3A_1732 = arith.constant 0 : i32
        %dma_wait3A_1733 = arith.constant 0 : i32
        %dma_wait3A_1734 = tpu.memref_slice %arg4[%dma_wait3A_1728, %dma_wait3A_1732, %dma_wait3A_1733] : memref<4096x50x32xf32, #tpu.memory_space<hbm>> -> memref<1x50x32xf32, #tpu.memory_space<hbm>>
        %dma_wait3A_1735 = tpu.memref_squeeze %dma_wait3A_1734 : memref<1x50x32xf32, #tpu.memory_space<hbm>> -> memref<50x32xf32, #tpu.memory_space<hbm>>
        %dma_wait3A_1736 = arith.constant 0 : i32
        %dma_wait3A_1737 = arith.constant 0 : i32
        %dma_wait3A_1738 = tpu.memref_slice %arg4[%dma_wait3A_1728, %dma_wait3A_1736, %dma_wait3A_1737] : memref<4096x50x32xf32, #tpu.memory_space<hbm>> -> memref<1x50x32xf32, #tpu.memory_space<hbm>>
        %dma_wait3A_1739 = tpu.memref_squeeze %dma_wait3A_1738 : memref<1x50x32xf32, #tpu.memory_space<hbm>> -> memref<50x32xf32, #tpu.memory_space<hbm>>
        %dma_wait3A_1740 = arith.constant 0 : i32
        %dma_wait3A_1741 = arith.constant 0 : i32
        %dma_wait3A_1742 = tpu.memref_slice %arg10[%dma_wait3A_1740, %dma_wait3A_1741] : memref<800x32xf32, #tpu.memory_space<vmem>> -> memref<50x32xf32, #tpu.memory_space<vmem>>
        tpu.wait_dma2 semaphore(%arg16 : memref<!tpu.dma_semaphore, #tpu.memory_space<semaphore_mem>>) src(%dma_wait3A_1742 : memref<50x32xf32, #tpu.memory_space<vmem>>) dst(%dma_wait3A_1739 : memref<50x32xf32, #tpu.memory_space<hbm>>)
        %dma_wait3A_1743 = arith.constant 0 : i32
        %dma_wait3A_1744 = arith.constant 0 : i32
        %dma_wait3A_1745 = arith.constant 0 : i32
        %dma_wait3A_1746 = tpu.memref_slice %arg10[%dma_wait3A_1744, %dma_wait3A_1745] : memref<800x32xf32, #tpu.memory_space<vmem>> -> memref<50x32xf32, #tpu.memory_space<vmem>>
        %dma_wait3A_1747 = arith.constant 0 : i32
        %dma_wait3A_1748 = arith.constant 0 : i32
        %dma_wait3A_1749 = tpu.memref_slice %arg4[%dma_wait3A_1743, %dma_wait3A_1747, %dma_wait3A_1748] : memref<4096x50x32xf32, #tpu.memory_space<hbm>> -> memref<1x50x32xf32, #tpu.memory_space<hbm>>
        %dma_wait3A_1750 = tpu.memref_squeeze %dma_wait3A_1749 : memref<1x50x32xf32, #tpu.memory_space<hbm>> -> memref<50x32xf32, #tpu.memory_space<hbm>>
        %dma_wait3A_1751 = arith.constant 0 : i32
        %dma_wait3A_1752 = arith.constant 0 : i32
        %dma_wait3A_1753 = tpu.memref_slice %arg4[%dma_wait3A_1743, %dma_wait3A_1751, %dma_wait3A_1752] : memref<4096x50x32xf32, #tpu.memory_space<hbm>> -> memref<1x50x32xf32, #tpu.memory_space<hbm>>
        %dma_wait3A_1754 = tpu.memref_squeeze %dma_wait3A_1753 : memref<1x50x32xf32, #tpu.memory_space<hbm>> -> memref<50x32xf32, #tpu.memory_space<hbm>>
        %dma_wait3A_1755 = arith.constant 0 : i32
        %dma_wait3A_1756 = arith.constant 0 : i32
        %dma_wait3A_1757 = tpu.memref_slice %arg10[%dma_wait3A_1755, %dma_wait3A_1756] : memref<800x32xf32, #tpu.memory_space<vmem>> -> memref<50x32xf32, #tpu.memory_space<vmem>>
        tpu.wait_dma2 semaphore(%arg16 : memref<!tpu.dma_semaphore, #tpu.memory_space<semaphore_mem>>) src(%dma_wait3A_1757 : memref<50x32xf32, #tpu.memory_space<vmem>>) dst(%dma_wait3A_1754 : memref<50x32xf32, #tpu.memory_space<hbm>>)
        %dma_wait3A_1758 = arith.constant 0 : i32
        %dma_wait3A_1759 = arith.constant 0 : i32
        %dma_wait3A_1760 = arith.constant 0 : i32
        %dma_wait3A_1761 = tpu.memref_slice %arg10[%dma_wait3A_1759, %dma_wait3A_1760] : memref<800x32xf32, #tpu.memory_space<vmem>> -> memref<50x32xf32, #tpu.memory_space<vmem>>
        %dma_wait3A_1762 = arith.constant 0 : i32
        %dma_wait3A_1763 = arith.constant 0 : i32
        %dma_wait3A_1764 = tpu.memref_slice %arg4[%dma_wait3A_1758, %dma_wait3A_1762, %dma_wait3A_1763] : memref<4096x50x32xf32, #tpu.memory_space<hbm>> -> memref<1x50x32xf32, #tpu.memory_space<hbm>>
        %dma_wait3A_1765 = tpu.memref_squeeze %dma_wait3A_1764 : memref<1x50x32xf32, #tpu.memory_space<hbm>> -> memref<50x32xf32, #tpu.memory_space<hbm>>
        %dma_wait3A_1766 = arith.constant 0 : i32
        %dma_wait3A_1767 = arith.constant 0 : i32
        %dma_wait3A_1768 = tpu.memref_slice %arg4[%dma_wait3A_1758, %dma_wait3A_1766, %dma_wait3A_1767] : memref<4096x50x32xf32, #tpu.memory_space<hbm>> -> memref<1x50x32xf32, #tpu.memory_space<hbm>>
        %dma_wait3A_1769 = tpu.memref_squeeze %dma_wait3A_1768 : memref<1x50x32xf32, #tpu.memory_space<hbm>> -> memref<50x32xf32, #tpu.memory_space<hbm>>
        %dma_wait3A_1770 = arith.constant 0 : i32
        %dma_wait3A_1771 = arith.constant 0 : i32
        %dma_wait3A_1772 = tpu.memref_slice %arg10[%dma_wait3A_1770, %dma_wait3A_1771] : memref<800x32xf32, #tpu.memory_space<vmem>> -> memref<50x32xf32, #tpu.memory_space<vmem>>
        tpu.wait_dma2 semaphore(%arg16 : memref<!tpu.dma_semaphore, #tpu.memory_space<semaphore_mem>>) src(%dma_wait3A_1772 : memref<50x32xf32, #tpu.memory_space<vmem>>) dst(%dma_wait3A_1769 : memref<50x32xf32, #tpu.memory_space<hbm>>)
        %dma_wait3A_1773 = arith.constant 0 : i32
        %dma_wait3A_1774 = arith.constant 0 : i32
        %dma_wait3A_1775 = arith.constant 0 : i32
        %dma_wait3A_1776 = tpu.memref_slice %arg10[%dma_wait3A_1774, %dma_wait3A_1775] : memref<800x32xf32, #tpu.memory_space<vmem>> -> memref<50x32xf32, #tpu.memory_space<vmem>>
        %dma_wait3A_1777 = arith.constant 0 : i32
        %dma_wait3A_1778 = arith.constant 0 : i32
        %dma_wait3A_1779 = tpu.memref_slice %arg4[%dma_wait3A_1773, %dma_wait3A_1777, %dma_wait3A_1778] : memref<4096x50x32xf32, #tpu.memory_space<hbm>> -> memref<1x50x32xf32, #tpu.memory_space<hbm>>
        %dma_wait3A_1780 = tpu.memref_squeeze %dma_wait3A_1779 : memref<1x50x32xf32, #tpu.memory_space<hbm>> -> memref<50x32xf32, #tpu.memory_space<hbm>>
        %dma_wait3A_1781 = arith.constant 0 : i32
        %dma_wait3A_1782 = arith.constant 0 : i32
        %dma_wait3A_1783 = tpu.memref_slice %arg4[%dma_wait3A_1773, %dma_wait3A_1781, %dma_wait3A_1782] : memref<4096x50x32xf32, #tpu.memory_space<hbm>> -> memref<1x50x32xf32, #tpu.memory_space<hbm>>
        %dma_wait3A_1784 = tpu.memref_squeeze %dma_wait3A_1783 : memref<1x50x32xf32, #tpu.memory_space<hbm>> -> memref<50x32xf32, #tpu.memory_space<hbm>>
        %dma_wait3A_1785 = arith.constant 0 : i32
        %dma_wait3A_1786 = arith.constant 0 : i32
        %dma_wait3A_1787 = tpu.memref_slice %arg10[%dma_wait3A_1785, %dma_wait3A_1786] : memref<800x32xf32, #tpu.memory_space<vmem>> -> memref<50x32xf32, #tpu.memory_space<vmem>>
        tpu.wait_dma2 semaphore(%arg16 : memref<!tpu.dma_semaphore, #tpu.memory_space<semaphore_mem>>) src(%dma_wait3A_1787 : memref<50x32xf32, #tpu.memory_space<vmem>>) dst(%dma_wait3A_1784 : memref<50x32xf32, #tpu.memory_space<hbm>>)
        %dma_wait3A_1788 = arith.constant 0 : i32
        %dma_wait3A_1789 = arith.constant 0 : i32
        %dma_wait3A_1790 = arith.constant 0 : i32
        %dma_wait3A_1791 = tpu.memref_slice %arg10[%dma_wait3A_1789, %dma_wait3A_1790] : memref<800x32xf32, #tpu.memory_space<vmem>> -> memref<50x32xf32, #tpu.memory_space<vmem>>
        %dma_wait3A_1792 = arith.constant 0 : i32
        %dma_wait3A_1793 = arith.constant 0 : i32
        %dma_wait3A_1794 = tpu.memref_slice %arg4[%dma_wait3A_1788, %dma_wait3A_1792, %dma_wait3A_1793] : memref<4096x50x32xf32, #tpu.memory_space<hbm>> -> memref<1x50x32xf32, #tpu.memory_space<hbm>>
        %dma_wait3A_1795 = tpu.memref_squeeze %dma_wait3A_1794 : memref<1x50x32xf32, #tpu.memory_space<hbm>> -> memref<50x32xf32, #tpu.memory_space<hbm>>
        %dma_wait3A_1796 = arith.constant 0 : i32
        %dma_wait3A_1797 = arith.constant 0 : i32
        %dma_wait3A_1798 = tpu.memref_slice %arg4[%dma_wait3A_1788, %dma_wait3A_1796, %dma_wait3A_1797] : memref<4096x50x32xf32, #tpu.memory_space<hbm>> -> memref<1x50x32xf32, #tpu.memory_space<hbm>>
        %dma_wait3A_1799 = tpu.memref_squeeze %dma_wait3A_1798 : memref<1x50x32xf32, #tpu.memory_space<hbm>> -> memref<50x32xf32, #tpu.memory_space<hbm>>
        %dma_wait3A_1800 = arith.constant 0 : i32
        %dma_wait3A_1801 = arith.constant 0 : i32
        %dma_wait3A_1802 = tpu.memref_slice %arg10[%dma_wait3A_1800, %dma_wait3A_1801] : memref<800x32xf32, #tpu.memory_space<vmem>> -> memref<50x32xf32, #tpu.memory_space<vmem>>
        tpu.wait_dma2 semaphore(%arg16 : memref<!tpu.dma_semaphore, #tpu.memory_space<semaphore_mem>>) src(%dma_wait3A_1802 : memref<50x32xf32, #tpu.memory_space<vmem>>) dst(%dma_wait3A_1799 : memref<50x32xf32, #tpu.memory_space<hbm>>)
        %dma_wait3A_1803 = arith.constant 0 : i32
        %dma_wait3A_1804 = arith.constant 0 : i32
        %dma_wait3A_1805 = arith.constant 0 : i32
        %dma_wait3A_1806 = tpu.memref_slice %arg10[%dma_wait3A_1804, %dma_wait3A_1805] : memref<800x32xf32, #tpu.memory_space<vmem>> -> memref<50x32xf32, #tpu.memory_space<vmem>>
        %dma_wait3A_1807 = arith.constant 0 : i32
        %dma_wait3A_1808 = arith.constant 0 : i32
        %dma_wait3A_1809 = tpu.memref_slice %arg4[%dma_wait3A_1803, %dma_wait3A_1807, %dma_wait3A_1808] : memref<4096x50x32xf32, #tpu.memory_space<hbm>> -> memref<1x50x32xf32, #tpu.memory_space<hbm>>
        %dma_wait3A_1810 = tpu.memref_squeeze %dma_wait3A_1809 : memref<1x50x32xf32, #tpu.memory_space<hbm>> -> memref<50x32xf32, #tpu.memory_space<hbm>>
        %dma_wait3A_1811 = arith.constant 0 : i32
        %dma_wait3A_1812 = arith.constant 0 : i32
        %dma_wait3A_1813 = tpu.memref_slice %arg4[%dma_wait3A_1803, %dma_wait3A_1811, %dma_wait3A_1812] : memref<4096x50x32xf32, #tpu.memory_space<hbm>> -> memref<1x50x32xf32, #tpu.memory_space<hbm>>
        %dma_wait3A_1814 = tpu.memref_squeeze %dma_wait3A_1813 : memref<1x50x32xf32, #tpu.memory_space<hbm>> -> memref<50x32xf32, #tpu.memory_space<hbm>>
        %dma_wait3A_1815 = arith.constant 0 : i32
        %dma_wait3A_1816 = arith.constant 0 : i32
        %dma_wait3A_1817 = tpu.memref_slice %arg10[%dma_wait3A_1815, %dma_wait3A_1816] : memref<800x32xf32, #tpu.memory_space<vmem>> -> memref<50x32xf32, #tpu.memory_space<vmem>>
        tpu.wait_dma2 semaphore(%arg16 : memref<!tpu.dma_semaphore, #tpu.memory_space<semaphore_mem>>) src(%dma_wait3A_1817 : memref<50x32xf32, #tpu.memory_space<vmem>>) dst(%dma_wait3A_1814 : memref<50x32xf32, #tpu.memory_space<hbm>>)
        %dma_wait3A_1818 = arith.constant 0 : i32
        %dma_wait3A_1819 = arith.constant 0 : i32
        %dma_wait3A_1820 = arith.constant 0 : i32
        %dma_wait3A_1821 = tpu.memref_slice %arg10[%dma_wait3A_1819, %dma_wait3A_1820] : memref<800x32xf32, #tpu.memory_space<vmem>> -> memref<50x32xf32, #tpu.memory_space<vmem>>
        %dma_wait3A_1822 = arith.constant 0 : i32
        %dma_wait3A_1823 = arith.constant 0 : i32
        %dma_wait3A_1824 = tpu.memref_slice %arg4[%dma_wait3A_1818, %dma_wait3A_1822, %dma_wait3A_1823] : memref<4096x50x32xf32, #tpu.memory_space<hbm>> -> memref<1x50x32xf32, #tpu.memory_space<hbm>>
        %dma_wait3A_1825 = tpu.memref_squeeze %dma_wait3A_1824 : memref<1x50x32xf32, #tpu.memory_space<hbm>> -> memref<50x32xf32, #tpu.memory_space<hbm>>
        %dma_wait3A_1826 = arith.constant 0 : i32
        %dma_wait3A_1827 = arith.constant 0 : i32
        %dma_wait3A_1828 = tpu.memref_slice %arg4[%dma_wait3A_1818, %dma_wait3A_1826, %dma_wait3A_1827] : memref<4096x50x32xf32, #tpu.memory_space<hbm>> -> memref<1x50x32xf32, #tpu.memory_space<hbm>>
        %dma_wait3A_1829 = tpu.memref_squeeze %dma_wait3A_1828 : memref<1x50x32xf32, #tpu.memory_space<hbm>> -> memref<50x32xf32, #tpu.memory_space<hbm>>
        %dma_wait3A_1830 = arith.constant 0 : i32
        %dma_wait3A_1831 = arith.constant 0 : i32
        %dma_wait3A_1832 = tpu.memref_slice %arg10[%dma_wait3A_1830, %dma_wait3A_1831] : memref<800x32xf32, #tpu.memory_space<vmem>> -> memref<50x32xf32, #tpu.memory_space<vmem>>
        tpu.wait_dma2 semaphore(%arg16 : memref<!tpu.dma_semaphore, #tpu.memory_space<semaphore_mem>>) src(%dma_wait3A_1832 : memref<50x32xf32, #tpu.memory_space<vmem>>) dst(%dma_wait3A_1829 : memref<50x32xf32, #tpu.memory_space<hbm>>)
        %dma_wait3A_1833 = arith.constant 0 : i32
        %dma_wait3A_1834 = arith.constant 0 : i32
        %dma_wait3A_1835 = arith.constant 0 : i32
        %dma_wait3A_1836 = tpu.memref_slice %arg10[%dma_wait3A_1834, %dma_wait3A_1835] : memref<800x32xf32, #tpu.memory_space<vmem>> -> memref<50x32xf32, #tpu.memory_space<vmem>>
        %dma_wait3A_1837 = arith.constant 0 : i32
        %dma_wait3A_1838 = arith.constant 0 : i32
        %dma_wait3A_1839 = tpu.memref_slice %arg4[%dma_wait3A_1833, %dma_wait3A_1837, %dma_wait3A_1838] : memref<4096x50x32xf32, #tpu.memory_space<hbm>> -> memref<1x50x32xf32, #tpu.memory_space<hbm>>
        %dma_wait3A_1840 = tpu.memref_squeeze %dma_wait3A_1839 : memref<1x50x32xf32, #tpu.memory_space<hbm>> -> memref<50x32xf32, #tpu.memory_space<hbm>>
        %dma_wait3A_1841 = arith.constant 0 : i32
        %dma_wait3A_1842 = arith.constant 0 : i32
        %dma_wait3A_1843 = tpu.memref_slice %arg4[%dma_wait3A_1833, %dma_wait3A_1841, %dma_wait3A_1842] : memref<4096x50x32xf32, #tpu.memory_space<hbm>> -> memref<1x50x32xf32, #tpu.memory_space<hbm>>
        %dma_wait3A_1844 = tpu.memref_squeeze %dma_wait3A_1843 : memref<1x50x32xf32, #tpu.memory_space<hbm>> -> memref<50x32xf32, #tpu.memory_space<hbm>>
        %dma_wait3A_1845 = arith.constant 0 : i32
        %dma_wait3A_1846 = arith.constant 0 : i32
        %dma_wait3A_1847 = tpu.memref_slice %arg10[%dma_wait3A_1845, %dma_wait3A_1846] : memref<800x32xf32, #tpu.memory_space<vmem>> -> memref<50x32xf32, #tpu.memory_space<vmem>>
        tpu.wait_dma2 semaphore(%arg16 : memref<!tpu.dma_semaphore, #tpu.memory_space<semaphore_mem>>) src(%dma_wait3A_1847 : memref<50x32xf32, #tpu.memory_space<vmem>>) dst(%dma_wait3A_1844 : memref<50x32xf32, #tpu.memory_space<hbm>>)
        %dma_wait3A_1848 = arith.constant 0 : i32
        %dma_wait3A_1849 = arith.constant 0 : i32
        %dma_wait3A_1850 = arith.constant 0 : i32
        %dma_wait3A_1851 = tpu.memref_slice %arg10[%dma_wait3A_1849, %dma_wait3A_1850] : memref<800x32xf32, #tpu.memory_space<vmem>> -> memref<50x32xf32, #tpu.memory_space<vmem>>
        %dma_wait3A_1852 = arith.constant 0 : i32
        %dma_wait3A_1853 = arith.constant 0 : i32
        %dma_wait3A_1854 = tpu.memref_slice %arg4[%dma_wait3A_1848, %dma_wait3A_1852, %dma_wait3A_1853] : memref<4096x50x32xf32, #tpu.memory_space<hbm>> -> memref<1x50x32xf32, #tpu.memory_space<hbm>>
        %dma_wait3A_1855 = tpu.memref_squeeze %dma_wait3A_1854 : memref<1x50x32xf32, #tpu.memory_space<hbm>> -> memref<50x32xf32, #tpu.memory_space<hbm>>
        %dma_wait3A_1856 = arith.constant 0 : i32
        %dma_wait3A_1857 = arith.constant 0 : i32
        %dma_wait3A_1858 = tpu.memref_slice %arg4[%dma_wait3A_1848, %dma_wait3A_1856, %dma_wait3A_1857] : memref<4096x50x32xf32, #tpu.memory_space<hbm>> -> memref<1x50x32xf32, #tpu.memory_space<hbm>>
        %dma_wait3A_1859 = tpu.memref_squeeze %dma_wait3A_1858 : memref<1x50x32xf32, #tpu.memory_space<hbm>> -> memref<50x32xf32, #tpu.memory_space<hbm>>
        %dma_wait3A_1860 = arith.constant 0 : i32
        %dma_wait3A_1861 = arith.constant 0 : i32
        %dma_wait3A_1862 = tpu.memref_slice %arg10[%dma_wait3A_1860, %dma_wait3A_1861] : memref<800x32xf32, #tpu.memory_space<vmem>> -> memref<50x32xf32, #tpu.memory_space<vmem>>
        tpu.wait_dma2 semaphore(%arg16 : memref<!tpu.dma_semaphore, #tpu.memory_space<semaphore_mem>>) src(%dma_wait3A_1862 : memref<50x32xf32, #tpu.memory_space<vmem>>) dst(%dma_wait3A_1859 : memref<50x32xf32, #tpu.memory_space<hbm>>)
        %dma_wait3A_1863 = arith.constant 0 : i32
        %dma_wait3A_1864 = arith.constant 0 : i32
        %dma_wait3A_1865 = arith.constant 0 : i32
        %dma_wait3A_1866 = tpu.memref_slice %arg10[%dma_wait3A_1864, %dma_wait3A_1865] : memref<800x32xf32, #tpu.memory_space<vmem>> -> memref<50x32xf32, #tpu.memory_space<vmem>>
        %dma_wait3A_1867 = arith.constant 0 : i32
        %dma_wait3A_1868 = arith.constant 0 : i32
        %dma_wait3A_1869 = tpu.memref_slice %arg4[%dma_wait3A_1863, %dma_wait3A_1867, %dma_wait3A_1868] : memref<4096x50x32xf32, #tpu.memory_space<hbm>> -> memref<1x50x32xf32, #tpu.memory_space<hbm>>
        %dma_wait3A_1870 = tpu.memref_squeeze %dma_wait3A_1869 : memref<1x50x32xf32, #tpu.memory_space<hbm>> -> memref<50x32xf32, #tpu.memory_space<hbm>>
        %dma_wait3A_1871 = arith.constant 0 : i32
        %dma_wait3A_1872 = arith.constant 0 : i32
        %dma_wait3A_1873 = tpu.memref_slice %arg4[%dma_wait3A_1863, %dma_wait3A_1871, %dma_wait3A_1872] : memref<4096x50x32xf32, #tpu.memory_space<hbm>> -> memref<1x50x32xf32, #tpu.memory_space<hbm>>
        %dma_wait3A_1874 = tpu.memref_squeeze %dma_wait3A_1873 : memref<1x50x32xf32, #tpu.memory_space<hbm>> -> memref<50x32xf32, #tpu.memory_space<hbm>>
        %dma_wait3A_1875 = arith.constant 0 : i32
        %dma_wait3A_1876 = arith.constant 0 : i32
        %dma_wait3A_1877 = tpu.memref_slice %arg10[%dma_wait3A_1875, %dma_wait3A_1876] : memref<800x32xf32, #tpu.memory_space<vmem>> -> memref<50x32xf32, #tpu.memory_space<vmem>>
        tpu.wait_dma2 semaphore(%arg16 : memref<!tpu.dma_semaphore, #tpu.memory_space<semaphore_mem>>) src(%dma_wait3A_1877 : memref<50x32xf32, #tpu.memory_space<vmem>>) dst(%dma_wait3A_1874 : memref<50x32xf32, #tpu.memory_space<hbm>>)
        %dma_wait3A_1878 = arith.constant 0 : i32
        %dma_wait3A_1879 = arith.constant 0 : i32
        %dma_wait3A_1880 = arith.constant 0 : i32
        %dma_wait3A_1881 = tpu.memref_slice %arg10[%dma_wait3A_1879, %dma_wait3A_1880] : memref<800x32xf32, #tpu.memory_space<vmem>> -> memref<50x32xf32, #tpu.memory_space<vmem>>
        %dma_wait3A_1882 = arith.constant 0 : i32
        %dma_wait3A_1883 = arith.constant 0 : i32
        %dma_wait3A_1884 = tpu.memref_slice %arg4[%dma_wait3A_1878, %dma_wait3A_1882, %dma_wait3A_1883] : memref<4096x50x32xf32, #tpu.memory_space<hbm>> -> memref<1x50x32xf32, #tpu.memory_space<hbm>>
        %dma_wait3A_1885 = tpu.memref_squeeze %dma_wait3A_1884 : memref<1x50x32xf32, #tpu.memory_space<hbm>> -> memref<50x32xf32, #tpu.memory_space<hbm>>
        %dma_wait3A_1886 = arith.constant 0 : i32
        %dma_wait3A_1887 = arith.constant 0 : i32
        %dma_wait3A_1888 = tpu.memref_slice %arg4[%dma_wait3A_1878, %dma_wait3A_1886, %dma_wait3A_1887] : memref<4096x50x32xf32, #tpu.memory_space<hbm>> -> memref<1x50x32xf32, #tpu.memory_space<hbm>>
        %dma_wait3A_1889 = tpu.memref_squeeze %dma_wait3A_1888 : memref<1x50x32xf32, #tpu.memory_space<hbm>> -> memref<50x32xf32, #tpu.memory_space<hbm>>
        %dma_wait3A_1890 = arith.constant 0 : i32
        %dma_wait3A_1891 = arith.constant 0 : i32
        %dma_wait3A_1892 = tpu.memref_slice %arg10[%dma_wait3A_1890, %dma_wait3A_1891] : memref<800x32xf32, #tpu.memory_space<vmem>> -> memref<50x32xf32, #tpu.memory_space<vmem>>
        tpu.wait_dma2 semaphore(%arg16 : memref<!tpu.dma_semaphore, #tpu.memory_space<semaphore_mem>>) src(%dma_wait3A_1892 : memref<50x32xf32, #tpu.memory_space<vmem>>) dst(%dma_wait3A_1889 : memref<50x32xf32, #tpu.memory_space<hbm>>)
      } else {
      }
      %scan3A_709 = arith.constant 0 : i32
      %scan3A_710 = arith.constant 0 : i32
      %scan3A_711 = arith.constant 800 : i32
      %scan3A_712 = arith.addi %scan3A_710, %scan3A_711 : i32
      %scan3A_713 = arith.constant 1 : i32
      %scan3A_714 = scf.for %scan3A_1653 = %scan3A_710 to %scan3A_712 step %scan3A_713 iter_args(%scan3A_1654 = %scan3A_709) -> (i32)  : i32 {
        %swap3A = arith.index_cast %scan3A_1653 : i32 to index
        %swap3A_1655 = arith.constant 0 : index
        %swap3A_1656 = tpu.vector_load %arg10[%swap3A, %swap3A_1655] {strides = array<i32>} : memref<800x32xf32, #tpu.memory_space<vmem>>, vector<16xf32>,
        tpu.vector_store %arg10[%swap3A, %swap3A_1655], %broadcast_in_dim3A_1 {strides = array<i32>} : memref<800x32xf32, #tpu.memory_space<vmem>>, vector<16xf32>,
        %swap3A_1657 = arith.index_cast %scan3A_1653 : i32 to index
        %swap3A_1658 = arith.constant 16 : index
        %swap3A_1659 = tpu.vector_load %arg10[%swap3A_1657, %swap3A_1658] {strides = array<i32>} : memref<800x32xf32, #tpu.memory_space<vmem>>, vector<16xf32>,
        tpu.vector_store %arg10[%swap3A_1657, %swap3A_1658], %broadcast_in_dim3A_1 {strides = array<i32>} : memref<800x32xf32, #tpu.memory_space<vmem>>, vector<16xf32>,
        %scan3A_1660 = arith.constant 0 : i32
        scf.yield %scan3A_1660 : i32
      }
      %scan3A_715 = arith.constant 800 : i32
      %dma_start3A_716 = arith.constant 0 : i32
      %dma_start3A_717 = arith.constant 0 : i32
      %dma_start3A_718 = tpu.memref_slice %arg8[%dma_start3A_716, %dma_start3A_717] : memref<20x800xi32, #tpu.memory_space<vmem>> -> memref<1x800xi32, #tpu.memory_space<vmem>>
      %dma_start3A_719 = tpu.memref_squeeze %dma_start3A_718 : memref<1x800xi32, #tpu.memory_space<vmem>> -> memref<800xi32, #tpu.memory_space<vmem>>
      %dma_start3A_720 = arith.constant 0 : i32
      %dma_start3A_721 = arith.constant 0 : i32
      %dma_start3A_722 = tpu.memref_slice %arg3[%dma_start3A_720, %dma_start3A_721] : memref<1000000x32xf32, #tpu.memory_space<hbm>> -> memref<1000000x32xf32, #tpu.memory_space<hbm>>
      tpu.enqueue_indirect_dma source(%dma_start3A_722 : memref<1000000x32xf32, #tpu.memory_space<hbm>>) target(%arg10 : memref<800x32xf32, #tpu.memory_space<vmem>>) offsets(%dma_start3A_719 : memref<800xi32, #tpu.memory_space<vmem>>) semaphore(%arg12 : memref<!tpu.dma_semaphore, #tpu.memory_space<semaphore_mem>>) {add = true}
      %dma_start3A_723 = arith.constant 1 : i32
      %dma_start3A_724 = arith.constant 0 : i32
      %dma_start3A_725 = tpu.memref_slice %arg8[%dma_start3A_723, %dma_start3A_724] : memref<20x800xi32, #tpu.memory_space<vmem>> -> memref<1x800xi32, #tpu.memory_space<vmem>>
      %dma_start3A_726 = tpu.memref_squeeze %dma_start3A_725 : memref<1x800xi32, #tpu.memory_space<vmem>> -> memref<800xi32, #tpu.memory_space<vmem>>
      %dma_start3A_727 = arith.constant 0 : i32
      %dma_start3A_728 = arith.constant 0 : i32
      %dma_start3A_729 = tpu.memref_slice %arg3[%dma_start3A_727, %dma_start3A_728] : memref<1000000x32xf32, #tpu.memory_space<hbm>> -> memref<1000000x32xf32, #tpu.memory_space<hbm>>
      tpu.enqueue_indirect_dma source(%dma_start3A_729 : memref<1000000x32xf32, #tpu.memory_space<hbm>>) target(%arg10 : memref<800x32xf32, #tpu.memory_space<vmem>>) offsets(%dma_start3A_726 : memref<800xi32, #tpu.memory_space<vmem>>) semaphore(%arg12 : memref<!tpu.dma_semaphore, #tpu.memory_space<semaphore_mem>>) {add = true}
      %dma_start3A_730 = arith.constant 2 : i32
      %dma_start3A_731 = arith.constant 0 : i32
      %dma_start3A_732 = tpu.memref_slice %arg8[%dma_start3A_730, %dma_start3A_731] : memref<20x800xi32, #tpu.memory_space<vmem>> -> memref<1x800xi32, #tpu.memory_space<vmem>>
      %dma_start3A_733 = tpu.memref_squeeze %dma_start3A_732 : memref<1x800xi32, #tpu.memory_space<vmem>> -> memref<800xi32, #tpu.memory_space<vmem>>
      %dma_start3A_734 = arith.constant 0 : i32
      %dma_start3A_735 = arith.constant 0 : i32
      %dma_start3A_736 = tpu.memref_slice %arg3[%dma_start3A_734, %dma_start3A_735] : memref<1000000x32xf32, #tpu.memory_space<hbm>> -> memref<1000000x32xf32, #tpu.memory_space<hbm>>
      tpu.enqueue_indirect_dma source(%dma_start3A_736 : memref<1000000x32xf32, #tpu.memory_space<hbm>>) target(%arg10 : memref<800x32xf32, #tpu.memory_space<vmem>>) offsets(%dma_start3A_733 : memref<800xi32, #tpu.memory_space<vmem>>) semaphore(%arg12 : memref<!tpu.dma_semaphore, #tpu.memory_space<semaphore_mem>>) {add = true}
      %dma_start3A_737 = arith.constant 3 : i32
      %dma_start3A_738 = arith.constant 0 : i32
      %dma_start3A_739 = tpu.memref_slice %arg8[%dma_start3A_737, %dma_start3A_738] : memref<20x800xi32, #tpu.memory_space<vmem>> -> memref<1x800xi32, #tpu.memory_space<vmem>>
      %dma_start3A_740 = tpu.memref_squeeze %dma_start3A_739 : memref<1x800xi32, #tpu.memory_space<vmem>> -> memref<800xi32, #tpu.memory_space<vmem>>
      %dma_start3A_741 = arith.constant 0 : i32
      %dma_start3A_742 = arith.constant 0 : i32
      %dma_start3A_743 = tpu.memref_slice %arg3[%dma_start3A_741, %dma_start3A_742] : memref<1000000x32xf32, #tpu.memory_space<hbm>> -> memref<1000000x32xf32, #tpu.memory_space<hbm>>
      tpu.enqueue_indirect_dma source(%dma_start3A_743 : memref<1000000x32xf32, #tpu.memory_space<hbm>>) target(%arg10 : memref<800x32xf32, #tpu.memory_space<vmem>>) offsets(%dma_start3A_740 : memref<800xi32, #tpu.memory_space<vmem>>) semaphore(%arg12 : memref<!tpu.dma_semaphore, #tpu.memory_space<semaphore_mem>>) {add = true}
      %dma_start3A_744 = arith.constant 4 : i32
      %dma_start3A_745 = arith.constant 0 : i32
      %dma_start3A_746 = tpu.memref_slice %arg8[%dma_start3A_744, %dma_start3A_745] : memref<20x800xi32, #tpu.memory_space<vmem>> -> memref<1x800xi32, #tpu.memory_space<vmem>>
      %dma_start3A_747 = tpu.memref_squeeze %dma_start3A_746 : memref<1x800xi32, #tpu.memory_space<vmem>> -> memref<800xi32, #tpu.memory_space<vmem>>
      %dma_start3A_748 = arith.constant 0 : i32
      %dma_start3A_749 = arith.constant 0 : i32
      %dma_start3A_750 = tpu.memref_slice %arg3[%dma_start3A_748, %dma_start3A_749] : memref<1000000x32xf32, #tpu.memory_space<hbm>> -> memref<1000000x32xf32, #tpu.memory_space<hbm>>
      tpu.enqueue_indirect_dma source(%dma_start3A_750 : memref<1000000x32xf32, #tpu.memory_space<hbm>>) target(%arg10 : memref<800x32xf32, #tpu.memory_space<vmem>>) offsets(%dma_start3A_747 : memref<800xi32, #tpu.memory_space<vmem>>) semaphore(%arg12 : memref<!tpu.dma_semaphore, #tpu.memory_space<semaphore_mem>>) {add = true}
      %dma_start3A_751 = arith.constant 5 : i32
      %dma_start3A_752 = arith.constant 0 : i32
      %dma_start3A_753 = tpu.memref_slice %arg8[%dma_start3A_751, %dma_start3A_752] : memref<20x800xi32, #tpu.memory_space<vmem>> -> memref<1x800xi32, #tpu.memory_space<vmem>>
      %dma_start3A_754 = tpu.memref_squeeze %dma_start3A_753 : memref<1x800xi32, #tpu.memory_space<vmem>> -> memref<800xi32, #tpu.memory_space<vmem>>
      %dma_start3A_755 = arith.constant 0 : i32
      %dma_start3A_756 = arith.constant 0 : i32
      %dma_start3A_757 = tpu.memref_slice %arg3[%dma_start3A_755, %dma_start3A_756] : memref<1000000x32xf32, #tpu.memory_space<hbm>> -> memref<1000000x32xf32, #tpu.memory_space<hbm>>
      tpu.enqueue_indirect_dma source(%dma_start3A_757 : memref<1000000x32xf32, #tpu.memory_space<hbm>>) target(%arg10 : memref<800x32xf32, #tpu.memory_space<vmem>>) offsets(%dma_start3A_754 : memref<800xi32, #tpu.memory_space<vmem>>) semaphore(%arg12 : memref<!tpu.dma_semaphore, #tpu.memory_space<semaphore_mem>>) {add = true}
      %dma_start3A_758 = arith.constant 6 : i32
      %dma_start3A_759 = arith.constant 0 : i32
      %dma_start3A_760 = tpu.memref_slice %arg8[%dma_start3A_758, %dma_start3A_759] : memref<20x800xi32, #tpu.memory_space<vmem>> -> memref<1x800xi32, #tpu.memory_space<vmem>>
      %dma_start3A_761 = tpu.memref_squeeze %dma_start3A_760 : memref<1x800xi32, #tpu.memory_space<vmem>> -> memref<800xi32, #tpu.memory_space<vmem>>
      %dma_start3A_762 = arith.constant 0 : i32
      %dma_start3A_763 = arith.constant 0 : i32
      %dma_start3A_764 = tpu.memref_slice %arg3[%dma_start3A_762, %dma_start3A_763] : memref<1000000x32xf32, #tpu.memory_space<hbm>> -> memref<1000000x32xf32, #tpu.memory_space<hbm>>
      tpu.enqueue_indirect_dma source(%dma_start3A_764 : memref<1000000x32xf32, #tpu.memory_space<hbm>>) target(%arg10 : memref<800x32xf32, #tpu.memory_space<vmem>>) offsets(%dma_start3A_761 : memref<800xi32, #tpu.memory_space<vmem>>) semaphore(%arg12 : memref<!tpu.dma_semaphore, #tpu.memory_space<semaphore_mem>>) {add = true}
      %dma_start3A_765 = arith.constant 7 : i32
      %dma_start3A_766 = arith.constant 0 : i32
      %dma_start3A_767 = tpu.memref_slice %arg8[%dma_start3A_765, %dma_start3A_766] : memref<20x800xi32, #tpu.memory_space<vmem>> -> memref<1x800xi32, #tpu.memory_space<vmem>>
      %dma_start3A_768 = tpu.memref_squeeze %dma_start3A_767 : memref<1x800xi32, #tpu.memory_space<vmem>> -> memref<800xi32, #tpu.memory_space<vmem>>
      %dma_start3A_769 = arith.constant 0 : i32
      %dma_start3A_770 = arith.constant 0 : i32
      %dma_start3A_771 = tpu.memref_slice %arg3[%dma_start3A_769, %dma_start3A_770] : memref<1000000x32xf32, #tpu.memory_space<hbm>> -> memref<1000000x32xf32, #tpu.memory_space<hbm>>
      tpu.enqueue_indirect_dma source(%dma_start3A_771 : memref<1000000x32xf32, #tpu.memory_space<hbm>>) target(%arg10 : memref<800x32xf32, #tpu.memory_space<vmem>>) offsets(%dma_start3A_768 : memref<800xi32, #tpu.memory_space<vmem>>) semaphore(%arg12 : memref<!tpu.dma_semaphore, #tpu.memory_space<semaphore_mem>>) {add = true}
      %dma_start3A_772 = arith.constant 8 : i32
      %dma_start3A_773 = arith.constant 0 : i32
      %dma_start3A_774 = tpu.memref_slice %arg8[%dma_start3A_772, %dma_start3A_773] : memref<20x800xi32, #tpu.memory_space<vmem>> -> memref<1x800xi32, #tpu.memory_space<vmem>>
      %dma_start3A_775 = tpu.memref_squeeze %dma_start3A_774 : memref<1x800xi32, #tpu.memory_space<vmem>> -> memref<800xi32, #tpu.memory_space<vmem>>
      %dma_start3A_776 = arith.constant 0 : i32
      %dma_start3A_777 = arith.constant 0 : i32
      %dma_start3A_778 = tpu.memref_slice %arg3[%dma_start3A_776, %dma_start3A_777] : memref<1000000x32xf32, #tpu.memory_space<hbm>> -> memref<1000000x32xf32, #tpu.memory_space<hbm>>
      tpu.enqueue_indirect_dma source(%dma_start3A_778 : memref<1000000x32xf32, #tpu.memory_space<hbm>>) target(%arg10 : memref<800x32xf32, #tpu.memory_space<vmem>>) offsets(%dma_start3A_775 : memref<800xi32, #tpu.memory_space<vmem>>) semaphore(%arg12 : memref<!tpu.dma_semaphore, #tpu.memory_space<semaphore_mem>>) {add = true}
      %dma_start3A_779 = arith.constant 9 : i32
      %dma_start3A_780 = arith.constant 0 : i32
      %dma_start3A_781 = tpu.memref_slice %arg8[%dma_start3A_779, %dma_start3A_780] : memref<20x800xi32, #tpu.memory_space<vmem>> -> memref<1x800xi32, #tpu.memory_space<vmem>>
      %dma_start3A_782 = tpu.memref_squeeze %dma_start3A_781 : memref<1x800xi32, #tpu.memory_space<vmem>> -> memref<800xi32, #tpu.memory_space<vmem>>
      %dma_start3A_783 = arith.constant 0 : i32
      %dma_start3A_784 = arith.constant 0 : i32
      %dma_start3A_785 = tpu.memref_slice %arg3[%dma_start3A_783, %dma_start3A_784] : memref<1000000x32xf32, #tpu.memory_space<hbm>> -> memref<1000000x32xf32, #tpu.memory_space<hbm>>
      tpu.enqueue_indirect_dma source(%dma_start3A_785 : memref<1000000x32xf32, #tpu.memory_space<hbm>>) target(%arg10 : memref<800x32xf32, #tpu.memory_space<vmem>>) offsets(%dma_start3A_782 : memref<800xi32, #tpu.memory_space<vmem>>) semaphore(%arg12 : memref<!tpu.dma_semaphore, #tpu.memory_space<semaphore_mem>>) {add = true}
      %dma_start3A_786 = arith.constant 10 : i32
      %dma_start3A_787 = arith.constant 0 : i32
      %dma_start3A_788 = tpu.memref_slice %arg8[%dma_start3A_786, %dma_start3A_787] : memref<20x800xi32, #tpu.memory_space<vmem>> -> memref<1x800xi32, #tpu.memory_space<vmem>>
      %dma_start3A_789 = tpu.memref_squeeze %dma_start3A_788 : memref<1x800xi32, #tpu.memory_space<vmem>> -> memref<800xi32, #tpu.memory_space<vmem>>
      %dma_start3A_790 = arith.constant 0 : i32
      %dma_start3A_791 = arith.constant 0 : i32
      %dma_start3A_792 = tpu.memref_slice %arg3[%dma_start3A_790, %dma_start3A_791] : memref<1000000x32xf32, #tpu.memory_space<hbm>> -> memref<1000000x32xf32, #tpu.memory_space<hbm>>
      tpu.enqueue_indirect_dma source(%dma_start3A_792 : memref<1000000x32xf32, #tpu.memory_space<hbm>>) target(%arg10 : memref<800x32xf32, #tpu.memory_space<vmem>>) offsets(%dma_start3A_789 : memref<800xi32, #tpu.memory_space<vmem>>) semaphore(%arg12 : memref<!tpu.dma_semaphore, #tpu.memory_space<semaphore_mem>>) {add = true}
      %dma_start3A_793 = arith.constant 11 : i32
      %dma_start3A_794 = arith.constant 0 : i32
      %dma_start3A_795 = tpu.memref_slice %arg8[%dma_start3A_793, %dma_start3A_794] : memref<20x800xi32, #tpu.memory_space<vmem>> -> memref<1x800xi32, #tpu.memory_space<vmem>>
      %dma_start3A_796 = tpu.memref_squeeze %dma_start3A_795 : memref<1x800xi32, #tpu.memory_space<vmem>> -> memref<800xi32, #tpu.memory_space<vmem>>
      %dma_start3A_797 = arith.constant 0 : i32
      %dma_start3A_798 = arith.constant 0 : i32
      %dma_start3A_799 = tpu.memref_slice %arg3[%dma_start3A_797, %dma_start3A_798] : memref<1000000x32xf32, #tpu.memory_space<hbm>> -> memref<1000000x32xf32, #tpu.memory_space<hbm>>
      tpu.enqueue_indirect_dma source(%dma_start3A_799 : memref<1000000x32xf32, #tpu.memory_space<hbm>>) target(%arg10 : memref<800x32xf32, #tpu.memory_space<vmem>>) offsets(%dma_start3A_796 : memref<800xi32, #tpu.memory_space<vmem>>) semaphore(%arg12 : memref<!tpu.dma_semaphore, #tpu.memory_space<semaphore_mem>>) {add = true}
      %dma_start3A_800 = arith.constant 12 : i32
      %dma_start3A_801 = arith.constant 0 : i32
      %dma_start3A_802 = tpu.memref_slice %arg8[%dma_start3A_800, %dma_start3A_801] : memref<20x800xi32, #tpu.memory_space<vmem>> -> memref<1x800xi32, #tpu.memory_space<vmem>>
      %dma_start3A_803 = tpu.memref_squeeze %dma_start3A_802 : memref<1x800xi32, #tpu.memory_space<vmem>> -> memref<800xi32, #tpu.memory_space<vmem>>
      %dma_start3A_804 = arith.constant 0 : i32
      %dma_start3A_805 = arith.constant 0 : i32
      %dma_start3A_806 = tpu.memref_slice %arg3[%dma_start3A_804, %dma_start3A_805] : memref<1000000x32xf32, #tpu.memory_space<hbm>> -> memref<1000000x32xf32, #tpu.memory_space<hbm>>
      tpu.enqueue_indirect_dma source(%dma_start3A_806 : memref<1000000x32xf32, #tpu.memory_space<hbm>>) target(%arg10 : memref<800x32xf32, #tpu.memory_space<vmem>>) offsets(%dma_start3A_803 : memref<800xi32, #tpu.memory_space<vmem>>) semaphore(%arg12 : memref<!tpu.dma_semaphore, #tpu.memory_space<semaphore_mem>>) {add = true}
      %dma_start3A_807 = arith.constant 13 : i32
      %dma_start3A_808 = arith.constant 0 : i32
      %dma_start3A_809 = tpu.memref_slice %arg8[%dma_start3A_807, %dma_start3A_808] : memref<20x800xi32, #tpu.memory_space<vmem>> -> memref<1x800xi32, #tpu.memory_space<vmem>>
      %dma_start3A_810 = tpu.memref_squeeze %dma_start3A_809 : memref<1x800xi32, #tpu.memory_space<vmem>> -> memref<800xi32, #tpu.memory_space<vmem>>
      %dma_start3A_811 = arith.constant 0 : i32
      %dma_start3A_812 = arith.constant 0 : i32
      %dma_start3A_813 = tpu.memref_slice %arg3[%dma_start3A_811, %dma_start3A_812] : memref<1000000x32xf32, #tpu.memory_space<hbm>> -> memref<1000000x32xf32, #tpu.memory_space<hbm>>
      tpu.enqueue_indirect_dma source(%dma_start3A_813 : memref<1000000x32xf32, #tpu.memory_space<hbm>>) target(%arg10 : memref<800x32xf32, #tpu.memory_space<vmem>>) offsets(%dma_start3A_810 : memref<800xi32, #tpu.memory_space<vmem>>) semaphore(%arg12 : memref<!tpu.dma_semaphore, #tpu.memory_space<semaphore_mem>>) {add = true}
      %dma_start3A_814 = arith.constant 14 : i32
      %dma_start3A_815 = arith.constant 0 : i32
      %dma_start3A_816 = tpu.memref_slice %arg8[%dma_start3A_814, %dma_start3A_815] : memref<20x800xi32, #tpu.memory_space<vmem>> -> memref<1x800xi32, #tpu.memory_space<vmem>>
      %dma_start3A_817 = tpu.memref_squeeze %dma_start3A_816 : memref<1x800xi32, #tpu.memory_space<vmem>> -> memref<800xi32, #tpu.memory_space<vmem>>
      %dma_start3A_818 = arith.constant 0 : i32
      %dma_start3A_819 = arith.constant 0 : i32
      %dma_start3A_820 = tpu.memref_slice %arg3[%dma_start3A_818, %dma_start3A_819] : memref<1000000x32xf32, #tpu.memory_space<hbm>> -> memref<1000000x32xf32, #tpu.memory_space<hbm>>
      tpu.enqueue_indirect_dma source(%dma_start3A_820 : memref<1000000x32xf32, #tpu.memory_space<hbm>>) target(%arg10 : memref<800x32xf32, #tpu.memory_space<vmem>>) offsets(%dma_start3A_817 : memref<800xi32, #tpu.memory_space<vmem>>) semaphore(%arg12 : memref<!tpu.dma_semaphore, #tpu.memory_space<semaphore_mem>>) {add = true}
      %dma_start3A_821 = arith.constant 15 : i32
      %dma_start3A_822 = arith.constant 0 : i32
      %dma_start3A_823 = tpu.memref_slice %arg8[%dma_start3A_821, %dma_start3A_822] : memref<20x800xi32, #tpu.memory_space<vmem>> -> memref<1x800xi32, #tpu.memory_space<vmem>>
      %dma_start3A_824 = tpu.memref_squeeze %dma_start3A_823 : memref<1x800xi32, #tpu.memory_space<vmem>> -> memref<800xi32, #tpu.memory_space<vmem>>
      %dma_start3A_825 = arith.constant 0 : i32
      %dma_start3A_826 = arith.constant 0 : i32
      %dma_start3A_827 = tpu.memref_slice %arg3[%dma_start3A_825, %dma_start3A_826] : memref<1000000x32xf32, #tpu.memory_space<hbm>> -> memref<1000000x32xf32, #tpu.memory_space<hbm>>
      tpu.enqueue_indirect_dma source(%dma_start3A_827 : memref<1000000x32xf32, #tpu.memory_space<hbm>>) target(%arg10 : memref<800x32xf32, #tpu.memory_space<vmem>>) offsets(%dma_start3A_824 : memref<800xi32, #tpu.memory_space<vmem>>) semaphore(%arg12 : memref<!tpu.dma_semaphore, #tpu.memory_space<semaphore_mem>>) {add = true}
      %dma_start3A_828 = arith.constant 16 : i32
      %dma_start3A_829 = arith.constant 0 : i32
      %dma_start3A_830 = tpu.memref_slice %arg8[%dma_start3A_828, %dma_start3A_829] : memref<20x800xi32, #tpu.memory_space<vmem>> -> memref<1x800xi32, #tpu.memory_space<vmem>>
      %dma_start3A_831 = tpu.memref_squeeze %dma_start3A_830 : memref<1x800xi32, #tpu.memory_space<vmem>> -> memref<800xi32, #tpu.memory_space<vmem>>
      %dma_start3A_832 = arith.constant 0 : i32
      %dma_start3A_833 = arith.constant 0 : i32
      %dma_start3A_834 = tpu.memref_slice %arg3[%dma_start3A_832, %dma_start3A_833] : memref<1000000x32xf32, #tpu.memory_space<hbm>> -> memref<1000000x32xf32, #tpu.memory_space<hbm>>
      tpu.enqueue_indirect_dma source(%dma_start3A_834 : memref<1000000x32xf32, #tpu.memory_space<hbm>>) target(%arg10 : memref<800x32xf32, #tpu.memory_space<vmem>>) offsets(%dma_start3A_831 : memref<800xi32, #tpu.memory_space<vmem>>) semaphore(%arg12 : memref<!tpu.dma_semaphore, #tpu.memory_space<semaphore_mem>>) {add = true}
      %dma_start3A_835 = arith.constant 17 : i32
      %dma_start3A_836 = arith.constant 0 : i32
      %dma_start3A_837 = tpu.memref_slice %arg8[%dma_start3A_835, %dma_start3A_836] : memref<20x800xi32, #tpu.memory_space<vmem>> -> memref<1x800xi32, #tpu.memory_space<vmem>>
      %dma_start3A_838 = tpu.memref_squeeze %dma_start3A_837 : memref<1x800xi32, #tpu.memory_space<vmem>> -> memref<800xi32, #tpu.memory_space<vmem>>
      %dma_start3A_839 = arith.constant 0 : i32
      %dma_start3A_840 = arith.constant 0 : i32
      %dma_start3A_841 = tpu.memref_slice %arg3[%dma_start3A_839, %dma_start3A_840] : memref<1000000x32xf32, #tpu.memory_space<hbm>> -> memref<1000000x32xf32, #tpu.memory_space<hbm>>
      tpu.enqueue_indirect_dma source(%dma_start3A_841 : memref<1000000x32xf32, #tpu.memory_space<hbm>>) target(%arg10 : memref<800x32xf32, #tpu.memory_space<vmem>>) offsets(%dma_start3A_838 : memref<800xi32, #tpu.memory_space<vmem>>) semaphore(%arg12 : memref<!tpu.dma_semaphore, #tpu.memory_space<semaphore_mem>>) {add = true}
      %dma_start3A_842 = arith.constant 18 : i32
      %dma_start3A_843 = arith.constant 0 : i32
      %dma_start3A_844 = tpu.memref_slice %arg8[%dma_start3A_842, %dma_start3A_843] : memref<20x800xi32, #tpu.memory_space<vmem>> -> memref<1x800xi32, #tpu.memory_space<vmem>>
      %dma_start3A_845 = tpu.memref_squeeze %dma_start3A_844 : memref<1x800xi32, #tpu.memory_space<vmem>> -> memref<800xi32, #tpu.memory_space<vmem>>
      %dma_start3A_846 = arith.constant 0 : i32
      %dma_start3A_847 = arith.constant 0 : i32
      %dma_start3A_848 = tpu.memref_slice %arg3[%dma_start3A_846, %dma_start3A_847] : memref<1000000x32xf32, #tpu.memory_space<hbm>> -> memref<1000000x32xf32, #tpu.memory_space<hbm>>
      tpu.enqueue_indirect_dma source(%dma_start3A_848 : memref<1000000x32xf32, #tpu.memory_space<hbm>>) target(%arg10 : memref<800x32xf32, #tpu.memory_space<vmem>>) offsets(%dma_start3A_845 : memref<800xi32, #tpu.memory_space<vmem>>) semaphore(%arg12 : memref<!tpu.dma_semaphore, #tpu.memory_space<semaphore_mem>>) {add = true}
      %dma_start3A_849 = arith.constant 19 : i32
      %dma_start3A_850 = arith.constant 0 : i32
      %dma_start3A_851 = tpu.memref_slice %arg8[%dma_start3A_849, %dma_start3A_850] : memref<20x800xi32, #tpu.memory_space<vmem>> -> memref<1x800xi32, #tpu.memory_space<vmem>>
      %dma_start3A_852 = tpu.memref_squeeze %dma_start3A_851 : memref<1x800xi32, #tpu.memory_space<vmem>> -> memref<800xi32, #tpu.memory_space<vmem>>
      %dma_start3A_853 = arith.constant 0 : i32
      %dma_start3A_854 = arith.constant 0 : i32
      %dma_start3A_855 = tpu.memref_slice %arg3[%dma_start3A_853, %dma_start3A_854] : memref<1000000x32xf32, #tpu.memory_space<hbm>> -> memref<1000000x32xf32, #tpu.memory_space<hbm>>
      tpu.enqueue_indirect_dma source(%dma_start3A_855 : memref<1000000x32xf32, #tpu.memory_space<hbm>>) target(%arg10 : memref<800x32xf32, #tpu.memory_space<vmem>>) offsets(%dma_start3A_852 : memref<800xi32, #tpu.memory_space<vmem>>) semaphore(%arg12 : memref<!tpu.dma_semaphore, #tpu.memory_space<semaphore_mem>>) {add = true}
      %dma_wait3A_856 = arith.constant 0 : i32
      %dma_wait3A_857 = tpu.memref_slice %arg7[%scan3A_184, %dma_wait3A_856] : memref<20x800xi32, #tpu.memory_space<vmem>> -> memref<1x800xi32, #tpu.memory_space<vmem>>
      %dma_wait3A_858 = tpu.memref_squeeze %dma_wait3A_857 : memref<1x800xi32, #tpu.memory_space<vmem>> -> memref<800xi32, #tpu.memory_space<vmem>>
      %dma_wait3A_859 = arith.constant 0 : i32
      %dma_wait3A_860 = arith.constant 0 : i32
      %dma_wait3A_861 = tpu.memref_slice %arg3[%dma_wait3A_859, %dma_wait3A_860] : memref<1000000x32xf32, #tpu.memory_space<hbm>> -> memref<1000000x32xf32, #tpu.memory_space<hbm>>
      tpu.wait_indirect_dma semaphore(%arg11 : memref<!tpu.dma_semaphore, #tpu.memory_space<semaphore_mem>>) src(%dma_wait3A_861 : memref<1000000x32xf32, #tpu.memory_space<hbm>>) dst(%arg9 : memref<800x32xf32, #tpu.memory_space<vmem>>)
      %dma_wait3A_862 = arith.constant 0 : i32
      %dma_wait3A_863 = tpu.memref_slice %arg7[%scan3A_185, %dma_wait3A_862] : memref<20x800xi32, #tpu.memory_space<vmem>> -> memref<1x800xi32, #tpu.memory_space<vmem>>
      %dma_wait3A_864 = tpu.memref_squeeze %dma_wait3A_863 : memref<1x800xi32, #tpu.memory_space<vmem>> -> memref<800xi32, #tpu.memory_space<vmem>>
      %dma_wait3A_865 = arith.constant 0 : i32
      %dma_wait3A_866 = arith.constant 0 : i32
      %dma_wait3A_867 = tpu.memref_slice %arg3[%dma_wait3A_865, %dma_wait3A_866] : memref<1000000x32xf32, #tpu.memory_space<hbm>> -> memref<1000000x32xf32, #tpu.memory_space<hbm>>
      tpu.wait_indirect_dma semaphore(%arg11 : memref<!tpu.dma_semaphore, #tpu.memory_space<semaphore_mem>>) src(%dma_wait3A_867 : memref<1000000x32xf32, #tpu.memory_space<hbm>>) dst(%arg9 : memref<800x32xf32, #tpu.memory_space<vmem>>)
      %dma_wait3A_868 = arith.constant 0 : i32
      %dma_wait3A_869 = tpu.memref_slice %arg7[%scan3A_186, %dma_wait3A_868] : memref<20x800xi32, #tpu.memory_space<vmem>> -> memref<1x800xi32, #tpu.memory_space<vmem>>
      %dma_wait3A_870 = tpu.memref_squeeze %dma_wait3A_869 : memref<1x800xi32, #tpu.memory_space<vmem>> -> memref<800xi32, #tpu.memory_space<vmem>>
      %dma_wait3A_871 = arith.constant 0 : i32
      %dma_wait3A_872 = arith.constant 0 : i32
      %dma_wait3A_873 = tpu.memref_slice %arg3[%dma_wait3A_871, %dma_wait3A_872] : memref<1000000x32xf32, #tpu.memory_space<hbm>> -> memref<1000000x32xf32, #tpu.memory_space<hbm>>
      tpu.wait_indirect_dma semaphore(%arg11 : memref<!tpu.dma_semaphore, #tpu.memory_space<semaphore_mem>>) src(%dma_wait3A_873 : memref<1000000x32xf32, #tpu.memory_space<hbm>>) dst(%arg9 : memref<800x32xf32, #tpu.memory_space<vmem>>)
      %dma_wait3A_874 = arith.constant 0 : i32
      %dma_wait3A_875 = tpu.memref_slice %arg7[%scan3A_187, %dma_wait3A_874] : memref<20x800xi32, #tpu.memory_space<vmem>> -> memref<1x800xi32, #tpu.memory_space<vmem>>
      %dma_wait3A_876 = tpu.memref_squeeze %dma_wait3A_875 : memref<1x800xi32, #tpu.memory_space<vmem>> -> memref<800xi32, #tpu.memory_space<vmem>>
      %dma_wait3A_877 = arith.constant 0 : i32
      %dma_wait3A_878 = arith.constant 0 : i32
      %dma_wait3A_879 = tpu.memref_slice %arg3[%dma_wait3A_877, %dma_wait3A_878] : memref<1000000x32xf32, #tpu.memory_space<hbm>> -> memref<1000000x32xf32, #tpu.memory_space<hbm>>
      tpu.wait_indirect_dma semaphore(%arg11 : memref<!tpu.dma_semaphore, #tpu.memory_space<semaphore_mem>>) src(%dma_wait3A_879 : memref<1000000x32xf32, #tpu.memory_space<hbm>>) dst(%arg9 : memref<800x32xf32, #tpu.memory_space<vmem>>)
      %dma_wait3A_880 = arith.constant 0 : i32
      %dma_wait3A_881 = tpu.memref_slice %arg7[%scan3A_188, %dma_wait3A_880] : memref<20x800xi32, #tpu.memory_space<vmem>> -> memref<1x800xi32, #tpu.memory_space<vmem>>
      %dma_wait3A_882 = tpu.memref_squeeze %dma_wait3A_881 : memref<1x800xi32, #tpu.memory_space<vmem>> -> memref<800xi32, #tpu.memory_space<vmem>>
      %dma_wait3A_883 = arith.constant 0 : i32
      %dma_wait3A_884 = arith.constant 0 : i32
      %dma_wait3A_885 = tpu.memref_slice %arg3[%dma_wait3A_883, %dma_wait3A_884] : memref<1000000x32xf32, #tpu.memory_space<hbm>> -> memref<1000000x32xf32, #tpu.memory_space<hbm>>
      tpu.wait_indirect_dma semaphore(%arg11 : memref<!tpu.dma_semaphore, #tpu.memory_space<semaphore_mem>>) src(%dma_wait3A_885 : memref<1000000x32xf32, #tpu.memory_space<hbm>>) dst(%arg9 : memref<800x32xf32, #tpu.memory_space<vmem>>)
      %dma_wait3A_886 = arith.constant 0 : i32
      %dma_wait3A_887 = tpu.memref_slice %arg7[%scan3A_189, %dma_wait3A_886] : memref<20x800xi32, #tpu.memory_space<vmem>> -> memref<1x800xi32, #tpu.memory_space<vmem>>
      %dma_wait3A_888 = tpu.memref_squeeze %dma_wait3A_887 : memref<1x800xi32, #tpu.memory_space<vmem>> -> memref<800xi32, #tpu.memory_space<vmem>>
      %dma_wait3A_889 = arith.constant 0 : i32
      %dma_wait3A_890 = arith.constant 0 : i32
      %dma_wait3A_891 = tpu.memref_slice %arg3[%dma_wait3A_889, %dma_wait3A_890] : memref<1000000x32xf32, #tpu.memory_space<hbm>> -> memref<1000000x32xf32, #tpu.memory_space<hbm>>
      tpu.wait_indirect_dma semaphore(%arg11 : memref<!tpu.dma_semaphore, #tpu.memory_space<semaphore_mem>>) src(%dma_wait3A_891 : memref<1000000x32xf32, #tpu.memory_space<hbm>>) dst(%arg9 : memref<800x32xf32, #tpu.memory_space<vmem>>)
      %dma_wait3A_892 = arith.constant 0 : i32
      %dma_wait3A_893 = tpu.memref_slice %arg7[%scan3A_190, %dma_wait3A_892] : memref<20x800xi32, #tpu.memory_space<vmem>> -> memref<1x800xi32, #tpu.memory_space<vmem>>
      %dma_wait3A_894 = tpu.memref_squeeze %dma_wait3A_893 : memref<1x800xi32, #tpu.memory_space<vmem>> -> memref<800xi32, #tpu.memory_space<vmem>>
      %dma_wait3A_895 = arith.constant 0 : i32
      %dma_wait3A_896 = arith.constant 0 : i32
      %dma_wait3A_897 = tpu.memref_slice %arg3[%dma_wait3A_895, %dma_wait3A_896] : memref<1000000x32xf32, #tpu.memory_space<hbm>> -> memref<1000000x32xf32, #tpu.memory_space<hbm>>
      tpu.wait_indirect_dma semaphore(%arg11 : memref<!tpu.dma_semaphore, #tpu.memory_space<semaphore_mem>>) src(%dma_wait3A_897 : memref<1000000x32xf32, #tpu.memory_space<hbm>>) dst(%arg9 : memref<800x32xf32, #tpu.memory_space<vmem>>)
      %dma_wait3A_898 = arith.constant 0 : i32
      %dma_wait3A_899 = tpu.memref_slice %arg7[%scan3A_191, %dma_wait3A_898] : memref<20x800xi32, #tpu.memory_space<vmem>> -> memref<1x800xi32, #tpu.memory_space<vmem>>
      %dma_wait3A_900 = tpu.memref_squeeze %dma_wait3A_899 : memref<1x800xi32, #tpu.memory_space<vmem>> -> memref<800xi32, #tpu.memory_space<vmem>>
      %dma_wait3A_901 = arith.constant 0 : i32
      %dma_wait3A_902 = arith.constant 0 : i32
      %dma_wait3A_903 = tpu.memref_slice %arg3[%dma_wait3A_901, %dma_wait3A_902] : memref<1000000x32xf32, #tpu.memory_space<hbm>> -> memref<1000000x32xf32, #tpu.memory_space<hbm>>
      tpu.wait_indirect_dma semaphore(%arg11 : memref<!tpu.dma_semaphore, #tpu.memory_space<semaphore_mem>>) src(%dma_wait3A_903 : memref<1000000x32xf32, #tpu.memory_space<hbm>>) dst(%arg9 : memref<800x32xf32, #tpu.memory_space<vmem>>)
      %dma_wait3A_904 = arith.constant 0 : i32
      %dma_wait3A_905 = tpu.memref_slice %arg7[%scan3A_192, %dma_wait3A_904] : memref<20x800xi32, #tpu.memory_space<vmem>> -> memref<1x800xi32, #tpu.memory_space<vmem>>
      %dma_wait3A_906 = tpu.memref_squeeze %dma_wait3A_905 : memref<1x800xi32, #tpu.memory_space<vmem>> -> memref<800xi32, #tpu.memory_space<vmem>>
      %dma_wait3A_907 = arith.constant 0 : i32
      %dma_wait3A_908 = arith.constant 0 : i32
      %dma_wait3A_909 = tpu.memref_slice %arg3[%dma_wait3A_907, %dma_wait3A_908] : memref<1000000x32xf32, #tpu.memory_space<hbm>> -> memref<1000000x32xf32, #tpu.memory_space<hbm>>
      tpu.wait_indirect_dma semaphore(%arg11 : memref<!tpu.dma_semaphore, #tpu.memory_space<semaphore_mem>>) src(%dma_wait3A_909 : memref<1000000x32xf32, #tpu.memory_space<hbm>>) dst(%arg9 : memref<800x32xf32, #tpu.memory_space<vmem>>)
      %dma_wait3A_910 = arith.constant 0 : i32
      %dma_wait3A_911 = tpu.memref_slice %arg7[%scan3A_193, %dma_wait3A_910] : memref<20x800xi32, #tpu.memory_space<vmem>> -> memref<1x800xi32, #tpu.memory_space<vmem>>
      %dma_wait3A_912 = tpu.memref_squeeze %dma_wait3A_911 : memref<1x800xi32, #tpu.memory_space<vmem>> -> memref<800xi32, #tpu.memory_space<vmem>>
      %dma_wait3A_913 = arith.constant 0 : i32
      %dma_wait3A_914 = arith.constant 0 : i32
      %dma_wait3A_915 = tpu.memref_slice %arg3[%dma_wait3A_913, %dma_wait3A_914] : memref<1000000x32xf32, #tpu.memory_space<hbm>> -> memref<1000000x32xf32, #tpu.memory_space<hbm>>
      tpu.wait_indirect_dma semaphore(%arg11 : memref<!tpu.dma_semaphore, #tpu.memory_space<semaphore_mem>>) src(%dma_wait3A_915 : memref<1000000x32xf32, #tpu.memory_space<hbm>>) dst(%arg9 : memref<800x32xf32, #tpu.memory_space<vmem>>)
      %dma_wait3A_916 = arith.constant 0 : i32
      %dma_wait3A_917 = tpu.memref_slice %arg7[%scan3A_194, %dma_wait3A_916] : memref<20x800xi32, #tpu.memory_space<vmem>> -> memref<1x800xi32, #tpu.memory_space<vmem>>
      %dma_wait3A_918 = tpu.memref_squeeze %dma_wait3A_917 : memref<1x800xi32, #tpu.memory_space<vmem>> -> memref<800xi32, #tpu.memory_space<vmem>>
      %dma_wait3A_919 = arith.constant 0 : i32
      %dma_wait3A_920 = arith.constant 0 : i32
      %dma_wait3A_921 = tpu.memref_slice %arg3[%dma_wait3A_919, %dma_wait3A_920] : memref<1000000x32xf32, #tpu.memory_space<hbm>> -> memref<1000000x32xf32, #tpu.memory_space<hbm>>
      tpu.wait_indirect_dma semaphore(%arg11 : memref<!tpu.dma_semaphore, #tpu.memory_space<semaphore_mem>>) src(%dma_wait3A_921 : memref<1000000x32xf32, #tpu.memory_space<hbm>>) dst(%arg9 : memref<800x32xf32, #tpu.memory_space<vmem>>)
      %dma_wait3A_922 = arith.constant 0 : i32
      %dma_wait3A_923 = tpu.memref_slice %arg7[%scan3A_195, %dma_wait3A_922] : memref<20x800xi32, #tpu.memory_space<vmem>> -> memref<1x800xi32, #tpu.memory_space<vmem>>
      %dma_wait3A_924 = tpu.memref_squeeze %dma_wait3A_923 : memref<1x800xi32, #tpu.memory_space<vmem>> -> memref<800xi32, #tpu.memory_space<vmem>>
      %dma_wait3A_925 = arith.constant 0 : i32
      %dma_wait3A_926 = arith.constant 0 : i32
      %dma_wait3A_927 = tpu.memref_slice %arg3[%dma_wait3A_925, %dma_wait3A_926] : memref<1000000x32xf32, #tpu.memory_space<hbm>> -> memref<1000000x32xf32, #tpu.memory_space<hbm>>
      tpu.wait_indirect_dma semaphore(%arg11 : memref<!tpu.dma_semaphore, #tpu.memory_space<semaphore_mem>>) src(%dma_wait3A_927 : memref<1000000x32xf32, #tpu.memory_space<hbm>>) dst(%arg9 : memref<800x32xf32, #tpu.memory_space<vmem>>)
      %dma_wait3A_928 = arith.constant 0 : i32
      %dma_wait3A_929 = tpu.memref_slice %arg7[%scan3A_196, %dma_wait3A_928] : memref<20x800xi32, #tpu.memory_space<vmem>> -> memref<1x800xi32, #tpu.memory_space<vmem>>
      %dma_wait3A_930 = tpu.memref_squeeze %dma_wait3A_929 : memref<1x800xi32, #tpu.memory_space<vmem>> -> memref<800xi32, #tpu.memory_space<vmem>>
      %dma_wait3A_931 = arith.constant 0 : i32
      %dma_wait3A_932 = arith.constant 0 : i32
      %dma_wait3A_933 = tpu.memref_slice %arg3[%dma_wait3A_931, %dma_wait3A_932] : memref<1000000x32xf32, #tpu.memory_space<hbm>> -> memref<1000000x32xf32, #tpu.memory_space<hbm>>
      tpu.wait_indirect_dma semaphore(%arg11 : memref<!tpu.dma_semaphore, #tpu.memory_space<semaphore_mem>>) src(%dma_wait3A_933 : memref<1000000x32xf32, #tpu.memory_space<hbm>>) dst(%arg9 : memref<800x32xf32, #tpu.memory_space<vmem>>)
      %dma_wait3A_934 = arith.constant 0 : i32
      %dma_wait3A_935 = tpu.memref_slice %arg7[%scan3A_197, %dma_wait3A_934] : memref<20x800xi32, #tpu.memory_space<vmem>> -> memref<1x800xi32, #tpu.memory_space<vmem>>
      %dma_wait3A_936 = tpu.memref_squeeze %dma_wait3A_935 : memref<1x800xi32, #tpu.memory_space<vmem>> -> memref<800xi32, #tpu.memory_space<vmem>>
      %dma_wait3A_937 = arith.constant 0 : i32
      %dma_wait3A_938 = arith.constant 0 : i32
      %dma_wait3A_939 = tpu.memref_slice %arg3[%dma_wait3A_937, %dma_wait3A_938] : memref<1000000x32xf32, #tpu.memory_space<hbm>> -> memref<1000000x32xf32, #tpu.memory_space<hbm>>
      tpu.wait_indirect_dma semaphore(%arg11 : memref<!tpu.dma_semaphore, #tpu.memory_space<semaphore_mem>>) src(%dma_wait3A_939 : memref<1000000x32xf32, #tpu.memory_space<hbm>>) dst(%arg9 : memref<800x32xf32, #tpu.memory_space<vmem>>)
      %dma_wait3A_940 = arith.constant 0 : i32
      %dma_wait3A_941 = tpu.memref_slice %arg7[%scan3A_198, %dma_wait3A_940] : memref<20x800xi32, #tpu.memory_space<vmem>> -> memref<1x800xi32, #tpu.memory_space<vmem>>
      %dma_wait3A_942 = tpu.memref_squeeze %dma_wait3A_941 : memref<1x800xi32, #tpu.memory_space<vmem>> -> memref<800xi32, #tpu.memory_space<vmem>>
      %dma_wait3A_943 = arith.constant 0 : i32
      %dma_wait3A_944 = arith.constant 0 : i32
      %dma_wait3A_945 = tpu.memref_slice %arg3[%dma_wait3A_943, %dma_wait3A_944] : memref<1000000x32xf32, #tpu.memory_space<hbm>> -> memref<1000000x32xf32, #tpu.memory_space<hbm>>
      tpu.wait_indirect_dma semaphore(%arg11 : memref<!tpu.dma_semaphore, #tpu.memory_space<semaphore_mem>>) src(%dma_wait3A_945 : memref<1000000x32xf32, #tpu.memory_space<hbm>>) dst(%arg9 : memref<800x32xf32, #tpu.memory_space<vmem>>)
      %dma_wait3A_946 = arith.constant 0 : i32
      %dma_wait3A_947 = tpu.memref_slice %arg7[%scan3A_199, %dma_wait3A_946] : memref<20x800xi32, #tpu.memory_space<vmem>> -> memref<1x800xi32, #tpu.memory_space<vmem>>
      %dma_wait3A_948 = tpu.memref_squeeze %dma_wait3A_947 : memref<1x800xi32, #tpu.memory_space<vmem>> -> memref<800xi32, #tpu.memory_space<vmem>>
      %dma_wait3A_949 = arith.constant 0 : i32
      %dma_wait3A_950 = arith.constant 0 : i32
      %dma_wait3A_951 = tpu.memref_slice %arg3[%dma_wait3A_949, %dma_wait3A_950] : memref<1000000x32xf32, #tpu.memory_space<hbm>> -> memref<1000000x32xf32, #tpu.memory_space<hbm>>
      tpu.wait_indirect_dma semaphore(%arg11 : memref<!tpu.dma_semaphore, #tpu.memory_space<semaphore_mem>>) src(%dma_wait3A_951 : memref<1000000x32xf32, #tpu.memory_space<hbm>>) dst(%arg9 : memref<800x32xf32, #tpu.memory_space<vmem>>)
      %dma_wait3A_952 = arith.constant 0 : i32
      %dma_wait3A_953 = tpu.memref_slice %arg7[%scan3A_200, %dma_wait3A_952] : memref<20x800xi32, #tpu.memory_space<vmem>> -> memref<1x800xi32, #tpu.memory_space<vmem>>
      %dma_wait3A_954 = tpu.memref_squeeze %dma_wait3A_953 : memref<1x800xi32, #tpu.memory_space<vmem>> -> memref<800xi32, #tpu.memory_space<vmem>>
      %dma_wait3A_955 = arith.constant 0 : i32
      %dma_wait3A_956 = arith.constant 0 : i32
      %dma_wait3A_957 = tpu.memref_slice %arg3[%dma_wait3A_955, %dma_wait3A_956] : memref<1000000x32xf32, #tpu.memory_space<hbm>> -> memref<1000000x32xf32, #tpu.memory_space<hbm>>
      tpu.wait_indirect_dma semaphore(%arg11 : memref<!tpu.dma_semaphore, #tpu.memory_space<semaphore_mem>>) src(%dma_wait3A_957 : memref<1000000x32xf32, #tpu.memory_space<hbm>>) dst(%arg9 : memref<800x32xf32, #tpu.memory_space<vmem>>)
      %dma_wait3A_958 = arith.constant 0 : i32
      %dma_wait3A_959 = tpu.memref_slice %arg7[%scan3A_201, %dma_wait3A_958] : memref<20x800xi32, #tpu.memory_space<vmem>> -> memref<1x800xi32, #tpu.memory_space<vmem>>
      %dma_wait3A_960 = tpu.memref_squeeze %dma_wait3A_959 : memref<1x800xi32, #tpu.memory_space<vmem>> -> memref<800xi32, #tpu.memory_space<vmem>>
      %dma_wait3A_961 = arith.constant 0 : i32
      %dma_wait3A_962 = arith.constant 0 : i32
      %dma_wait3A_963 = tpu.memref_slice %arg3[%dma_wait3A_961, %dma_wait3A_962] : memref<1000000x32xf32, #tpu.memory_space<hbm>> -> memref<1000000x32xf32, #tpu.memory_space<hbm>>
      tpu.wait_indirect_dma semaphore(%arg11 : memref<!tpu.dma_semaphore, #tpu.memory_space<semaphore_mem>>) src(%dma_wait3A_963 : memref<1000000x32xf32, #tpu.memory_space<hbm>>) dst(%arg9 : memref<800x32xf32, #tpu.memory_space<vmem>>)
      %dma_wait3A_964 = arith.constant 0 : i32
      %dma_wait3A_965 = tpu.memref_slice %arg7[%scan3A_202, %dma_wait3A_964] : memref<20x800xi32, #tpu.memory_space<vmem>> -> memref<1x800xi32, #tpu.memory_space<vmem>>
      %dma_wait3A_966 = tpu.memref_squeeze %dma_wait3A_965 : memref<1x800xi32, #tpu.memory_space<vmem>> -> memref<800xi32, #tpu.memory_space<vmem>>
      %dma_wait3A_967 = arith.constant 0 : i32
      %dma_wait3A_968 = arith.constant 0 : i32
      %dma_wait3A_969 = tpu.memref_slice %arg3[%dma_wait3A_967, %dma_wait3A_968] : memref<1000000x32xf32, #tpu.memory_space<hbm>> -> memref<1000000x32xf32, #tpu.memory_space<hbm>>
      tpu.wait_indirect_dma semaphore(%arg11 : memref<!tpu.dma_semaphore, #tpu.memory_space<semaphore_mem>>) src(%dma_wait3A_969 : memref<1000000x32xf32, #tpu.memory_space<hbm>>) dst(%arg9 : memref<800x32xf32, #tpu.memory_space<vmem>>)
      %dma_wait3A_970 = arith.constant 0 : i32
      %dma_wait3A_971 = tpu.memref_slice %arg7[%scan3A_203, %dma_wait3A_970] : memref<20x800xi32, #tpu.memory_space<vmem>> -> memref<1x800xi32, #tpu.memory_space<vmem>>
      %dma_wait3A_972 = tpu.memref_squeeze %dma_wait3A_971 : memref<1x800xi32, #tpu.memory_space<vmem>> -> memref<800xi32, #tpu.memory_space<vmem>>
      %dma_wait3A_973 = arith.constant 0 : i32
      %dma_wait3A_974 = arith.constant 0 : i32
      %dma_wait3A_975 = tpu.memref_slice %arg3[%dma_wait3A_973, %dma_wait3A_974] : memref<1000000x32xf32, #tpu.memory_space<hbm>> -> memref<1000000x32xf32, #tpu.memory_space<hbm>>
      tpu.wait_indirect_dma semaphore(%arg11 : memref<!tpu.dma_semaphore, #tpu.memory_space<semaphore_mem>>) src(%dma_wait3A_975 : memref<1000000x32xf32, #tpu.memory_space<hbm>>) dst(%arg9 : memref<800x32xf32, #tpu.memory_space<vmem>>)
      %mul3A_976 = arith.constant 8 : i32
      %mul3A_977 = arith.muli %add3A, %mul3A_976 : i32
      %add3A_978 = arith.addi %mul3A_977, %mul3A_691 : i32
      %mul3A_979 = arith.constant 16 : i32
      %mul3A_980 = arith.muli %add3A_978, %mul3A_979 : i32
      %add3A_981 = arith.constant 0 : i32
      %add3A_982 = arith.addi %mul3A_980, %add3A_981 : i32
      %dma_start3A_983 = arith.constant 0 : i32
      %dma_start3A_984 = arith.constant 0 : i32
      %dma_start3A_985 = tpu.memref_slice %arg9[%dma_start3A_983, %dma_start3A_984] : memref<800x32xf32, #tpu.memory_space<vmem>> -> memref<50x32xf32, #tpu.memory_space<vmem>>
      %dma_start3A_986 = arith.constant 0 : i32
      %dma_start3A_987 = arith.constant 0 : i32
      %dma_start3A_988 = tpu.memref_slice %arg4[%add3A_982, %dma_start3A_986, %dma_start3A_987] : memref<4096x50x32xf32, #tpu.memory_space<hbm>> -> memref<1x50x32xf32, #tpu.memory_space<hbm>>
      %dma_start3A_989 = tpu.memref_squeeze %dma_start3A_988 : memref<1x50x32xf32, #tpu.memory_space<hbm>> -> memref<50x32xf32, #tpu.memory_space<hbm>>
      %dma_start3A_990 = arith.constant 0 : i32
      %dma_start3A_991 = arith.constant 0 : i32
      %dma_start3A_992 = tpu.memref_slice %arg4[%add3A_982, %dma_start3A_990, %dma_start3A_991] : memref<4096x50x32xf32, #tpu.memory_space<hbm>> -> memref<1x50x32xf32, #tpu.memory_space<hbm>>
      %dma_start3A_993 = tpu.memref_squeeze %dma_start3A_992 : memref<1x50x32xf32, #tpu.memory_space<hbm>> -> memref<50x32xf32, #tpu.memory_space<hbm>>
      %dma_start3A_994 = arith.constant 0 : i32
      %dma_start3A_995 = arith.constant 0 : i32
      %dma_start3A_996 = tpu.memref_slice %arg9[%dma_start3A_994, %dma_start3A_995] : memref<800x32xf32, #tpu.memory_space<vmem>> -> memref<50x32xf32, #tpu.memory_space<vmem>>
      tpu.enqueue_dma source(%dma_start3A_996 : memref<50x32xf32, #tpu.memory_space<vmem>>) target(%dma_start3A_993 : memref<50x32xf32, #tpu.memory_space<hbm>>) target_semaphore(%arg15 : memref<!tpu.dma_semaphore, #tpu.memory_space<semaphore_mem>>)
      %add3A_997 = arith.constant 1 : i32
      %add3A_998 = arith.addi %mul3A_980, %add3A_997 : i32
      %dma_start3A_999 = arith.constant 50 : i32
      %dma_start3A_1000 = arith.constant 0 : i32
      %dma_start3A_1001 = tpu.memref_slice %arg9[%dma_start3A_999, %dma_start3A_1000] : memref<800x32xf32, #tpu.memory_space<vmem>> -> memref<50x32xf32, #tpu.memory_space<vmem>>
      %dma_start3A_1002 = arith.constant 0 : i32
      %dma_start3A_1003 = arith.constant 0 : i32
      %dma_start3A_1004 = tpu.memref_slice %arg4[%add3A_998, %dma_start3A_1002, %dma_start3A_1003] : memref<4096x50x32xf32, #tpu.memory_space<hbm>> -> memref<1x50x32xf32, #tpu.memory_space<hbm>>
      %dma_start3A_1005 = tpu.memref_squeeze %dma_start3A_1004 : memref<1x50x32xf32, #tpu.memory_space<hbm>> -> memref<50x32xf32, #tpu.memory_space<hbm>>
      %dma_start3A_1006 = arith.constant 0 : i32
      %dma_start3A_1007 = arith.constant 0 : i32
      %dma_start3A_1008 = tpu.memref_slice %arg4[%add3A_998, %dma_start3A_1006, %dma_start3A_1007] : memref<4096x50x32xf32, #tpu.memory_space<hbm>> -> memref<1x50x32xf32, #tpu.memory_space<hbm>>
      %dma_start3A_1009 = tpu.memref_squeeze %dma_start3A_1008 : memref<1x50x32xf32, #tpu.memory_space<hbm>> -> memref<50x32xf32, #tpu.memory_space<hbm>>
      %dma_start3A_1010 = arith.constant 50 : i32
      %dma_start3A_1011 = arith.constant 0 : i32
      %dma_start3A_1012 = tpu.memref_slice %arg9[%dma_start3A_1010, %dma_start3A_1011] : memref<800x32xf32, #tpu.memory_space<vmem>> -> memref<50x32xf32, #tpu.memory_space<vmem>>
      tpu.enqueue_dma source(%dma_start3A_1012 : memref<50x32xf32, #tpu.memory_space<vmem>>) target(%dma_start3A_1009 : memref<50x32xf32, #tpu.memory_space<hbm>>) target_semaphore(%arg15 : memref<!tpu.dma_semaphore, #tpu.memory_space<semaphore_mem>>)
      %add3A_1013 = arith.constant 2 : i32
      %add3A_1014 = arith.addi %mul3A_980, %add3A_1013 : i32
      %dma_start3A_1015 = arith.constant 100 : i32
      %dma_start3A_1016 = arith.constant 0 : i32
      %dma_start3A_1017 = tpu.memref_slice %arg9[%dma_start3A_1015, %dma_start3A_1016] : memref<800x32xf32, #tpu.memory_space<vmem>> -> memref<50x32xf32, #tpu.memory_space<vmem>>
      %dma_start3A_1018 = arith.constant 0 : i32
      %dma_start3A_1019 = arith.constant 0 : i32
      %dma_start3A_1020 = tpu.memref_slice %arg4[%add3A_1014, %dma_start3A_1018, %dma_start3A_1019] : memref<4096x50x32xf32, #tpu.memory_space<hbm>> -> memref<1x50x32xf32, #tpu.memory_space<hbm>>
      %dma_start3A_1021 = tpu.memref_squeeze %dma_start3A_1020 : memref<1x50x32xf32, #tpu.memory_space<hbm>> -> memref<50x32xf32, #tpu.memory_space<hbm>>
      %dma_start3A_1022 = arith.constant 0 : i32
      %dma_start3A_1023 = arith.constant 0 : i32
      %dma_start3A_1024 = tpu.memref_slice %arg4[%add3A_1014, %dma_start3A_1022, %dma_start3A_1023] : memref<4096x50x32xf32, #tpu.memory_space<hbm>> -> memref<1x50x32xf32, #tpu.memory_space<hbm>>
      %dma_start3A_1025 = tpu.memref_squeeze %dma_start3A_1024 : memref<1x50x32xf32, #tpu.memory_space<hbm>> -> memref<50x32xf32, #tpu.memory_space<hbm>>
      %dma_start3A_1026 = arith.constant 100 : i32
      %dma_start3A_1027 = arith.constant 0 : i32
      %dma_start3A_1028 = tpu.memref_slice %arg9[%dma_start3A_1026, %dma_start3A_1027] : memref<800x32xf32, #tpu.memory_space<vmem>> -> memref<50x32xf32, #tpu.memory_space<vmem>>
      tpu.enqueue_dma source(%dma_start3A_1028 : memref<50x32xf32, #tpu.memory_space<vmem>>) target(%dma_start3A_1025 : memref<50x32xf32, #tpu.memory_space<hbm>>) target_semaphore(%arg15 : memref<!tpu.dma_semaphore, #tpu.memory_space<semaphore_mem>>)
      %add3A_1029 = arith.constant 3 : i32
      %add3A_1030 = arith.addi %mul3A_980, %add3A_1029 : i32
      %dma_start3A_1031 = arith.constant 150 : i32
      %dma_start3A_1032 = arith.constant 0 : i32
      %dma_start3A_1033 = tpu.memref_slice %arg9[%dma_start3A_1031, %dma_start3A_1032] : memref<800x32xf32, #tpu.memory_space<vmem>> -> memref<50x32xf32, #tpu.memory_space<vmem>>
      %dma_start3A_1034 = arith.constant 0 : i32
      %dma_start3A_1035 = arith.constant 0 : i32
      %dma_start3A_1036 = tpu.memref_slice %arg4[%add3A_1030, %dma_start3A_1034, %dma_start3A_1035] : memref<4096x50x32xf32, #tpu.memory_space<hbm>> -> memref<1x50x32xf32, #tpu.memory_space<hbm>>
      %dma_start3A_1037 = tpu.memref_squeeze %dma_start3A_1036 : memref<1x50x32xf32, #tpu.memory_space<hbm>> -> memref<50x32xf32, #tpu.memory_space<hbm>>
      %dma_start3A_1038 = arith.constant 0 : i32
      %dma_start3A_1039 = arith.constant 0 : i32
      %dma_start3A_1040 = tpu.memref_slice %arg4[%add3A_1030, %dma_start3A_1038, %dma_start3A_1039] : memref<4096x50x32xf32, #tpu.memory_space<hbm>> -> memref<1x50x32xf32, #tpu.memory_space<hbm>>
      %dma_start3A_1041 = tpu.memref_squeeze %dma_start3A_1040 : memref<1x50x32xf32, #tpu.memory_space<hbm>> -> memref<50x32xf32, #tpu.memory_space<hbm>>
      %dma_start3A_1042 = arith.constant 150 : i32
      %dma_start3A_1043 = arith.constant 0 : i32
      %dma_start3A_1044 = tpu.memref_slice %arg9[%dma_start3A_1042, %dma_start3A_1043] : memref<800x32xf32, #tpu.memory_space<vmem>> -> memref<50x32xf32, #tpu.memory_space<vmem>>
      tpu.enqueue_dma source(%dma_start3A_1044 : memref<50x32xf32, #tpu.memory_space<vmem>>) target(%dma_start3A_1041 : memref<50x32xf32, #tpu.memory_space<hbm>>) target_semaphore(%arg15 : memref<!tpu.dma_semaphore, #tpu.memory_space<semaphore_mem>>)
      %add3A_1045 = arith.constant 4 : i32
      %add3A_1046 = arith.addi %mul3A_980, %add3A_1045 : i32
      %dma_start3A_1047 = arith.constant 200 : i32
      %dma_start3A_1048 = arith.constant 0 : i32
      %dma_start3A_1049 = tpu.memref_slice %arg9[%dma_start3A_1047, %dma_start3A_1048] : memref<800x32xf32, #tpu.memory_space<vmem>> -> memref<50x32xf32, #tpu.memory_space<vmem>>
      %dma_start3A_1050 = arith.constant 0 : i32
      %dma_start3A_1051 = arith.constant 0 : i32
      %dma_start3A_1052 = tpu.memref_slice %arg4[%add3A_1046, %dma_start3A_1050, %dma_start3A_1051] : memref<4096x50x32xf32, #tpu.memory_space<hbm>> -> memref<1x50x32xf32, #tpu.memory_space<hbm>>
      %dma_start3A_1053 = tpu.memref_squeeze %dma_start3A_1052 : memref<1x50x32xf32, #tpu.memory_space<hbm>> -> memref<50x32xf32, #tpu.memory_space<hbm>>
      %dma_start3A_1054 = arith.constant 0 : i32
      %dma_start3A_1055 = arith.constant 0 : i32
      %dma_start3A_1056 = tpu.memref_slice %arg4[%add3A_1046, %dma_start3A_1054, %dma_start3A_1055] : memref<4096x50x32xf32, #tpu.memory_space<hbm>> -> memref<1x50x32xf32, #tpu.memory_space<hbm>>
      %dma_start3A_1057 = tpu.memref_squeeze %dma_start3A_1056 : memref<1x50x32xf32, #tpu.memory_space<hbm>> -> memref<50x32xf32, #tpu.memory_space<hbm>>
      %dma_start3A_1058 = arith.constant 200 : i32
      %dma_start3A_1059 = arith.constant 0 : i32
      %dma_start3A_1060 = tpu.memref_slice %arg9[%dma_start3A_1058, %dma_start3A_1059] : memref<800x32xf32, #tpu.memory_space<vmem>> -> memref<50x32xf32, #tpu.memory_space<vmem>>
      tpu.enqueue_dma source(%dma_start3A_1060 : memref<50x32xf32, #tpu.memory_space<vmem>>) target(%dma_start3A_1057 : memref<50x32xf32, #tpu.memory_space<hbm>>) target_semaphore(%arg15 : memref<!tpu.dma_semaphore, #tpu.memory_space<semaphore_mem>>)
      %add3A_1061 = arith.constant 5 : i32
      %add3A_1062 = arith.addi %mul3A_980, %add3A_1061 : i32
      %dma_start3A_1063 = arith.constant 250 : i32
      %dma_start3A_1064 = arith.constant 0 : i32
      %dma_start3A_1065 = tpu.memref_slice %arg9[%dma_start3A_1063, %dma_start3A_1064] : memref<800x32xf32, #tpu.memory_space<vmem>> -> memref<50x32xf32, #tpu.memory_space<vmem>>
      %dma_start3A_1066 = arith.constant 0 : i32
      %dma_start3A_1067 = arith.constant 0 : i32
      %dma_start3A_1068 = tpu.memref_slice %arg4[%add3A_1062, %dma_start3A_1066, %dma_start3A_1067] : memref<4096x50x32xf32, #tpu.memory_space<hbm>> -> memref<1x50x32xf32, #tpu.memory_space<hbm>>
      %dma_start3A_1069 = tpu.memref_squeeze %dma_start3A_1068 : memref<1x50x32xf32, #tpu.memory_space<hbm>> -> memref<50x32xf32, #tpu.memory_space<hbm>>
      %dma_start3A_1070 = arith.constant 0 : i32
      %dma_start3A_1071 = arith.constant 0 : i32
      %dma_start3A_1072 = tpu.memref_slice %arg4[%add3A_1062, %dma_start3A_1070, %dma_start3A_1071] : memref<4096x50x32xf32, #tpu.memory_space<hbm>> -> memref<1x50x32xf32, #tpu.memory_space<hbm>>
      %dma_start3A_1073 = tpu.memref_squeeze %dma_start3A_1072 : memref<1x50x32xf32, #tpu.memory_space<hbm>> -> memref<50x32xf32, #tpu.memory_space<hbm>>
      %dma_start3A_1074 = arith.constant 250 : i32
      %dma_start3A_1075 = arith.constant 0 : i32
      %dma_start3A_1076 = tpu.memref_slice %arg9[%dma_start3A_1074, %dma_start3A_1075] : memref<800x32xf32, #tpu.memory_space<vmem>> -> memref<50x32xf32, #tpu.memory_space<vmem>>
      tpu.enqueue_dma source(%dma_start3A_1076 : memref<50x32xf32, #tpu.memory_space<vmem>>) target(%dma_start3A_1073 : memref<50x32xf32, #tpu.memory_space<hbm>>) target_semaphore(%arg15 : memref<!tpu.dma_semaphore, #tpu.memory_space<semaphore_mem>>)
      %add3A_1077 = arith.constant 6 : i32
      %add3A_1078 = arith.addi %mul3A_980, %add3A_1077 : i32
      %dma_start3A_1079 = arith.constant 300 : i32
      %dma_start3A_1080 = arith.constant 0 : i32
      %dma_start3A_1081 = tpu.memref_slice %arg9[%dma_start3A_1079, %dma_start3A_1080] : memref<800x32xf32, #tpu.memory_space<vmem>> -> memref<50x32xf32, #tpu.memory_space<vmem>>
      %dma_start3A_1082 = arith.constant 0 : i32
      %dma_start3A_1083 = arith.constant 0 : i32
      %dma_start3A_1084 = tpu.memref_slice %arg4[%add3A_1078, %dma_start3A_1082, %dma_start3A_1083] : memref<4096x50x32xf32, #tpu.memory_space<hbm>> -> memref<1x50x32xf32, #tpu.memory_space<hbm>>
      %dma_start3A_1085 = tpu.memref_squeeze %dma_start3A_1084 : memref<1x50x32xf32, #tpu.memory_space<hbm>> -> memref<50x32xf32, #tpu.memory_space<hbm>>
      %dma_start3A_1086 = arith.constant 0 : i32
      %dma_start3A_1087 = arith.constant 0 : i32
      %dma_start3A_1088 = tpu.memref_slice %arg4[%add3A_1078, %dma_start3A_1086, %dma_start3A_1087] : memref<4096x50x32xf32, #tpu.memory_space<hbm>> -> memref<1x50x32xf32, #tpu.memory_space<hbm>>
      %dma_start3A_1089 = tpu.memref_squeeze %dma_start3A_1088 : memref<1x50x32xf32, #tpu.memory_space<hbm>> -> memref<50x32xf32, #tpu.memory_space<hbm>>
      %dma_start3A_1090 = arith.constant 300 : i32
      %dma_start3A_1091 = arith.constant 0 : i32
      %dma_start3A_1092 = tpu.memref_slice %arg9[%dma_start3A_1090, %dma_start3A_1091] : memref<800x32xf32, #tpu.memory_space<vmem>> -> memref<50x32xf32, #tpu.memory_space<vmem>>
      tpu.enqueue_dma source(%dma_start3A_1092 : memref<50x32xf32, #tpu.memory_space<vmem>>) target(%dma_start3A_1089 : memref<50x32xf32, #tpu.memory_space<hbm>>) target_semaphore(%arg15 : memref<!tpu.dma_semaphore, #tpu.memory_space<semaphore_mem>>)
      %add3A_1093 = arith.constant 7 : i32
      %add3A_1094 = arith.addi %mul3A_980, %add3A_1093 : i32
      %dma_start3A_1095 = arith.constant 350 : i32
      %dma_start3A_1096 = arith.constant 0 : i32
      %dma_start3A_1097 = tpu.memref_slice %arg9[%dma_start3A_1095, %dma_start3A_1096] : memref<800x32xf32, #tpu.memory_space<vmem>> -> memref<50x32xf32, #tpu.memory_space<vmem>>
      %dma_start3A_1098 = arith.constant 0 : i32
      %dma_start3A_1099 = arith.constant 0 : i32
      %dma_start3A_1100 = tpu.memref_slice %arg4[%add3A_1094, %dma_start3A_1098, %dma_start3A_1099] : memref<4096x50x32xf32, #tpu.memory_space<hbm>> -> memref<1x50x32xf32, #tpu.memory_space<hbm>>
      %dma_start3A_1101 = tpu.memref_squeeze %dma_start3A_1100 : memref<1x50x32xf32, #tpu.memory_space<hbm>> -> memref<50x32xf32, #tpu.memory_space<hbm>>
      %dma_start3A_1102 = arith.constant 0 : i32
      %dma_start3A_1103 = arith.constant 0 : i32
      %dma_start3A_1104 = tpu.memref_slice %arg4[%add3A_1094, %dma_start3A_1102, %dma_start3A_1103] : memref<4096x50x32xf32, #tpu.memory_space<hbm>> -> memref<1x50x32xf32, #tpu.memory_space<hbm>>
      %dma_start3A_1105 = tpu.memref_squeeze %dma_start3A_1104 : memref<1x50x32xf32, #tpu.memory_space<hbm>> -> memref<50x32xf32, #tpu.memory_space<hbm>>
      %dma_start3A_1106 = arith.constant 350 : i32
      %dma_start3A_1107 = arith.constant 0 : i32
      %dma_start3A_1108 = tpu.memref_slice %arg9[%dma_start3A_1106, %dma_start3A_1107] : memref<800x32xf32, #tpu.memory_space<vmem>> -> memref<50x32xf32, #tpu.memory_space<vmem>>
      tpu.enqueue_dma source(%dma_start3A_1108 : memref<50x32xf32, #tpu.memory_space<vmem>>) target(%dma_start3A_1105 : memref<50x32xf32, #tpu.memory_space<hbm>>) target_semaphore(%arg15 : memref<!tpu.dma_semaphore, #tpu.memory_space<semaphore_mem>>)
      %add3A_1109 = arith.constant 8 : i32
      %add3A_1110 = arith.addi %mul3A_980, %add3A_1109 : i32
      %dma_start3A_1111 = arith.constant 400 : i32
      %dma_start3A_1112 = arith.constant 0 : i32
      %dma_start3A_1113 = tpu.memref_slice %arg9[%dma_start3A_1111, %dma_start3A_1112] : memref<800x32xf32, #tpu.memory_space<vmem>> -> memref<50x32xf32, #tpu.memory_space<vmem>>
      %dma_start3A_1114 = arith.constant 0 : i32
      %dma_start3A_1115 = arith.constant 0 : i32
      %dma_start3A_1116 = tpu.memref_slice %arg4[%add3A_1110, %dma_start3A_1114, %dma_start3A_1115] : memref<4096x50x32xf32, #tpu.memory_space<hbm>> -> memref<1x50x32xf32, #tpu.memory_space<hbm>>
      %dma_start3A_1117 = tpu.memref_squeeze %dma_start3A_1116 : memref<1x50x32xf32, #tpu.memory_space<hbm>> -> memref<50x32xf32, #tpu.memory_space<hbm>>
      %dma_start3A_1118 = arith.constant 0 : i32
      %dma_start3A_1119 = arith.constant 0 : i32
      %dma_start3A_1120 = tpu.memref_slice %arg4[%add3A_1110, %dma_start3A_1118, %dma_start3A_1119] : memref<4096x50x32xf32, #tpu.memory_space<hbm>> -> memref<1x50x32xf32, #tpu.memory_space<hbm>>
      %dma_start3A_1121 = tpu.memref_squeeze %dma_start3A_1120 : memref<1x50x32xf32, #tpu.memory_space<hbm>> -> memref<50x32xf32, #tpu.memory_space<hbm>>
      %dma_start3A_1122 = arith.constant 400 : i32
      %dma_start3A_1123 = arith.constant 0 : i32
      %dma_start3A_1124 = tpu.memref_slice %arg9[%dma_start3A_1122, %dma_start3A_1123] : memref<800x32xf32, #tpu.memory_space<vmem>> -> memref<50x32xf32, #tpu.memory_space<vmem>>
      tpu.enqueue_dma source(%dma_start3A_1124 : memref<50x32xf32, #tpu.memory_space<vmem>>) target(%dma_start3A_1121 : memref<50x32xf32, #tpu.memory_space<hbm>>) target_semaphore(%arg15 : memref<!tpu.dma_semaphore, #tpu.memory_space<semaphore_mem>>)
      %add3A_1125 = arith.constant 9 : i32
      %add3A_1126 = arith.addi %mul3A_980, %add3A_1125 : i32
      %dma_start3A_1127 = arith.constant 450 : i32
      %dma_start3A_1128 = arith.constant 0 : i32
      %dma_start3A_1129 = tpu.memref_slice %arg9[%dma_start3A_1127, %dma_start3A_1128] : memref<800x32xf32, #tpu.memory_space<vmem>> -> memref<50x32xf32, #tpu.memory_space<vmem>>
      %dma_start3A_1130 = arith.constant 0 : i32
      %dma_start3A_1131 = arith.constant 0 : i32
      %dma_start3A_1132 = tpu.memref_slice %arg4[%add3A_1126, %dma_start3A_1130, %dma_start3A_1131] : memref<4096x50x32xf32, #tpu.memory_space<hbm>> -> memref<1x50x32xf32, #tpu.memory_space<hbm>>
      %dma_start3A_1133 = tpu.memref_squeeze %dma_start3A_1132 : memref<1x50x32xf32, #tpu.memory_space<hbm>> -> memref<50x32xf32, #tpu.memory_space<hbm>>
      %dma_start3A_1134 = arith.constant 0 : i32
      %dma_start3A_1135 = arith.constant 0 : i32
      %dma_start3A_1136 = tpu.memref_slice %arg4[%add3A_1126, %dma_start3A_1134, %dma_start3A_1135] : memref<4096x50x32xf32, #tpu.memory_space<hbm>> -> memref<1x50x32xf32, #tpu.memory_space<hbm>>
      %dma_start3A_1137 = tpu.memref_squeeze %dma_start3A_1136 : memref<1x50x32xf32, #tpu.memory_space<hbm>> -> memref<50x32xf32, #tpu.memory_space<hbm>>
      %dma_start3A_1138 = arith.constant 450 : i32
      %dma_start3A_1139 = arith.constant 0 : i32
      %dma_start3A_1140 = tpu.memref_slice %arg9[%dma_start3A_1138, %dma_start3A_1139] : memref<800x32xf32, #tpu.memory_space<vmem>> -> memref<50x32xf32, #tpu.memory_space<vmem>>
      tpu.enqueue_dma source(%dma_start3A_1140 : memref<50x32xf32, #tpu.memory_space<vmem>>) target(%dma_start3A_1137 : memref<50x32xf32, #tpu.memory_space<hbm>>) target_semaphore(%arg15 : memref<!tpu.dma_semaphore, #tpu.memory_space<semaphore_mem>>)
      %add3A_1141 = arith.constant 10 : i32
      %add3A_1142 = arith.addi %mul3A_980, %add3A_1141 : i32
      %dma_start3A_1143 = arith.constant 500 : i32
      %dma_start3A_1144 = arith.constant 0 : i32
      %dma_start3A_1145 = tpu.memref_slice %arg9[%dma_start3A_1143, %dma_start3A_1144] : memref<800x32xf32, #tpu.memory_space<vmem>> -> memref<50x32xf32, #tpu.memory_space<vmem>>
      %dma_start3A_1146 = arith.constant 0 : i32
      %dma_start3A_1147 = arith.constant 0 : i32
      %dma_start3A_1148 = tpu.memref_slice %arg4[%add3A_1142, %dma_start3A_1146, %dma_start3A_1147] : memref<4096x50x32xf32, #tpu.memory_space<hbm>> -> memref<1x50x32xf32, #tpu.memory_space<hbm>>
      %dma_start3A_1149 = tpu.memref_squeeze %dma_start3A_1148 : memref<1x50x32xf32, #tpu.memory_space<hbm>> -> memref<50x32xf32, #tpu.memory_space<hbm>>
      %dma_start3A_1150 = arith.constant 0 : i32
      %dma_start3A_1151 = arith.constant 0 : i32
      %dma_start3A_1152 = tpu.memref_slice %arg4[%add3A_1142, %dma_start3A_1150, %dma_start3A_1151] : memref<4096x50x32xf32, #tpu.memory_space<hbm>> -> memref<1x50x32xf32, #tpu.memory_space<hbm>>
      %dma_start3A_1153 = tpu.memref_squeeze %dma_start3A_1152 : memref<1x50x32xf32, #tpu.memory_space<hbm>> -> memref<50x32xf32, #tpu.memory_space<hbm>>
      %dma_start3A_1154 = arith.constant 500 : i32
      %dma_start3A_1155 = arith.constant 0 : i32
      %dma_start3A_1156 = tpu.memref_slice %arg9[%dma_start3A_1154, %dma_start3A_1155] : memref<800x32xf32, #tpu.memory_space<vmem>> -> memref<50x32xf32, #tpu.memory_space<vmem>>
      tpu.enqueue_dma source(%dma_start3A_1156 : memref<50x32xf32, #tpu.memory_space<vmem>>) target(%dma_start3A_1153 : memref<50x32xf32, #tpu.memory_space<hbm>>) target_semaphore(%arg15 : memref<!tpu.dma_semaphore, #tpu.memory_space<semaphore_mem>>)
      %add3A_1157 = arith.constant 11 : i32
      %add3A_1158 = arith.addi %mul3A_980, %add3A_1157 : i32
      %dma_start3A_1159 = arith.constant 550 : i32
      %dma_start3A_1160 = arith.constant 0 : i32
      %dma_start3A_1161 = tpu.memref_slice %arg9[%dma_start3A_1159, %dma_start3A_1160] : memref<800x32xf32, #tpu.memory_space<vmem>> -> memref<50x32xf32, #tpu.memory_space<vmem>>
      %dma_start3A_1162 = arith.constant 0 : i32
      %dma_start3A_1163 = arith.constant 0 : i32
      %dma_start3A_1164 = tpu.memref_slice %arg4[%add3A_1158, %dma_start3A_1162, %dma_start3A_1163] : memref<4096x50x32xf32, #tpu.memory_space<hbm>> -> memref<1x50x32xf32, #tpu.memory_space<hbm>>
      %dma_start3A_1165 = tpu.memref_squeeze %dma_start3A_1164 : memref<1x50x32xf32, #tpu.memory_space<hbm>> -> memref<50x32xf32, #tpu.memory_space<hbm>>
      %dma_start3A_1166 = arith.constant 0 : i32
      %dma_start3A_1167 = arith.constant 0 : i32
      %dma_start3A_1168 = tpu.memref_slice %arg4[%add3A_1158, %dma_start3A_1166, %dma_start3A_1167] : memref<4096x50x32xf32, #tpu.memory_space<hbm>> -> memref<1x50x32xf32, #tpu.memory_space<hbm>>
      %dma_start3A_1169 = tpu.memref_squeeze %dma_start3A_1168 : memref<1x50x32xf32, #tpu.memory_space<hbm>> -> memref<50x32xf32, #tpu.memory_space<hbm>>
      %dma_start3A_1170 = arith.constant 550 : i32
      %dma_start3A_1171 = arith.constant 0 : i32
      %dma_start3A_1172 = tpu.memref_slice %arg9[%dma_start3A_1170, %dma_start3A_1171] : memref<800x32xf32, #tpu.memory_space<vmem>> -> memref<50x32xf32, #tpu.memory_space<vmem>>
      tpu.enqueue_dma source(%dma_start3A_1172 : memref<50x32xf32, #tpu.memory_space<vmem>>) target(%dma_start3A_1169 : memref<50x32xf32, #tpu.memory_space<hbm>>) target_semaphore(%arg15 : memref<!tpu.dma_semaphore, #tpu.memory_space<semaphore_mem>>)
      %add3A_1173 = arith.constant 12 : i32
      %add3A_1174 = arith.addi %mul3A_980, %add3A_1173 : i32
      %dma_start3A_1175 = arith.constant 600 : i32
      %dma_start3A_1176 = arith.constant 0 : i32
      %dma_start3A_1177 = tpu.memref_slice %arg9[%dma_start3A_1175, %dma_start3A_1176] : memref<800x32xf32, #tpu.memory_space<vmem>> -> memref<50x32xf32, #tpu.memory_space<vmem>>
      %dma_start3A_1178 = arith.constant 0 : i32
      %dma_start3A_1179 = arith.constant 0 : i32
      %dma_start3A_1180 = tpu.memref_slice %arg4[%add3A_1174, %dma_start3A_1178, %dma_start3A_1179] : memref<4096x50x32xf32, #tpu.memory_space<hbm>> -> memref<1x50x32xf32, #tpu.memory_space<hbm>>
      %dma_start3A_1181 = tpu.memref_squeeze %dma_start3A_1180 : memref<1x50x32xf32, #tpu.memory_space<hbm>> -> memref<50x32xf32, #tpu.memory_space<hbm>>
      %dma_start3A_1182 = arith.constant 0 : i32
      %dma_start3A_1183 = arith.constant 0 : i32
      %dma_start3A_1184 = tpu.memref_slice %arg4[%add3A_1174, %dma_start3A_1182, %dma_start3A_1183] : memref<4096x50x32xf32, #tpu.memory_space<hbm>> -> memref<1x50x32xf32, #tpu.memory_space<hbm>>
      %dma_start3A_1185 = tpu.memref_squeeze %dma_start3A_1184 : memref<1x50x32xf32, #tpu.memory_space<hbm>> -> memref<50x32xf32, #tpu.memory_space<hbm>>
      %dma_start3A_1186 = arith.constant 600 : i32
      %dma_start3A_1187 = arith.constant 0 : i32
      %dma_start3A_1188 = tpu.memref_slice %arg9[%dma_start3A_1186, %dma_start3A_1187] : memref<800x32xf32, #tpu.memory_space<vmem>> -> memref<50x32xf32, #tpu.memory_space<vmem>>
      tpu.enqueue_dma source(%dma_start3A_1188 : memref<50x32xf32, #tpu.memory_space<vmem>>) target(%dma_start3A_1185 : memref<50x32xf32, #tpu.memory_space<hbm>>) target_semaphore(%arg15 : memref<!tpu.dma_semaphore, #tpu.memory_space<semaphore_mem>>)
      %add3A_1189 = arith.constant 13 : i32
      %add3A_1190 = arith.addi %mul3A_980, %add3A_1189 : i32
      %dma_start3A_1191 = arith.constant 650 : i32
      %dma_start3A_1192 = arith.constant 0 : i32
      %dma_start3A_1193 = tpu.memref_slice %arg9[%dma_start3A_1191, %dma_start3A_1192] : memref<800x32xf32, #tpu.memory_space<vmem>> -> memref<50x32xf32, #tpu.memory_space<vmem>>
      %dma_start3A_1194 = arith.constant 0 : i32
      %dma_start3A_1195 = arith.constant 0 : i32
      %dma_start3A_1196 = tpu.memref_slice %arg4[%add3A_1190, %dma_start3A_1194, %dma_start3A_1195] : memref<4096x50x32xf32, #tpu.memory_space<hbm>> -> memref<1x50x32xf32, #tpu.memory_space<hbm>>
      %dma_start3A_1197 = tpu.memref_squeeze %dma_start3A_1196 : memref<1x50x32xf32, #tpu.memory_space<hbm>> -> memref<50x32xf32, #tpu.memory_space<hbm>>
      %dma_start3A_1198 = arith.constant 0 : i32
      %dma_start3A_1199 = arith.constant 0 : i32
      %dma_start3A_1200 = tpu.memref_slice %arg4[%add3A_1190, %dma_start3A_1198, %dma_start3A_1199] : memref<4096x50x32xf32, #tpu.memory_space<hbm>> -> memref<1x50x32xf32, #tpu.memory_space<hbm>>
      %dma_start3A_1201 = tpu.memref_squeeze %dma_start3A_1200 : memref<1x50x32xf32, #tpu.memory_space<hbm>> -> memref<50x32xf32, #tpu.memory_space<hbm>>
      %dma_start3A_1202 = arith.constant 650 : i32
      %dma_start3A_1203 = arith.constant 0 : i32
      %dma_start3A_1204 = tpu.memref_slice %arg9[%dma_start3A_1202, %dma_start3A_1203] : memref<800x32xf32, #tpu.memory_space<vmem>> -> memref<50x32xf32, #tpu.memory_space<vmem>>
      tpu.enqueue_dma source(%dma_start3A_1204 : memref<50x32xf32, #tpu.memory_space<vmem>>) target(%dma_start3A_1201 : memref<50x32xf32, #tpu.memory_space<hbm>>) target_semaphore(%arg15 : memref<!tpu.dma_semaphore, #tpu.memory_space<semaphore_mem>>)
      %add3A_1205 = arith.constant 14 : i32
      %add3A_1206 = arith.addi %mul3A_980, %add3A_1205 : i32
      %dma_start3A_1207 = arith.constant 700 : i32
      %dma_start3A_1208 = arith.constant 0 : i32
      %dma_start3A_1209 = tpu.memref_slice %arg9[%dma_start3A_1207, %dma_start3A_1208] : memref<800x32xf32, #tpu.memory_space<vmem>> -> memref<50x32xf32, #tpu.memory_space<vmem>>
      %dma_start3A_1210 = arith.constant 0 : i32
      %dma_start3A_1211 = arith.constant 0 : i32
      %dma_start3A_1212 = tpu.memref_slice %arg4[%add3A_1206, %dma_start3A_1210, %dma_start3A_1211] : memref<4096x50x32xf32, #tpu.memory_space<hbm>> -> memref<1x50x32xf32, #tpu.memory_space<hbm>>
      %dma_start3A_1213 = tpu.memref_squeeze %dma_start3A_1212 : memref<1x50x32xf32, #tpu.memory_space<hbm>> -> memref<50x32xf32, #tpu.memory_space<hbm>>
      %dma_start3A_1214 = arith.constant 0 : i32
      %dma_start3A_1215 = arith.constant 0 : i32
      %dma_start3A_1216 = tpu.memref_slice %arg4[%add3A_1206, %dma_start3A_1214, %dma_start3A_1215] : memref<4096x50x32xf32, #tpu.memory_space<hbm>> -> memref<1x50x32xf32, #tpu.memory_space<hbm>>
      %dma_start3A_1217 = tpu.memref_squeeze %dma_start3A_1216 : memref<1x50x32xf32, #tpu.memory_space<hbm>> -> memref<50x32xf32, #tpu.memory_space<hbm>>
      %dma_start3A_1218 = arith.constant 700 : i32
      %dma_start3A_1219 = arith.constant 0 : i32
      %dma_start3A_1220 = tpu.memref_slice %arg9[%dma_start3A_1218, %dma_start3A_1219] : memref<800x32xf32, #tpu.memory_space<vmem>> -> memref<50x32xf32, #tpu.memory_space<vmem>>
      tpu.enqueue_dma source(%dma_start3A_1220 : memref<50x32xf32, #tpu.memory_space<vmem>>) target(%dma_start3A_1217 : memref<50x32xf32, #tpu.memory_space<hbm>>) target_semaphore(%arg15 : memref<!tpu.dma_semaphore, #tpu.memory_space<semaphore_mem>>)
      %add3A_1221 = arith.constant 15 : i32
      %add3A_1222 = arith.addi %mul3A_980, %add3A_1221 : i32
      %dma_start3A_1223 = arith.constant 750 : i32
      %dma_start3A_1224 = arith.constant 0 : i32
      %dma_start3A_1225 = tpu.memref_slice %arg9[%dma_start3A_1223, %dma_start3A_1224] : memref<800x32xf32, #tpu.memory_space<vmem>> -> memref<50x32xf32, #tpu.memory_space<vmem>>
      %dma_start3A_1226 = arith.constant 0 : i32
      %dma_start3A_1227 = arith.constant 0 : i32
      %dma_start3A_1228 = tpu.memref_slice %arg4[%add3A_1222, %dma_start3A_1226, %dma_start3A_1227] : memref<4096x50x32xf32, #tpu.memory_space<hbm>> -> memref<1x50x32xf32, #tpu.memory_space<hbm>>
      %dma_start3A_1229 = tpu.memref_squeeze %dma_start3A_1228 : memref<1x50x32xf32, #tpu.memory_space<hbm>> -> memref<50x32xf32, #tpu.memory_space<hbm>>
      %dma_start3A_1230 = arith.constant 0 : i32
      %dma_start3A_1231 = arith.constant 0 : i32
      %dma_start3A_1232 = tpu.memref_slice %arg4[%add3A_1222, %dma_start3A_1230, %dma_start3A_1231] : memref<4096x50x32xf32, #tpu.memory_space<hbm>> -> memref<1x50x32xf32, #tpu.memory_space<hbm>>
      %dma_start3A_1233 = tpu.memref_squeeze %dma_start3A_1232 : memref<1x50x32xf32, #tpu.memory_space<hbm>> -> memref<50x32xf32, #tpu.memory_space<hbm>>
      %dma_start3A_1234 = arith.constant 750 : i32
      %dma_start3A_1235 = arith.constant 0 : i32
      %dma_start3A_1236 = tpu.memref_slice %arg9[%dma_start3A_1234, %dma_start3A_1235] : memref<800x32xf32, #tpu.memory_space<vmem>> -> memref<50x32xf32, #tpu.memory_space<vmem>>
      tpu.enqueue_dma source(%dma_start3A_1236 : memref<50x32xf32, #tpu.memory_space<vmem>>) target(%dma_start3A_1233 : memref<50x32xf32, #tpu.memory_space<hbm>>) target_semaphore(%arg15 : memref<!tpu.dma_semaphore, #tpu.memory_space<semaphore_mem>>)
      %add3A_1237 = arith.constant 2 : i32
      %add3A_1238 = arith.addi %mul3A_691, %add3A_1237 : i32
      %lt3A = arith.constant 8 : i32
      %lt3A_1239 = arith.cmpi slt, %add3A_1238, %lt3A : i32
      %convert_element_type3A_1240 = arith.extui %lt3A_1239 : i1 to i32
      %cond3A_1241 = arith.constant 0 : i32
      %cond3A_1242 = arith.cmpi ne, %convert_element_type3A_1240, %cond3A_1241 : i32
      scf.if %cond3A_1242 {
        %add3A_1653 = arith.constant 2 : i32
        %add3A_1654 = arith.addi %mul3A_691, %add3A_1653 : i32
        %mul3A_1655 = arith.constant 8 : i32
        %mul3A_1656 = arith.muli %add3A, %mul3A_1655 : i32
        %add3A_1657 = arith.addi %mul3A_1656, %add3A_1654 : i32
        %mul3A_1658 = arith.constant 16 : i32
        %mul3A_1659 = arith.muli %add3A_1657, %mul3A_1658 : i32
        %dma_start3A_1660 = arith.constant 0 : i32
        %dma_start3A_1661 = arith.constant 0 : i32
        %dma_start3A_1662 = tpu.memref_slice %arg2[%dma_start3A_1660, %dma_start3A_1661, %mul3A_1659] : memref<20x50x4096xi32, #tpu.memory_space<hbm>> -> memref<20x50x16xi32, #tpu.memory_space<hbm>>
        %dma_start3A_1663 = arith.constant 0 : i32
        %dma_start3A_1664 = arith.constant 0 : i32
        %dma_start3A_1665 = tpu.memref_slice %arg2[%dma_start3A_1663, %dma_start3A_1664, %mul3A_1659] : memref<20x50x4096xi32, #tpu.memory_space<hbm>> -> memref<20x50x16xi32, #tpu.memory_space<hbm>>
        tpu.enqueue_dma source(%dma_start3A_1665 : memref<20x50x16xi32, #tpu.memory_space<hbm>>) target(%arg5 : memref<20x50x16xi32, #tpu.memory_space<vmem>>) target_semaphore(%arg13 : memref<!tpu.dma_semaphore, #tpu.memory_space<semaphore_mem>>)
        %dma_wait3A_1666 = arith.constant 0 : i32
        %dma_wait3A_1667 = arith.constant 0 : i32
        %dma_wait3A_1668 = arith.constant 0 : i32
        %dma_wait3A_1669 = tpu.memref_slice %arg2[%dma_wait3A_1666, %dma_wait3A_1667, %dma_wait3A_1668] : memref<20x50x4096xi32, #tpu.memory_space<hbm>> -> memref<20x50x16xi32, #tpu.memory_space<hbm>>
        %dma_wait3A_1670 = arith.constant 0 : i32
        %dma_wait3A_1671 = arith.constant 0 : i32
        %dma_wait3A_1672 = arith.constant 0 : i32
        %dma_wait3A_1673 = tpu.memref_slice %arg2[%dma_wait3A_1670, %dma_wait3A_1671, %dma_wait3A_1672] : memref<20x50x4096xi32, #tpu.memory_space<hbm>> -> memref<20x50x16xi32, #tpu.memory_space<hbm>>
        tpu.wait_dma2 semaphore(%arg13 : memref<!tpu.dma_semaphore, #tpu.memory_space<semaphore_mem>>) src(%dma_wait3A_1673 : memref<20x50x16xi32, #tpu.memory_space<hbm>>) dst(%arg5 : memref<20x50x16xi32, #tpu.memory_space<vmem>>)
        %scan3A_1674 = arith.constant 0 : i32
        %scan3A_1675 = arith.constant 0 : i32
        %scan3A_1676 = arith.constant 50 : i32
        %scan3A_1677 = arith.addi %scan3A_1675, %scan3A_1676 : i32
        %scan3A_1678 = arith.constant 1 : i32
        %scan3A_1679 = scf.for %scan3A_2068 = %scan3A_1675 to %scan3A_1677 step %scan3A_1678 iter_args(%scan3A_2069 = %scan3A_1674) -> (i32)  : i32 {
          %mul3A_2070 = arith.constant 16 : i32
          %mul3A_2071 = arith.muli %scan3A_2068, %mul3A_2070 : i32
          %add3A_2072 = vector.broadcast %mul3A_2071 : i32 to vector<16xi32>
          %add3A_2073 = arith.addi %add3A_2072, %iota3A : vector<16xi32>
          %jit3A = arith.constant 50 : i32
          %div3A = vector.broadcast %jit3A : i32 to vector<16xi32>
          %div3A_2074 = arith.divsi %add3A_2073, %div3A : vector<16xi32>
          %sign3A = arith.constant 0 : i32
          %sign3A_2075 = vector.broadcast %sign3A : i32 to vector<16xi32>
          %sign3A_2076 = arith.cmpi sgt, %add3A_2073, %sign3A_2075 : vector<16xi32>
          %sign3A_2077 = arith.extui %sign3A_2076 : vector<16xi1> to vector<16xi32>
          %sign3A_2078 = arith.constant 0 : i32
          %sign3A_2079 = vector.broadcast %sign3A_2078 : i32 to vector<16xi32>
          %sign3A_2080 = arith.cmpi slt, %add3A_2073, %sign3A_2079 : vector<16xi32>
          %sign3A_2081 = arith.extui %sign3A_2080 : vector<16xi1> to vector<16xi32>
          %sign3A_2082 = arith.subi %sign3A_2077, %sign3A_2081 : vector<16xi32>
          %sign3A_2083 = arith.constant 0 : i32
          %sign3A_2084 = arith.cmpi sgt, %jit3A, %sign3A_2083 : i32
          %sign3A_2085 = arith.extui %sign3A_2084 : i1 to i32
          %sign3A_2086 = arith.constant 0 : i32
          %sign3A_2087 = arith.cmpi slt, %jit3A, %sign3A_2086 : i32
          %sign3A_2088 = arith.extui %sign3A_2087 : i1 to i32
          %sign3A_2089 = arith.subi %sign3A_2085, %sign3A_2088 : i32
          %ne3A = vector.broadcast %sign3A_2089 : i32 to vector<16xi32>
          %ne3A_2090 = arith.cmpi ne, %sign3A_2082, %ne3A : vector<16xi32>
          %rem3A = vector.broadcast %jit3A : i32 to vector<16xi32>
          %rem3A_2091 = arith.remsi %add3A_2073, %rem3A : vector<16xi32>
          %ne3A_2092 = arith.constant 0 : i32
          %ne3A_2093 = vector.broadcast %ne3A_2092 : i32 to vector<16xi32>
          %ne3A_2094 = arith.cmpi ne, %rem3A_2091, %ne3A_2093 : vector<16xi32>
          %and3A = arith.andi %ne3A_2090, %ne3A_2094 : vector<16xi1>
          %sub3A = arith.constant 1 : i32
          %sub3A_2095 = vector.broadcast %sub3A : i32 to vector<16xi32>
          %sub3A_2096 = arith.subi %div3A_2074, %sub3A_2095 : vector<16xi32>
          %select_n3A = arith.select %and3A, %sub3A_2096, %div3A_2074 : vector<16xi1>, vector<16xi32>
          %jit3A_2097 = arith.constant 50 : i32
          %eq3A = arith.constant 0 : i32
          %eq3A_2098 = arith.cmpi eq, %jit3A_2097, %eq3A : i32
          %jit3A_2099 = arith.constant 1 : i32
          %select_n3A_2100 = arith.select %eq3A_2098, %jit3A_2099, %jit3A_2097 : i32
          %rem3A_2101 = vector.broadcast %select_n3A_2100 : i32 to vector<16xi32>
          %rem3A_2102 = arith.remsi %add3A_2073, %rem3A_2101 : vector<16xi32>
          %ne3A_2103 = arith.constant 0 : i32
          %ne3A_2104 = vector.broadcast %ne3A_2103 : i32 to vector<16xi32>
          %ne3A_2105 = arith.cmpi ne, %rem3A_2102, %ne3A_2104 : vector<16xi32>
          %lt3A_2106 = arith.constant 0 : i32
          %lt3A_2107 = vector.broadcast %lt3A_2106 : i32 to vector<16xi32>
          %lt3A_2108 = arith.cmpi slt, %rem3A_2102, %lt3A_2107 : vector<16xi32>
          %lt3A_2109 = arith.constant 0 : i32
          %lt3A_2110 = arith.cmpi slt, %select_n3A_2100, %lt3A_2109 : i32
          %ne3A_2111 = vector.broadcast %lt3A_2110 : i1 to vector<16xi1>
          %ne3A_2112 = vector.broadcast %ne3A_2111 : vector<16xi1> to vector<16xi1>
          %ne3A_2113 = arith.xori %lt3A_2108, %ne3A_2112 : vector<16xi1>
          %and3A_2114 = arith.andi %ne3A_2113, %ne3A_2105 : vector<16xi1>
          %add3A_2115 = vector.broadcast %select_n3A_2100 : i32 to vector<16xi32>
          %add3A_2116 = arith.addi %rem3A_2102, %add3A_2115 : vector<16xi32>
          %select_n3A_2117 = arith.select %and3A_2114, %add3A_2116, %rem3A_2102 : vector<16xi1>, vector<16xi32>
          %broadcast_in_dim3A_2118 = arith.constant 0 : i32
          %broadcast_in_dim3A_2119 = vector.broadcast %broadcast_in_dim3A_2118 : i32 to vector<16xi32>
          %gather3A = tpu.vector_load_idx %arg5[%broadcast_in_dim3A_2119, %select_n3A_2117, %select_n3A] : memref<20x50x16xi32, #tpu.memory_space<vmem>>[vector<16xi32>, vector<16xi32>, vector<16xi32>], vector<16xi32>,
          %mul3A_2120 = arith.constant 16 : i32
          %mul3A_2121 = arith.muli %scan3A_2068, %mul3A_2120 : i32
          %swap3A = arith.constant 0 : i32
          %swap3A_2122 = arith.index_cast %swap3A : i32 to index
          %swap3A_2123 = arith.index_cast %mul3A_2121 : i32 to index
          %swap3A_2124 = tpu.vector_load %arg7[%swap3A_2122, %swap3A_2123] {strides = array<i32>} : memref<20x800xi32, #tpu.memory_space<vmem>>, vector<16xi32>,
          tpu.vector_store %arg7[%swap3A_2122, %swap3A_2123], %gather3A {strides = array<i32>} : memref<20x800xi32, #tpu.memory_space<vmem>>, vector<16xi32>,
          %broadcast_in_dim3A_2125 = arith.constant 1 : i32
          %broadcast_in_dim3A_2126 = vector.broadcast %broadcast_in_dim3A_2125 : i32 to vector<16xi32>
          %gather3A_2127 = tpu.vector_load_idx %arg5[%broadcast_in_dim3A_2126, %select_n3A_2117, %select_n3A] : memref<20x50x16xi32, #tpu.memory_space<vmem>>[vector<16xi32>, vector<16xi32>, vector<16xi32>], vector<16xi32>,
          %mul3A_2128 = arith.constant 16 : i32
          %mul3A_2129 = arith.muli %scan3A_2068, %mul3A_2128 : i32
          %swap3A_2130 = arith.constant 1 : i32
          %swap3A_2131 = arith.index_cast %swap3A_2130 : i32 to index
          %swap3A_2132 = arith.index_cast %mul3A_2129 : i32 to index
          %swap3A_2133 = tpu.vector_load %arg7[%swap3A_2131, %swap3A_2132] {strides = array<i32>} : memref<20x800xi32, #tpu.memory_space<vmem>>, vector<16xi32>,
          tpu.vector_store %arg7[%swap3A_2131, %swap3A_2132], %gather3A_2127 {strides = array<i32>} : memref<20x800xi32, #tpu.memory_space<vmem>>, vector<16xi32>,
          %broadcast_in_dim3A_2134 = arith.constant 2 : i32
          %broadcast_in_dim3A_2135 = vector.broadcast %broadcast_in_dim3A_2134 : i32 to vector<16xi32>
          %gather3A_2136 = tpu.vector_load_idx %arg5[%broadcast_in_dim3A_2135, %select_n3A_2117, %select_n3A] : memref<20x50x16xi32, #tpu.memory_space<vmem>>[vector<16xi32>, vector<16xi32>, vector<16xi32>], vector<16xi32>,
          %mul3A_2137 = arith.constant 16 : i32
          %mul3A_2138 = arith.muli %scan3A_2068, %mul3A_2137 : i32
          %swap3A_2139 = arith.constant 2 : i32
          %swap3A_2140 = arith.index_cast %swap3A_2139 : i32 to index
          %swap3A_2141 = arith.index_cast %mul3A_2138 : i32 to index
          %swap3A_2142 = tpu.vector_load %arg7[%swap3A_2140, %swap3A_2141] {strides = array<i32>} : memref<20x800xi32, #tpu.memory_space<vmem>>, vector<16xi32>,
          tpu.vector_store %arg7[%swap3A_2140, %swap3A_2141], %gather3A_2136 {strides = array<i32>} : memref<20x800xi32, #tpu.memory_space<vmem>>, vector<16xi32>,
          %broadcast_in_dim3A_2143 = arith.constant 3 : i32
          %broadcast_in_dim3A_2144 = vector.broadcast %broadcast_in_dim3A_2143 : i32 to vector<16xi32>
          %gather3A_2145 = tpu.vector_load_idx %arg5[%broadcast_in_dim3A_2144, %select_n3A_2117, %select_n3A] : memref<20x50x16xi32, #tpu.memory_space<vmem>>[vector<16xi32>, vector<16xi32>, vector<16xi32>], vector<16xi32>,
          %mul3A_2146 = arith.constant 16 : i32
          %mul3A_2147 = arith.muli %scan3A_2068, %mul3A_2146 : i32
          %swap3A_2148 = arith.constant 3 : i32
          %swap3A_2149 = arith.index_cast %swap3A_2148 : i32 to index
          %swap3A_2150 = arith.index_cast %mul3A_2147 : i32 to index
          %swap3A_2151 = tpu.vector_load %arg7[%swap3A_2149, %swap3A_2150] {strides = array<i32>} : memref<20x800xi32, #tpu.memory_space<vmem>>, vector<16xi32>,
          tpu.vector_store %arg7[%swap3A_2149, %swap3A_2150], %gather3A_2145 {strides = array<i32>} : memref<20x800xi32, #tpu.memory_space<vmem>>, vector<16xi32>,
          %broadcast_in_dim3A_2152 = arith.constant 4 : i32
          %broadcast_in_dim3A_2153 = vector.broadcast %broadcast_in_dim3A_2152 : i32 to vector<16xi32>
          %gather3A_2154 = tpu.vector_load_idx %arg5[%broadcast_in_dim3A_2153, %select_n3A_2117, %select_n3A] : memref<20x50x16xi32, #tpu.memory_space<vmem>>[vector<16xi32>, vector<16xi32>, vector<16xi32>], vector<16xi32>,
          %mul3A_2155 = arith.constant 16 : i32
          %mul3A_2156 = arith.muli %scan3A_2068, %mul3A_2155 : i32
          %swap3A_2157 = arith.constant 4 : i32
          %swap3A_2158 = arith.index_cast %swap3A_2157 : i32 to index
          %swap3A_2159 = arith.index_cast %mul3A_2156 : i32 to index
          %swap3A_2160 = tpu.vector_load %arg7[%swap3A_2158, %swap3A_2159] {strides = array<i32>} : memref<20x800xi32, #tpu.memory_space<vmem>>, vector<16xi32>,
          tpu.vector_store %arg7[%swap3A_2158, %swap3A_2159], %gather3A_2154 {strides = array<i32>} : memref<20x800xi32, #tpu.memory_space<vmem>>, vector<16xi32>,
          %broadcast_in_dim3A_2161 = arith.constant 5 : i32
          %broadcast_in_dim3A_2162 = vector.broadcast %broadcast_in_dim3A_2161 : i32 to vector<16xi32>
          %gather3A_2163 = tpu.vector_load_idx %arg5[%broadcast_in_dim3A_2162, %select_n3A_2117, %select_n3A] : memref<20x50x16xi32, #tpu.memory_space<vmem>>[vector<16xi32>, vector<16xi32>, vector<16xi32>], vector<16xi32>,
          %mul3A_2164 = arith.constant 16 : i32
          %mul3A_2165 = arith.muli %scan3A_2068, %mul3A_2164 : i32
          %swap3A_2166 = arith.constant 5 : i32
          %swap3A_2167 = arith.index_cast %swap3A_2166 : i32 to index
          %swap3A_2168 = arith.index_cast %mul3A_2165 : i32 to index
          %swap3A_2169 = tpu.vector_load %arg7[%swap3A_2167, %swap3A_2168] {strides = array<i32>} : memref<20x800xi32, #tpu.memory_space<vmem>>, vector<16xi32>,
          tpu.vector_store %arg7[%swap3A_2167, %swap3A_2168], %gather3A_2163 {strides = array<i32>} : memref<20x800xi32, #tpu.memory_space<vmem>>, vector<16xi32>,
          %broadcast_in_dim3A_2170 = arith.constant 6 : i32
          %broadcast_in_dim3A_2171 = vector.broadcast %broadcast_in_dim3A_2170 : i32 to vector<16xi32>
          %gather3A_2172 = tpu.vector_load_idx %arg5[%broadcast_in_dim3A_2171, %select_n3A_2117, %select_n3A] : memref<20x50x16xi32, #tpu.memory_space<vmem>>[vector<16xi32>, vector<16xi32>, vector<16xi32>], vector<16xi32>,
          %mul3A_2173 = arith.constant 16 : i32
          %mul3A_2174 = arith.muli %scan3A_2068, %mul3A_2173 : i32
          %swap3A_2175 = arith.constant 6 : i32
          %swap3A_2176 = arith.index_cast %swap3A_2175 : i32 to index
          %swap3A_2177 = arith.index_cast %mul3A_2174 : i32 to index
          %swap3A_2178 = tpu.vector_load %arg7[%swap3A_2176, %swap3A_2177] {strides = array<i32>} : memref<20x800xi32, #tpu.memory_space<vmem>>, vector<16xi32>,
          tpu.vector_store %arg7[%swap3A_2176, %swap3A_2177], %gather3A_2172 {strides = array<i32>} : memref<20x800xi32, #tpu.memory_space<vmem>>, vector<16xi32>,
          %broadcast_in_dim3A_2179 = arith.constant 7 : i32
          %broadcast_in_dim3A_2180 = vector.broadcast %broadcast_in_dim3A_2179 : i32 to vector<16xi32>
          %gather3A_2181 = tpu.vector_load_idx %arg5[%broadcast_in_dim3A_2180, %select_n3A_2117, %select_n3A] : memref<20x50x16xi32, #tpu.memory_space<vmem>>[vector<16xi32>, vector<16xi32>, vector<16xi32>], vector<16xi32>,
          %mul3A_2182 = arith.constant 16 : i32
          %mul3A_2183 = arith.muli %scan3A_2068, %mul3A_2182 : i32
          %swap3A_2184 = arith.constant 7 : i32
          %swap3A_2185 = arith.index_cast %swap3A_2184 : i32 to index
          %swap3A_2186 = arith.index_cast %mul3A_2183 : i32 to index
          %swap3A_2187 = tpu.vector_load %arg7[%swap3A_2185, %swap3A_2186] {strides = array<i32>} : memref<20x800xi32, #tpu.memory_space<vmem>>, vector<16xi32>,
          tpu.vector_store %arg7[%swap3A_2185, %swap3A_2186], %gather3A_2181 {strides = array<i32>} : memref<20x800xi32, #tpu.memory_space<vmem>>, vector<16xi32>,
          %broadcast_in_dim3A_2188 = arith.constant 8 : i32
          %broadcast_in_dim3A_2189 = vector.broadcast %broadcast_in_dim3A_2188 : i32 to vector<16xi32>
          %gather3A_2190 = tpu.vector_load_idx %arg5[%broadcast_in_dim3A_2189, %select_n3A_2117, %select_n3A] : memref<20x50x16xi32, #tpu.memory_space<vmem>>[vector<16xi32>, vector<16xi32>, vector<16xi32>], vector<16xi32>,
          %mul3A_2191 = arith.constant 16 : i32
          %mul3A_2192 = arith.muli %scan3A_2068, %mul3A_2191 : i32
          %swap3A_2193 = arith.constant 8 : i32
          %swap3A_2194 = arith.index_cast %swap3A_2193 : i32 to index
          %swap3A_2195 = arith.index_cast %mul3A_2192 : i32 to index
          %swap3A_2196 = tpu.vector_load %arg7[%swap3A_2194, %swap3A_2195] {strides = array<i32>} : memref<20x800xi32, #tpu.memory_space<vmem>>, vector<16xi32>,
          tpu.vector_store %arg7[%swap3A_2194, %swap3A_2195], %gather3A_2190 {strides = array<i32>} : memref<20x800xi32, #tpu.memory_space<vmem>>, vector<16xi32>,
          %broadcast_in_dim3A_2197 = arith.constant 9 : i32
          %broadcast_in_dim3A_2198 = vector.broadcast %broadcast_in_dim3A_2197 : i32 to vector<16xi32>
          %gather3A_2199 = tpu.vector_load_idx %arg5[%broadcast_in_dim3A_2198, %select_n3A_2117, %select_n3A] : memref<20x50x16xi32, #tpu.memory_space<vmem>>[vector<16xi32>, vector<16xi32>, vector<16xi32>], vector<16xi32>,
          %mul3A_2200 = arith.constant 16 : i32
          %mul3A_2201 = arith.muli %scan3A_2068, %mul3A_2200 : i32
          %swap3A_2202 = arith.constant 9 : i32
          %swap3A_2203 = arith.index_cast %swap3A_2202 : i32 to index
          %swap3A_2204 = arith.index_cast %mul3A_2201 : i32 to index
          %swap3A_2205 = tpu.vector_load %arg7[%swap3A_2203, %swap3A_2204] {strides = array<i32>} : memref<20x800xi32, #tpu.memory_space<vmem>>, vector<16xi32>,
          tpu.vector_store %arg7[%swap3A_2203, %swap3A_2204], %gather3A_2199 {strides = array<i32>} : memref<20x800xi32, #tpu.memory_space<vmem>>, vector<16xi32>,
          %broadcast_in_dim3A_2206 = arith.constant 10 : i32
          %broadcast_in_dim3A_2207 = vector.broadcast %broadcast_in_dim3A_2206 : i32 to vector<16xi32>
          %gather3A_2208 = tpu.vector_load_idx %arg5[%broadcast_in_dim3A_2207, %select_n3A_2117, %select_n3A] : memref<20x50x16xi32, #tpu.memory_space<vmem>>[vector<16xi32>, vector<16xi32>, vector<16xi32>], vector<16xi32>,
          %mul3A_2209 = arith.constant 16 : i32
          %mul3A_2210 = arith.muli %scan3A_2068, %mul3A_2209 : i32
          %swap3A_2211 = arith.constant 10 : i32
          %swap3A_2212 = arith.index_cast %swap3A_2211 : i32 to index
          %swap3A_2213 = arith.index_cast %mul3A_2210 : i32 to index
          %swap3A_2214 = tpu.vector_load %arg7[%swap3A_2212, %swap3A_2213] {strides = array<i32>} : memref<20x800xi32, #tpu.memory_space<vmem>>, vector<16xi32>,
          tpu.vector_store %arg7[%swap3A_2212, %swap3A_2213], %gather3A_2208 {strides = array<i32>} : memref<20x800xi32, #tpu.memory_space<vmem>>, vector<16xi32>,
          %broadcast_in_dim3A_2215 = arith.constant 11 : i32
          %broadcast_in_dim3A_2216 = vector.broadcast %broadcast_in_dim3A_2215 : i32 to vector<16xi32>
          %gather3A_2217 = tpu.vector_load_idx %arg5[%broadcast_in_dim3A_2216, %select_n3A_2117, %select_n3A] : memref<20x50x16xi32, #tpu.memory_space<vmem>>[vector<16xi32>, vector<16xi32>, vector<16xi32>], vector<16xi32>,
          %mul3A_2218 = arith.constant 16 : i32
          %mul3A_2219 = arith.muli %scan3A_2068, %mul3A_2218 : i32
          %swap3A_2220 = arith.constant 11 : i32
          %swap3A_2221 = arith.index_cast %swap3A_2220 : i32 to index
          %swap3A_2222 = arith.index_cast %mul3A_2219 : i32 to index
          %swap3A_2223 = tpu.vector_load %arg7[%swap3A_2221, %swap3A_2222] {strides = array<i32>} : memref<20x800xi32, #tpu.memory_space<vmem>>, vector<16xi32>,
          tpu.vector_store %arg7[%swap3A_2221, %swap3A_2222], %gather3A_2217 {strides = array<i32>} : memref<20x800xi32, #tpu.memory_space<vmem>>, vector<16xi32>,
          %broadcast_in_dim3A_2224 = arith.constant 12 : i32
          %broadcast_in_dim3A_2225 = vector.broadcast %broadcast_in_dim3A_2224 : i32 to vector<16xi32>
          %gather3A_2226 = tpu.vector_load_idx %arg5[%broadcast_in_dim3A_2225, %select_n3A_2117, %select_n3A] : memref<20x50x16xi32, #tpu.memory_space<vmem>>[vector<16xi32>, vector<16xi32>, vector<16xi32>], vector<16xi32>,
          %mul3A_2227 = arith.constant 16 : i32
          %mul3A_2228 = arith.muli %scan3A_2068, %mul3A_2227 : i32
          %swap3A_2229 = arith.constant 12 : i32
          %swap3A_2230 = arith.index_cast %swap3A_2229 : i32 to index
          %swap3A_2231 = arith.index_cast %mul3A_2228 : i32 to index
          %swap3A_2232 = tpu.vector_load %arg7[%swap3A_2230, %swap3A_2231] {strides = array<i32>} : memref<20x800xi32, #tpu.memory_space<vmem>>, vector<16xi32>,
          tpu.vector_store %arg7[%swap3A_2230, %swap3A_2231], %gather3A_2226 {strides = array<i32>} : memref<20x800xi32, #tpu.memory_space<vmem>>, vector<16xi32>,
          %broadcast_in_dim3A_2233 = arith.constant 13 : i32
          %broadcast_in_dim3A_2234 = vector.broadcast %broadcast_in_dim3A_2233 : i32 to vector<16xi32>
          %gather3A_2235 = tpu.vector_load_idx %arg5[%broadcast_in_dim3A_2234, %select_n3A_2117, %select_n3A] : memref<20x50x16xi32, #tpu.memory_space<vmem>>[vector<16xi32>, vector<16xi32>, vector<16xi32>], vector<16xi32>,
          %mul3A_2236 = arith.constant 16 : i32
          %mul3A_2237 = arith.muli %scan3A_2068, %mul3A_2236 : i32
          %swap3A_2238 = arith.constant 13 : i32
          %swap3A_2239 = arith.index_cast %swap3A_2238 : i32 to index
          %swap3A_2240 = arith.index_cast %mul3A_2237 : i32 to index
          %swap3A_2241 = tpu.vector_load %arg7[%swap3A_2239, %swap3A_2240] {strides = array<i32>} : memref<20x800xi32, #tpu.memory_space<vmem>>, vector<16xi32>,
          tpu.vector_store %arg7[%swap3A_2239, %swap3A_2240], %gather3A_2235 {strides = array<i32>} : memref<20x800xi32, #tpu.memory_space<vmem>>, vector<16xi32>,
          %broadcast_in_dim3A_2242 = arith.constant 14 : i32
          %broadcast_in_dim3A_2243 = vector.broadcast %broadcast_in_dim3A_2242 : i32 to vector<16xi32>
          %gather3A_2244 = tpu.vector_load_idx %arg5[%broadcast_in_dim3A_2243, %select_n3A_2117, %select_n3A] : memref<20x50x16xi32, #tpu.memory_space<vmem>>[vector<16xi32>, vector<16xi32>, vector<16xi32>], vector<16xi32>,
          %mul3A_2245 = arith.constant 16 : i32
          %mul3A_2246 = arith.muli %scan3A_2068, %mul3A_2245 : i32
          %swap3A_2247 = arith.constant 14 : i32
          %swap3A_2248 = arith.index_cast %swap3A_2247 : i32 to index
          %swap3A_2249 = arith.index_cast %mul3A_2246 : i32 to index
          %swap3A_2250 = tpu.vector_load %arg7[%swap3A_2248, %swap3A_2249] {strides = array<i32>} : memref<20x800xi32, #tpu.memory_space<vmem>>, vector<16xi32>,
          tpu.vector_store %arg7[%swap3A_2248, %swap3A_2249], %gather3A_2244 {strides = array<i32>} : memref<20x800xi32, #tpu.memory_space<vmem>>, vector<16xi32>,
          %broadcast_in_dim3A_2251 = arith.constant 15 : i32
          %broadcast_in_dim3A_2252 = vector.broadcast %broadcast_in_dim3A_2251 : i32 to vector<16xi32>
          %gather3A_2253 = tpu.vector_load_idx %arg5[%broadcast_in_dim3A_2252, %select_n3A_2117, %select_n3A] : memref<20x50x16xi32, #tpu.memory_space<vmem>>[vector<16xi32>, vector<16xi32>, vector<16xi32>], vector<16xi32>,
          %mul3A_2254 = arith.constant 16 : i32
          %mul3A_2255 = arith.muli %scan3A_2068, %mul3A_2254 : i32
          %swap3A_2256 = arith.constant 15 : i32
          %swap3A_2257 = arith.index_cast %swap3A_2256 : i32 to index
          %swap3A_2258 = arith.index_cast %mul3A_2255 : i32 to index
          %swap3A_2259 = tpu.vector_load %arg7[%swap3A_2257, %swap3A_2258] {strides = array<i32>} : memref<20x800xi32, #tpu.memory_space<vmem>>, vector<16xi32>,
          tpu.vector_store %arg7[%swap3A_2257, %swap3A_2258], %gather3A_2253 {strides = array<i32>} : memref<20x800xi32, #tpu.memory_space<vmem>>, vector<16xi32>,
          %broadcast_in_dim3A_2260 = arith.constant 16 : i32
          %broadcast_in_dim3A_2261 = vector.broadcast %broadcast_in_dim3A_2260 : i32 to vector<16xi32>
          %gather3A_2262 = tpu.vector_load_idx %arg5[%broadcast_in_dim3A_2261, %select_n3A_2117, %select_n3A] : memref<20x50x16xi32, #tpu.memory_space<vmem>>[vector<16xi32>, vector<16xi32>, vector<16xi32>], vector<16xi32>,
          %mul3A_2263 = arith.constant 16 : i32
          %mul3A_2264 = arith.muli %scan3A_2068, %mul3A_2263 : i32
          %swap3A_2265 = arith.constant 16 : i32
          %swap3A_2266 = arith.index_cast %swap3A_2265 : i32 to index
          %swap3A_2267 = arith.index_cast %mul3A_2264 : i32 to index
          %swap3A_2268 = tpu.vector_load %arg7[%swap3A_2266, %swap3A_2267] {strides = array<i32>} : memref<20x800xi32, #tpu.memory_space<vmem>>, vector<16xi32>,
          tpu.vector_store %arg7[%swap3A_2266, %swap3A_2267], %gather3A_2262 {strides = array<i32>} : memref<20x800xi32, #tpu.memory_space<vmem>>, vector<16xi32>,
          %broadcast_in_dim3A_2269 = arith.constant 17 : i32
          %broadcast_in_dim3A_2270 = vector.broadcast %broadcast_in_dim3A_2269 : i32 to vector<16xi32>
          %gather3A_2271 = tpu.vector_load_idx %arg5[%broadcast_in_dim3A_2270, %select_n3A_2117, %select_n3A] : memref<20x50x16xi32, #tpu.memory_space<vmem>>[vector<16xi32>, vector<16xi32>, vector<16xi32>], vector<16xi32>,
          %mul3A_2272 = arith.constant 16 : i32
          %mul3A_2273 = arith.muli %scan3A_2068, %mul3A_2272 : i32
          %swap3A_2274 = arith.constant 17 : i32
          %swap3A_2275 = arith.index_cast %swap3A_2274 : i32 to index
          %swap3A_2276 = arith.index_cast %mul3A_2273 : i32 to index
          %swap3A_2277 = tpu.vector_load %arg7[%swap3A_2275, %swap3A_2276] {strides = array<i32>} : memref<20x800xi32, #tpu.memory_space<vmem>>, vector<16xi32>,
          tpu.vector_store %arg7[%swap3A_2275, %swap3A_2276], %gather3A_2271 {strides = array<i32>} : memref<20x800xi32, #tpu.memory_space<vmem>>, vector<16xi32>,
          %broadcast_in_dim3A_2278 = arith.constant 18 : i32
          %broadcast_in_dim3A_2279 = vector.broadcast %broadcast_in_dim3A_2278 : i32 to vector<16xi32>
          %gather3A_2280 = tpu.vector_load_idx %arg5[%broadcast_in_dim3A_2279, %select_n3A_2117, %select_n3A] : memref<20x50x16xi32, #tpu.memory_space<vmem>>[vector<16xi32>, vector<16xi32>, vector<16xi32>], vector<16xi32>,
          %mul3A_2281 = arith.constant 16 : i32
          %mul3A_2282 = arith.muli %scan3A_2068, %mul3A_2281 : i32
          %swap3A_2283 = arith.constant 18 : i32
          %swap3A_2284 = arith.index_cast %swap3A_2283 : i32 to index
          %swap3A_2285 = arith.index_cast %mul3A_2282 : i32 to index
          %swap3A_2286 = tpu.vector_load %arg7[%swap3A_2284, %swap3A_2285] {strides = array<i32>} : memref<20x800xi32, #tpu.memory_space<vmem>>, vector<16xi32>,
          tpu.vector_store %arg7[%swap3A_2284, %swap3A_2285], %gather3A_2280 {strides = array<i32>} : memref<20x800xi32, #tpu.memory_space<vmem>>, vector<16xi32>,
          %broadcast_in_dim3A_2287 = arith.constant 19 : i32
          %broadcast_in_dim3A_2288 = vector.broadcast %broadcast_in_dim3A_2287 : i32 to vector<16xi32>
          %gather3A_2289 = tpu.vector_load_idx %arg5[%broadcast_in_dim3A_2288, %select_n3A_2117, %select_n3A] : memref<20x50x16xi32, #tpu.memory_space<vmem>>[vector<16xi32>, vector<16xi32>, vector<16xi32>], vector<16xi32>,
          %mul3A_2290 = arith.constant 16 : i32
          %mul3A_2291 = arith.muli %scan3A_2068, %mul3A_2290 : i32
          %swap3A_2292 = arith.constant 19 : i32
          %swap3A_2293 = arith.index_cast %swap3A_2292 : i32 to index
          %swap3A_2294 = arith.index_cast %mul3A_2291 : i32 to index
          %swap3A_2295 = tpu.vector_load %arg7[%swap3A_2293, %swap3A_2294] {strides = array<i32>} : memref<20x800xi32, #tpu.memory_space<vmem>>, vector<16xi32>,
          tpu.vector_store %arg7[%swap3A_2293, %swap3A_2294], %gather3A_2289 {strides = array<i32>} : memref<20x800xi32, #tpu.memory_space<vmem>>, vector<16xi32>,
          %scan3A_2296 = arith.constant 0 : i32
          scf.yield %scan3A_2296 : i32
        }
        %scan3A_1680 = arith.constant 50 : i32
        %dma_wait3A_1681 = arith.constant 0 : i32
        %dma_wait3A_1682 = arith.constant 0 : i32
        %dma_wait3A_1683 = arith.constant 0 : i32
        %dma_wait3A_1684 = tpu.memref_slice %arg9[%dma_wait3A_1682, %dma_wait3A_1683] : memref<800x32xf32, #tpu.memory_space<vmem>> -> memref<50x32xf32, #tpu.memory_space<vmem>>
        %dma_wait3A_1685 = arith.constant 0 : i32
        %dma_wait3A_1686 = arith.constant 0 : i32
        %dma_wait3A_1687 = tpu.memref_slice %arg4[%dma_wait3A_1681, %dma_wait3A_1685, %dma_wait3A_1686] : memref<4096x50x32xf32, #tpu.memory_space<hbm>> -> memref<1x50x32xf32, #tpu.memory_space<hbm>>
        %dma_wait3A_1688 = tpu.memref_squeeze %dma_wait3A_1687 : memref<1x50x32xf32, #tpu.memory_space<hbm>> -> memref<50x32xf32, #tpu.memory_space<hbm>>
        %dma_wait3A_1689 = arith.constant 0 : i32
        %dma_wait3A_1690 = arith.constant 0 : i32
        %dma_wait3A_1691 = tpu.memref_slice %arg4[%dma_wait3A_1681, %dma_wait3A_1689, %dma_wait3A_1690] : memref<4096x50x32xf32, #tpu.memory_space<hbm>> -> memref<1x50x32xf32, #tpu.memory_space<hbm>>
        %dma_wait3A_1692 = tpu.memref_squeeze %dma_wait3A_1691 : memref<1x50x32xf32, #tpu.memory_space<hbm>> -> memref<50x32xf32, #tpu.memory_space<hbm>>
        %dma_wait3A_1693 = arith.constant 0 : i32
        %dma_wait3A_1694 = arith.constant 0 : i32
        %dma_wait3A_1695 = tpu.memref_slice %arg9[%dma_wait3A_1693, %dma_wait3A_1694] : memref<800x32xf32, #tpu.memory_space<vmem>> -> memref<50x32xf32, #tpu.memory_space<vmem>>
        tpu.wait_dma2 semaphore(%arg15 : memref<!tpu.dma_semaphore, #tpu.memory_space<semaphore_mem>>) src(%dma_wait3A_1695 : memref<50x32xf32, #tpu.memory_space<vmem>>) dst(%dma_wait3A_1692 : memref<50x32xf32, #tpu.memory_space<hbm>>)
        %dma_wait3A_1696 = arith.constant 0 : i32
        %dma_wait3A_1697 = arith.constant 0 : i32
        %dma_wait3A_1698 = arith.constant 0 : i32
        %dma_wait3A_1699 = tpu.memref_slice %arg9[%dma_wait3A_1697, %dma_wait3A_1698] : memref<800x32xf32, #tpu.memory_space<vmem>> -> memref<50x32xf32, #tpu.memory_space<vmem>>
        %dma_wait3A_1700 = arith.constant 0 : i32
        %dma_wait3A_1701 = arith.constant 0 : i32
        %dma_wait3A_1702 = tpu.memref_slice %arg4[%dma_wait3A_1696, %dma_wait3A_1700, %dma_wait3A_1701] : memref<4096x50x32xf32, #tpu.memory_space<hbm>> -> memref<1x50x32xf32, #tpu.memory_space<hbm>>
        %dma_wait3A_1703 = tpu.memref_squeeze %dma_wait3A_1702 : memref<1x50x32xf32, #tpu.memory_space<hbm>> -> memref<50x32xf32, #tpu.memory_space<hbm>>
        %dma_wait3A_1704 = arith.constant 0 : i32
        %dma_wait3A_1705 = arith.constant 0 : i32
        %dma_wait3A_1706 = tpu.memref_slice %arg4[%dma_wait3A_1696, %dma_wait3A_1704, %dma_wait3A_1705] : memref<4096x50x32xf32, #tpu.memory_space<hbm>> -> memref<1x50x32xf32, #tpu.memory_space<hbm>>
        %dma_wait3A_1707 = tpu.memref_squeeze %dma_wait3A_1706 : memref<1x50x32xf32, #tpu.memory_space<hbm>> -> memref<50x32xf32, #tpu.memory_space<hbm>>
        %dma_wait3A_1708 = arith.constant 0 : i32
        %dma_wait3A_1709 = arith.constant 0 : i32
        %dma_wait3A_1710 = tpu.memref_slice %arg9[%dma_wait3A_1708, %dma_wait3A_1709] : memref<800x32xf32, #tpu.memory_space<vmem>> -> memref<50x32xf32, #tpu.memory_space<vmem>>
        tpu.wait_dma2 semaphore(%arg15 : memref<!tpu.dma_semaphore, #tpu.memory_space<semaphore_mem>>) src(%dma_wait3A_1710 : memref<50x32xf32, #tpu.memory_space<vmem>>) dst(%dma_wait3A_1707 : memref<50x32xf32, #tpu.memory_space<hbm>>)
        %dma_wait3A_1711 = arith.constant 0 : i32
        %dma_wait3A_1712 = arith.constant 0 : i32
        %dma_wait3A_1713 = arith.constant 0 : i32
        %dma_wait3A_1714 = tpu.memref_slice %arg9[%dma_wait3A_1712, %dma_wait3A_1713] : memref<800x32xf32, #tpu.memory_space<vmem>> -> memref<50x32xf32, #tpu.memory_space<vmem>>
        %dma_wait3A_1715 = arith.constant 0 : i32
        %dma_wait3A_1716 = arith.constant 0 : i32
        %dma_wait3A_1717 = tpu.memref_slice %arg4[%dma_wait3A_1711, %dma_wait3A_1715, %dma_wait3A_1716] : memref<4096x50x32xf32, #tpu.memory_space<hbm>> -> memref<1x50x32xf32, #tpu.memory_space<hbm>>
        %dma_wait3A_1718 = tpu.memref_squeeze %dma_wait3A_1717 : memref<1x50x32xf32, #tpu.memory_space<hbm>> -> memref<50x32xf32, #tpu.memory_space<hbm>>
        %dma_wait3A_1719 = arith.constant 0 : i32
        %dma_wait3A_1720 = arith.constant 0 : i32
        %dma_wait3A_1721 = tpu.memref_slice %arg4[%dma_wait3A_1711, %dma_wait3A_1719, %dma_wait3A_1720] : memref<4096x50x32xf32, #tpu.memory_space<hbm>> -> memref<1x50x32xf32, #tpu.memory_space<hbm>>
        %dma_wait3A_1722 = tpu.memref_squeeze %dma_wait3A_1721 : memref<1x50x32xf32, #tpu.memory_space<hbm>> -> memref<50x32xf32, #tpu.memory_space<hbm>>
        %dma_wait3A_1723 = arith.constant 0 : i32
        %dma_wait3A_1724 = arith.constant 0 : i32
        %dma_wait3A_1725 = tpu.memref_slice %arg9[%dma_wait3A_1723, %dma_wait3A_1724] : memref<800x32xf32, #tpu.memory_space<vmem>> -> memref<50x32xf32, #tpu.memory_space<vmem>>
        tpu.wait_dma2 semaphore(%arg15 : memref<!tpu.dma_semaphore, #tpu.memory_space<semaphore_mem>>) src(%dma_wait3A_1725 : memref<50x32xf32, #tpu.memory_space<vmem>>) dst(%dma_wait3A_1722 : memref<50x32xf32, #tpu.memory_space<hbm>>)
        %dma_wait3A_1726 = arith.constant 0 : i32
        %dma_wait3A_1727 = arith.constant 0 : i32
        %dma_wait3A_1728 = arith.constant 0 : i32
        %dma_wait3A_1729 = tpu.memref_slice %arg9[%dma_wait3A_1727, %dma_wait3A_1728] : memref<800x32xf32, #tpu.memory_space<vmem>> -> memref<50x32xf32, #tpu.memory_space<vmem>>
        %dma_wait3A_1730 = arith.constant 0 : i32
        %dma_wait3A_1731 = arith.constant 0 : i32
        %dma_wait3A_1732 = tpu.memref_slice %arg4[%dma_wait3A_1726, %dma_wait3A_1730, %dma_wait3A_1731] : memref<4096x50x32xf32, #tpu.memory_space<hbm>> -> memref<1x50x32xf32, #tpu.memory_space<hbm>>
        %dma_wait3A_1733 = tpu.memref_squeeze %dma_wait3A_1732 : memref<1x50x32xf32, #tpu.memory_space<hbm>> -> memref<50x32xf32, #tpu.memory_space<hbm>>
        %dma_wait3A_1734 = arith.constant 0 : i32
        %dma_wait3A_1735 = arith.constant 0 : i32
        %dma_wait3A_1736 = tpu.memref_slice %arg4[%dma_wait3A_1726, %dma_wait3A_1734, %dma_wait3A_1735] : memref<4096x50x32xf32, #tpu.memory_space<hbm>> -> memref<1x50x32xf32, #tpu.memory_space<hbm>>
        %dma_wait3A_1737 = tpu.memref_squeeze %dma_wait3A_1736 : memref<1x50x32xf32, #tpu.memory_space<hbm>> -> memref<50x32xf32, #tpu.memory_space<hbm>>
        %dma_wait3A_1738 = arith.constant 0 : i32
        %dma_wait3A_1739 = arith.constant 0 : i32
        %dma_wait3A_1740 = tpu.memref_slice %arg9[%dma_wait3A_1738, %dma_wait3A_1739] : memref<800x32xf32, #tpu.memory_space<vmem>> -> memref<50x32xf32, #tpu.memory_space<vmem>>
        tpu.wait_dma2 semaphore(%arg15 : memref<!tpu.dma_semaphore, #tpu.memory_space<semaphore_mem>>) src(%dma_wait3A_1740 : memref<50x32xf32, #tpu.memory_space<vmem>>) dst(%dma_wait3A_1737 : memref<50x32xf32, #tpu.memory_space<hbm>>)
        %dma_wait3A_1741 = arith.constant 0 : i32
        %dma_wait3A_1742 = arith.constant 0 : i32
        %dma_wait3A_1743 = arith.constant 0 : i32
        %dma_wait3A_1744 = tpu.memref_slice %arg9[%dma_wait3A_1742, %dma_wait3A_1743] : memref<800x32xf32, #tpu.memory_space<vmem>> -> memref<50x32xf32, #tpu.memory_space<vmem>>
        %dma_wait3A_1745 = arith.constant 0 : i32
        %dma_wait3A_1746 = arith.constant 0 : i32
        %dma_wait3A_1747 = tpu.memref_slice %arg4[%dma_wait3A_1741, %dma_wait3A_1745, %dma_wait3A_1746] : memref<4096x50x32xf32, #tpu.memory_space<hbm>> -> memref<1x50x32xf32, #tpu.memory_space<hbm>>
        %dma_wait3A_1748 = tpu.memref_squeeze %dma_wait3A_1747 : memref<1x50x32xf32, #tpu.memory_space<hbm>> -> memref<50x32xf32, #tpu.memory_space<hbm>>
        %dma_wait3A_1749 = arith.constant 0 : i32
        %dma_wait3A_1750 = arith.constant 0 : i32
        %dma_wait3A_1751 = tpu.memref_slice %arg4[%dma_wait3A_1741, %dma_wait3A_1749, %dma_wait3A_1750] : memref<4096x50x32xf32, #tpu.memory_space<hbm>> -> memref<1x50x32xf32, #tpu.memory_space<hbm>>
        %dma_wait3A_1752 = tpu.memref_squeeze %dma_wait3A_1751 : memref<1x50x32xf32, #tpu.memory_space<hbm>> -> memref<50x32xf32, #tpu.memory_space<hbm>>
        %dma_wait3A_1753 = arith.constant 0 : i32
        %dma_wait3A_1754 = arith.constant 0 : i32
        %dma_wait3A_1755 = tpu.memref_slice %arg9[%dma_wait3A_1753, %dma_wait3A_1754] : memref<800x32xf32, #tpu.memory_space<vmem>> -> memref<50x32xf32, #tpu.memory_space<vmem>>
        tpu.wait_dma2 semaphore(%arg15 : memref<!tpu.dma_semaphore, #tpu.memory_space<semaphore_mem>>) src(%dma_wait3A_1755 : memref<50x32xf32, #tpu.memory_space<vmem>>) dst(%dma_wait3A_1752 : memref<50x32xf32, #tpu.memory_space<hbm>>)
        %dma_wait3A_1756 = arith.constant 0 : i32
        %dma_wait3A_1757 = arith.constant 0 : i32
        %dma_wait3A_1758 = arith.constant 0 : i32
        %dma_wait3A_1759 = tpu.memref_slice %arg9[%dma_wait3A_1757, %dma_wait3A_1758] : memref<800x32xf32, #tpu.memory_space<vmem>> -> memref<50x32xf32, #tpu.memory_space<vmem>>
        %dma_wait3A_1760 = arith.constant 0 : i32
        %dma_wait3A_1761 = arith.constant 0 : i32
        %dma_wait3A_1762 = tpu.memref_slice %arg4[%dma_wait3A_1756, %dma_wait3A_1760, %dma_wait3A_1761] : memref<4096x50x32xf32, #tpu.memory_space<hbm>> -> memref<1x50x32xf32, #tpu.memory_space<hbm>>
        %dma_wait3A_1763 = tpu.memref_squeeze %dma_wait3A_1762 : memref<1x50x32xf32, #tpu.memory_space<hbm>> -> memref<50x32xf32, #tpu.memory_space<hbm>>
        %dma_wait3A_1764 = arith.constant 0 : i32
        %dma_wait3A_1765 = arith.constant 0 : i32
        %dma_wait3A_1766 = tpu.memref_slice %arg4[%dma_wait3A_1756, %dma_wait3A_1764, %dma_wait3A_1765] : memref<4096x50x32xf32, #tpu.memory_space<hbm>> -> memref<1x50x32xf32, #tpu.memory_space<hbm>>
        %dma_wait3A_1767 = tpu.memref_squeeze %dma_wait3A_1766 : memref<1x50x32xf32, #tpu.memory_space<hbm>> -> memref<50x32xf32, #tpu.memory_space<hbm>>
        %dma_wait3A_1768 = arith.constant 0 : i32
        %dma_wait3A_1769 = arith.constant 0 : i32
        %dma_wait3A_1770 = tpu.memref_slice %arg9[%dma_wait3A_1768, %dma_wait3A_1769] : memref<800x32xf32, #tpu.memory_space<vmem>> -> memref<50x32xf32, #tpu.memory_space<vmem>>
        tpu.wait_dma2 semaphore(%arg15 : memref<!tpu.dma_semaphore, #tpu.memory_space<semaphore_mem>>) src(%dma_wait3A_1770 : memref<50x32xf32, #tpu.memory_space<vmem>>) dst(%dma_wait3A_1767 : memref<50x32xf32, #tpu.memory_space<hbm>>)
        %dma_wait3A_1771 = arith.constant 0 : i32
        %dma_wait3A_1772 = arith.constant 0 : i32
        %dma_wait3A_1773 = arith.constant 0 : i32
        %dma_wait3A_1774 = tpu.memref_slice %arg9[%dma_wait3A_1772, %dma_wait3A_1773] : memref<800x32xf32, #tpu.memory_space<vmem>> -> memref<50x32xf32, #tpu.memory_space<vmem>>
        %dma_wait3A_1775 = arith.constant 0 : i32
        %dma_wait3A_1776 = arith.constant 0 : i32
        %dma_wait3A_1777 = tpu.memref_slice %arg4[%dma_wait3A_1771, %dma_wait3A_1775, %dma_wait3A_1776] : memref<4096x50x32xf32, #tpu.memory_space<hbm>> -> memref<1x50x32xf32, #tpu.memory_space<hbm>>
        %dma_wait3A_1778 = tpu.memref_squeeze %dma_wait3A_1777 : memref<1x50x32xf32, #tpu.memory_space<hbm>> -> memref<50x32xf32, #tpu.memory_space<hbm>>
        %dma_wait3A_1779 = arith.constant 0 : i32
        %dma_wait3A_1780 = arith.constant 0 : i32
        %dma_wait3A_1781 = tpu.memref_slice %arg4[%dma_wait3A_1771, %dma_wait3A_1779, %dma_wait3A_1780] : memref<4096x50x32xf32, #tpu.memory_space<hbm>> -> memref<1x50x32xf32, #tpu.memory_space<hbm>>
        %dma_wait3A_1782 = tpu.memref_squeeze %dma_wait3A_1781 : memref<1x50x32xf32, #tpu.memory_space<hbm>> -> memref<50x32xf32, #tpu.memory_space<hbm>>
        %dma_wait3A_1783 = arith.constant 0 : i32
        %dma_wait3A_1784 = arith.constant 0 : i32
        %dma_wait3A_1785 = tpu.memref_slice %arg9[%dma_wait3A_1783, %dma_wait3A_1784] : memref<800x32xf32, #tpu.memory_space<vmem>> -> memref<50x32xf32, #tpu.memory_space<vmem>>
        tpu.wait_dma2 semaphore(%arg15 : memref<!tpu.dma_semaphore, #tpu.memory_space<semaphore_mem>>) src(%dma_wait3A_1785 : memref<50x32xf32, #tpu.memory_space<vmem>>) dst(%dma_wait3A_1782 : memref<50x32xf32, #tpu.memory_space<hbm>>)
        %dma_wait3A_1786 = arith.constant 0 : i32
        %dma_wait3A_1787 = arith.constant 0 : i32
        %dma_wait3A_1788 = arith.constant 0 : i32
        %dma_wait3A_1789 = tpu.memref_slice %arg9[%dma_wait3A_1787, %dma_wait3A_1788] : memref<800x32xf32, #tpu.memory_space<vmem>> -> memref<50x32xf32, #tpu.memory_space<vmem>>
        %dma_wait3A_1790 = arith.constant 0 : i32
        %dma_wait3A_1791 = arith.constant 0 : i32
        %dma_wait3A_1792 = tpu.memref_slice %arg4[%dma_wait3A_1786, %dma_wait3A_1790, %dma_wait3A_1791] : memref<4096x50x32xf32, #tpu.memory_space<hbm>> -> memref<1x50x32xf32, #tpu.memory_space<hbm>>
        %dma_wait3A_1793 = tpu.memref_squeeze %dma_wait3A_1792 : memref<1x50x32xf32, #tpu.memory_space<hbm>> -> memref<50x32xf32, #tpu.memory_space<hbm>>
        %dma_wait3A_1794 = arith.constant 0 : i32
        %dma_wait3A_1795 = arith.constant 0 : i32
        %dma_wait3A_1796 = tpu.memref_slice %arg4[%dma_wait3A_1786, %dma_wait3A_1794, %dma_wait3A_1795] : memref<4096x50x32xf32, #tpu.memory_space<hbm>> -> memref<1x50x32xf32, #tpu.memory_space<hbm>>
        %dma_wait3A_1797 = tpu.memref_squeeze %dma_wait3A_1796 : memref<1x50x32xf32, #tpu.memory_space<hbm>> -> memref<50x32xf32, #tpu.memory_space<hbm>>
        %dma_wait3A_1798 = arith.constant 0 : i32
        %dma_wait3A_1799 = arith.constant 0 : i32
        %dma_wait3A_1800 = tpu.memref_slice %arg9[%dma_wait3A_1798, %dma_wait3A_1799] : memref<800x32xf32, #tpu.memory_space<vmem>> -> memref<50x32xf32, #tpu.memory_space<vmem>>
        tpu.wait_dma2 semaphore(%arg15 : memref<!tpu.dma_semaphore, #tpu.memory_space<semaphore_mem>>) src(%dma_wait3A_1800 : memref<50x32xf32, #tpu.memory_space<vmem>>) dst(%dma_wait3A_1797 : memref<50x32xf32, #tpu.memory_space<hbm>>)
        %dma_wait3A_1801 = arith.constant 0 : i32
        %dma_wait3A_1802 = arith.constant 0 : i32
        %dma_wait3A_1803 = arith.constant 0 : i32
        %dma_wait3A_1804 = tpu.memref_slice %arg9[%dma_wait3A_1802, %dma_wait3A_1803] : memref<800x32xf32, #tpu.memory_space<vmem>> -> memref<50x32xf32, #tpu.memory_space<vmem>>
        %dma_wait3A_1805 = arith.constant 0 : i32
        %dma_wait3A_1806 = arith.constant 0 : i32
        %dma_wait3A_1807 = tpu.memref_slice %arg4[%dma_wait3A_1801, %dma_wait3A_1805, %dma_wait3A_1806] : memref<4096x50x32xf32, #tpu.memory_space<hbm>> -> memref<1x50x32xf32, #tpu.memory_space<hbm>>
        %dma_wait3A_1808 = tpu.memref_squeeze %dma_wait3A_1807 : memref<1x50x32xf32, #tpu.memory_space<hbm>> -> memref<50x32xf32, #tpu.memory_space<hbm>>
        %dma_wait3A_1809 = arith.constant 0 : i32
        %dma_wait3A_1810 = arith.constant 0 : i32
        %dma_wait3A_1811 = tpu.memref_slice %arg4[%dma_wait3A_1801, %dma_wait3A_1809, %dma_wait3A_1810] : memref<4096x50x32xf32, #tpu.memory_space<hbm>> -> memref<1x50x32xf32, #tpu.memory_space<hbm>>
        %dma_wait3A_1812 = tpu.memref_squeeze %dma_wait3A_1811 : memref<1x50x32xf32, #tpu.memory_space<hbm>> -> memref<50x32xf32, #tpu.memory_space<hbm>>
        %dma_wait3A_1813 = arith.constant 0 : i32
        %dma_wait3A_1814 = arith.constant 0 : i32
        %dma_wait3A_1815 = tpu.memref_slice %arg9[%dma_wait3A_1813, %dma_wait3A_1814] : memref<800x32xf32, #tpu.memory_space<vmem>> -> memref<50x32xf32, #tpu.memory_space<vmem>>
        tpu.wait_dma2 semaphore(%arg15 : memref<!tpu.dma_semaphore, #tpu.memory_space<semaphore_mem>>) src(%dma_wait3A_1815 : memref<50x32xf32, #tpu.memory_space<vmem>>) dst(%dma_wait3A_1812 : memref<50x32xf32, #tpu.memory_space<hbm>>)
        %dma_wait3A_1816 = arith.constant 0 : i32
        %dma_wait3A_1817 = arith.constant 0 : i32
        %dma_wait3A_1818 = arith.constant 0 : i32
        %dma_wait3A_1819 = tpu.memref_slice %arg9[%dma_wait3A_1817, %dma_wait3A_1818] : memref<800x32xf32, #tpu.memory_space<vmem>> -> memref<50x32xf32, #tpu.memory_space<vmem>>
        %dma_wait3A_1820 = arith.constant 0 : i32
        %dma_wait3A_1821 = arith.constant 0 : i32
        %dma_wait3A_1822 = tpu.memref_slice %arg4[%dma_wait3A_1816, %dma_wait3A_1820, %dma_wait3A_1821] : memref<4096x50x32xf32, #tpu.memory_space<hbm>> -> memref<1x50x32xf32, #tpu.memory_space<hbm>>
        %dma_wait3A_1823 = tpu.memref_squeeze %dma_wait3A_1822 : memref<1x50x32xf32, #tpu.memory_space<hbm>> -> memref<50x32xf32, #tpu.memory_space<hbm>>
        %dma_wait3A_1824 = arith.constant 0 : i32
        %dma_wait3A_1825 = arith.constant 0 : i32
        %dma_wait3A_1826 = tpu.memref_slice %arg4[%dma_wait3A_1816, %dma_wait3A_1824, %dma_wait3A_1825] : memref<4096x50x32xf32, #tpu.memory_space<hbm>> -> memref<1x50x32xf32, #tpu.memory_space<hbm>>
        %dma_wait3A_1827 = tpu.memref_squeeze %dma_wait3A_1826 : memref<1x50x32xf32, #tpu.memory_space<hbm>> -> memref<50x32xf32, #tpu.memory_space<hbm>>
        %dma_wait3A_1828 = arith.constant 0 : i32
        %dma_wait3A_1829 = arith.constant 0 : i32
        %dma_wait3A_1830 = tpu.memref_slice %arg9[%dma_wait3A_1828, %dma_wait3A_1829] : memref<800x32xf32, #tpu.memory_space<vmem>> -> memref<50x32xf32, #tpu.memory_space<vmem>>
        tpu.wait_dma2 semaphore(%arg15 : memref<!tpu.dma_semaphore, #tpu.memory_space<semaphore_mem>>) src(%dma_wait3A_1830 : memref<50x32xf32, #tpu.memory_space<vmem>>) dst(%dma_wait3A_1827 : memref<50x32xf32, #tpu.memory_space<hbm>>)
        %dma_wait3A_1831 = arith.constant 0 : i32
        %dma_wait3A_1832 = arith.constant 0 : i32
        %dma_wait3A_1833 = arith.constant 0 : i32
        %dma_wait3A_1834 = tpu.memref_slice %arg9[%dma_wait3A_1832, %dma_wait3A_1833] : memref<800x32xf32, #tpu.memory_space<vmem>> -> memref<50x32xf32, #tpu.memory_space<vmem>>
        %dma_wait3A_1835 = arith.constant 0 : i32
        %dma_wait3A_1836 = arith.constant 0 : i32
        %dma_wait3A_1837 = tpu.memref_slice %arg4[%dma_wait3A_1831, %dma_wait3A_1835, %dma_wait3A_1836] : memref<4096x50x32xf32, #tpu.memory_space<hbm>> -> memref<1x50x32xf32, #tpu.memory_space<hbm>>
        %dma_wait3A_1838 = tpu.memref_squeeze %dma_wait3A_1837 : memref<1x50x32xf32, #tpu.memory_space<hbm>> -> memref<50x32xf32, #tpu.memory_space<hbm>>
        %dma_wait3A_1839 = arith.constant 0 : i32
        %dma_wait3A_1840 = arith.constant 0 : i32
        %dma_wait3A_1841 = tpu.memref_slice %arg4[%dma_wait3A_1831, %dma_wait3A_1839, %dma_wait3A_1840] : memref<4096x50x32xf32, #tpu.memory_space<hbm>> -> memref<1x50x32xf32, #tpu.memory_space<hbm>>
        %dma_wait3A_1842 = tpu.memref_squeeze %dma_wait3A_1841 : memref<1x50x32xf32, #tpu.memory_space<hbm>> -> memref<50x32xf32, #tpu.memory_space<hbm>>
        %dma_wait3A_1843 = arith.constant 0 : i32
        %dma_wait3A_1844 = arith.constant 0 : i32
        %dma_wait3A_1845 = tpu.memref_slice %arg9[%dma_wait3A_1843, %dma_wait3A_1844] : memref<800x32xf32, #tpu.memory_space<vmem>> -> memref<50x32xf32, #tpu.memory_space<vmem>>
        tpu.wait_dma2 semaphore(%arg15 : memref<!tpu.dma_semaphore, #tpu.memory_space<semaphore_mem>>) src(%dma_wait3A_1845 : memref<50x32xf32, #tpu.memory_space<vmem>>) dst(%dma_wait3A_1842 : memref<50x32xf32, #tpu.memory_space<hbm>>)
        %dma_wait3A_1846 = arith.constant 0 : i32
        %dma_wait3A_1847 = arith.constant 0 : i32
        %dma_wait3A_1848 = arith.constant 0 : i32
        %dma_wait3A_1849 = tpu.memref_slice %arg9[%dma_wait3A_1847, %dma_wait3A_1848] : memref<800x32xf32, #tpu.memory_space<vmem>> -> memref<50x32xf32, #tpu.memory_space<vmem>>
        %dma_wait3A_1850 = arith.constant 0 : i32
        %dma_wait3A_1851 = arith.constant 0 : i32
        %dma_wait3A_1852 = tpu.memref_slice %arg4[%dma_wait3A_1846, %dma_wait3A_1850, %dma_wait3A_1851] : memref<4096x50x32xf32, #tpu.memory_space<hbm>> -> memref<1x50x32xf32, #tpu.memory_space<hbm>>
        %dma_wait3A_1853 = tpu.memref_squeeze %dma_wait3A_1852 : memref<1x50x32xf32, #tpu.memory_space<hbm>> -> memref<50x32xf32, #tpu.memory_space<hbm>>
        %dma_wait3A_1854 = arith.constant 0 : i32
        %dma_wait3A_1855 = arith.constant 0 : i32
        %dma_wait3A_1856 = tpu.memref_slice %arg4[%dma_wait3A_1846, %dma_wait3A_1854, %dma_wait3A_1855] : memref<4096x50x32xf32, #tpu.memory_space<hbm>> -> memref<1x50x32xf32, #tpu.memory_space<hbm>>
        %dma_wait3A_1857 = tpu.memref_squeeze %dma_wait3A_1856 : memref<1x50x32xf32, #tpu.memory_space<hbm>> -> memref<50x32xf32, #tpu.memory_space<hbm>>
        %dma_wait3A_1858 = arith.constant 0 : i32
        %dma_wait3A_1859 = arith.constant 0 : i32
        %dma_wait3A_1860 = tpu.memref_slice %arg9[%dma_wait3A_1858, %dma_wait3A_1859] : memref<800x32xf32, #tpu.memory_space<vmem>> -> memref<50x32xf32, #tpu.memory_space<vmem>>
        tpu.wait_dma2 semaphore(%arg15 : memref<!tpu.dma_semaphore, #tpu.memory_space<semaphore_mem>>) src(%dma_wait3A_1860 : memref<50x32xf32, #tpu.memory_space<vmem>>) dst(%dma_wait3A_1857 : memref<50x32xf32, #tpu.memory_space<hbm>>)
        %dma_wait3A_1861 = arith.constant 0 : i32
        %dma_wait3A_1862 = arith.constant 0 : i32
        %dma_wait3A_1863 = arith.constant 0 : i32
        %dma_wait3A_1864 = tpu.memref_slice %arg9[%dma_wait3A_1862, %dma_wait3A_1863] : memref<800x32xf32, #tpu.memory_space<vmem>> -> memref<50x32xf32, #tpu.memory_space<vmem>>
        %dma_wait3A_1865 = arith.constant 0 : i32
        %dma_wait3A_1866 = arith.constant 0 : i32
        %dma_wait3A_1867 = tpu.memref_slice %arg4[%dma_wait3A_1861, %dma_wait3A_1865, %dma_wait3A_1866] : memref<4096x50x32xf32, #tpu.memory_space<hbm>> -> memref<1x50x32xf32, #tpu.memory_space<hbm>>
        %dma_wait3A_1868 = tpu.memref_squeeze %dma_wait3A_1867 : memref<1x50x32xf32, #tpu.memory_space<hbm>> -> memref<50x32xf32, #tpu.memory_space<hbm>>
        %dma_wait3A_1869 = arith.constant 0 : i32
        %dma_wait3A_1870 = arith.constant 0 : i32
        %dma_wait3A_1871 = tpu.memref_slice %arg4[%dma_wait3A_1861, %dma_wait3A_1869, %dma_wait3A_1870] : memref<4096x50x32xf32, #tpu.memory_space<hbm>> -> memref<1x50x32xf32, #tpu.memory_space<hbm>>
        %dma_wait3A_1872 = tpu.memref_squeeze %dma_wait3A_1871 : memref<1x50x32xf32, #tpu.memory_space<hbm>> -> memref<50x32xf32, #tpu.memory_space<hbm>>
        %dma_wait3A_1873 = arith.constant 0 : i32
        %dma_wait3A_1874 = arith.constant 0 : i32
        %dma_wait3A_1875 = tpu.memref_slice %arg9[%dma_wait3A_1873, %dma_wait3A_1874] : memref<800x32xf32, #tpu.memory_space<vmem>> -> memref<50x32xf32, #tpu.memory_space<vmem>>
        tpu.wait_dma2 semaphore(%arg15 : memref<!tpu.dma_semaphore, #tpu.memory_space<semaphore_mem>>) src(%dma_wait3A_1875 : memref<50x32xf32, #tpu.memory_space<vmem>>) dst(%dma_wait3A_1872 : memref<50x32xf32, #tpu.memory_space<hbm>>)
        %dma_wait3A_1876 = arith.constant 0 : i32
        %dma_wait3A_1877 = arith.constant 0 : i32
        %dma_wait3A_1878 = arith.constant 0 : i32
        %dma_wait3A_1879 = tpu.memref_slice %arg9[%dma_wait3A_1877, %dma_wait3A_1878] : memref<800x32xf32, #tpu.memory_space<vmem>> -> memref<50x32xf32, #tpu.memory_space<vmem>>
        %dma_wait3A_1880 = arith.constant 0 : i32
        %dma_wait3A_1881 = arith.constant 0 : i32
        %dma_wait3A_1882 = tpu.memref_slice %arg4[%dma_wait3A_1876, %dma_wait3A_1880, %dma_wait3A_1881] : memref<4096x50x32xf32, #tpu.memory_space<hbm>> -> memref<1x50x32xf32, #tpu.memory_space<hbm>>
        %dma_wait3A_1883 = tpu.memref_squeeze %dma_wait3A_1882 : memref<1x50x32xf32, #tpu.memory_space<hbm>> -> memref<50x32xf32, #tpu.memory_space<hbm>>
        %dma_wait3A_1884 = arith.constant 0 : i32
        %dma_wait3A_1885 = arith.constant 0 : i32
        %dma_wait3A_1886 = tpu.memref_slice %arg4[%dma_wait3A_1876, %dma_wait3A_1884, %dma_wait3A_1885] : memref<4096x50x32xf32, #tpu.memory_space<hbm>> -> memref<1x50x32xf32, #tpu.memory_space<hbm>>
        %dma_wait3A_1887 = tpu.memref_squeeze %dma_wait3A_1886 : memref<1x50x32xf32, #tpu.memory_space<hbm>> -> memref<50x32xf32, #tpu.memory_space<hbm>>
        %dma_wait3A_1888 = arith.constant 0 : i32
        %dma_wait3A_1889 = arith.constant 0 : i32
        %dma_wait3A_1890 = tpu.memref_slice %arg9[%dma_wait3A_1888, %dma_wait3A_1889] : memref<800x32xf32, #tpu.memory_space<vmem>> -> memref<50x32xf32, #tpu.memory_space<vmem>>
        tpu.wait_dma2 semaphore(%arg15 : memref<!tpu.dma_semaphore, #tpu.memory_space<semaphore_mem>>) src(%dma_wait3A_1890 : memref<50x32xf32, #tpu.memory_space<vmem>>) dst(%dma_wait3A_1887 : memref<50x32xf32, #tpu.memory_space<hbm>>)
        %dma_wait3A_1891 = arith.constant 0 : i32
        %dma_wait3A_1892 = arith.constant 0 : i32
        %dma_wait3A_1893 = arith.constant 0 : i32
        %dma_wait3A_1894 = tpu.memref_slice %arg9[%dma_wait3A_1892, %dma_wait3A_1893] : memref<800x32xf32, #tpu.memory_space<vmem>> -> memref<50x32xf32, #tpu.memory_space<vmem>>
        %dma_wait3A_1895 = arith.constant 0 : i32
        %dma_wait3A_1896 = arith.constant 0 : i32
        %dma_wait3A_1897 = tpu.memref_slice %arg4[%dma_wait3A_1891, %dma_wait3A_1895, %dma_wait3A_1896] : memref<4096x50x32xf32, #tpu.memory_space<hbm>> -> memref<1x50x32xf32, #tpu.memory_space<hbm>>
        %dma_wait3A_1898 = tpu.memref_squeeze %dma_wait3A_1897 : memref<1x50x32xf32, #tpu.memory_space<hbm>> -> memref<50x32xf32, #tpu.memory_space<hbm>>
        %dma_wait3A_1899 = arith.constant 0 : i32
        %dma_wait3A_1900 = arith.constant 0 : i32
        %dma_wait3A_1901 = tpu.memref_slice %arg4[%dma_wait3A_1891, %dma_wait3A_1899, %dma_wait3A_1900] : memref<4096x50x32xf32, #tpu.memory_space<hbm>> -> memref<1x50x32xf32, #tpu.memory_space<hbm>>
        %dma_wait3A_1902 = tpu.memref_squeeze %dma_wait3A_1901 : memref<1x50x32xf32, #tpu.memory_space<hbm>> -> memref<50x32xf32, #tpu.memory_space<hbm>>
        %dma_wait3A_1903 = arith.constant 0 : i32
        %dma_wait3A_1904 = arith.constant 0 : i32
        %dma_wait3A_1905 = tpu.memref_slice %arg9[%dma_wait3A_1903, %dma_wait3A_1904] : memref<800x32xf32, #tpu.memory_space<vmem>> -> memref<50x32xf32, #tpu.memory_space<vmem>>
        tpu.wait_dma2 semaphore(%arg15 : memref<!tpu.dma_semaphore, #tpu.memory_space<semaphore_mem>>) src(%dma_wait3A_1905 : memref<50x32xf32, #tpu.memory_space<vmem>>) dst(%dma_wait3A_1902 : memref<50x32xf32, #tpu.memory_space<hbm>>)
        %dma_wait3A_1906 = arith.constant 0 : i32
        %dma_wait3A_1907 = arith.constant 0 : i32
        %dma_wait3A_1908 = arith.constant 0 : i32
        %dma_wait3A_1909 = tpu.memref_slice %arg9[%dma_wait3A_1907, %dma_wait3A_1908] : memref<800x32xf32, #tpu.memory_space<vmem>> -> memref<50x32xf32, #tpu.memory_space<vmem>>
        %dma_wait3A_1910 = arith.constant 0 : i32
        %dma_wait3A_1911 = arith.constant 0 : i32
        %dma_wait3A_1912 = tpu.memref_slice %arg4[%dma_wait3A_1906, %dma_wait3A_1910, %dma_wait3A_1911] : memref<4096x50x32xf32, #tpu.memory_space<hbm>> -> memref<1x50x32xf32, #tpu.memory_space<hbm>>
        %dma_wait3A_1913 = tpu.memref_squeeze %dma_wait3A_1912 : memref<1x50x32xf32, #tpu.memory_space<hbm>> -> memref<50x32xf32, #tpu.memory_space<hbm>>
        %dma_wait3A_1914 = arith.constant 0 : i32
        %dma_wait3A_1915 = arith.constant 0 : i32
        %dma_wait3A_1916 = tpu.memref_slice %arg4[%dma_wait3A_1906, %dma_wait3A_1914, %dma_wait3A_1915] : memref<4096x50x32xf32, #tpu.memory_space<hbm>> -> memref<1x50x32xf32, #tpu.memory_space<hbm>>
        %dma_wait3A_1917 = tpu.memref_squeeze %dma_wait3A_1916 : memref<1x50x32xf32, #tpu.memory_space<hbm>> -> memref<50x32xf32, #tpu.memory_space<hbm>>
        %dma_wait3A_1918 = arith.constant 0 : i32
        %dma_wait3A_1919 = arith.constant 0 : i32
        %dma_wait3A_1920 = tpu.memref_slice %arg9[%dma_wait3A_1918, %dma_wait3A_1919] : memref<800x32xf32, #tpu.memory_space<vmem>> -> memref<50x32xf32, #tpu.memory_space<vmem>>
        tpu.wait_dma2 semaphore(%arg15 : memref<!tpu.dma_semaphore, #tpu.memory_space<semaphore_mem>>) src(%dma_wait3A_1920 : memref<50x32xf32, #tpu.memory_space<vmem>>) dst(%dma_wait3A_1917 : memref<50x32xf32, #tpu.memory_space<hbm>>)
        %scan3A_1921 = arith.constant 0 : i32
        %scan3A_1922 = arith.constant 0 : i32
        %scan3A_1923 = arith.constant 800 : i32
        %scan3A_1924 = arith.addi %scan3A_1922, %scan3A_1923 : i32
        %scan3A_1925 = arith.constant 1 : i32
        %scan3A_1926 = scf.for %scan3A_2068 = %scan3A_1922 to %scan3A_1924 step %scan3A_1925 iter_args(%scan3A_2069 = %scan3A_1921) -> (i32)  : i32 {
          %swap3A = arith.index_cast %scan3A_2068 : i32 to index
          %swap3A_2070 = arith.constant 0 : index
          %swap3A_2071 = tpu.vector_load %arg9[%swap3A, %swap3A_2070] {strides = array<i32>} : memref<800x32xf32, #tpu.memory_space<vmem>>, vector<16xf32>,
          tpu.vector_store %arg9[%swap3A, %swap3A_2070], %broadcast_in_dim3A_1 {strides = array<i32>} : memref<800x32xf32, #tpu.memory_space<vmem>>, vector<16xf32>,
          %swap3A_2072 = arith.index_cast %scan3A_2068 : i32 to index
          %swap3A_2073 = arith.constant 16 : index
          %swap3A_2074 = tpu.vector_load %arg9[%swap3A_2072, %swap3A_2073] {strides = array<i32>} : memref<800x32xf32, #tpu.memory_space<vmem>>, vector<16xf32>,
          tpu.vector_store %arg9[%swap3A_2072, %swap3A_2073], %broadcast_in_dim3A_1 {strides = array<i32>} : memref<800x32xf32, #tpu.memory_space<vmem>>, vector<16xf32>,
          %scan3A_2075 = arith.constant 0 : i32
          scf.yield %scan3A_2075 : i32
        }
        %scan3A_1927 = arith.constant 800 : i32
        %dma_start3A_1928 = arith.constant 0 : i32
        %dma_start3A_1929 = arith.constant 0 : i32
        %dma_start3A_1930 = tpu.memref_slice %arg7[%dma_start3A_1928, %dma_start3A_1929] : memref<20x800xi32, #tpu.memory_space<vmem>> -> memref<1x800xi32, #tpu.memory_space<vmem>>
        %dma_start3A_1931 = tpu.memref_squeeze %dma_start3A_1930 : memref<1x800xi32, #tpu.memory_space<vmem>> -> memref<800xi32, #tpu.memory_space<vmem>>
        %dma_start3A_1932 = arith.constant 0 : i32
        %dma_start3A_1933 = arith.constant 0 : i32
        %dma_start3A_1934 = tpu.memref_slice %arg3[%dma_start3A_1932, %dma_start3A_1933] : memref<1000000x32xf32, #tpu.memory_space<hbm>> -> memref<1000000x32xf32, #tpu.memory_space<hbm>>
        tpu.enqueue_indirect_dma source(%dma_start3A_1934 : memref<1000000x32xf32, #tpu.memory_space<hbm>>) target(%arg9 : memref<800x32xf32, #tpu.memory_space<vmem>>) offsets(%dma_start3A_1931 : memref<800xi32, #tpu.memory_space<vmem>>) semaphore(%arg11 : memref<!tpu.dma_semaphore, #tpu.memory_space<semaphore_mem>>) {add = true}
        %dma_start3A_1935 = arith.constant 1 : i32
        %dma_start3A_1936 = arith.constant 0 : i32
        %dma_start3A_1937 = tpu.memref_slice %arg7[%dma_start3A_1935, %dma_start3A_1936] : memref<20x800xi32, #tpu.memory_space<vmem>> -> memref<1x800xi32, #tpu.memory_space<vmem>>
        %dma_start3A_1938 = tpu.memref_squeeze %dma_start3A_1937 : memref<1x800xi32, #tpu.memory_space<vmem>> -> memref<800xi32, #tpu.memory_space<vmem>>
        %dma_start3A_1939 = arith.constant 0 : i32
        %dma_start3A_1940 = arith.constant 0 : i32
        %dma_start3A_1941 = tpu.memref_slice %arg3[%dma_start3A_1939, %dma_start3A_1940] : memref<1000000x32xf32, #tpu.memory_space<hbm>> -> memref<1000000x32xf32, #tpu.memory_space<hbm>>
        tpu.enqueue_indirect_dma source(%dma_start3A_1941 : memref<1000000x32xf32, #tpu.memory_space<hbm>>) target(%arg9 : memref<800x32xf32, #tpu.memory_space<vmem>>) offsets(%dma_start3A_1938 : memref<800xi32, #tpu.memory_space<vmem>>) semaphore(%arg11 : memref<!tpu.dma_semaphore, #tpu.memory_space<semaphore_mem>>) {add = true}
        %dma_start3A_1942 = arith.constant 2 : i32
        %dma_start3A_1943 = arith.constant 0 : i32
        %dma_start3A_1944 = tpu.memref_slice %arg7[%dma_start3A_1942, %dma_start3A_1943] : memref<20x800xi32, #tpu.memory_space<vmem>> -> memref<1x800xi32, #tpu.memory_space<vmem>>
        %dma_start3A_1945 = tpu.memref_squeeze %dma_start3A_1944 : memref<1x800xi32, #tpu.memory_space<vmem>> -> memref<800xi32, #tpu.memory_space<vmem>>
        %dma_start3A_1946 = arith.constant 0 : i32
        %dma_start3A_1947 = arith.constant 0 : i32
        %dma_start3A_1948 = tpu.memref_slice %arg3[%dma_start3A_1946, %dma_start3A_1947] : memref<1000000x32xf32, #tpu.memory_space<hbm>> -> memref<1000000x32xf32, #tpu.memory_space<hbm>>
        tpu.enqueue_indirect_dma source(%dma_start3A_1948 : memref<1000000x32xf32, #tpu.memory_space<hbm>>) target(%arg9 : memref<800x32xf32, #tpu.memory_space<vmem>>) offsets(%dma_start3A_1945 : memref<800xi32, #tpu.memory_space<vmem>>) semaphore(%arg11 : memref<!tpu.dma_semaphore, #tpu.memory_space<semaphore_mem>>) {add = true}
        %dma_start3A_1949 = arith.constant 3 : i32
        %dma_start3A_1950 = arith.constant 0 : i32
        %dma_start3A_1951 = tpu.memref_slice %arg7[%dma_start3A_1949, %dma_start3A_1950] : memref<20x800xi32, #tpu.memory_space<vmem>> -> memref<1x800xi32, #tpu.memory_space<vmem>>
        %dma_start3A_1952 = tpu.memref_squeeze %dma_start3A_1951 : memref<1x800xi32, #tpu.memory_space<vmem>> -> memref<800xi32, #tpu.memory_space<vmem>>
        %dma_start3A_1953 = arith.constant 0 : i32
        %dma_start3A_1954 = arith.constant 0 : i32
        %dma_start3A_1955 = tpu.memref_slice %arg3[%dma_start3A_1953, %dma_start3A_1954] : memref<1000000x32xf32, #tpu.memory_space<hbm>> -> memref<1000000x32xf32, #tpu.memory_space<hbm>>
        tpu.enqueue_indirect_dma source(%dma_start3A_1955 : memref<1000000x32xf32, #tpu.memory_space<hbm>>) target(%arg9 : memref<800x32xf32, #tpu.memory_space<vmem>>) offsets(%dma_start3A_1952 : memref<800xi32, #tpu.memory_space<vmem>>) semaphore(%arg11 : memref<!tpu.dma_semaphore, #tpu.memory_space<semaphore_mem>>) {add = true}
        %dma_start3A_1956 = arith.constant 4 : i32
        %dma_start3A_1957 = arith.constant 0 : i32
        %dma_start3A_1958 = tpu.memref_slice %arg7[%dma_start3A_1956, %dma_start3A_1957] : memref<20x800xi32, #tpu.memory_space<vmem>> -> memref<1x800xi32, #tpu.memory_space<vmem>>
        %dma_start3A_1959 = tpu.memref_squeeze %dma_start3A_1958 : memref<1x800xi32, #tpu.memory_space<vmem>> -> memref<800xi32, #tpu.memory_space<vmem>>
        %dma_start3A_1960 = arith.constant 0 : i32
        %dma_start3A_1961 = arith.constant 0 : i32
        %dma_start3A_1962 = tpu.memref_slice %arg3[%dma_start3A_1960, %dma_start3A_1961] : memref<1000000x32xf32, #tpu.memory_space<hbm>> -> memref<1000000x32xf32, #tpu.memory_space<hbm>>
        tpu.enqueue_indirect_dma source(%dma_start3A_1962 : memref<1000000x32xf32, #tpu.memory_space<hbm>>) target(%arg9 : memref<800x32xf32, #tpu.memory_space<vmem>>) offsets(%dma_start3A_1959 : memref<800xi32, #tpu.memory_space<vmem>>) semaphore(%arg11 : memref<!tpu.dma_semaphore, #tpu.memory_space<semaphore_mem>>) {add = true}
        %dma_start3A_1963 = arith.constant 5 : i32
        %dma_start3A_1964 = arith.constant 0 : i32
        %dma_start3A_1965 = tpu.memref_slice %arg7[%dma_start3A_1963, %dma_start3A_1964] : memref<20x800xi32, #tpu.memory_space<vmem>> -> memref<1x800xi32, #tpu.memory_space<vmem>>
        %dma_start3A_1966 = tpu.memref_squeeze %dma_start3A_1965 : memref<1x800xi32, #tpu.memory_space<vmem>> -> memref<800xi32, #tpu.memory_space<vmem>>
        %dma_start3A_1967 = arith.constant 0 : i32
        %dma_start3A_1968 = arith.constant 0 : i32
        %dma_start3A_1969 = tpu.memref_slice %arg3[%dma_start3A_1967, %dma_start3A_1968] : memref<1000000x32xf32, #tpu.memory_space<hbm>> -> memref<1000000x32xf32, #tpu.memory_space<hbm>>
        tpu.enqueue_indirect_dma source(%dma_start3A_1969 : memref<1000000x32xf32, #tpu.memory_space<hbm>>) target(%arg9 : memref<800x32xf32, #tpu.memory_space<vmem>>) offsets(%dma_start3A_1966 : memref<800xi32, #tpu.memory_space<vmem>>) semaphore(%arg11 : memref<!tpu.dma_semaphore, #tpu.memory_space<semaphore_mem>>) {add = true}
        %dma_start3A_1970 = arith.constant 6 : i32
        %dma_start3A_1971 = arith.constant 0 : i32
        %dma_start3A_1972 = tpu.memref_slice %arg7[%dma_start3A_1970, %dma_start3A_1971] : memref<20x800xi32, #tpu.memory_space<vmem>> -> memref<1x800xi32, #tpu.memory_space<vmem>>
        %dma_start3A_1973 = tpu.memref_squeeze %dma_start3A_1972 : memref<1x800xi32, #tpu.memory_space<vmem>> -> memref<800xi32, #tpu.memory_space<vmem>>
        %dma_start3A_1974 = arith.constant 0 : i32
        %dma_start3A_1975 = arith.constant 0 : i32
        %dma_start3A_1976 = tpu.memref_slice %arg3[%dma_start3A_1974, %dma_start3A_1975] : memref<1000000x32xf32, #tpu.memory_space<hbm>> -> memref<1000000x32xf32, #tpu.memory_space<hbm>>
        tpu.enqueue_indirect_dma source(%dma_start3A_1976 : memref<1000000x32xf32, #tpu.memory_space<hbm>>) target(%arg9 : memref<800x32xf32, #tpu.memory_space<vmem>>) offsets(%dma_start3A_1973 : memref<800xi32, #tpu.memory_space<vmem>>) semaphore(%arg11 : memref<!tpu.dma_semaphore, #tpu.memory_space<semaphore_mem>>) {add = true}
        %dma_start3A_1977 = arith.constant 7 : i32
        %dma_start3A_1978 = arith.constant 0 : i32
        %dma_start3A_1979 = tpu.memref_slice %arg7[%dma_start3A_1977, %dma_start3A_1978] : memref<20x800xi32, #tpu.memory_space<vmem>> -> memref<1x800xi32, #tpu.memory_space<vmem>>
        %dma_start3A_1980 = tpu.memref_squeeze %dma_start3A_1979 : memref<1x800xi32, #tpu.memory_space<vmem>> -> memref<800xi32, #tpu.memory_space<vmem>>
        %dma_start3A_1981 = arith.constant 0 : i32
        %dma_start3A_1982 = arith.constant 0 : i32
        %dma_start3A_1983 = tpu.memref_slice %arg3[%dma_start3A_1981, %dma_start3A_1982] : memref<1000000x32xf32, #tpu.memory_space<hbm>> -> memref<1000000x32xf32, #tpu.memory_space<hbm>>
        tpu.enqueue_indirect_dma source(%dma_start3A_1983 : memref<1000000x32xf32, #tpu.memory_space<hbm>>) target(%arg9 : memref<800x32xf32, #tpu.memory_space<vmem>>) offsets(%dma_start3A_1980 : memref<800xi32, #tpu.memory_space<vmem>>) semaphore(%arg11 : memref<!tpu.dma_semaphore, #tpu.memory_space<semaphore_mem>>) {add = true}
        %dma_start3A_1984 = arith.constant 8 : i32
        %dma_start3A_1985 = arith.constant 0 : i32
        %dma_start3A_1986 = tpu.memref_slice %arg7[%dma_start3A_1984, %dma_start3A_1985] : memref<20x800xi32, #tpu.memory_space<vmem>> -> memref<1x800xi32, #tpu.memory_space<vmem>>
        %dma_start3A_1987 = tpu.memref_squeeze %dma_start3A_1986 : memref<1x800xi32, #tpu.memory_space<vmem>> -> memref<800xi32, #tpu.memory_space<vmem>>
        %dma_start3A_1988 = arith.constant 0 : i32
        %dma_start3A_1989 = arith.constant 0 : i32
        %dma_start3A_1990 = tpu.memref_slice %arg3[%dma_start3A_1988, %dma_start3A_1989] : memref<1000000x32xf32, #tpu.memory_space<hbm>> -> memref<1000000x32xf32, #tpu.memory_space<hbm>>
        tpu.enqueue_indirect_dma source(%dma_start3A_1990 : memref<1000000x32xf32, #tpu.memory_space<hbm>>) target(%arg9 : memref<800x32xf32, #tpu.memory_space<vmem>>) offsets(%dma_start3A_1987 : memref<800xi32, #tpu.memory_space<vmem>>) semaphore(%arg11 : memref<!tpu.dma_semaphore, #tpu.memory_space<semaphore_mem>>) {add = true}
        %dma_start3A_1991 = arith.constant 9 : i32
        %dma_start3A_1992 = arith.constant 0 : i32
        %dma_start3A_1993 = tpu.memref_slice %arg7[%dma_start3A_1991, %dma_start3A_1992] : memref<20x800xi32, #tpu.memory_space<vmem>> -> memref<1x800xi32, #tpu.memory_space<vmem>>
        %dma_start3A_1994 = tpu.memref_squeeze %dma_start3A_1993 : memref<1x800xi32, #tpu.memory_space<vmem>> -> memref<800xi32, #tpu.memory_space<vmem>>
        %dma_start3A_1995 = arith.constant 0 : i32
        %dma_start3A_1996 = arith.constant 0 : i32
        %dma_start3A_1997 = tpu.memref_slice %arg3[%dma_start3A_1995, %dma_start3A_1996] : memref<1000000x32xf32, #tpu.memory_space<hbm>> -> memref<1000000x32xf32, #tpu.memory_space<hbm>>
        tpu.enqueue_indirect_dma source(%dma_start3A_1997 : memref<1000000x32xf32, #tpu.memory_space<hbm>>) target(%arg9 : memref<800x32xf32, #tpu.memory_space<vmem>>) offsets(%dma_start3A_1994 : memref<800xi32, #tpu.memory_space<vmem>>) semaphore(%arg11 : memref<!tpu.dma_semaphore, #tpu.memory_space<semaphore_mem>>) {add = true}
        %dma_start3A_1998 = arith.constant 10 : i32
        %dma_start3A_1999 = arith.constant 0 : i32
        %dma_start3A_2000 = tpu.memref_slice %arg7[%dma_start3A_1998, %dma_start3A_1999] : memref<20x800xi32, #tpu.memory_space<vmem>> -> memref<1x800xi32, #tpu.memory_space<vmem>>
        %dma_start3A_2001 = tpu.memref_squeeze %dma_start3A_2000 : memref<1x800xi32, #tpu.memory_space<vmem>> -> memref<800xi32, #tpu.memory_space<vmem>>
        %dma_start3A_2002 = arith.constant 0 : i32
        %dma_start3A_2003 = arith.constant 0 : i32
        %dma_start3A_2004 = tpu.memref_slice %arg3[%dma_start3A_2002, %dma_start3A_2003] : memref<1000000x32xf32, #tpu.memory_space<hbm>> -> memref<1000000x32xf32, #tpu.memory_space<hbm>>
        tpu.enqueue_indirect_dma source(%dma_start3A_2004 : memref<1000000x32xf32, #tpu.memory_space<hbm>>) target(%arg9 : memref<800x32xf32, #tpu.memory_space<vmem>>) offsets(%dma_start3A_2001 : memref<800xi32, #tpu.memory_space<vmem>>) semaphore(%arg11 : memref<!tpu.dma_semaphore, #tpu.memory_space<semaphore_mem>>) {add = true}
        %dma_start3A_2005 = arith.constant 11 : i32
        %dma_start3A_2006 = arith.constant 0 : i32
        %dma_start3A_2007 = tpu.memref_slice %arg7[%dma_start3A_2005, %dma_start3A_2006] : memref<20x800xi32, #tpu.memory_space<vmem>> -> memref<1x800xi32, #tpu.memory_space<vmem>>
        %dma_start3A_2008 = tpu.memref_squeeze %dma_start3A_2007 : memref<1x800xi32, #tpu.memory_space<vmem>> -> memref<800xi32, #tpu.memory_space<vmem>>
        %dma_start3A_2009 = arith.constant 0 : i32
        %dma_start3A_2010 = arith.constant 0 : i32
        %dma_start3A_2011 = tpu.memref_slice %arg3[%dma_start3A_2009, %dma_start3A_2010] : memref<1000000x32xf32, #tpu.memory_space<hbm>> -> memref<1000000x32xf32, #tpu.memory_space<hbm>>
        tpu.enqueue_indirect_dma source(%dma_start3A_2011 : memref<1000000x32xf32, #tpu.memory_space<hbm>>) target(%arg9 : memref<800x32xf32, #tpu.memory_space<vmem>>) offsets(%dma_start3A_2008 : memref<800xi32, #tpu.memory_space<vmem>>) semaphore(%arg11 : memref<!tpu.dma_semaphore, #tpu.memory_space<semaphore_mem>>) {add = true}
        %dma_start3A_2012 = arith.constant 12 : i32
        %dma_start3A_2013 = arith.constant 0 : i32
        %dma_start3A_2014 = tpu.memref_slice %arg7[%dma_start3A_2012, %dma_start3A_2013] : memref<20x800xi32, #tpu.memory_space<vmem>> -> memref<1x800xi32, #tpu.memory_space<vmem>>
        %dma_start3A_2015 = tpu.memref_squeeze %dma_start3A_2014 : memref<1x800xi32, #tpu.memory_space<vmem>> -> memref<800xi32, #tpu.memory_space<vmem>>
        %dma_start3A_2016 = arith.constant 0 : i32
        %dma_start3A_2017 = arith.constant 0 : i32
        %dma_start3A_2018 = tpu.memref_slice %arg3[%dma_start3A_2016, %dma_start3A_2017] : memref<1000000x32xf32, #tpu.memory_space<hbm>> -> memref<1000000x32xf32, #tpu.memory_space<hbm>>
        tpu.enqueue_indirect_dma source(%dma_start3A_2018 : memref<1000000x32xf32, #tpu.memory_space<hbm>>) target(%arg9 : memref<800x32xf32, #tpu.memory_space<vmem>>) offsets(%dma_start3A_2015 : memref<800xi32, #tpu.memory_space<vmem>>) semaphore(%arg11 : memref<!tpu.dma_semaphore, #tpu.memory_space<semaphore_mem>>) {add = true}
        %dma_start3A_2019 = arith.constant 13 : i32
        %dma_start3A_2020 = arith.constant 0 : i32
        %dma_start3A_2021 = tpu.memref_slice %arg7[%dma_start3A_2019, %dma_start3A_2020] : memref<20x800xi32, #tpu.memory_space<vmem>> -> memref<1x800xi32, #tpu.memory_space<vmem>>
        %dma_start3A_2022 = tpu.memref_squeeze %dma_start3A_2021 : memref<1x800xi32, #tpu.memory_space<vmem>> -> memref<800xi32, #tpu.memory_space<vmem>>
        %dma_start3A_2023 = arith.constant 0 : i32
        %dma_start3A_2024 = arith.constant 0 : i32
        %dma_start3A_2025 = tpu.memref_slice %arg3[%dma_start3A_2023, %dma_start3A_2024] : memref<1000000x32xf32, #tpu.memory_space<hbm>> -> memref<1000000x32xf32, #tpu.memory_space<hbm>>
        tpu.enqueue_indirect_dma source(%dma_start3A_2025 : memref<1000000x32xf32, #tpu.memory_space<hbm>>) target(%arg9 : memref<800x32xf32, #tpu.memory_space<vmem>>) offsets(%dma_start3A_2022 : memref<800xi32, #tpu.memory_space<vmem>>) semaphore(%arg11 : memref<!tpu.dma_semaphore, #tpu.memory_space<semaphore_mem>>) {add = true}
        %dma_start3A_2026 = arith.constant 14 : i32
        %dma_start3A_2027 = arith.constant 0 : i32
        %dma_start3A_2028 = tpu.memref_slice %arg7[%dma_start3A_2026, %dma_start3A_2027] : memref<20x800xi32, #tpu.memory_space<vmem>> -> memref<1x800xi32, #tpu.memory_space<vmem>>
        %dma_start3A_2029 = tpu.memref_squeeze %dma_start3A_2028 : memref<1x800xi32, #tpu.memory_space<vmem>> -> memref<800xi32, #tpu.memory_space<vmem>>
        %dma_start3A_2030 = arith.constant 0 : i32
        %dma_start3A_2031 = arith.constant 0 : i32
        %dma_start3A_2032 = tpu.memref_slice %arg3[%dma_start3A_2030, %dma_start3A_2031] : memref<1000000x32xf32, #tpu.memory_space<hbm>> -> memref<1000000x32xf32, #tpu.memory_space<hbm>>
        tpu.enqueue_indirect_dma source(%dma_start3A_2032 : memref<1000000x32xf32, #tpu.memory_space<hbm>>) target(%arg9 : memref<800x32xf32, #tpu.memory_space<vmem>>) offsets(%dma_start3A_2029 : memref<800xi32, #tpu.memory_space<vmem>>) semaphore(%arg11 : memref<!tpu.dma_semaphore, #tpu.memory_space<semaphore_mem>>) {add = true}
        %dma_start3A_2033 = arith.constant 15 : i32
        %dma_start3A_2034 = arith.constant 0 : i32
        %dma_start3A_2035 = tpu.memref_slice %arg7[%dma_start3A_2033, %dma_start3A_2034] : memref<20x800xi32, #tpu.memory_space<vmem>> -> memref<1x800xi32, #tpu.memory_space<vmem>>
        %dma_start3A_2036 = tpu.memref_squeeze %dma_start3A_2035 : memref<1x800xi32, #tpu.memory_space<vmem>> -> memref<800xi32, #tpu.memory_space<vmem>>
        %dma_start3A_2037 = arith.constant 0 : i32
        %dma_start3A_2038 = arith.constant 0 : i32
        %dma_start3A_2039 = tpu.memref_slice %arg3[%dma_start3A_2037, %dma_start3A_2038] : memref<1000000x32xf32, #tpu.memory_space<hbm>> -> memref<1000000x32xf32, #tpu.memory_space<hbm>>
        tpu.enqueue_indirect_dma source(%dma_start3A_2039 : memref<1000000x32xf32, #tpu.memory_space<hbm>>) target(%arg9 : memref<800x32xf32, #tpu.memory_space<vmem>>) offsets(%dma_start3A_2036 : memref<800xi32, #tpu.memory_space<vmem>>) semaphore(%arg11 : memref<!tpu.dma_semaphore, #tpu.memory_space<semaphore_mem>>) {add = true}
        %dma_start3A_2040 = arith.constant 16 : i32
        %dma_start3A_2041 = arith.constant 0 : i32
        %dma_start3A_2042 = tpu.memref_slice %arg7[%dma_start3A_2040, %dma_start3A_2041] : memref<20x800xi32, #tpu.memory_space<vmem>> -> memref<1x800xi32, #tpu.memory_space<vmem>>
        %dma_start3A_2043 = tpu.memref_squeeze %dma_start3A_2042 : memref<1x800xi32, #tpu.memory_space<vmem>> -> memref<800xi32, #tpu.memory_space<vmem>>
        %dma_start3A_2044 = arith.constant 0 : i32
        %dma_start3A_2045 = arith.constant 0 : i32
        %dma_start3A_2046 = tpu.memref_slice %arg3[%dma_start3A_2044, %dma_start3A_2045] : memref<1000000x32xf32, #tpu.memory_space<hbm>> -> memref<1000000x32xf32, #tpu.memory_space<hbm>>
        tpu.enqueue_indirect_dma source(%dma_start3A_2046 : memref<1000000x32xf32, #tpu.memory_space<hbm>>) target(%arg9 : memref<800x32xf32, #tpu.memory_space<vmem>>) offsets(%dma_start3A_2043 : memref<800xi32, #tpu.memory_space<vmem>>) semaphore(%arg11 : memref<!tpu.dma_semaphore, #tpu.memory_space<semaphore_mem>>) {add = true}
        %dma_start3A_2047 = arith.constant 17 : i32
        %dma_start3A_2048 = arith.constant 0 : i32
        %dma_start3A_2049 = tpu.memref_slice %arg7[%dma_start3A_2047, %dma_start3A_2048] : memref<20x800xi32, #tpu.memory_space<vmem>> -> memref<1x800xi32, #tpu.memory_space<vmem>>
        %dma_start3A_2050 = tpu.memref_squeeze %dma_start3A_2049 : memref<1x800xi32, #tpu.memory_space<vmem>> -> memref<800xi32, #tpu.memory_space<vmem>>
        %dma_start3A_2051 = arith.constant 0 : i32
        %dma_start3A_2052 = arith.constant 0 : i32
        %dma_start3A_2053 = tpu.memref_slice %arg3[%dma_start3A_2051, %dma_start3A_2052] : memref<1000000x32xf32, #tpu.memory_space<hbm>> -> memref<1000000x32xf32, #tpu.memory_space<hbm>>
        tpu.enqueue_indirect_dma source(%dma_start3A_2053 : memref<1000000x32xf32, #tpu.memory_space<hbm>>) target(%arg9 : memref<800x32xf32, #tpu.memory_space<vmem>>) offsets(%dma_start3A_2050 : memref<800xi32, #tpu.memory_space<vmem>>) semaphore(%arg11 : memref<!tpu.dma_semaphore, #tpu.memory_space<semaphore_mem>>) {add = true}
        %dma_start3A_2054 = arith.constant 18 : i32
        %dma_start3A_2055 = arith.constant 0 : i32
        %dma_start3A_2056 = tpu.memref_slice %arg7[%dma_start3A_2054, %dma_start3A_2055] : memref<20x800xi32, #tpu.memory_space<vmem>> -> memref<1x800xi32, #tpu.memory_space<vmem>>
        %dma_start3A_2057 = tpu.memref_squeeze %dma_start3A_2056 : memref<1x800xi32, #tpu.memory_space<vmem>> -> memref<800xi32, #tpu.memory_space<vmem>>
        %dma_start3A_2058 = arith.constant 0 : i32
        %dma_start3A_2059 = arith.constant 0 : i32
        %dma_start3A_2060 = tpu.memref_slice %arg3[%dma_start3A_2058, %dma_start3A_2059] : memref<1000000x32xf32, #tpu.memory_space<hbm>> -> memref<1000000x32xf32, #tpu.memory_space<hbm>>
        tpu.enqueue_indirect_dma source(%dma_start3A_2060 : memref<1000000x32xf32, #tpu.memory_space<hbm>>) target(%arg9 : memref<800x32xf32, #tpu.memory_space<vmem>>) offsets(%dma_start3A_2057 : memref<800xi32, #tpu.memory_space<vmem>>) semaphore(%arg11 : memref<!tpu.dma_semaphore, #tpu.memory_space<semaphore_mem>>) {add = true}
        %dma_start3A_2061 = arith.constant 19 : i32
        %dma_start3A_2062 = arith.constant 0 : i32
        %dma_start3A_2063 = tpu.memref_slice %arg7[%dma_start3A_2061, %dma_start3A_2062] : memref<20x800xi32, #tpu.memory_space<vmem>> -> memref<1x800xi32, #tpu.memory_space<vmem>>
        %dma_start3A_2064 = tpu.memref_squeeze %dma_start3A_2063 : memref<1x800xi32, #tpu.memory_space<vmem>> -> memref<800xi32, #tpu.memory_space<vmem>>
        %dma_start3A_2065 = arith.constant 0 : i32
        %dma_start3A_2066 = arith.constant 0 : i32
        %dma_start3A_2067 = tpu.memref_slice %arg3[%dma_start3A_2065, %dma_start3A_2066] : memref<1000000x32xf32, #tpu.memory_space<hbm>> -> memref<1000000x32xf32, #tpu.memory_space<hbm>>
        tpu.enqueue_indirect_dma source(%dma_start3A_2067 : memref<1000000x32xf32, #tpu.memory_space<hbm>>) target(%arg9 : memref<800x32xf32, #tpu.memory_space<vmem>>) offsets(%dma_start3A_2064 : memref<800xi32, #tpu.memory_space<vmem>>) semaphore(%arg11 : memref<!tpu.dma_semaphore, #tpu.memory_space<semaphore_mem>>) {add = true}
      } else {
      }
      %dma_wait3A_1243 = arith.constant 0 : i32
      %dma_wait3A_1244 = arith.constant 0 : i32
      %dma_wait3A_1245 = tpu.memref_slice %arg8[%dma_wait3A_1243, %dma_wait3A_1244] : memref<20x800xi32, #tpu.memory_space<vmem>> -> memref<1x800xi32, #tpu.memory_space<vmem>>
      %dma_wait3A_1246 = tpu.memref_squeeze %dma_wait3A_1245 : memref<1x800xi32, #tpu.memory_space<vmem>> -> memref<800xi32, #tpu.memory_space<vmem>>
      %dma_wait3A_1247 = arith.constant 0 : i32
      %dma_wait3A_1248 = arith.constant 0 : i32
      %dma_wait3A_1249 = tpu.memref_slice %arg3[%dma_wait3A_1247, %dma_wait3A_1248] : memref<1000000x32xf32, #tpu.memory_space<hbm>> -> memref<1000000x32xf32, #tpu.memory_space<hbm>>
      tpu.wait_indirect_dma semaphore(%arg12 : memref<!tpu.dma_semaphore, #tpu.memory_space<semaphore_mem>>) src(%dma_wait3A_1249 : memref<1000000x32xf32, #tpu.memory_space<hbm>>) dst(%arg10 : memref<800x32xf32, #tpu.memory_space<vmem>>)
      %dma_wait3A_1250 = arith.constant 1 : i32
      %dma_wait3A_1251 = arith.constant 0 : i32
      %dma_wait3A_1252 = tpu.memref_slice %arg8[%dma_wait3A_1250, %dma_wait3A_1251] : memref<20x800xi32, #tpu.memory_space<vmem>> -> memref<1x800xi32, #tpu.memory_space<vmem>>
      %dma_wait3A_1253 = tpu.memref_squeeze %dma_wait3A_1252 : memref<1x800xi32, #tpu.memory_space<vmem>> -> memref<800xi32, #tpu.memory_space<vmem>>
      %dma_wait3A_1254 = arith.constant 0 : i32
      %dma_wait3A_1255 = arith.constant 0 : i32
      %dma_wait3A_1256 = tpu.memref_slice %arg3[%dma_wait3A_1254, %dma_wait3A_1255] : memref<1000000x32xf32, #tpu.memory_space<hbm>> -> memref<1000000x32xf32, #tpu.memory_space<hbm>>
      tpu.wait_indirect_dma semaphore(%arg12 : memref<!tpu.dma_semaphore, #tpu.memory_space<semaphore_mem>>) src(%dma_wait3A_1256 : memref<1000000x32xf32, #tpu.memory_space<hbm>>) dst(%arg10 : memref<800x32xf32, #tpu.memory_space<vmem>>)
      %dma_wait3A_1257 = arith.constant 2 : i32
      %dma_wait3A_1258 = arith.constant 0 : i32
      %dma_wait3A_1259 = tpu.memref_slice %arg8[%dma_wait3A_1257, %dma_wait3A_1258] : memref<20x800xi32, #tpu.memory_space<vmem>> -> memref<1x800xi32, #tpu.memory_space<vmem>>
      %dma_wait3A_1260 = tpu.memref_squeeze %dma_wait3A_1259 : memref<1x800xi32, #tpu.memory_space<vmem>> -> memref<800xi32, #tpu.memory_space<vmem>>
      %dma_wait3A_1261 = arith.constant 0 : i32
      %dma_wait3A_1262 = arith.constant 0 : i32
      %dma_wait3A_1263 = tpu.memref_slice %arg3[%dma_wait3A_1261, %dma_wait3A_1262] : memref<1000000x32xf32, #tpu.memory_space<hbm>> -> memref<1000000x32xf32, #tpu.memory_space<hbm>>
      tpu.wait_indirect_dma semaphore(%arg12 : memref<!tpu.dma_semaphore, #tpu.memory_space<semaphore_mem>>) src(%dma_wait3A_1263 : memref<1000000x32xf32, #tpu.memory_space<hbm>>) dst(%arg10 : memref<800x32xf32, #tpu.memory_space<vmem>>)
      %dma_wait3A_1264 = arith.constant 3 : i32
      %dma_wait3A_1265 = arith.constant 0 : i32
      %dma_wait3A_1266 = tpu.memref_slice %arg8[%dma_wait3A_1264, %dma_wait3A_1265] : memref<20x800xi32, #tpu.memory_space<vmem>> -> memref<1x800xi32, #tpu.memory_space<vmem>>
      %dma_wait3A_1267 = tpu.memref_squeeze %dma_wait3A_1266 : memref<1x800xi32, #tpu.memory_space<vmem>> -> memref<800xi32, #tpu.memory_space<vmem>>
      %dma_wait3A_1268 = arith.constant 0 : i32
      %dma_wait3A_1269 = arith.constant 0 : i32
      %dma_wait3A_1270 = tpu.memref_slice %arg3[%dma_wait3A_1268, %dma_wait3A_1269] : memref<1000000x32xf32, #tpu.memory_space<hbm>> -> memref<1000000x32xf32, #tpu.memory_space<hbm>>
      tpu.wait_indirect_dma semaphore(%arg12 : memref<!tpu.dma_semaphore, #tpu.memory_space<semaphore_mem>>) src(%dma_wait3A_1270 : memref<1000000x32xf32, #tpu.memory_space<hbm>>) dst(%arg10 : memref<800x32xf32, #tpu.memory_space<vmem>>)
      %dma_wait3A_1271 = arith.constant 4 : i32
      %dma_wait3A_1272 = arith.constant 0 : i32
      %dma_wait3A_1273 = tpu.memref_slice %arg8[%dma_wait3A_1271, %dma_wait3A_1272] : memref<20x800xi32, #tpu.memory_space<vmem>> -> memref<1x800xi32, #tpu.memory_space<vmem>>
      %dma_wait3A_1274 = tpu.memref_squeeze %dma_wait3A_1273 : memref<1x800xi32, #tpu.memory_space<vmem>> -> memref<800xi32, #tpu.memory_space<vmem>>
      %dma_wait3A_1275 = arith.constant 0 : i32
      %dma_wait3A_1276 = arith.constant 0 : i32
      %dma_wait3A_1277 = tpu.memref_slice %arg3[%dma_wait3A_1275, %dma_wait3A_1276] : memref<1000000x32xf32, #tpu.memory_space<hbm>> -> memref<1000000x32xf32, #tpu.memory_space<hbm>>
      tpu.wait_indirect_dma semaphore(%arg12 : memref<!tpu.dma_semaphore, #tpu.memory_space<semaphore_mem>>) src(%dma_wait3A_1277 : memref<1000000x32xf32, #tpu.memory_space<hbm>>) dst(%arg10 : memref<800x32xf32, #tpu.memory_space<vmem>>)
      %dma_wait3A_1278 = arith.constant 5 : i32
      %dma_wait3A_1279 = arith.constant 0 : i32
      %dma_wait3A_1280 = tpu.memref_slice %arg8[%dma_wait3A_1278, %dma_wait3A_1279] : memref<20x800xi32, #tpu.memory_space<vmem>> -> memref<1x800xi32, #tpu.memory_space<vmem>>
      %dma_wait3A_1281 = tpu.memref_squeeze %dma_wait3A_1280 : memref<1x800xi32, #tpu.memory_space<vmem>> -> memref<800xi32, #tpu.memory_space<vmem>>
      %dma_wait3A_1282 = arith.constant 0 : i32
      %dma_wait3A_1283 = arith.constant 0 : i32
      %dma_wait3A_1284 = tpu.memref_slice %arg3[%dma_wait3A_1282, %dma_wait3A_1283] : memref<1000000x32xf32, #tpu.memory_space<hbm>> -> memref<1000000x32xf32, #tpu.memory_space<hbm>>
      tpu.wait_indirect_dma semaphore(%arg12 : memref<!tpu.dma_semaphore, #tpu.memory_space<semaphore_mem>>) src(%dma_wait3A_1284 : memref<1000000x32xf32, #tpu.memory_space<hbm>>) dst(%arg10 : memref<800x32xf32, #tpu.memory_space<vmem>>)
      %dma_wait3A_1285 = arith.constant 6 : i32
      %dma_wait3A_1286 = arith.constant 0 : i32
      %dma_wait3A_1287 = tpu.memref_slice %arg8[%dma_wait3A_1285, %dma_wait3A_1286] : memref<20x800xi32, #tpu.memory_space<vmem>> -> memref<1x800xi32, #tpu.memory_space<vmem>>
      %dma_wait3A_1288 = tpu.memref_squeeze %dma_wait3A_1287 : memref<1x800xi32, #tpu.memory_space<vmem>> -> memref<800xi32, #tpu.memory_space<vmem>>
      %dma_wait3A_1289 = arith.constant 0 : i32
      %dma_wait3A_1290 = arith.constant 0 : i32
      %dma_wait3A_1291 = tpu.memref_slice %arg3[%dma_wait3A_1289, %dma_wait3A_1290] : memref<1000000x32xf32, #tpu.memory_space<hbm>> -> memref<1000000x32xf32, #tpu.memory_space<hbm>>
      tpu.wait_indirect_dma semaphore(%arg12 : memref<!tpu.dma_semaphore, #tpu.memory_space<semaphore_mem>>) src(%dma_wait3A_1291 : memref<1000000x32xf32, #tpu.memory_space<hbm>>) dst(%arg10 : memref<800x32xf32, #tpu.memory_space<vmem>>)
      %dma_wait3A_1292 = arith.constant 7 : i32
      %dma_wait3A_1293 = arith.constant 0 : i32
      %dma_wait3A_1294 = tpu.memref_slice %arg8[%dma_wait3A_1292, %dma_wait3A_1293] : memref<20x800xi32, #tpu.memory_space<vmem>> -> memref<1x800xi32, #tpu.memory_space<vmem>>
      %dma_wait3A_1295 = tpu.memref_squeeze %dma_wait3A_1294 : memref<1x800xi32, #tpu.memory_space<vmem>> -> memref<800xi32, #tpu.memory_space<vmem>>
      %dma_wait3A_1296 = arith.constant 0 : i32
      %dma_wait3A_1297 = arith.constant 0 : i32
      %dma_wait3A_1298 = tpu.memref_slice %arg3[%dma_wait3A_1296, %dma_wait3A_1297] : memref<1000000x32xf32, #tpu.memory_space<hbm>> -> memref<1000000x32xf32, #tpu.memory_space<hbm>>
      tpu.wait_indirect_dma semaphore(%arg12 : memref<!tpu.dma_semaphore, #tpu.memory_space<semaphore_mem>>) src(%dma_wait3A_1298 : memref<1000000x32xf32, #tpu.memory_space<hbm>>) dst(%arg10 : memref<800x32xf32, #tpu.memory_space<vmem>>)
      %dma_wait3A_1299 = arith.constant 8 : i32
      %dma_wait3A_1300 = arith.constant 0 : i32
      %dma_wait3A_1301 = tpu.memref_slice %arg8[%dma_wait3A_1299, %dma_wait3A_1300] : memref<20x800xi32, #tpu.memory_space<vmem>> -> memref<1x800xi32, #tpu.memory_space<vmem>>
      %dma_wait3A_1302 = tpu.memref_squeeze %dma_wait3A_1301 : memref<1x800xi32, #tpu.memory_space<vmem>> -> memref<800xi32, #tpu.memory_space<vmem>>
      %dma_wait3A_1303 = arith.constant 0 : i32
      %dma_wait3A_1304 = arith.constant 0 : i32
      %dma_wait3A_1305 = tpu.memref_slice %arg3[%dma_wait3A_1303, %dma_wait3A_1304] : memref<1000000x32xf32, #tpu.memory_space<hbm>> -> memref<1000000x32xf32, #tpu.memory_space<hbm>>
      tpu.wait_indirect_dma semaphore(%arg12 : memref<!tpu.dma_semaphore, #tpu.memory_space<semaphore_mem>>) src(%dma_wait3A_1305 : memref<1000000x32xf32, #tpu.memory_space<hbm>>) dst(%arg10 : memref<800x32xf32, #tpu.memory_space<vmem>>)
      %dma_wait3A_1306 = arith.constant 9 : i32
      %dma_wait3A_1307 = arith.constant 0 : i32
      %dma_wait3A_1308 = tpu.memref_slice %arg8[%dma_wait3A_1306, %dma_wait3A_1307] : memref<20x800xi32, #tpu.memory_space<vmem>> -> memref<1x800xi32, #tpu.memory_space<vmem>>
      %dma_wait3A_1309 = tpu.memref_squeeze %dma_wait3A_1308 : memref<1x800xi32, #tpu.memory_space<vmem>> -> memref<800xi32, #tpu.memory_space<vmem>>
      %dma_wait3A_1310 = arith.constant 0 : i32
      %dma_wait3A_1311 = arith.constant 0 : i32
      %dma_wait3A_1312 = tpu.memref_slice %arg3[%dma_wait3A_1310, %dma_wait3A_1311] : memref<1000000x32xf32, #tpu.memory_space<hbm>> -> memref<1000000x32xf32, #tpu.memory_space<hbm>>
      tpu.wait_indirect_dma semaphore(%arg12 : memref<!tpu.dma_semaphore, #tpu.memory_space<semaphore_mem>>) src(%dma_wait3A_1312 : memref<1000000x32xf32, #tpu.memory_space<hbm>>) dst(%arg10 : memref<800x32xf32, #tpu.memory_space<vmem>>)
      %dma_wait3A_1313 = arith.constant 10 : i32
      %dma_wait3A_1314 = arith.constant 0 : i32
      %dma_wait3A_1315 = tpu.memref_slice %arg8[%dma_wait3A_1313, %dma_wait3A_1314] : memref<20x800xi32, #tpu.memory_space<vmem>> -> memref<1x800xi32, #tpu.memory_space<vmem>>
      %dma_wait3A_1316 = tpu.memref_squeeze %dma_wait3A_1315 : memref<1x800xi32, #tpu.memory_space<vmem>> -> memref<800xi32, #tpu.memory_space<vmem>>
      %dma_wait3A_1317 = arith.constant 0 : i32
      %dma_wait3A_1318 = arith.constant 0 : i32
      %dma_wait3A_1319 = tpu.memref_slice %arg3[%dma_wait3A_1317, %dma_wait3A_1318] : memref<1000000x32xf32, #tpu.memory_space<hbm>> -> memref<1000000x32xf32, #tpu.memory_space<hbm>>
      tpu.wait_indirect_dma semaphore(%arg12 : memref<!tpu.dma_semaphore, #tpu.memory_space<semaphore_mem>>) src(%dma_wait3A_1319 : memref<1000000x32xf32, #tpu.memory_space<hbm>>) dst(%arg10 : memref<800x32xf32, #tpu.memory_space<vmem>>)
      %dma_wait3A_1320 = arith.constant 11 : i32
      %dma_wait3A_1321 = arith.constant 0 : i32
      %dma_wait3A_1322 = tpu.memref_slice %arg8[%dma_wait3A_1320, %dma_wait3A_1321] : memref<20x800xi32, #tpu.memory_space<vmem>> -> memref<1x800xi32, #tpu.memory_space<vmem>>
      %dma_wait3A_1323 = tpu.memref_squeeze %dma_wait3A_1322 : memref<1x800xi32, #tpu.memory_space<vmem>> -> memref<800xi32, #tpu.memory_space<vmem>>
      %dma_wait3A_1324 = arith.constant 0 : i32
      %dma_wait3A_1325 = arith.constant 0 : i32
      %dma_wait3A_1326 = tpu.memref_slice %arg3[%dma_wait3A_1324, %dma_wait3A_1325] : memref<1000000x32xf32, #tpu.memory_space<hbm>> -> memref<1000000x32xf32, #tpu.memory_space<hbm>>
      tpu.wait_indirect_dma semaphore(%arg12 : memref<!tpu.dma_semaphore, #tpu.memory_space<semaphore_mem>>) src(%dma_wait3A_1326 : memref<1000000x32xf32, #tpu.memory_space<hbm>>) dst(%arg10 : memref<800x32xf32, #tpu.memory_space<vmem>>)
      %dma_wait3A_1327 = arith.constant 12 : i32
      %dma_wait3A_1328 = arith.constant 0 : i32
      %dma_wait3A_1329 = tpu.memref_slice %arg8[%dma_wait3A_1327, %dma_wait3A_1328] : memref<20x800xi32, #tpu.memory_space<vmem>> -> memref<1x800xi32, #tpu.memory_space<vmem>>
      %dma_wait3A_1330 = tpu.memref_squeeze %dma_wait3A_1329 : memref<1x800xi32, #tpu.memory_space<vmem>> -> memref<800xi32, #tpu.memory_space<vmem>>
      %dma_wait3A_1331 = arith.constant 0 : i32
      %dma_wait3A_1332 = arith.constant 0 : i32
      %dma_wait3A_1333 = tpu.memref_slice %arg3[%dma_wait3A_1331, %dma_wait3A_1332] : memref<1000000x32xf32, #tpu.memory_space<hbm>> -> memref<1000000x32xf32, #tpu.memory_space<hbm>>
      tpu.wait_indirect_dma semaphore(%arg12 : memref<!tpu.dma_semaphore, #tpu.memory_space<semaphore_mem>>) src(%dma_wait3A_1333 : memref<1000000x32xf32, #tpu.memory_space<hbm>>) dst(%arg10 : memref<800x32xf32, #tpu.memory_space<vmem>>)
      %dma_wait3A_1334 = arith.constant 13 : i32
      %dma_wait3A_1335 = arith.constant 0 : i32
      %dma_wait3A_1336 = tpu.memref_slice %arg8[%dma_wait3A_1334, %dma_wait3A_1335] : memref<20x800xi32, #tpu.memory_space<vmem>> -> memref<1x800xi32, #tpu.memory_space<vmem>>
      %dma_wait3A_1337 = tpu.memref_squeeze %dma_wait3A_1336 : memref<1x800xi32, #tpu.memory_space<vmem>> -> memref<800xi32, #tpu.memory_space<vmem>>
      %dma_wait3A_1338 = arith.constant 0 : i32
      %dma_wait3A_1339 = arith.constant 0 : i32
      %dma_wait3A_1340 = tpu.memref_slice %arg3[%dma_wait3A_1338, %dma_wait3A_1339] : memref<1000000x32xf32, #tpu.memory_space<hbm>> -> memref<1000000x32xf32, #tpu.memory_space<hbm>>
      tpu.wait_indirect_dma semaphore(%arg12 : memref<!tpu.dma_semaphore, #tpu.memory_space<semaphore_mem>>) src(%dma_wait3A_1340 : memref<1000000x32xf32, #tpu.memory_space<hbm>>) dst(%arg10 : memref<800x32xf32, #tpu.memory_space<vmem>>)
      %dma_wait3A_1341 = arith.constant 14 : i32
      %dma_wait3A_1342 = arith.constant 0 : i32
      %dma_wait3A_1343 = tpu.memref_slice %arg8[%dma_wait3A_1341, %dma_wait3A_1342] : memref<20x800xi32, #tpu.memory_space<vmem>> -> memref<1x800xi32, #tpu.memory_space<vmem>>
      %dma_wait3A_1344 = tpu.memref_squeeze %dma_wait3A_1343 : memref<1x800xi32, #tpu.memory_space<vmem>> -> memref<800xi32, #tpu.memory_space<vmem>>
      %dma_wait3A_1345 = arith.constant 0 : i32
      %dma_wait3A_1346 = arith.constant 0 : i32
      %dma_wait3A_1347 = tpu.memref_slice %arg3[%dma_wait3A_1345, %dma_wait3A_1346] : memref<1000000x32xf32, #tpu.memory_space<hbm>> -> memref<1000000x32xf32, #tpu.memory_space<hbm>>
      tpu.wait_indirect_dma semaphore(%arg12 : memref<!tpu.dma_semaphore, #tpu.memory_space<semaphore_mem>>) src(%dma_wait3A_1347 : memref<1000000x32xf32, #tpu.memory_space<hbm>>) dst(%arg10 : memref<800x32xf32, #tpu.memory_space<vmem>>)
      %dma_wait3A_1348 = arith.constant 15 : i32
      %dma_wait3A_1349 = arith.constant 0 : i32
      %dma_wait3A_1350 = tpu.memref_slice %arg8[%dma_wait3A_1348, %dma_wait3A_1349] : memref<20x800xi32, #tpu.memory_space<vmem>> -> memref<1x800xi32, #tpu.memory_space<vmem>>
      %dma_wait3A_1351 = tpu.memref_squeeze %dma_wait3A_1350 : memref<1x800xi32, #tpu.memory_space<vmem>> -> memref<800xi32, #tpu.memory_space<vmem>>
      %dma_wait3A_1352 = arith.constant 0 : i32
      %dma_wait3A_1353 = arith.constant 0 : i32
      %dma_wait3A_1354 = tpu.memref_slice %arg3[%dma_wait3A_1352, %dma_wait3A_1353] : memref<1000000x32xf32, #tpu.memory_space<hbm>> -> memref<1000000x32xf32, #tpu.memory_space<hbm>>
      tpu.wait_indirect_dma semaphore(%arg12 : memref<!tpu.dma_semaphore, #tpu.memory_space<semaphore_mem>>) src(%dma_wait3A_1354 : memref<1000000x32xf32, #tpu.memory_space<hbm>>) dst(%arg10 : memref<800x32xf32, #tpu.memory_space<vmem>>)
      %dma_wait3A_1355 = arith.constant 16 : i32
      %dma_wait3A_1356 = arith.constant 0 : i32
      %dma_wait3A_1357 = tpu.memref_slice %arg8[%dma_wait3A_1355, %dma_wait3A_1356] : memref<20x800xi32, #tpu.memory_space<vmem>> -> memref<1x800xi32, #tpu.memory_space<vmem>>
      %dma_wait3A_1358 = tpu.memref_squeeze %dma_wait3A_1357 : memref<1x800xi32, #tpu.memory_space<vmem>> -> memref<800xi32, #tpu.memory_space<vmem>>
      %dma_wait3A_1359 = arith.constant 0 : i32
      %dma_wait3A_1360 = arith.constant 0 : i32
      %dma_wait3A_1361 = tpu.memref_slice %arg3[%dma_wait3A_1359, %dma_wait3A_1360] : memref<1000000x32xf32, #tpu.memory_space<hbm>> -> memref<1000000x32xf32, #tpu.memory_space<hbm>>
      tpu.wait_indirect_dma semaphore(%arg12 : memref<!tpu.dma_semaphore, #tpu.memory_space<semaphore_mem>>) src(%dma_wait3A_1361 : memref<1000000x32xf32, #tpu.memory_space<hbm>>) dst(%arg10 : memref<800x32xf32, #tpu.memory_space<vmem>>)
      %dma_wait3A_1362 = arith.constant 17 : i32
      %dma_wait3A_1363 = arith.constant 0 : i32
      %dma_wait3A_1364 = tpu.memref_slice %arg8[%dma_wait3A_1362, %dma_wait3A_1363] : memref<20x800xi32, #tpu.memory_space<vmem>> -> memref<1x800xi32, #tpu.memory_space<vmem>>
      %dma_wait3A_1365 = tpu.memref_squeeze %dma_wait3A_1364 : memref<1x800xi32, #tpu.memory_space<vmem>> -> memref<800xi32, #tpu.memory_space<vmem>>
      %dma_wait3A_1366 = arith.constant 0 : i32
      %dma_wait3A_1367 = arith.constant 0 : i32
      %dma_wait3A_1368 = tpu.memref_slice %arg3[%dma_wait3A_1366, %dma_wait3A_1367] : memref<1000000x32xf32, #tpu.memory_space<hbm>> -> memref<1000000x32xf32, #tpu.memory_space<hbm>>
      tpu.wait_indirect_dma semaphore(%arg12 : memref<!tpu.dma_semaphore, #tpu.memory_space<semaphore_mem>>) src(%dma_wait3A_1368 : memref<1000000x32xf32, #tpu.memory_space<hbm>>) dst(%arg10 : memref<800x32xf32, #tpu.memory_space<vmem>>)
      %dma_wait3A_1369 = arith.constant 18 : i32
      %dma_wait3A_1370 = arith.constant 0 : i32
      %dma_wait3A_1371 = tpu.memref_slice %arg8[%dma_wait3A_1369, %dma_wait3A_1370] : memref<20x800xi32, #tpu.memory_space<vmem>> -> memref<1x800xi32, #tpu.memory_space<vmem>>
      %dma_wait3A_1372 = tpu.memref_squeeze %dma_wait3A_1371 : memref<1x800xi32, #tpu.memory_space<vmem>> -> memref<800xi32, #tpu.memory_space<vmem>>
      %dma_wait3A_1373 = arith.constant 0 : i32
      %dma_wait3A_1374 = arith.constant 0 : i32
      %dma_wait3A_1375 = tpu.memref_slice %arg3[%dma_wait3A_1373, %dma_wait3A_1374] : memref<1000000x32xf32, #tpu.memory_space<hbm>> -> memref<1000000x32xf32, #tpu.memory_space<hbm>>
      tpu.wait_indirect_dma semaphore(%arg12 : memref<!tpu.dma_semaphore, #tpu.memory_space<semaphore_mem>>) src(%dma_wait3A_1375 : memref<1000000x32xf32, #tpu.memory_space<hbm>>) dst(%arg10 : memref<800x32xf32, #tpu.memory_space<vmem>>)
      %dma_wait3A_1376 = arith.constant 19 : i32
      %dma_wait3A_1377 = arith.constant 0 : i32
      %dma_wait3A_1378 = tpu.memref_slice %arg8[%dma_wait3A_1376, %dma_wait3A_1377] : memref<20x800xi32, #tpu.memory_space<vmem>> -> memref<1x800xi32, #tpu.memory_space<vmem>>
      %dma_wait3A_1379 = tpu.memref_squeeze %dma_wait3A_1378 : memref<1x800xi32, #tpu.memory_space<vmem>> -> memref<800xi32, #tpu.memory_space<vmem>>
      %dma_wait3A_1380 = arith.constant 0 : i32
      %dma_wait3A_1381 = arith.constant 0 : i32
      %dma_wait3A_1382 = tpu.memref_slice %arg3[%dma_wait3A_1380, %dma_wait3A_1381] : memref<1000000x32xf32, #tpu.memory_space<hbm>> -> memref<1000000x32xf32, #tpu.memory_space<hbm>>
      tpu.wait_indirect_dma semaphore(%arg12 : memref<!tpu.dma_semaphore, #tpu.memory_space<semaphore_mem>>) src(%dma_wait3A_1382 : memref<1000000x32xf32, #tpu.memory_space<hbm>>) dst(%arg10 : memref<800x32xf32, #tpu.memory_space<vmem>>)
      %add3A_1383 = arith.constant 1 : i32
      %add3A_1384 = arith.addi %mul3A_691, %add3A_1383 : i32
      %mul3A_1385 = arith.constant 8 : i32
      %mul3A_1386 = arith.muli %add3A, %mul3A_1385 : i32
      %add3A_1387 = arith.addi %mul3A_1386, %add3A_1384 : i32
      %mul3A_1388 = arith.constant 16 : i32
      %mul3A_1389 = arith.muli %add3A_1387, %mul3A_1388 : i32
      %add3A_1390 = arith.constant 0 : i32
      %add3A_1391 = arith.addi %mul3A_1389, %add3A_1390 : i32
      %dma_start3A_1392 = arith.constant 0 : i32
      %dma_start3A_1393 = arith.constant 0 : i32
      %dma_start3A_1394 = tpu.memref_slice %arg10[%dma_start3A_1392, %dma_start3A_1393] : memref<800x32xf32, #tpu.memory_space<vmem>> -> memref<50x32xf32, #tpu.memory_space<vmem>>
      %dma_start3A_1395 = arith.constant 0 : i32
      %dma_start3A_1396 = arith.constant 0 : i32
      %dma_start3A_1397 = tpu.memref_slice %arg4[%add3A_1391, %dma_start3A_1395, %dma_start3A_1396] : memref<4096x50x32xf32, #tpu.memory_space<hbm>> -> memref<1x50x32xf32, #tpu.memory_space<hbm>>
      %dma_start3A_1398 = tpu.memref_squeeze %dma_start3A_1397 : memref<1x50x32xf32, #tpu.memory_space<hbm>> -> memref<50x32xf32, #tpu.memory_space<hbm>>
      %dma_start3A_1399 = arith.constant 0 : i32
      %dma_start3A_1400 = arith.constant 0 : i32
      %dma_start3A_1401 = tpu.memref_slice %arg4[%add3A_1391, %dma_start3A_1399, %dma_start3A_1400] : memref<4096x50x32xf32, #tpu.memory_space<hbm>> -> memref<1x50x32xf32, #tpu.memory_space<hbm>>
      %dma_start3A_1402 = tpu.memref_squeeze %dma_start3A_1401 : memref<1x50x32xf32, #tpu.memory_space<hbm>> -> memref<50x32xf32, #tpu.memory_space<hbm>>
      %dma_start3A_1403 = arith.constant 0 : i32
      %dma_start3A_1404 = arith.constant 0 : i32
      %dma_start3A_1405 = tpu.memref_slice %arg10[%dma_start3A_1403, %dma_start3A_1404] : memref<800x32xf32, #tpu.memory_space<vmem>> -> memref<50x32xf32, #tpu.memory_space<vmem>>
      tpu.enqueue_dma source(%dma_start3A_1405 : memref<50x32xf32, #tpu.memory_space<vmem>>) target(%dma_start3A_1402 : memref<50x32xf32, #tpu.memory_space<hbm>>) target_semaphore(%arg16 : memref<!tpu.dma_semaphore, #tpu.memory_space<semaphore_mem>>)
      %add3A_1406 = arith.constant 1 : i32
      %add3A_1407 = arith.addi %mul3A_1389, %add3A_1406 : i32
      %dma_start3A_1408 = arith.constant 50 : i32
      %dma_start3A_1409 = arith.constant 0 : i32
      %dma_start3A_1410 = tpu.memref_slice %arg10[%dma_start3A_1408, %dma_start3A_1409] : memref<800x32xf32, #tpu.memory_space<vmem>> -> memref<50x32xf32, #tpu.memory_space<vmem>>
      %dma_start3A_1411 = arith.constant 0 : i32
      %dma_start3A_1412 = arith.constant 0 : i32
      %dma_start3A_1413 = tpu.memref_slice %arg4[%add3A_1407, %dma_start3A_1411, %dma_start3A_1412] : memref<4096x50x32xf32, #tpu.memory_space<hbm>> -> memref<1x50x32xf32, #tpu.memory_space<hbm>>
      %dma_start3A_1414 = tpu.memref_squeeze %dma_start3A_1413 : memref<1x50x32xf32, #tpu.memory_space<hbm>> -> memref<50x32xf32, #tpu.memory_space<hbm>>
      %dma_start3A_1415 = arith.constant 0 : i32
      %dma_start3A_1416 = arith.constant 0 : i32
      %dma_start3A_1417 = tpu.memref_slice %arg4[%add3A_1407, %dma_start3A_1415, %dma_start3A_1416] : memref<4096x50x32xf32, #tpu.memory_space<hbm>> -> memref<1x50x32xf32, #tpu.memory_space<hbm>>
      %dma_start3A_1418 = tpu.memref_squeeze %dma_start3A_1417 : memref<1x50x32xf32, #tpu.memory_space<hbm>> -> memref<50x32xf32, #tpu.memory_space<hbm>>
      %dma_start3A_1419 = arith.constant 50 : i32
      %dma_start3A_1420 = arith.constant 0 : i32
      %dma_start3A_1421 = tpu.memref_slice %arg10[%dma_start3A_1419, %dma_start3A_1420] : memref<800x32xf32, #tpu.memory_space<vmem>> -> memref<50x32xf32, #tpu.memory_space<vmem>>
      tpu.enqueue_dma source(%dma_start3A_1421 : memref<50x32xf32, #tpu.memory_space<vmem>>) target(%dma_start3A_1418 : memref<50x32xf32, #tpu.memory_space<hbm>>) target_semaphore(%arg16 : memref<!tpu.dma_semaphore, #tpu.memory_space<semaphore_mem>>)
      %add3A_1422 = arith.constant 2 : i32
      %add3A_1423 = arith.addi %mul3A_1389, %add3A_1422 : i32
      %dma_start3A_1424 = arith.constant 100 : i32
      %dma_start3A_1425 = arith.constant 0 : i32
      %dma_start3A_1426 = tpu.memref_slice %arg10[%dma_start3A_1424, %dma_start3A_1425] : memref<800x32xf32, #tpu.memory_space<vmem>> -> memref<50x32xf32, #tpu.memory_space<vmem>>
      %dma_start3A_1427 = arith.constant 0 : i32
      %dma_start3A_1428 = arith.constant 0 : i32
      %dma_start3A_1429 = tpu.memref_slice %arg4[%add3A_1423, %dma_start3A_1427, %dma_start3A_1428] : memref<4096x50x32xf32, #tpu.memory_space<hbm>> -> memref<1x50x32xf32, #tpu.memory_space<hbm>>
      %dma_start3A_1430 = tpu.memref_squeeze %dma_start3A_1429 : memref<1x50x32xf32, #tpu.memory_space<hbm>> -> memref<50x32xf32, #tpu.memory_space<hbm>>
      %dma_start3A_1431 = arith.constant 0 : i32
      %dma_start3A_1432 = arith.constant 0 : i32
      %dma_start3A_1433 = tpu.memref_slice %arg4[%add3A_1423, %dma_start3A_1431, %dma_start3A_1432] : memref<4096x50x32xf32, #tpu.memory_space<hbm>> -> memref<1x50x32xf32, #tpu.memory_space<hbm>>
      %dma_start3A_1434 = tpu.memref_squeeze %dma_start3A_1433 : memref<1x50x32xf32, #tpu.memory_space<hbm>> -> memref<50x32xf32, #tpu.memory_space<hbm>>
      %dma_start3A_1435 = arith.constant 100 : i32
      %dma_start3A_1436 = arith.constant 0 : i32
      %dma_start3A_1437 = tpu.memref_slice %arg10[%dma_start3A_1435, %dma_start3A_1436] : memref<800x32xf32, #tpu.memory_space<vmem>> -> memref<50x32xf32, #tpu.memory_space<vmem>>
      tpu.enqueue_dma source(%dma_start3A_1437 : memref<50x32xf32, #tpu.memory_space<vmem>>) target(%dma_start3A_1434 : memref<50x32xf32, #tpu.memory_space<hbm>>) target_semaphore(%arg16 : memref<!tpu.dma_semaphore, #tpu.memory_space<semaphore_mem>>)
      %add3A_1438 = arith.constant 3 : i32
      %add3A_1439 = arith.addi %mul3A_1389, %add3A_1438 : i32
      %dma_start3A_1440 = arith.constant 150 : i32
      %dma_start3A_1441 = arith.constant 0 : i32
      %dma_start3A_1442 = tpu.memref_slice %arg10[%dma_start3A_1440, %dma_start3A_1441] : memref<800x32xf32, #tpu.memory_space<vmem>> -> memref<50x32xf32, #tpu.memory_space<vmem>>
      %dma_start3A_1443 = arith.constant 0 : i32
      %dma_start3A_1444 = arith.constant 0 : i32
      %dma_start3A_1445 = tpu.memref_slice %arg4[%add3A_1439, %dma_start3A_1443, %dma_start3A_1444] : memref<4096x50x32xf32, #tpu.memory_space<hbm>> -> memref<1x50x32xf32, #tpu.memory_space<hbm>>
      %dma_start3A_1446 = tpu.memref_squeeze %dma_start3A_1445 : memref<1x50x32xf32, #tpu.memory_space<hbm>> -> memref<50x32xf32, #tpu.memory_space<hbm>>
      %dma_start3A_1447 = arith.constant 0 : i32
      %dma_start3A_1448 = arith.constant 0 : i32
      %dma_start3A_1449 = tpu.memref_slice %arg4[%add3A_1439, %dma_start3A_1447, %dma_start3A_1448] : memref<4096x50x32xf32, #tpu.memory_space<hbm>> -> memref<1x50x32xf32, #tpu.memory_space<hbm>>
      %dma_start3A_1450 = tpu.memref_squeeze %dma_start3A_1449 : memref<1x50x32xf32, #tpu.memory_space<hbm>> -> memref<50x32xf32, #tpu.memory_space<hbm>>
      %dma_start3A_1451 = arith.constant 150 : i32
      %dma_start3A_1452 = arith.constant 0 : i32
      %dma_start3A_1453 = tpu.memref_slice %arg10[%dma_start3A_1451, %dma_start3A_1452] : memref<800x32xf32, #tpu.memory_space<vmem>> -> memref<50x32xf32, #tpu.memory_space<vmem>>
      tpu.enqueue_dma source(%dma_start3A_1453 : memref<50x32xf32, #tpu.memory_space<vmem>>) target(%dma_start3A_1450 : memref<50x32xf32, #tpu.memory_space<hbm>>) target_semaphore(%arg16 : memref<!tpu.dma_semaphore, #tpu.memory_space<semaphore_mem>>)
      %add3A_1454 = arith.constant 4 : i32
      %add3A_1455 = arith.addi %mul3A_1389, %add3A_1454 : i32
      %dma_start3A_1456 = arith.constant 200 : i32
      %dma_start3A_1457 = arith.constant 0 : i32
      %dma_start3A_1458 = tpu.memref_slice %arg10[%dma_start3A_1456, %dma_start3A_1457] : memref<800x32xf32, #tpu.memory_space<vmem>> -> memref<50x32xf32, #tpu.memory_space<vmem>>
      %dma_start3A_1459 = arith.constant 0 : i32
      %dma_start3A_1460 = arith.constant 0 : i32
      %dma_start3A_1461 = tpu.memref_slice %arg4[%add3A_1455, %dma_start3A_1459, %dma_start3A_1460] : memref<4096x50x32xf32, #tpu.memory_space<hbm>> -> memref<1x50x32xf32, #tpu.memory_space<hbm>>
      %dma_start3A_1462 = tpu.memref_squeeze %dma_start3A_1461 : memref<1x50x32xf32, #tpu.memory_space<hbm>> -> memref<50x32xf32, #tpu.memory_space<hbm>>
      %dma_start3A_1463 = arith.constant 0 : i32
      %dma_start3A_1464 = arith.constant 0 : i32
      %dma_start3A_1465 = tpu.memref_slice %arg4[%add3A_1455, %dma_start3A_1463, %dma_start3A_1464] : memref<4096x50x32xf32, #tpu.memory_space<hbm>> -> memref<1x50x32xf32, #tpu.memory_space<hbm>>
      %dma_start3A_1466 = tpu.memref_squeeze %dma_start3A_1465 : memref<1x50x32xf32, #tpu.memory_space<hbm>> -> memref<50x32xf32, #tpu.memory_space<hbm>>
      %dma_start3A_1467 = arith.constant 200 : i32
      %dma_start3A_1468 = arith.constant 0 : i32
      %dma_start3A_1469 = tpu.memref_slice %arg10[%dma_start3A_1467, %dma_start3A_1468] : memref<800x32xf32, #tpu.memory_space<vmem>> -> memref<50x32xf32, #tpu.memory_space<vmem>>
      tpu.enqueue_dma source(%dma_start3A_1469 : memref<50x32xf32, #tpu.memory_space<vmem>>) target(%dma_start3A_1466 : memref<50x32xf32, #tpu.memory_space<hbm>>) target_semaphore(%arg16 : memref<!tpu.dma_semaphore, #tpu.memory_space<semaphore_mem>>)
      %add3A_1470 = arith.constant 5 : i32
      %add3A_1471 = arith.addi %mul3A_1389, %add3A_1470 : i32
      %dma_start3A_1472 = arith.constant 250 : i32
      %dma_start3A_1473 = arith.constant 0 : i32
      %dma_start3A_1474 = tpu.memref_slice %arg10[%dma_start3A_1472, %dma_start3A_1473] : memref<800x32xf32, #tpu.memory_space<vmem>> -> memref<50x32xf32, #tpu.memory_space<vmem>>
      %dma_start3A_1475 = arith.constant 0 : i32
      %dma_start3A_1476 = arith.constant 0 : i32
      %dma_start3A_1477 = tpu.memref_slice %arg4[%add3A_1471, %dma_start3A_1475, %dma_start3A_1476] : memref<4096x50x32xf32, #tpu.memory_space<hbm>> -> memref<1x50x32xf32, #tpu.memory_space<hbm>>
      %dma_start3A_1478 = tpu.memref_squeeze %dma_start3A_1477 : memref<1x50x32xf32, #tpu.memory_space<hbm>> -> memref<50x32xf32, #tpu.memory_space<hbm>>
      %dma_start3A_1479 = arith.constant 0 : i32
      %dma_start3A_1480 = arith.constant 0 : i32
      %dma_start3A_1481 = tpu.memref_slice %arg4[%add3A_1471, %dma_start3A_1479, %dma_start3A_1480] : memref<4096x50x32xf32, #tpu.memory_space<hbm>> -> memref<1x50x32xf32, #tpu.memory_space<hbm>>
      %dma_start3A_1482 = tpu.memref_squeeze %dma_start3A_1481 : memref<1x50x32xf32, #tpu.memory_space<hbm>> -> memref<50x32xf32, #tpu.memory_space<hbm>>
      %dma_start3A_1483 = arith.constant 250 : i32
      %dma_start3A_1484 = arith.constant 0 : i32
      %dma_start3A_1485 = tpu.memref_slice %arg10[%dma_start3A_1483, %dma_start3A_1484] : memref<800x32xf32, #tpu.memory_space<vmem>> -> memref<50x32xf32, #tpu.memory_space<vmem>>
      tpu.enqueue_dma source(%dma_start3A_1485 : memref<50x32xf32, #tpu.memory_space<vmem>>) target(%dma_start3A_1482 : memref<50x32xf32, #tpu.memory_space<hbm>>) target_semaphore(%arg16 : memref<!tpu.dma_semaphore, #tpu.memory_space<semaphore_mem>>)
      %add3A_1486 = arith.constant 6 : i32
      %add3A_1487 = arith.addi %mul3A_1389, %add3A_1486 : i32
      %dma_start3A_1488 = arith.constant 300 : i32
      %dma_start3A_1489 = arith.constant 0 : i32
      %dma_start3A_1490 = tpu.memref_slice %arg10[%dma_start3A_1488, %dma_start3A_1489] : memref<800x32xf32, #tpu.memory_space<vmem>> -> memref<50x32xf32, #tpu.memory_space<vmem>>
      %dma_start3A_1491 = arith.constant 0 : i32
      %dma_start3A_1492 = arith.constant 0 : i32
      %dma_start3A_1493 = tpu.memref_slice %arg4[%add3A_1487, %dma_start3A_1491, %dma_start3A_1492] : memref<4096x50x32xf32, #tpu.memory_space<hbm>> -> memref<1x50x32xf32, #tpu.memory_space<hbm>>
      %dma_start3A_1494 = tpu.memref_squeeze %dma_start3A_1493 : memref<1x50x32xf32, #tpu.memory_space<hbm>> -> memref<50x32xf32, #tpu.memory_space<hbm>>
      %dma_start3A_1495 = arith.constant 0 : i32
      %dma_start3A_1496 = arith.constant 0 : i32
      %dma_start3A_1497 = tpu.memref_slice %arg4[%add3A_1487, %dma_start3A_1495, %dma_start3A_1496] : memref<4096x50x32xf32, #tpu.memory_space<hbm>> -> memref<1x50x32xf32, #tpu.memory_space<hbm>>
      %dma_start3A_1498 = tpu.memref_squeeze %dma_start3A_1497 : memref<1x50x32xf32, #tpu.memory_space<hbm>> -> memref<50x32xf32, #tpu.memory_space<hbm>>
      %dma_start3A_1499 = arith.constant 300 : i32
      %dma_start3A_1500 = arith.constant 0 : i32
      %dma_start3A_1501 = tpu.memref_slice %arg10[%dma_start3A_1499, %dma_start3A_1500] : memref<800x32xf32, #tpu.memory_space<vmem>> -> memref<50x32xf32, #tpu.memory_space<vmem>>
      tpu.enqueue_dma source(%dma_start3A_1501 : memref<50x32xf32, #tpu.memory_space<vmem>>) target(%dma_start3A_1498 : memref<50x32xf32, #tpu.memory_space<hbm>>) target_semaphore(%arg16 : memref<!tpu.dma_semaphore, #tpu.memory_space<semaphore_mem>>)
      %add3A_1502 = arith.constant 7 : i32
      %add3A_1503 = arith.addi %mul3A_1389, %add3A_1502 : i32
      %dma_start3A_1504 = arith.constant 350 : i32
      %dma_start3A_1505 = arith.constant 0 : i32
      %dma_start3A_1506 = tpu.memref_slice %arg10[%dma_start3A_1504, %dma_start3A_1505] : memref<800x32xf32, #tpu.memory_space<vmem>> -> memref<50x32xf32, #tpu.memory_space<vmem>>
      %dma_start3A_1507 = arith.constant 0 : i32
      %dma_start3A_1508 = arith.constant 0 : i32
      %dma_start3A_1509 = tpu.memref_slice %arg4[%add3A_1503, %dma_start3A_1507, %dma_start3A_1508] : memref<4096x50x32xf32, #tpu.memory_space<hbm>> -> memref<1x50x32xf32, #tpu.memory_space<hbm>>
      %dma_start3A_1510 = tpu.memref_squeeze %dma_start3A_1509 : memref<1x50x32xf32, #tpu.memory_space<hbm>> -> memref<50x32xf32, #tpu.memory_space<hbm>>
      %dma_start3A_1511 = arith.constant 0 : i32
      %dma_start3A_1512 = arith.constant 0 : i32
      %dma_start3A_1513 = tpu.memref_slice %arg4[%add3A_1503, %dma_start3A_1511, %dma_start3A_1512] : memref<4096x50x32xf32, #tpu.memory_space<hbm>> -> memref<1x50x32xf32, #tpu.memory_space<hbm>>
      %dma_start3A_1514 = tpu.memref_squeeze %dma_start3A_1513 : memref<1x50x32xf32, #tpu.memory_space<hbm>> -> memref<50x32xf32, #tpu.memory_space<hbm>>
      %dma_start3A_1515 = arith.constant 350 : i32
      %dma_start3A_1516 = arith.constant 0 : i32
      %dma_start3A_1517 = tpu.memref_slice %arg10[%dma_start3A_1515, %dma_start3A_1516] : memref<800x32xf32, #tpu.memory_space<vmem>> -> memref<50x32xf32, #tpu.memory_space<vmem>>
      tpu.enqueue_dma source(%dma_start3A_1517 : memref<50x32xf32, #tpu.memory_space<vmem>>) target(%dma_start3A_1514 : memref<50x32xf32, #tpu.memory_space<hbm>>) target_semaphore(%arg16 : memref<!tpu.dma_semaphore, #tpu.memory_space<semaphore_mem>>)
      %add3A_1518 = arith.constant 8 : i32
      %add3A_1519 = arith.addi %mul3A_1389, %add3A_1518 : i32
      %dma_start3A_1520 = arith.constant 400 : i32
      %dma_start3A_1521 = arith.constant 0 : i32
      %dma_start3A_1522 = tpu.memref_slice %arg10[%dma_start3A_1520, %dma_start3A_1521] : memref<800x32xf32, #tpu.memory_space<vmem>> -> memref<50x32xf32, #tpu.memory_space<vmem>>
      %dma_start3A_1523 = arith.constant 0 : i32
      %dma_start3A_1524 = arith.constant 0 : i32
      %dma_start3A_1525 = tpu.memref_slice %arg4[%add3A_1519, %dma_start3A_1523, %dma_start3A_1524] : memref<4096x50x32xf32, #tpu.memory_space<hbm>> -> memref<1x50x32xf32, #tpu.memory_space<hbm>>
      %dma_start3A_1526 = tpu.memref_squeeze %dma_start3A_1525 : memref<1x50x32xf32, #tpu.memory_space<hbm>> -> memref<50x32xf32, #tpu.memory_space<hbm>>
      %dma_start3A_1527 = arith.constant 0 : i32
      %dma_start3A_1528 = arith.constant 0 : i32
      %dma_start3A_1529 = tpu.memref_slice %arg4[%add3A_1519, %dma_start3A_1527, %dma_start3A_1528] : memref<4096x50x32xf32, #tpu.memory_space<hbm>> -> memref<1x50x32xf32, #tpu.memory_space<hbm>>
      %dma_start3A_1530 = tpu.memref_squeeze %dma_start3A_1529 : memref<1x50x32xf32, #tpu.memory_space<hbm>> -> memref<50x32xf32, #tpu.memory_space<hbm>>
      %dma_start3A_1531 = arith.constant 400 : i32
      %dma_start3A_1532 = arith.constant 0 : i32
      %dma_start3A_1533 = tpu.memref_slice %arg10[%dma_start3A_1531, %dma_start3A_1532] : memref<800x32xf32, #tpu.memory_space<vmem>> -> memref<50x32xf32, #tpu.memory_space<vmem>>
      tpu.enqueue_dma source(%dma_start3A_1533 : memref<50x32xf32, #tpu.memory_space<vmem>>) target(%dma_start3A_1530 : memref<50x32xf32, #tpu.memory_space<hbm>>) target_semaphore(%arg16 : memref<!tpu.dma_semaphore, #tpu.memory_space<semaphore_mem>>)
      %add3A_1534 = arith.constant 9 : i32
      %add3A_1535 = arith.addi %mul3A_1389, %add3A_1534 : i32
      %dma_start3A_1536 = arith.constant 450 : i32
      %dma_start3A_1537 = arith.constant 0 : i32
      %dma_start3A_1538 = tpu.memref_slice %arg10[%dma_start3A_1536, %dma_start3A_1537] : memref<800x32xf32, #tpu.memory_space<vmem>> -> memref<50x32xf32, #tpu.memory_space<vmem>>
      %dma_start3A_1539 = arith.constant 0 : i32
      %dma_start3A_1540 = arith.constant 0 : i32
      %dma_start3A_1541 = tpu.memref_slice %arg4[%add3A_1535, %dma_start3A_1539, %dma_start3A_1540] : memref<4096x50x32xf32, #tpu.memory_space<hbm>> -> memref<1x50x32xf32, #tpu.memory_space<hbm>>
      %dma_start3A_1542 = tpu.memref_squeeze %dma_start3A_1541 : memref<1x50x32xf32, #tpu.memory_space<hbm>> -> memref<50x32xf32, #tpu.memory_space<hbm>>
      %dma_start3A_1543 = arith.constant 0 : i32
      %dma_start3A_1544 = arith.constant 0 : i32
      %dma_start3A_1545 = tpu.memref_slice %arg4[%add3A_1535, %dma_start3A_1543, %dma_start3A_1544] : memref<4096x50x32xf32, #tpu.memory_space<hbm>> -> memref<1x50x32xf32, #tpu.memory_space<hbm>>
      %dma_start3A_1546 = tpu.memref_squeeze %dma_start3A_1545 : memref<1x50x32xf32, #tpu.memory_space<hbm>> -> memref<50x32xf32, #tpu.memory_space<hbm>>
      %dma_start3A_1547 = arith.constant 450 : i32
      %dma_start3A_1548 = arith.constant 0 : i32
      %dma_start3A_1549 = tpu.memref_slice %arg10[%dma_start3A_1547, %dma_start3A_1548] : memref<800x32xf32, #tpu.memory_space<vmem>> -> memref<50x32xf32, #tpu.memory_space<vmem>>
      tpu.enqueue_dma source(%dma_start3A_1549 : memref<50x32xf32, #tpu.memory_space<vmem>>) target(%dma_start3A_1546 : memref<50x32xf32, #tpu.memory_space<hbm>>) target_semaphore(%arg16 : memref<!tpu.dma_semaphore, #tpu.memory_space<semaphore_mem>>)
      %add3A_1550 = arith.constant 10 : i32
      %add3A_1551 = arith.addi %mul3A_1389, %add3A_1550 : i32
      %dma_start3A_1552 = arith.constant 500 : i32
      %dma_start3A_1553 = arith.constant 0 : i32
      %dma_start3A_1554 = tpu.memref_slice %arg10[%dma_start3A_1552, %dma_start3A_1553] : memref<800x32xf32, #tpu.memory_space<vmem>> -> memref<50x32xf32, #tpu.memory_space<vmem>>
      %dma_start3A_1555 = arith.constant 0 : i32
      %dma_start3A_1556 = arith.constant 0 : i32
      %dma_start3A_1557 = tpu.memref_slice %arg4[%add3A_1551, %dma_start3A_1555, %dma_start3A_1556] : memref<4096x50x32xf32, #tpu.memory_space<hbm>> -> memref<1x50x32xf32, #tpu.memory_space<hbm>>
      %dma_start3A_1558 = tpu.memref_squeeze %dma_start3A_1557 : memref<1x50x32xf32, #tpu.memory_space<hbm>> -> memref<50x32xf32, #tpu.memory_space<hbm>>
      %dma_start3A_1559 = arith.constant 0 : i32
      %dma_start3A_1560 = arith.constant 0 : i32
      %dma_start3A_1561 = tpu.memref_slice %arg4[%add3A_1551, %dma_start3A_1559, %dma_start3A_1560] : memref<4096x50x32xf32, #tpu.memory_space<hbm>> -> memref<1x50x32xf32, #tpu.memory_space<hbm>>
      %dma_start3A_1562 = tpu.memref_squeeze %dma_start3A_1561 : memref<1x50x32xf32, #tpu.memory_space<hbm>> -> memref<50x32xf32, #tpu.memory_space<hbm>>
      %dma_start3A_1563 = arith.constant 500 : i32
      %dma_start3A_1564 = arith.constant 0 : i32
      %dma_start3A_1565 = tpu.memref_slice %arg10[%dma_start3A_1563, %dma_start3A_1564] : memref<800x32xf32, #tpu.memory_space<vmem>> -> memref<50x32xf32, #tpu.memory_space<vmem>>
      tpu.enqueue_dma source(%dma_start3A_1565 : memref<50x32xf32, #tpu.memory_space<vmem>>) target(%dma_start3A_1562 : memref<50x32xf32, #tpu.memory_space<hbm>>) target_semaphore(%arg16 : memref<!tpu.dma_semaphore, #tpu.memory_space<semaphore_mem>>)
      %add3A_1566 = arith.constant 11 : i32
      %add3A_1567 = arith.addi %mul3A_1389, %add3A_1566 : i32
      %dma_start3A_1568 = arith.constant 550 : i32
      %dma_start3A_1569 = arith.constant 0 : i32
      %dma_start3A_1570 = tpu.memref_slice %arg10[%dma_start3A_1568, %dma_start3A_1569] : memref<800x32xf32, #tpu.memory_space<vmem>> -> memref<50x32xf32, #tpu.memory_space<vmem>>
      %dma_start3A_1571 = arith.constant 0 : i32
      %dma_start3A_1572 = arith.constant 0 : i32
      %dma_start3A_1573 = tpu.memref_slice %arg4[%add3A_1567, %dma_start3A_1571, %dma_start3A_1572] : memref<4096x50x32xf32, #tpu.memory_space<hbm>> -> memref<1x50x32xf32, #tpu.memory_space<hbm>>
      %dma_start3A_1574 = tpu.memref_squeeze %dma_start3A_1573 : memref<1x50x32xf32, #tpu.memory_space<hbm>> -> memref<50x32xf32, #tpu.memory_space<hbm>>
      %dma_start3A_1575 = arith.constant 0 : i32
      %dma_start3A_1576 = arith.constant 0 : i32
      %dma_start3A_1577 = tpu.memref_slice %arg4[%add3A_1567, %dma_start3A_1575, %dma_start3A_1576] : memref<4096x50x32xf32, #tpu.memory_space<hbm>> -> memref<1x50x32xf32, #tpu.memory_space<hbm>>
      %dma_start3A_1578 = tpu.memref_squeeze %dma_start3A_1577 : memref<1x50x32xf32, #tpu.memory_space<hbm>> -> memref<50x32xf32, #tpu.memory_space<hbm>>
      %dma_start3A_1579 = arith.constant 550 : i32
      %dma_start3A_1580 = arith.constant 0 : i32
      %dma_start3A_1581 = tpu.memref_slice %arg10[%dma_start3A_1579, %dma_start3A_1580] : memref<800x32xf32, #tpu.memory_space<vmem>> -> memref<50x32xf32, #tpu.memory_space<vmem>>
      tpu.enqueue_dma source(%dma_start3A_1581 : memref<50x32xf32, #tpu.memory_space<vmem>>) target(%dma_start3A_1578 : memref<50x32xf32, #tpu.memory_space<hbm>>) target_semaphore(%arg16 : memref<!tpu.dma_semaphore, #tpu.memory_space<semaphore_mem>>)
      %add3A_1582 = arith.constant 12 : i32
      %add3A_1583 = arith.addi %mul3A_1389, %add3A_1582 : i32
      %dma_start3A_1584 = arith.constant 600 : i32
      %dma_start3A_1585 = arith.constant 0 : i32
      %dma_start3A_1586 = tpu.memref_slice %arg10[%dma_start3A_1584, %dma_start3A_1585] : memref<800x32xf32, #tpu.memory_space<vmem>> -> memref<50x32xf32, #tpu.memory_space<vmem>>
      %dma_start3A_1587 = arith.constant 0 : i32
      %dma_start3A_1588 = arith.constant 0 : i32
      %dma_start3A_1589 = tpu.memref_slice %arg4[%add3A_1583, %dma_start3A_1587, %dma_start3A_1588] : memref<4096x50x32xf32, #tpu.memory_space<hbm>> -> memref<1x50x32xf32, #tpu.memory_space<hbm>>
      %dma_start3A_1590 = tpu.memref_squeeze %dma_start3A_1589 : memref<1x50x32xf32, #tpu.memory_space<hbm>> -> memref<50x32xf32, #tpu.memory_space<hbm>>
      %dma_start3A_1591 = arith.constant 0 : i32
      %dma_start3A_1592 = arith.constant 0 : i32
      %dma_start3A_1593 = tpu.memref_slice %arg4[%add3A_1583, %dma_start3A_1591, %dma_start3A_1592] : memref<4096x50x32xf32, #tpu.memory_space<hbm>> -> memref<1x50x32xf32, #tpu.memory_space<hbm>>
      %dma_start3A_1594 = tpu.memref_squeeze %dma_start3A_1593 : memref<1x50x32xf32, #tpu.memory_space<hbm>> -> memref<50x32xf32, #tpu.memory_space<hbm>>
      %dma_start3A_1595 = arith.constant 600 : i32
      %dma_start3A_1596 = arith.constant 0 : i32
      %dma_start3A_1597 = tpu.memref_slice %arg10[%dma_start3A_1595, %dma_start3A_1596] : memref<800x32xf32, #tpu.memory_space<vmem>> -> memref<50x32xf32, #tpu.memory_space<vmem>>
      tpu.enqueue_dma source(%dma_start3A_1597 : memref<50x32xf32, #tpu.memory_space<vmem>>) target(%dma_start3A_1594 : memref<50x32xf32, #tpu.memory_space<hbm>>) target_semaphore(%arg16 : memref<!tpu.dma_semaphore, #tpu.memory_space<semaphore_mem>>)
      %add3A_1598 = arith.constant 13 : i32
      %add3A_1599 = arith.addi %mul3A_1389, %add3A_1598 : i32
      %dma_start3A_1600 = arith.constant 650 : i32
      %dma_start3A_1601 = arith.constant 0 : i32
      %dma_start3A_1602 = tpu.memref_slice %arg10[%dma_start3A_1600, %dma_start3A_1601] : memref<800x32xf32, #tpu.memory_space<vmem>> -> memref<50x32xf32, #tpu.memory_space<vmem>>
      %dma_start3A_1603 = arith.constant 0 : i32
      %dma_start3A_1604 = arith.constant 0 : i32
      %dma_start3A_1605 = tpu.memref_slice %arg4[%add3A_1599, %dma_start3A_1603, %dma_start3A_1604] : memref<4096x50x32xf32, #tpu.memory_space<hbm>> -> memref<1x50x32xf32, #tpu.memory_space<hbm>>
      %dma_start3A_1606 = tpu.memref_squeeze %dma_start3A_1605 : memref<1x50x32xf32, #tpu.memory_space<hbm>> -> memref<50x32xf32, #tpu.memory_space<hbm>>
      %dma_start3A_1607 = arith.constant 0 : i32
      %dma_start3A_1608 = arith.constant 0 : i32
      %dma_start3A_1609 = tpu.memref_slice %arg4[%add3A_1599, %dma_start3A_1607, %dma_start3A_1608] : memref<4096x50x32xf32, #tpu.memory_space<hbm>> -> memref<1x50x32xf32, #tpu.memory_space<hbm>>
      %dma_start3A_1610 = tpu.memref_squeeze %dma_start3A_1609 : memref<1x50x32xf32, #tpu.memory_space<hbm>> -> memref<50x32xf32, #tpu.memory_space<hbm>>
      %dma_start3A_1611 = arith.constant 650 : i32
      %dma_start3A_1612 = arith.constant 0 : i32
      %dma_start3A_1613 = tpu.memref_slice %arg10[%dma_start3A_1611, %dma_start3A_1612] : memref<800x32xf32, #tpu.memory_space<vmem>> -> memref<50x32xf32, #tpu.memory_space<vmem>>
      tpu.enqueue_dma source(%dma_start3A_1613 : memref<50x32xf32, #tpu.memory_space<vmem>>) target(%dma_start3A_1610 : memref<50x32xf32, #tpu.memory_space<hbm>>) target_semaphore(%arg16 : memref<!tpu.dma_semaphore, #tpu.memory_space<semaphore_mem>>)
      %add3A_1614 = arith.constant 14 : i32
      %add3A_1615 = arith.addi %mul3A_1389, %add3A_1614 : i32
      %dma_start3A_1616 = arith.constant 700 : i32
      %dma_start3A_1617 = arith.constant 0 : i32
      %dma_start3A_1618 = tpu.memref_slice %arg10[%dma_start3A_1616, %dma_start3A_1617] : memref<800x32xf32, #tpu.memory_space<vmem>> -> memref<50x32xf32, #tpu.memory_space<vmem>>
      %dma_start3A_1619 = arith.constant 0 : i32
      %dma_start3A_1620 = arith.constant 0 : i32
      %dma_start3A_1621 = tpu.memref_slice %arg4[%add3A_1615, %dma_start3A_1619, %dma_start3A_1620] : memref<4096x50x32xf32, #tpu.memory_space<hbm>> -> memref<1x50x32xf32, #tpu.memory_space<hbm>>
      %dma_start3A_1622 = tpu.memref_squeeze %dma_start3A_1621 : memref<1x50x32xf32, #tpu.memory_space<hbm>> -> memref<50x32xf32, #tpu.memory_space<hbm>>
      %dma_start3A_1623 = arith.constant 0 : i32
      %dma_start3A_1624 = arith.constant 0 : i32
      %dma_start3A_1625 = tpu.memref_slice %arg4[%add3A_1615, %dma_start3A_1623, %dma_start3A_1624] : memref<4096x50x32xf32, #tpu.memory_space<hbm>> -> memref<1x50x32xf32, #tpu.memory_space<hbm>>
      %dma_start3A_1626 = tpu.memref_squeeze %dma_start3A_1625 : memref<1x50x32xf32, #tpu.memory_space<hbm>> -> memref<50x32xf32, #tpu.memory_space<hbm>>
      %dma_start3A_1627 = arith.constant 700 : i32
      %dma_start3A_1628 = arith.constant 0 : i32
      %dma_start3A_1629 = tpu.memref_slice %arg10[%dma_start3A_1627, %dma_start3A_1628] : memref<800x32xf32, #tpu.memory_space<vmem>> -> memref<50x32xf32, #tpu.memory_space<vmem>>
      tpu.enqueue_dma source(%dma_start3A_1629 : memref<50x32xf32, #tpu.memory_space<vmem>>) target(%dma_start3A_1626 : memref<50x32xf32, #tpu.memory_space<hbm>>) target_semaphore(%arg16 : memref<!tpu.dma_semaphore, #tpu.memory_space<semaphore_mem>>)
      %add3A_1630 = arith.constant 15 : i32
      %add3A_1631 = arith.addi %mul3A_1389, %add3A_1630 : i32
      %dma_start3A_1632 = arith.constant 750 : i32
      %dma_start3A_1633 = arith.constant 0 : i32
      %dma_start3A_1634 = tpu.memref_slice %arg10[%dma_start3A_1632, %dma_start3A_1633] : memref<800x32xf32, #tpu.memory_space<vmem>> -> memref<50x32xf32, #tpu.memory_space<vmem>>
      %dma_start3A_1635 = arith.constant 0 : i32
      %dma_start3A_1636 = arith.constant 0 : i32
      %dma_start3A_1637 = tpu.memref_slice %arg4[%add3A_1631, %dma_start3A_1635, %dma_start3A_1636] : memref<4096x50x32xf32, #tpu.memory_space<hbm>> -> memref<1x50x32xf32, #tpu.memory_space<hbm>>
      %dma_start3A_1638 = tpu.memref_squeeze %dma_start3A_1637 : memref<1x50x32xf32, #tpu.memory_space<hbm>> -> memref<50x32xf32, #tpu.memory_space<hbm>>
      %dma_start3A_1639 = arith.constant 0 : i32
      %dma_start3A_1640 = arith.constant 0 : i32
      %dma_start3A_1641 = tpu.memref_slice %arg4[%add3A_1631, %dma_start3A_1639, %dma_start3A_1640] : memref<4096x50x32xf32, #tpu.memory_space<hbm>> -> memref<1x50x32xf32, #tpu.memory_space<hbm>>
      %dma_start3A_1642 = tpu.memref_squeeze %dma_start3A_1641 : memref<1x50x32xf32, #tpu.memory_space<hbm>> -> memref<50x32xf32, #tpu.memory_space<hbm>>
      %dma_start3A_1643 = arith.constant 750 : i32
      %dma_start3A_1644 = arith.constant 0 : i32
      %dma_start3A_1645 = tpu.memref_slice %arg10[%dma_start3A_1643, %dma_start3A_1644] : memref<800x32xf32, #tpu.memory_space<vmem>> -> memref<50x32xf32, #tpu.memory_space<vmem>>
      tpu.enqueue_dma source(%dma_start3A_1645 : memref<50x32xf32, #tpu.memory_space<vmem>>) target(%dma_start3A_1642 : memref<50x32xf32, #tpu.memory_space<hbm>>) target_semaphore(%arg16 : memref<!tpu.dma_semaphore, #tpu.memory_space<semaphore_mem>>)
      %add3A_1646 = arith.constant 3 : i32
      %add3A_1647 = arith.addi %mul3A_691, %add3A_1646 : i32
      %lt3A_1648 = arith.constant 8 : i32
      %lt3A_1649 = arith.cmpi slt, %add3A_1647, %lt3A_1648 : i32
      %convert_element_type3A_1650 = arith.extui %lt3A_1649 : i1 to i32
      %cond3A_1651 = arith.constant 0 : i32
      %cond3A_1652 = arith.cmpi ne, %convert_element_type3A_1650, %cond3A_1651 : i32
      scf.if %cond3A_1652 {
        %add3A_1653 = arith.constant 3 : i32
        %add3A_1654 = arith.addi %mul3A_691, %add3A_1653 : i32
        %mul3A_1655 = arith.constant 8 : i32
        %mul3A_1656 = arith.muli %add3A, %mul3A_1655 : i32
        %add3A_1657 = arith.addi %mul3A_1656, %add3A_1654 : i32
        %mul3A_1658 = arith.constant 16 : i32
        %mul3A_1659 = arith.muli %add3A_1657, %mul3A_1658 : i32
        %dma_start3A_1660 = arith.constant 0 : i32
        %dma_start3A_1661 = arith.constant 0 : i32
        %dma_start3A_1662 = tpu.memref_slice %arg2[%dma_start3A_1660, %dma_start3A_1661, %mul3A_1659] : memref<20x50x4096xi32, #tpu.memory_space<hbm>> -> memref<20x50x16xi32, #tpu.memory_space<hbm>>
        %dma_start3A_1663 = arith.constant 0 : i32
        %dma_start3A_1664 = arith.constant 0 : i32
        %dma_start3A_1665 = tpu.memref_slice %arg2[%dma_start3A_1663, %dma_start3A_1664, %mul3A_1659] : memref<20x50x4096xi32, #tpu.memory_space<hbm>> -> memref<20x50x16xi32, #tpu.memory_space<hbm>>
        tpu.enqueue_dma source(%dma_start3A_1665 : memref<20x50x16xi32, #tpu.memory_space<hbm>>) target(%arg6 : memref<20x50x16xi32, #tpu.memory_space<vmem>>) target_semaphore(%arg14 : memref<!tpu.dma_semaphore, #tpu.memory_space<semaphore_mem>>)
      } else {
      }
    }
    %scan3A_208 = arith.constant 4 : i32
    %dma_wait3A_209 = arith.constant 0 : i32
    %dma_wait3A_210 = arith.constant 0 : i32
    %dma_wait3A_211 = arith.constant 0 : i32
    %dma_wait3A_212 = tpu.memref_slice %arg9[%dma_wait3A_210, %dma_wait3A_211] : memref<800x32xf32, #tpu.memory_space<vmem>> -> memref<50x32xf32, #tpu.memory_space<vmem>>
    %dma_wait3A_213 = arith.constant 0 : i32
    %dma_wait3A_214 = arith.constant 0 : i32
    %dma_wait3A_215 = tpu.memref_slice %arg4[%dma_wait3A_209, %dma_wait3A_213, %dma_wait3A_214] : memref<4096x50x32xf32, #tpu.memory_space<hbm>> -> memref<1x50x32xf32, #tpu.memory_space<hbm>>
    %dma_wait3A_216 = tpu.memref_squeeze %dma_wait3A_215 : memref<1x50x32xf32, #tpu.memory_space<hbm>> -> memref<50x32xf32, #tpu.memory_space<hbm>>
    %dma_wait3A_217 = arith.constant 0 : i32
    %dma_wait3A_218 = arith.constant 0 : i32
    %dma_wait3A_219 = tpu.memref_slice %arg4[%dma_wait3A_209, %dma_wait3A_217, %dma_wait3A_218] : memref<4096x50x32xf32, #tpu.memory_space<hbm>> -> memref<1x50x32xf32, #tpu.memory_space<hbm>>
    %dma_wait3A_220 = tpu.memref_squeeze %dma_wait3A_219 : memref<1x50x32xf32, #tpu.memory_space<hbm>> -> memref<50x32xf32, #tpu.memory_space<hbm>>
    %dma_wait3A_221 = arith.constant 0 : i32
    %dma_wait3A_222 = arith.constant 0 : i32
    %dma_wait3A_223 = tpu.memref_slice %arg9[%dma_wait3A_221, %dma_wait3A_222] : memref<800x32xf32, #tpu.memory_space<vmem>> -> memref<50x32xf32, #tpu.memory_space<vmem>>
    tpu.wait_dma2 semaphore(%arg15 : memref<!tpu.dma_semaphore, #tpu.memory_space<semaphore_mem>>) src(%dma_wait3A_223 : memref<50x32xf32, #tpu.memory_space<vmem>>) dst(%dma_wait3A_220 : memref<50x32xf32, #tpu.memory_space<hbm>>)
    %dma_wait3A_224 = arith.constant 0 : i32
    %dma_wait3A_225 = arith.constant 0 : i32
    %dma_wait3A_226 = arith.constant 0 : i32
    %dma_wait3A_227 = tpu.memref_slice %arg9[%dma_wait3A_225, %dma_wait3A_226] : memref<800x32xf32, #tpu.memory_space<vmem>> -> memref<50x32xf32, #tpu.memory_space<vmem>>
    %dma_wait3A_228 = arith.constant 0 : i32
    %dma_wait3A_229 = arith.constant 0 : i32
    %dma_wait3A_230 = tpu.memref_slice %arg4[%dma_wait3A_224, %dma_wait3A_228, %dma_wait3A_229] : memref<4096x50x32xf32, #tpu.memory_space<hbm>> -> memref<1x50x32xf32, #tpu.memory_space<hbm>>
    %dma_wait3A_231 = tpu.memref_squeeze %dma_wait3A_230 : memref<1x50x32xf32, #tpu.memory_space<hbm>> -> memref<50x32xf32, #tpu.memory_space<hbm>>
    %dma_wait3A_232 = arith.constant 0 : i32
    %dma_wait3A_233 = arith.constant 0 : i32
    %dma_wait3A_234 = tpu.memref_slice %arg4[%dma_wait3A_224, %dma_wait3A_232, %dma_wait3A_233] : memref<4096x50x32xf32, #tpu.memory_space<hbm>> -> memref<1x50x32xf32, #tpu.memory_space<hbm>>
    %dma_wait3A_235 = tpu.memref_squeeze %dma_wait3A_234 : memref<1x50x32xf32, #tpu.memory_space<hbm>> -> memref<50x32xf32, #tpu.memory_space<hbm>>
    %dma_wait3A_236 = arith.constant 0 : i32
    %dma_wait3A_237 = arith.constant 0 : i32
    %dma_wait3A_238 = tpu.memref_slice %arg9[%dma_wait3A_236, %dma_wait3A_237] : memref<800x32xf32, #tpu.memory_space<vmem>> -> memref<50x32xf32, #tpu.memory_space<vmem>>
    tpu.wait_dma2 semaphore(%arg15 : memref<!tpu.dma_semaphore, #tpu.memory_space<semaphore_mem>>) src(%dma_wait3A_238 : memref<50x32xf32, #tpu.memory_space<vmem>>) dst(%dma_wait3A_235 : memref<50x32xf32, #tpu.memory_space<hbm>>)
    %dma_wait3A_239 = arith.constant 0 : i32
    %dma_wait3A_240 = arith.constant 0 : i32
    %dma_wait3A_241 = arith.constant 0 : i32
    %dma_wait3A_242 = tpu.memref_slice %arg9[%dma_wait3A_240, %dma_wait3A_241] : memref<800x32xf32, #tpu.memory_space<vmem>> -> memref<50x32xf32, #tpu.memory_space<vmem>>
    %dma_wait3A_243 = arith.constant 0 : i32
    %dma_wait3A_244 = arith.constant 0 : i32
    %dma_wait3A_245 = tpu.memref_slice %arg4[%dma_wait3A_239, %dma_wait3A_243, %dma_wait3A_244] : memref<4096x50x32xf32, #tpu.memory_space<hbm>> -> memref<1x50x32xf32, #tpu.memory_space<hbm>>
    %dma_wait3A_246 = tpu.memref_squeeze %dma_wait3A_245 : memref<1x50x32xf32, #tpu.memory_space<hbm>> -> memref<50x32xf32, #tpu.memory_space<hbm>>
    %dma_wait3A_247 = arith.constant 0 : i32
    %dma_wait3A_248 = arith.constant 0 : i32
    %dma_wait3A_249 = tpu.memref_slice %arg4[%dma_wait3A_239, %dma_wait3A_247, %dma_wait3A_248] : memref<4096x50x32xf32, #tpu.memory_space<hbm>> -> memref<1x50x32xf32, #tpu.memory_space<hbm>>
    %dma_wait3A_250 = tpu.memref_squeeze %dma_wait3A_249 : memref<1x50x32xf32, #tpu.memory_space<hbm>> -> memref<50x32xf32, #tpu.memory_space<hbm>>
    %dma_wait3A_251 = arith.constant 0 : i32
    %dma_wait3A_252 = arith.constant 0 : i32
    %dma_wait3A_253 = tpu.memref_slice %arg9[%dma_wait3A_251, %dma_wait3A_252] : memref<800x32xf32, #tpu.memory_space<vmem>> -> memref<50x32xf32, #tpu.memory_space<vmem>>
    tpu.wait_dma2 semaphore(%arg15 : memref<!tpu.dma_semaphore, #tpu.memory_space<semaphore_mem>>) src(%dma_wait3A_253 : memref<50x32xf32, #tpu.memory_space<vmem>>) dst(%dma_wait3A_250 : memref<50x32xf32, #tpu.memory_space<hbm>>)
    %dma_wait3A_254 = arith.constant 0 : i32
    %dma_wait3A_255 = arith.constant 0 : i32
    %dma_wait3A_256 = arith.constant 0 : i32
    %dma_wait3A_257 = tpu.memref_slice %arg9[%dma_wait3A_255, %dma_wait3A_256] : memref<800x32xf32, #tpu.memory_space<vmem>> -> memref<50x32xf32, #tpu.memory_space<vmem>>
    %dma_wait3A_258 = arith.constant 0 : i32
    %dma_wait3A_259 = arith.constant 0 : i32
    %dma_wait3A_260 = tpu.memref_slice %arg4[%dma_wait3A_254, %dma_wait3A_258, %dma_wait3A_259] : memref<4096x50x32xf32, #tpu.memory_space<hbm>> -> memref<1x50x32xf32, #tpu.memory_space<hbm>>
    %dma_wait3A_261 = tpu.memref_squeeze %dma_wait3A_260 : memref<1x50x32xf32, #tpu.memory_space<hbm>> -> memref<50x32xf32, #tpu.memory_space<hbm>>
    %dma_wait3A_262 = arith.constant 0 : i32
    %dma_wait3A_263 = arith.constant 0 : i32
    %dma_wait3A_264 = tpu.memref_slice %arg4[%dma_wait3A_254, %dma_wait3A_262, %dma_wait3A_263] : memref<4096x50x32xf32, #tpu.memory_space<hbm>> -> memref<1x50x32xf32, #tpu.memory_space<hbm>>
    %dma_wait3A_265 = tpu.memref_squeeze %dma_wait3A_264 : memref<1x50x32xf32, #tpu.memory_space<hbm>> -> memref<50x32xf32, #tpu.memory_space<hbm>>
    %dma_wait3A_266 = arith.constant 0 : i32
    %dma_wait3A_267 = arith.constant 0 : i32
    %dma_wait3A_268 = tpu.memref_slice %arg9[%dma_wait3A_266, %dma_wait3A_267] : memref<800x32xf32, #tpu.memory_space<vmem>> -> memref<50x32xf32, #tpu.memory_space<vmem>>
    tpu.wait_dma2 semaphore(%arg15 : memref<!tpu.dma_semaphore, #tpu.memory_space<semaphore_mem>>) src(%dma_wait3A_268 : memref<50x32xf32, #tpu.memory_space<vmem>>) dst(%dma_wait3A_265 : memref<50x32xf32, #tpu.memory_space<hbm>>)
    %dma_wait3A_269 = arith.constant 0 : i32
    %dma_wait3A_270 = arith.constant 0 : i32
    %dma_wait3A_271 = arith.constant 0 : i32
    %dma_wait3A_272 = tpu.memref_slice %arg9[%dma_wait3A_270, %dma_wait3A_271] : memref<800x32xf32, #tpu.memory_space<vmem>> -> memref<50x32xf32, #tpu.memory_space<vmem>>
    %dma_wait3A_273 = arith.constant 0 : i32
    %dma_wait3A_274 = arith.constant 0 : i32
    %dma_wait3A_275 = tpu.memref_slice %arg4[%dma_wait3A_269, %dma_wait3A_273, %dma_wait3A_274] : memref<4096x50x32xf32, #tpu.memory_space<hbm>> -> memref<1x50x32xf32, #tpu.memory_space<hbm>>
    %dma_wait3A_276 = tpu.memref_squeeze %dma_wait3A_275 : memref<1x50x32xf32, #tpu.memory_space<hbm>> -> memref<50x32xf32, #tpu.memory_space<hbm>>
    %dma_wait3A_277 = arith.constant 0 : i32
    %dma_wait3A_278 = arith.constant 0 : i32
    %dma_wait3A_279 = tpu.memref_slice %arg4[%dma_wait3A_269, %dma_wait3A_277, %dma_wait3A_278] : memref<4096x50x32xf32, #tpu.memory_space<hbm>> -> memref<1x50x32xf32, #tpu.memory_space<hbm>>
    %dma_wait3A_280 = tpu.memref_squeeze %dma_wait3A_279 : memref<1x50x32xf32, #tpu.memory_space<hbm>> -> memref<50x32xf32, #tpu.memory_space<hbm>>
    %dma_wait3A_281 = arith.constant 0 : i32
    %dma_wait3A_282 = arith.constant 0 : i32
    %dma_wait3A_283 = tpu.memref_slice %arg9[%dma_wait3A_281, %dma_wait3A_282] : memref<800x32xf32, #tpu.memory_space<vmem>> -> memref<50x32xf32, #tpu.memory_space<vmem>>
    tpu.wait_dma2 semaphore(%arg15 : memref<!tpu.dma_semaphore, #tpu.memory_space<semaphore_mem>>) src(%dma_wait3A_283 : memref<50x32xf32, #tpu.memory_space<vmem>>) dst(%dma_wait3A_280 : memref<50x32xf32, #tpu.memory_space<hbm>>)
    %dma_wait3A_284 = arith.constant 0 : i32
    %dma_wait3A_285 = arith.constant 0 : i32
    %dma_wait3A_286 = arith.constant 0 : i32
    %dma_wait3A_287 = tpu.memref_slice %arg9[%dma_wait3A_285, %dma_wait3A_286] : memref<800x32xf32, #tpu.memory_space<vmem>> -> memref<50x32xf32, #tpu.memory_space<vmem>>
    %dma_wait3A_288 = arith.constant 0 : i32
    %dma_wait3A_289 = arith.constant 0 : i32
    %dma_wait3A_290 = tpu.memref_slice %arg4[%dma_wait3A_284, %dma_wait3A_288, %dma_wait3A_289] : memref<4096x50x32xf32, #tpu.memory_space<hbm>> -> memref<1x50x32xf32, #tpu.memory_space<hbm>>
    %dma_wait3A_291 = tpu.memref_squeeze %dma_wait3A_290 : memref<1x50x32xf32, #tpu.memory_space<hbm>> -> memref<50x32xf32, #tpu.memory_space<hbm>>
    %dma_wait3A_292 = arith.constant 0 : i32
    %dma_wait3A_293 = arith.constant 0 : i32
    %dma_wait3A_294 = tpu.memref_slice %arg4[%dma_wait3A_284, %dma_wait3A_292, %dma_wait3A_293] : memref<4096x50x32xf32, #tpu.memory_space<hbm>> -> memref<1x50x32xf32, #tpu.memory_space<hbm>>
    %dma_wait3A_295 = tpu.memref_squeeze %dma_wait3A_294 : memref<1x50x32xf32, #tpu.memory_space<hbm>> -> memref<50x32xf32, #tpu.memory_space<hbm>>
    %dma_wait3A_296 = arith.constant 0 : i32
    %dma_wait3A_297 = arith.constant 0 : i32
    %dma_wait3A_298 = tpu.memref_slice %arg9[%dma_wait3A_296, %dma_wait3A_297] : memref<800x32xf32, #tpu.memory_space<vmem>> -> memref<50x32xf32, #tpu.memory_space<vmem>>
    tpu.wait_dma2 semaphore(%arg15 : memref<!tpu.dma_semaphore, #tpu.memory_space<semaphore_mem>>) src(%dma_wait3A_298 : memref<50x32xf32, #tpu.memory_space<vmem>>) dst(%dma_wait3A_295 : memref<50x32xf32, #tpu.memory_space<hbm>>)
    %dma_wait3A_299 = arith.constant 0 : i32
    %dma_wait3A_300 = arith.constant 0 : i32
    %dma_wait3A_301 = arith.constant 0 : i32
    %dma_wait3A_302 = tpu.memref_slice %arg9[%dma_wait3A_300, %dma_wait3A_301] : memref<800x32xf32, #tpu.memory_space<vmem>> -> memref<50x32xf32, #tpu.memory_space<vmem>>
    %dma_wait3A_303 = arith.constant 0 : i32
    %dma_wait3A_304 = arith.constant 0 : i32
    %dma_wait3A_305 = tpu.memref_slice %arg4[%dma_wait3A_299, %dma_wait3A_303, %dma_wait3A_304] : memref<4096x50x32xf32, #tpu.memory_space<hbm>> -> memref<1x50x32xf32, #tpu.memory_space<hbm>>
    %dma_wait3A_306 = tpu.memref_squeeze %dma_wait3A_305 : memref<1x50x32xf32, #tpu.memory_space<hbm>> -> memref<50x32xf32, #tpu.memory_space<hbm>>
    %dma_wait3A_307 = arith.constant 0 : i32
    %dma_wait3A_308 = arith.constant 0 : i32
    %dma_wait3A_309 = tpu.memref_slice %arg4[%dma_wait3A_299, %dma_wait3A_307, %dma_wait3A_308] : memref<4096x50x32xf32, #tpu.memory_space<hbm>> -> memref<1x50x32xf32, #tpu.memory_space<hbm>>
    %dma_wait3A_310 = tpu.memref_squeeze %dma_wait3A_309 : memref<1x50x32xf32, #tpu.memory_space<hbm>> -> memref<50x32xf32, #tpu.memory_space<hbm>>
    %dma_wait3A_311 = arith.constant 0 : i32
    %dma_wait3A_312 = arith.constant 0 : i32
    %dma_wait3A_313 = tpu.memref_slice %arg9[%dma_wait3A_311, %dma_wait3A_312] : memref<800x32xf32, #tpu.memory_space<vmem>> -> memref<50x32xf32, #tpu.memory_space<vmem>>
    tpu.wait_dma2 semaphore(%arg15 : memref<!tpu.dma_semaphore, #tpu.memory_space<semaphore_mem>>) src(%dma_wait3A_313 : memref<50x32xf32, #tpu.memory_space<vmem>>) dst(%dma_wait3A_310 : memref<50x32xf32, #tpu.memory_space<hbm>>)
    %dma_wait3A_314 = arith.constant 0 : i32
    %dma_wait3A_315 = arith.constant 0 : i32
    %dma_wait3A_316 = arith.constant 0 : i32
    %dma_wait3A_317 = tpu.memref_slice %arg9[%dma_wait3A_315, %dma_wait3A_316] : memref<800x32xf32, #tpu.memory_space<vmem>> -> memref<50x32xf32, #tpu.memory_space<vmem>>
    %dma_wait3A_318 = arith.constant 0 : i32
    %dma_wait3A_319 = arith.constant 0 : i32
    %dma_wait3A_320 = tpu.memref_slice %arg4[%dma_wait3A_314, %dma_wait3A_318, %dma_wait3A_319] : memref<4096x50x32xf32, #tpu.memory_space<hbm>> -> memref<1x50x32xf32, #tpu.memory_space<hbm>>
    %dma_wait3A_321 = tpu.memref_squeeze %dma_wait3A_320 : memref<1x50x32xf32, #tpu.memory_space<hbm>> -> memref<50x32xf32, #tpu.memory_space<hbm>>
    %dma_wait3A_322 = arith.constant 0 : i32
    %dma_wait3A_323 = arith.constant 0 : i32
    %dma_wait3A_324 = tpu.memref_slice %arg4[%dma_wait3A_314, %dma_wait3A_322, %dma_wait3A_323] : memref<4096x50x32xf32, #tpu.memory_space<hbm>> -> memref<1x50x32xf32, #tpu.memory_space<hbm>>
    %dma_wait3A_325 = tpu.memref_squeeze %dma_wait3A_324 : memref<1x50x32xf32, #tpu.memory_space<hbm>> -> memref<50x32xf32, #tpu.memory_space<hbm>>
    %dma_wait3A_326 = arith.constant 0 : i32
    %dma_wait3A_327 = arith.constant 0 : i32
    %dma_wait3A_328 = tpu.memref_slice %arg9[%dma_wait3A_326, %dma_wait3A_327] : memref<800x32xf32, #tpu.memory_space<vmem>> -> memref<50x32xf32, #tpu.memory_space<vmem>>
    tpu.wait_dma2 semaphore(%arg15 : memref<!tpu.dma_semaphore, #tpu.memory_space<semaphore_mem>>) src(%dma_wait3A_328 : memref<50x32xf32, #tpu.memory_space<vmem>>) dst(%dma_wait3A_325 : memref<50x32xf32, #tpu.memory_space<hbm>>)
    %dma_wait3A_329 = arith.constant 0 : i32
    %dma_wait3A_330 = arith.constant 0 : i32
    %dma_wait3A_331 = arith.constant 0 : i32
    %dma_wait3A_332 = tpu.memref_slice %arg9[%dma_wait3A_330, %dma_wait3A_331] : memref<800x32xf32, #tpu.memory_space<vmem>> -> memref<50x32xf32, #tpu.memory_space<vmem>>
    %dma_wait3A_333 = arith.constant 0 : i32
    %dma_wait3A_334 = arith.constant 0 : i32
    %dma_wait3A_335 = tpu.memref_slice %arg4[%dma_wait3A_329, %dma_wait3A_333, %dma_wait3A_334] : memref<4096x50x32xf32, #tpu.memory_space<hbm>> -> memref<1x50x32xf32, #tpu.memory_space<hbm>>
    %dma_wait3A_336 = tpu.memref_squeeze %dma_wait3A_335 : memref<1x50x32xf32, #tpu.memory_space<hbm>> -> memref<50x32xf32, #tpu.memory_space<hbm>>
    %dma_wait3A_337 = arith.constant 0 : i32
    %dma_wait3A_338 = arith.constant 0 : i32
    %dma_wait3A_339 = tpu.memref_slice %arg4[%dma_wait3A_329, %dma_wait3A_337, %dma_wait3A_338] : memref<4096x50x32xf32, #tpu.memory_space<hbm>> -> memref<1x50x32xf32, #tpu.memory_space<hbm>>
    %dma_wait3A_340 = tpu.memref_squeeze %dma_wait3A_339 : memref<1x50x32xf32, #tpu.memory_space<hbm>> -> memref<50x32xf32, #tpu.memory_space<hbm>>
    %dma_wait3A_341 = arith.constant 0 : i32
    %dma_wait3A_342 = arith.constant 0 : i32
    %dma_wait3A_343 = tpu.memref_slice %arg9[%dma_wait3A_341, %dma_wait3A_342] : memref<800x32xf32, #tpu.memory_space<vmem>> -> memref<50x32xf32, #tpu.memory_space<vmem>>
    tpu.wait_dma2 semaphore(%arg15 : memref<!tpu.dma_semaphore, #tpu.memory_space<semaphore_mem>>) src(%dma_wait3A_343 : memref<50x32xf32, #tpu.memory_space<vmem>>) dst(%dma_wait3A_340 : memref<50x32xf32, #tpu.memory_space<hbm>>)
    %dma_wait3A_344 = arith.constant 0 : i32
    %dma_wait3A_345 = arith.constant 0 : i32
    %dma_wait3A_346 = arith.constant 0 : i32
    %dma_wait3A_347 = tpu.memref_slice %arg9[%dma_wait3A_345, %dma_wait3A_346] : memref<800x32xf32, #tpu.memory_space<vmem>> -> memref<50x32xf32, #tpu.memory_space<vmem>>
    %dma_wait3A_348 = arith.constant 0 : i32
    %dma_wait3A_349 = arith.constant 0 : i32
    %dma_wait3A_350 = tpu.memref_slice %arg4[%dma_wait3A_344, %dma_wait3A_348, %dma_wait3A_349] : memref<4096x50x32xf32, #tpu.memory_space<hbm>> -> memref<1x50x32xf32, #tpu.memory_space<hbm>>
    %dma_wait3A_351 = tpu.memref_squeeze %dma_wait3A_350 : memref<1x50x32xf32, #tpu.memory_space<hbm>> -> memref<50x32xf32, #tpu.memory_space<hbm>>
    %dma_wait3A_352 = arith.constant 0 : i32
    %dma_wait3A_353 = arith.constant 0 : i32
    %dma_wait3A_354 = tpu.memref_slice %arg4[%dma_wait3A_344, %dma_wait3A_352, %dma_wait3A_353] : memref<4096x50x32xf32, #tpu.memory_space<hbm>> -> memref<1x50x32xf32, #tpu.memory_space<hbm>>
    %dma_wait3A_355 = tpu.memref_squeeze %dma_wait3A_354 : memref<1x50x32xf32, #tpu.memory_space<hbm>> -> memref<50x32xf32, #tpu.memory_space<hbm>>
    %dma_wait3A_356 = arith.constant 0 : i32
    %dma_wait3A_357 = arith.constant 0 : i32
    %dma_wait3A_358 = tpu.memref_slice %arg9[%dma_wait3A_356, %dma_wait3A_357] : memref<800x32xf32, #tpu.memory_space<vmem>> -> memref<50x32xf32, #tpu.memory_space<vmem>>
    tpu.wait_dma2 semaphore(%arg15 : memref<!tpu.dma_semaphore, #tpu.memory_space<semaphore_mem>>) src(%dma_wait3A_358 : memref<50x32xf32, #tpu.memory_space<vmem>>) dst(%dma_wait3A_355 : memref<50x32xf32, #tpu.memory_space<hbm>>)
    %dma_wait3A_359 = arith.constant 0 : i32
    %dma_wait3A_360 = arith.constant 0 : i32
    %dma_wait3A_361 = arith.constant 0 : i32
    %dma_wait3A_362 = tpu.memref_slice %arg9[%dma_wait3A_360, %dma_wait3A_361] : memref<800x32xf32, #tpu.memory_space<vmem>> -> memref<50x32xf32, #tpu.memory_space<vmem>>
    %dma_wait3A_363 = arith.constant 0 : i32
    %dma_wait3A_364 = arith.constant 0 : i32
    %dma_wait3A_365 = tpu.memref_slice %arg4[%dma_wait3A_359, %dma_wait3A_363, %dma_wait3A_364] : memref<4096x50x32xf32, #tpu.memory_space<hbm>> -> memref<1x50x32xf32, #tpu.memory_space<hbm>>
    %dma_wait3A_366 = tpu.memref_squeeze %dma_wait3A_365 : memref<1x50x32xf32, #tpu.memory_space<hbm>> -> memref<50x32xf32, #tpu.memory_space<hbm>>
    %dma_wait3A_367 = arith.constant 0 : i32
    %dma_wait3A_368 = arith.constant 0 : i32
    %dma_wait3A_369 = tpu.memref_slice %arg4[%dma_wait3A_359, %dma_wait3A_367, %dma_wait3A_368] : memref<4096x50x32xf32, #tpu.memory_space<hbm>> -> memref<1x50x32xf32, #tpu.memory_space<hbm>>
    %dma_wait3A_370 = tpu.memref_squeeze %dma_wait3A_369 : memref<1x50x32xf32, #tpu.memory_space<hbm>> -> memref<50x32xf32, #tpu.memory_space<hbm>>
    %dma_wait3A_371 = arith.constant 0 : i32
    %dma_wait3A_372 = arith.constant 0 : i32
    %dma_wait3A_373 = tpu.memref_slice %arg9[%dma_wait3A_371, %dma_wait3A_372] : memref<800x32xf32, #tpu.memory_space<vmem>> -> memref<50x32xf32, #tpu.memory_space<vmem>>
    tpu.wait_dma2 semaphore(%arg15 : memref<!tpu.dma_semaphore, #tpu.memory_space<semaphore_mem>>) src(%dma_wait3A_373 : memref<50x32xf32, #tpu.memory_space<vmem>>) dst(%dma_wait3A_370 : memref<50x32xf32, #tpu.memory_space<hbm>>)
    %dma_wait3A_374 = arith.constant 0 : i32
    %dma_wait3A_375 = arith.constant 0 : i32
    %dma_wait3A_376 = arith.constant 0 : i32
    %dma_wait3A_377 = tpu.memref_slice %arg9[%dma_wait3A_375, %dma_wait3A_376] : memref<800x32xf32, #tpu.memory_space<vmem>> -> memref<50x32xf32, #tpu.memory_space<vmem>>
    %dma_wait3A_378 = arith.constant 0 : i32
    %dma_wait3A_379 = arith.constant 0 : i32
    %dma_wait3A_380 = tpu.memref_slice %arg4[%dma_wait3A_374, %dma_wait3A_378, %dma_wait3A_379] : memref<4096x50x32xf32, #tpu.memory_space<hbm>> -> memref<1x50x32xf32, #tpu.memory_space<hbm>>
    %dma_wait3A_381 = tpu.memref_squeeze %dma_wait3A_380 : memref<1x50x32xf32, #tpu.memory_space<hbm>> -> memref<50x32xf32, #tpu.memory_space<hbm>>
    %dma_wait3A_382 = arith.constant 0 : i32
    %dma_wait3A_383 = arith.constant 0 : i32
    %dma_wait3A_384 = tpu.memref_slice %arg4[%dma_wait3A_374, %dma_wait3A_382, %dma_wait3A_383] : memref<4096x50x32xf32, #tpu.memory_space<hbm>> -> memref<1x50x32xf32, #tpu.memory_space<hbm>>
    %dma_wait3A_385 = tpu.memref_squeeze %dma_wait3A_384 : memref<1x50x32xf32, #tpu.memory_space<hbm>> -> memref<50x32xf32, #tpu.memory_space<hbm>>
    %dma_wait3A_386 = arith.constant 0 : i32
    %dma_wait3A_387 = arith.constant 0 : i32
    %dma_wait3A_388 = tpu.memref_slice %arg9[%dma_wait3A_386, %dma_wait3A_387] : memref<800x32xf32, #tpu.memory_space<vmem>> -> memref<50x32xf32, #tpu.memory_space<vmem>>
    tpu.wait_dma2 semaphore(%arg15 : memref<!tpu.dma_semaphore, #tpu.memory_space<semaphore_mem>>) src(%dma_wait3A_388 : memref<50x32xf32, #tpu.memory_space<vmem>>) dst(%dma_wait3A_385 : memref<50x32xf32, #tpu.memory_space<hbm>>)
    %dma_wait3A_389 = arith.constant 0 : i32
    %dma_wait3A_390 = arith.constant 0 : i32
    %dma_wait3A_391 = arith.constant 0 : i32
    %dma_wait3A_392 = tpu.memref_slice %arg9[%dma_wait3A_390, %dma_wait3A_391] : memref<800x32xf32, #tpu.memory_space<vmem>> -> memref<50x32xf32, #tpu.memory_space<vmem>>
    %dma_wait3A_393 = arith.constant 0 : i32
    %dma_wait3A_394 = arith.constant 0 : i32
    %dma_wait3A_395 = tpu.memref_slice %arg4[%dma_wait3A_389, %dma_wait3A_393, %dma_wait3A_394] : memref<4096x50x32xf32, #tpu.memory_space<hbm>> -> memref<1x50x32xf32, #tpu.memory_space<hbm>>
    %dma_wait3A_396 = tpu.memref_squeeze %dma_wait3A_395 : memref<1x50x32xf32, #tpu.memory_space<hbm>> -> memref<50x32xf32, #tpu.memory_space<hbm>>
    %dma_wait3A_397 = arith.constant 0 : i32
    %dma_wait3A_398 = arith.constant 0 : i32
    %dma_wait3A_399 = tpu.memref_slice %arg4[%dma_wait3A_389, %dma_wait3A_397, %dma_wait3A_398] : memref<4096x50x32xf32, #tpu.memory_space<hbm>> -> memref<1x50x32xf32, #tpu.memory_space<hbm>>
    %dma_wait3A_400 = tpu.memref_squeeze %dma_wait3A_399 : memref<1x50x32xf32, #tpu.memory_space<hbm>> -> memref<50x32xf32, #tpu.memory_space<hbm>>
    %dma_wait3A_401 = arith.constant 0 : i32
    %dma_wait3A_402 = arith.constant 0 : i32
    %dma_wait3A_403 = tpu.memref_slice %arg9[%dma_wait3A_401, %dma_wait3A_402] : memref<800x32xf32, #tpu.memory_space<vmem>> -> memref<50x32xf32, #tpu.memory_space<vmem>>
    tpu.wait_dma2 semaphore(%arg15 : memref<!tpu.dma_semaphore, #tpu.memory_space<semaphore_mem>>) src(%dma_wait3A_403 : memref<50x32xf32, #tpu.memory_space<vmem>>) dst(%dma_wait3A_400 : memref<50x32xf32, #tpu.memory_space<hbm>>)
    %dma_wait3A_404 = arith.constant 0 : i32
    %dma_wait3A_405 = arith.constant 0 : i32
    %dma_wait3A_406 = arith.constant 0 : i32
    %dma_wait3A_407 = tpu.memref_slice %arg9[%dma_wait3A_405, %dma_wait3A_406] : memref<800x32xf32, #tpu.memory_space<vmem>> -> memref<50x32xf32, #tpu.memory_space<vmem>>
    %dma_wait3A_408 = arith.constant 0 : i32
    %dma_wait3A_409 = arith.constant 0 : i32
    %dma_wait3A_410 = tpu.memref_slice %arg4[%dma_wait3A_404, %dma_wait3A_408, %dma_wait3A_409] : memref<4096x50x32xf32, #tpu.memory_space<hbm>> -> memref<1x50x32xf32, #tpu.memory_space<hbm>>
    %dma_wait3A_411 = tpu.memref_squeeze %dma_wait3A_410 : memref<1x50x32xf32, #tpu.memory_space<hbm>> -> memref<50x32xf32, #tpu.memory_space<hbm>>
    %dma_wait3A_412 = arith.constant 0 : i32
    %dma_wait3A_413 = arith.constant 0 : i32
    %dma_wait3A_414 = tpu.memref_slice %arg4[%dma_wait3A_404, %dma_wait3A_412, %dma_wait3A_413] : memref<4096x50x32xf32, #tpu.memory_space<hbm>> -> memref<1x50x32xf32, #tpu.memory_space<hbm>>
    %dma_wait3A_415 = tpu.memref_squeeze %dma_wait3A_414 : memref<1x50x32xf32, #tpu.memory_space<hbm>> -> memref<50x32xf32, #tpu.memory_space<hbm>>
    %dma_wait3A_416 = arith.constant 0 : i32
    %dma_wait3A_417 = arith.constant 0 : i32
    %dma_wait3A_418 = tpu.memref_slice %arg9[%dma_wait3A_416, %dma_wait3A_417] : memref<800x32xf32, #tpu.memory_space<vmem>> -> memref<50x32xf32, #tpu.memory_space<vmem>>
    tpu.wait_dma2 semaphore(%arg15 : memref<!tpu.dma_semaphore, #tpu.memory_space<semaphore_mem>>) src(%dma_wait3A_418 : memref<50x32xf32, #tpu.memory_space<vmem>>) dst(%dma_wait3A_415 : memref<50x32xf32, #tpu.memory_space<hbm>>)
    %dma_wait3A_419 = arith.constant 0 : i32
    %dma_wait3A_420 = arith.constant 0 : i32
    %dma_wait3A_421 = arith.constant 0 : i32
    %dma_wait3A_422 = tpu.memref_slice %arg9[%dma_wait3A_420, %dma_wait3A_421] : memref<800x32xf32, #tpu.memory_space<vmem>> -> memref<50x32xf32, #tpu.memory_space<vmem>>
    %dma_wait3A_423 = arith.constant 0 : i32
    %dma_wait3A_424 = arith.constant 0 : i32
    %dma_wait3A_425 = tpu.memref_slice %arg4[%dma_wait3A_419, %dma_wait3A_423, %dma_wait3A_424] : memref<4096x50x32xf32, #tpu.memory_space<hbm>> -> memref<1x50x32xf32, #tpu.memory_space<hbm>>
    %dma_wait3A_426 = tpu.memref_squeeze %dma_wait3A_425 : memref<1x50x32xf32, #tpu.memory_space<hbm>> -> memref<50x32xf32, #tpu.memory_space<hbm>>
    %dma_wait3A_427 = arith.constant 0 : i32
    %dma_wait3A_428 = arith.constant 0 : i32
    %dma_wait3A_429 = tpu.memref_slice %arg4[%dma_wait3A_419, %dma_wait3A_427, %dma_wait3A_428] : memref<4096x50x32xf32, #tpu.memory_space<hbm>> -> memref<1x50x32xf32, #tpu.memory_space<hbm>>
    %dma_wait3A_430 = tpu.memref_squeeze %dma_wait3A_429 : memref<1x50x32xf32, #tpu.memory_space<hbm>> -> memref<50x32xf32, #tpu.memory_space<hbm>>
    %dma_wait3A_431 = arith.constant 0 : i32
    %dma_wait3A_432 = arith.constant 0 : i32
    %dma_wait3A_433 = tpu.memref_slice %arg9[%dma_wait3A_431, %dma_wait3A_432] : memref<800x32xf32, #tpu.memory_space<vmem>> -> memref<50x32xf32, #tpu.memory_space<vmem>>
    tpu.wait_dma2 semaphore(%arg15 : memref<!tpu.dma_semaphore, #tpu.memory_space<semaphore_mem>>) src(%dma_wait3A_433 : memref<50x32xf32, #tpu.memory_space<vmem>>) dst(%dma_wait3A_430 : memref<50x32xf32, #tpu.memory_space<hbm>>)
    %dma_wait3A_434 = arith.constant 0 : i32
    %dma_wait3A_435 = arith.constant 0 : i32
    %dma_wait3A_436 = arith.constant 0 : i32
    %dma_wait3A_437 = tpu.memref_slice %arg9[%dma_wait3A_435, %dma_wait3A_436] : memref<800x32xf32, #tpu.memory_space<vmem>> -> memref<50x32xf32, #tpu.memory_space<vmem>>
    %dma_wait3A_438 = arith.constant 0 : i32
    %dma_wait3A_439 = arith.constant 0 : i32
    %dma_wait3A_440 = tpu.memref_slice %arg4[%dma_wait3A_434, %dma_wait3A_438, %dma_wait3A_439] : memref<4096x50x32xf32, #tpu.memory_space<hbm>> -> memref<1x50x32xf32, #tpu.memory_space<hbm>>
    %dma_wait3A_441 = tpu.memref_squeeze %dma_wait3A_440 : memref<1x50x32xf32, #tpu.memory_space<hbm>> -> memref<50x32xf32, #tpu.memory_space<hbm>>
    %dma_wait3A_442 = arith.constant 0 : i32
    %dma_wait3A_443 = arith.constant 0 : i32
    %dma_wait3A_444 = tpu.memref_slice %arg4[%dma_wait3A_434, %dma_wait3A_442, %dma_wait3A_443] : memref<4096x50x32xf32, #tpu.memory_space<hbm>> -> memref<1x50x32xf32, #tpu.memory_space<hbm>>
    %dma_wait3A_445 = tpu.memref_squeeze %dma_wait3A_444 : memref<1x50x32xf32, #tpu.memory_space<hbm>> -> memref<50x32xf32, #tpu.memory_space<hbm>>
    %dma_wait3A_446 = arith.constant 0 : i32
    %dma_wait3A_447 = arith.constant 0 : i32
    %dma_wait3A_448 = tpu.memref_slice %arg9[%dma_wait3A_446, %dma_wait3A_447] : memref<800x32xf32, #tpu.memory_space<vmem>> -> memref<50x32xf32, #tpu.memory_space<vmem>>
    tpu.wait_dma2 semaphore(%arg15 : memref<!tpu.dma_semaphore, #tpu.memory_space<semaphore_mem>>) src(%dma_wait3A_448 : memref<50x32xf32, #tpu.memory_space<vmem>>) dst(%dma_wait3A_445 : memref<50x32xf32, #tpu.memory_space<hbm>>)
    %dma_wait3A_449 = arith.constant 0 : i32
    %dma_wait3A_450 = arith.constant 0 : i32
    %dma_wait3A_451 = arith.constant 0 : i32
    %dma_wait3A_452 = tpu.memref_slice %arg10[%dma_wait3A_450, %dma_wait3A_451] : memref<800x32xf32, #tpu.memory_space<vmem>> -> memref<50x32xf32, #tpu.memory_space<vmem>>
    %dma_wait3A_453 = arith.constant 0 : i32
    %dma_wait3A_454 = arith.constant 0 : i32
    %dma_wait3A_455 = tpu.memref_slice %arg4[%dma_wait3A_449, %dma_wait3A_453, %dma_wait3A_454] : memref<4096x50x32xf32, #tpu.memory_space<hbm>> -> memref<1x50x32xf32, #tpu.memory_space<hbm>>
    %dma_wait3A_456 = tpu.memref_squeeze %dma_wait3A_455 : memref<1x50x32xf32, #tpu.memory_space<hbm>> -> memref<50x32xf32, #tpu.memory_space<hbm>>
    %dma_wait3A_457 = arith.constant 0 : i32
    %dma_wait3A_458 = arith.constant 0 : i32
    %dma_wait3A_459 = tpu.memref_slice %arg4[%dma_wait3A_449, %dma_wait3A_457, %dma_wait3A_458] : memref<4096x50x32xf32, #tpu.memory_space<hbm>> -> memref<1x50x32xf32, #tpu.memory_space<hbm>>
    %dma_wait3A_460 = tpu.memref_squeeze %dma_wait3A_459 : memref<1x50x32xf32, #tpu.memory_space<hbm>> -> memref<50x32xf32, #tpu.memory_space<hbm>>
    %dma_wait3A_461 = arith.constant 0 : i32
    %dma_wait3A_462 = arith.constant 0 : i32
    %dma_wait3A_463 = tpu.memref_slice %arg10[%dma_wait3A_461, %dma_wait3A_462] : memref<800x32xf32, #tpu.memory_space<vmem>> -> memref<50x32xf32, #tpu.memory_space<vmem>>
    tpu.wait_dma2 semaphore(%arg16 : memref<!tpu.dma_semaphore, #tpu.memory_space<semaphore_mem>>) src(%dma_wait3A_463 : memref<50x32xf32, #tpu.memory_space<vmem>>) dst(%dma_wait3A_460 : memref<50x32xf32, #tpu.memory_space<hbm>>)
    %dma_wait3A_464 = arith.constant 0 : i32
    %dma_wait3A_465 = arith.constant 0 : i32
    %dma_wait3A_466 = arith.constant 0 : i32
    %dma_wait3A_467 = tpu.memref_slice %arg10[%dma_wait3A_465, %dma_wait3A_466] : memref<800x32xf32, #tpu.memory_space<vmem>> -> memref<50x32xf32, #tpu.memory_space<vmem>>
    %dma_wait3A_468 = arith.constant 0 : i32
    %dma_wait3A_469 = arith.constant 0 : i32
    %dma_wait3A_470 = tpu.memref_slice %arg4[%dma_wait3A_464, %dma_wait3A_468, %dma_wait3A_469] : memref<4096x50x32xf32, #tpu.memory_space<hbm>> -> memref<1x50x32xf32, #tpu.memory_space<hbm>>
    %dma_wait3A_471 = tpu.memref_squeeze %dma_wait3A_470 : memref<1x50x32xf32, #tpu.memory_space<hbm>> -> memref<50x32xf32, #tpu.memory_space<hbm>>
    %dma_wait3A_472 = arith.constant 0 : i32
    %dma_wait3A_473 = arith.constant 0 : i32
    %dma_wait3A_474 = tpu.memref_slice %arg4[%dma_wait3A_464, %dma_wait3A_472, %dma_wait3A_473] : memref<4096x50x32xf32, #tpu.memory_space<hbm>> -> memref<1x50x32xf32, #tpu.memory_space<hbm>>
    %dma_wait3A_475 = tpu.memref_squeeze %dma_wait3A_474 : memref<1x50x32xf32, #tpu.memory_space<hbm>> -> memref<50x32xf32, #tpu.memory_space<hbm>>
    %dma_wait3A_476 = arith.constant 0 : i32
    %dma_wait3A_477 = arith.constant 0 : i32
    %dma_wait3A_478 = tpu.memref_slice %arg10[%dma_wait3A_476, %dma_wait3A_477] : memref<800x32xf32, #tpu.memory_space<vmem>> -> memref<50x32xf32, #tpu.memory_space<vmem>>
    tpu.wait_dma2 semaphore(%arg16 : memref<!tpu.dma_semaphore, #tpu.memory_space<semaphore_mem>>) src(%dma_wait3A_478 : memref<50x32xf32, #tpu.memory_space<vmem>>) dst(%dma_wait3A_475 : memref<50x32xf32, #tpu.memory_space<hbm>>)
    %dma_wait3A_479 = arith.constant 0 : i32
    %dma_wait3A_480 = arith.constant 0 : i32
    %dma_wait3A_481 = arith.constant 0 : i32
    %dma_wait3A_482 = tpu.memref_slice %arg10[%dma_wait3A_480, %dma_wait3A_481] : memref<800x32xf32, #tpu.memory_space<vmem>> -> memref<50x32xf32, #tpu.memory_space<vmem>>
    %dma_wait3A_483 = arith.constant 0 : i32
    %dma_wait3A_484 = arith.constant 0 : i32
    %dma_wait3A_485 = tpu.memref_slice %arg4[%dma_wait3A_479, %dma_wait3A_483, %dma_wait3A_484] : memref<4096x50x32xf32, #tpu.memory_space<hbm>> -> memref<1x50x32xf32, #tpu.memory_space<hbm>>
    %dma_wait3A_486 = tpu.memref_squeeze %dma_wait3A_485 : memref<1x50x32xf32, #tpu.memory_space<hbm>> -> memref<50x32xf32, #tpu.memory_space<hbm>>
    %dma_wait3A_487 = arith.constant 0 : i32
    %dma_wait3A_488 = arith.constant 0 : i32
    %dma_wait3A_489 = tpu.memref_slice %arg4[%dma_wait3A_479, %dma_wait3A_487, %dma_wait3A_488] : memref<4096x50x32xf32, #tpu.memory_space<hbm>> -> memref<1x50x32xf32, #tpu.memory_space<hbm>>
    %dma_wait3A_490 = tpu.memref_squeeze %dma_wait3A_489 : memref<1x50x32xf32, #tpu.memory_space<hbm>> -> memref<50x32xf32, #tpu.memory_space<hbm>>
    %dma_wait3A_491 = arith.constant 0 : i32
    %dma_wait3A_492 = arith.constant 0 : i32
    %dma_wait3A_493 = tpu.memref_slice %arg10[%dma_wait3A_491, %dma_wait3A_492] : memref<800x32xf32, #tpu.memory_space<vmem>> -> memref<50x32xf32, #tpu.memory_space<vmem>>
    tpu.wait_dma2 semaphore(%arg16 : memref<!tpu.dma_semaphore, #tpu.memory_space<semaphore_mem>>) src(%dma_wait3A_493 : memref<50x32xf32, #tpu.memory_space<vmem>>) dst(%dma_wait3A_490 : memref<50x32xf32, #tpu.memory_space<hbm>>)
    %dma_wait3A_494 = arith.constant 0 : i32
    %dma_wait3A_495 = arith.constant 0 : i32
    %dma_wait3A_496 = arith.constant 0 : i32
    %dma_wait3A_497 = tpu.memref_slice %arg10[%dma_wait3A_495, %dma_wait3A_496] : memref<800x32xf32, #tpu.memory_space<vmem>> -> memref<50x32xf32, #tpu.memory_space<vmem>>
    %dma_wait3A_498 = arith.constant 0 : i32
    %dma_wait3A_499 = arith.constant 0 : i32
    %dma_wait3A_500 = tpu.memref_slice %arg4[%dma_wait3A_494, %dma_wait3A_498, %dma_wait3A_499] : memref<4096x50x32xf32, #tpu.memory_space<hbm>> -> memref<1x50x32xf32, #tpu.memory_space<hbm>>
    %dma_wait3A_501 = tpu.memref_squeeze %dma_wait3A_500 : memref<1x50x32xf32, #tpu.memory_space<hbm>> -> memref<50x32xf32, #tpu.memory_space<hbm>>
    %dma_wait3A_502 = arith.constant 0 : i32
    %dma_wait3A_503 = arith.constant 0 : i32
    %dma_wait3A_504 = tpu.memref_slice %arg4[%dma_wait3A_494, %dma_wait3A_502, %dma_wait3A_503] : memref<4096x50x32xf32, #tpu.memory_space<hbm>> -> memref<1x50x32xf32, #tpu.memory_space<hbm>>
    %dma_wait3A_505 = tpu.memref_squeeze %dma_wait3A_504 : memref<1x50x32xf32, #tpu.memory_space<hbm>> -> memref<50x32xf32, #tpu.memory_space<hbm>>
    %dma_wait3A_506 = arith.constant 0 : i32
    %dma_wait3A_507 = arith.constant 0 : i32
    %dma_wait3A_508 = tpu.memref_slice %arg10[%dma_wait3A_506, %dma_wait3A_507] : memref<800x32xf32, #tpu.memory_space<vmem>> -> memref<50x32xf32, #tpu.memory_space<vmem>>
    tpu.wait_dma2 semaphore(%arg16 : memref<!tpu.dma_semaphore, #tpu.memory_space<semaphore_mem>>) src(%dma_wait3A_508 : memref<50x32xf32, #tpu.memory_space<vmem>>) dst(%dma_wait3A_505 : memref<50x32xf32, #tpu.memory_space<hbm>>)
    %dma_wait3A_509 = arith.constant 0 : i32
    %dma_wait3A_510 = arith.constant 0 : i32
    %dma_wait3A_511 = arith.constant 0 : i32
    %dma_wait3A_512 = tpu.memref_slice %arg10[%dma_wait3A_510, %dma_wait3A_511] : memref<800x32xf32, #tpu.memory_space<vmem>> -> memref<50x32xf32, #tpu.memory_space<vmem>>
    %dma_wait3A_513 = arith.constant 0 : i32
    %dma_wait3A_514 = arith.constant 0 : i32
    %dma_wait3A_515 = tpu.memref_slice %arg4[%dma_wait3A_509, %dma_wait3A_513, %dma_wait3A_514] : memref<4096x50x32xf32, #tpu.memory_space<hbm>> -> memref<1x50x32xf32, #tpu.memory_space<hbm>>
    %dma_wait3A_516 = tpu.memref_squeeze %dma_wait3A_515 : memref<1x50x32xf32, #tpu.memory_space<hbm>> -> memref<50x32xf32, #tpu.memory_space<hbm>>
    %dma_wait3A_517 = arith.constant 0 : i32
    %dma_wait3A_518 = arith.constant 0 : i32
    %dma_wait3A_519 = tpu.memref_slice %arg4[%dma_wait3A_509, %dma_wait3A_517, %dma_wait3A_518] : memref<4096x50x32xf32, #tpu.memory_space<hbm>> -> memref<1x50x32xf32, #tpu.memory_space<hbm>>
    %dma_wait3A_520 = tpu.memref_squeeze %dma_wait3A_519 : memref<1x50x32xf32, #tpu.memory_space<hbm>> -> memref<50x32xf32, #tpu.memory_space<hbm>>
    %dma_wait3A_521 = arith.constant 0 : i32
    %dma_wait3A_522 = arith.constant 0 : i32
    %dma_wait3A_523 = tpu.memref_slice %arg10[%dma_wait3A_521, %dma_wait3A_522] : memref<800x32xf32, #tpu.memory_space<vmem>> -> memref<50x32xf32, #tpu.memory_space<vmem>>
    tpu.wait_dma2 semaphore(%arg16 : memref<!tpu.dma_semaphore, #tpu.memory_space<semaphore_mem>>) src(%dma_wait3A_523 : memref<50x32xf32, #tpu.memory_space<vmem>>) dst(%dma_wait3A_520 : memref<50x32xf32, #tpu.memory_space<hbm>>)
    %dma_wait3A_524 = arith.constant 0 : i32
    %dma_wait3A_525 = arith.constant 0 : i32
    %dma_wait3A_526 = arith.constant 0 : i32
    %dma_wait3A_527 = tpu.memref_slice %arg10[%dma_wait3A_525, %dma_wait3A_526] : memref<800x32xf32, #tpu.memory_space<vmem>> -> memref<50x32xf32, #tpu.memory_space<vmem>>
    %dma_wait3A_528 = arith.constant 0 : i32
    %dma_wait3A_529 = arith.constant 0 : i32
    %dma_wait3A_530 = tpu.memref_slice %arg4[%dma_wait3A_524, %dma_wait3A_528, %dma_wait3A_529] : memref<4096x50x32xf32, #tpu.memory_space<hbm>> -> memref<1x50x32xf32, #tpu.memory_space<hbm>>
    %dma_wait3A_531 = tpu.memref_squeeze %dma_wait3A_530 : memref<1x50x32xf32, #tpu.memory_space<hbm>> -> memref<50x32xf32, #tpu.memory_space<hbm>>
    %dma_wait3A_532 = arith.constant 0 : i32
    %dma_wait3A_533 = arith.constant 0 : i32
    %dma_wait3A_534 = tpu.memref_slice %arg4[%dma_wait3A_524, %dma_wait3A_532, %dma_wait3A_533] : memref<4096x50x32xf32, #tpu.memory_space<hbm>> -> memref<1x50x32xf32, #tpu.memory_space<hbm>>
    %dma_wait3A_535 = tpu.memref_squeeze %dma_wait3A_534 : memref<1x50x32xf32, #tpu.memory_space<hbm>> -> memref<50x32xf32, #tpu.memory_space<hbm>>
    %dma_wait3A_536 = arith.constant 0 : i32
    %dma_wait3A_537 = arith.constant 0 : i32
    %dma_wait3A_538 = tpu.memref_slice %arg10[%dma_wait3A_536, %dma_wait3A_537] : memref<800x32xf32, #tpu.memory_space<vmem>> -> memref<50x32xf32, #tpu.memory_space<vmem>>
    tpu.wait_dma2 semaphore(%arg16 : memref<!tpu.dma_semaphore, #tpu.memory_space<semaphore_mem>>) src(%dma_wait3A_538 : memref<50x32xf32, #tpu.memory_space<vmem>>) dst(%dma_wait3A_535 : memref<50x32xf32, #tpu.memory_space<hbm>>)
    %dma_wait3A_539 = arith.constant 0 : i32
    %dma_wait3A_540 = arith.constant 0 : i32
    %dma_wait3A_541 = arith.constant 0 : i32
    %dma_wait3A_542 = tpu.memref_slice %arg10[%dma_wait3A_540, %dma_wait3A_541] : memref<800x32xf32, #tpu.memory_space<vmem>> -> memref<50x32xf32, #tpu.memory_space<vmem>>
    %dma_wait3A_543 = arith.constant 0 : i32
    %dma_wait3A_544 = arith.constant 0 : i32
    %dma_wait3A_545 = tpu.memref_slice %arg4[%dma_wait3A_539, %dma_wait3A_543, %dma_wait3A_544] : memref<4096x50x32xf32, #tpu.memory_space<hbm>> -> memref<1x50x32xf32, #tpu.memory_space<hbm>>
    %dma_wait3A_546 = tpu.memref_squeeze %dma_wait3A_545 : memref<1x50x32xf32, #tpu.memory_space<hbm>> -> memref<50x32xf32, #tpu.memory_space<hbm>>
    %dma_wait3A_547 = arith.constant 0 : i32
    %dma_wait3A_548 = arith.constant 0 : i32
    %dma_wait3A_549 = tpu.memref_slice %arg4[%dma_wait3A_539, %dma_wait3A_547, %dma_wait3A_548] : memref<4096x50x32xf32, #tpu.memory_space<hbm>> -> memref<1x50x32xf32, #tpu.memory_space<hbm>>
    %dma_wait3A_550 = tpu.memref_squeeze %dma_wait3A_549 : memref<1x50x32xf32, #tpu.memory_space<hbm>> -> memref<50x32xf32, #tpu.memory_space<hbm>>
    %dma_wait3A_551 = arith.constant 0 : i32
    %dma_wait3A_552 = arith.constant 0 : i32
    %dma_wait3A_553 = tpu.memref_slice %arg10[%dma_wait3A_551, %dma_wait3A_552] : memref<800x32xf32, #tpu.memory_space<vmem>> -> memref<50x32xf32, #tpu.memory_space<vmem>>
    tpu.wait_dma2 semaphore(%arg16 : memref<!tpu.dma_semaphore, #tpu.memory_space<semaphore_mem>>) src(%dma_wait3A_553 : memref<50x32xf32, #tpu.memory_space<vmem>>) dst(%dma_wait3A_550 : memref<50x32xf32, #tpu.memory_space<hbm>>)
    %dma_wait3A_554 = arith.constant 0 : i32
    %dma_wait3A_555 = arith.constant 0 : i32
    %dma_wait3A_556 = arith.constant 0 : i32
    %dma_wait3A_557 = tpu.memref_slice %arg10[%dma_wait3A_555, %dma_wait3A_556] : memref<800x32xf32, #tpu.memory_space<vmem>> -> memref<50x32xf32, #tpu.memory_space<vmem>>
    %dma_wait3A_558 = arith.constant 0 : i32
    %dma_wait3A_559 = arith.constant 0 : i32
    %dma_wait3A_560 = tpu.memref_slice %arg4[%dma_wait3A_554, %dma_wait3A_558, %dma_wait3A_559] : memref<4096x50x32xf32, #tpu.memory_space<hbm>> -> memref<1x50x32xf32, #tpu.memory_space<hbm>>
    %dma_wait3A_561 = tpu.memref_squeeze %dma_wait3A_560 : memref<1x50x32xf32, #tpu.memory_space<hbm>> -> memref<50x32xf32, #tpu.memory_space<hbm>>
    %dma_wait3A_562 = arith.constant 0 : i32
    %dma_wait3A_563 = arith.constant 0 : i32
    %dma_wait3A_564 = tpu.memref_slice %arg4[%dma_wait3A_554, %dma_wait3A_562, %dma_wait3A_563] : memref<4096x50x32xf32, #tpu.memory_space<hbm>> -> memref<1x50x32xf32, #tpu.memory_space<hbm>>
    %dma_wait3A_565 = tpu.memref_squeeze %dma_wait3A_564 : memref<1x50x32xf32, #tpu.memory_space<hbm>> -> memref<50x32xf32, #tpu.memory_space<hbm>>
    %dma_wait3A_566 = arith.constant 0 : i32
    %dma_wait3A_567 = arith.constant 0 : i32
    %dma_wait3A_568 = tpu.memref_slice %arg10[%dma_wait3A_566, %dma_wait3A_567] : memref<800x32xf32, #tpu.memory_space<vmem>> -> memref<50x32xf32, #tpu.memory_space<vmem>>
    tpu.wait_dma2 semaphore(%arg16 : memref<!tpu.dma_semaphore, #tpu.memory_space<semaphore_mem>>) src(%dma_wait3A_568 : memref<50x32xf32, #tpu.memory_space<vmem>>) dst(%dma_wait3A_565 : memref<50x32xf32, #tpu.memory_space<hbm>>)
    %dma_wait3A_569 = arith.constant 0 : i32
    %dma_wait3A_570 = arith.constant 0 : i32
    %dma_wait3A_571 = arith.constant 0 : i32
    %dma_wait3A_572 = tpu.memref_slice %arg10[%dma_wait3A_570, %dma_wait3A_571] : memref<800x32xf32, #tpu.memory_space<vmem>> -> memref<50x32xf32, #tpu.memory_space<vmem>>
    %dma_wait3A_573 = arith.constant 0 : i32
    %dma_wait3A_574 = arith.constant 0 : i32
    %dma_wait3A_575 = tpu.memref_slice %arg4[%dma_wait3A_569, %dma_wait3A_573, %dma_wait3A_574] : memref<4096x50x32xf32, #tpu.memory_space<hbm>> -> memref<1x50x32xf32, #tpu.memory_space<hbm>>
    %dma_wait3A_576 = tpu.memref_squeeze %dma_wait3A_575 : memref<1x50x32xf32, #tpu.memory_space<hbm>> -> memref<50x32xf32, #tpu.memory_space<hbm>>
    %dma_wait3A_577 = arith.constant 0 : i32
    %dma_wait3A_578 = arith.constant 0 : i32
    %dma_wait3A_579 = tpu.memref_slice %arg4[%dma_wait3A_569, %dma_wait3A_577, %dma_wait3A_578] : memref<4096x50x32xf32, #tpu.memory_space<hbm>> -> memref<1x50x32xf32, #tpu.memory_space<hbm>>
    %dma_wait3A_580 = tpu.memref_squeeze %dma_wait3A_579 : memref<1x50x32xf32, #tpu.memory_space<hbm>> -> memref<50x32xf32, #tpu.memory_space<hbm>>
    %dma_wait3A_581 = arith.constant 0 : i32
    %dma_wait3A_582 = arith.constant 0 : i32
    %dma_wait3A_583 = tpu.memref_slice %arg10[%dma_wait3A_581, %dma_wait3A_582] : memref<800x32xf32, #tpu.memory_space<vmem>> -> memref<50x32xf32, #tpu.memory_space<vmem>>
    tpu.wait_dma2 semaphore(%arg16 : memref<!tpu.dma_semaphore, #tpu.memory_space<semaphore_mem>>) src(%dma_wait3A_583 : memref<50x32xf32, #tpu.memory_space<vmem>>) dst(%dma_wait3A_580 : memref<50x32xf32, #tpu.memory_space<hbm>>)
    %dma_wait3A_584 = arith.constant 0 : i32
    %dma_wait3A_585 = arith.constant 0 : i32
    %dma_wait3A_586 = arith.constant 0 : i32
    %dma_wait3A_587 = tpu.memref_slice %arg10[%dma_wait3A_585, %dma_wait3A_586] : memref<800x32xf32, #tpu.memory_space<vmem>> -> memref<50x32xf32, #tpu.memory_space<vmem>>
    %dma_wait3A_588 = arith.constant 0 : i32
    %dma_wait3A_589 = arith.constant 0 : i32
    %dma_wait3A_590 = tpu.memref_slice %arg4[%dma_wait3A_584, %dma_wait3A_588, %dma_wait3A_589] : memref<4096x50x32xf32, #tpu.memory_space<hbm>> -> memref<1x50x32xf32, #tpu.memory_space<hbm>>
    %dma_wait3A_591 = tpu.memref_squeeze %dma_wait3A_590 : memref<1x50x32xf32, #tpu.memory_space<hbm>> -> memref<50x32xf32, #tpu.memory_space<hbm>>
    %dma_wait3A_592 = arith.constant 0 : i32
    %dma_wait3A_593 = arith.constant 0 : i32
    %dma_wait3A_594 = tpu.memref_slice %arg4[%dma_wait3A_584, %dma_wait3A_592, %dma_wait3A_593] : memref<4096x50x32xf32, #tpu.memory_space<hbm>> -> memref<1x50x32xf32, #tpu.memory_space<hbm>>
    %dma_wait3A_595 = tpu.memref_squeeze %dma_wait3A_594 : memref<1x50x32xf32, #tpu.memory_space<hbm>> -> memref<50x32xf32, #tpu.memory_space<hbm>>
    %dma_wait3A_596 = arith.constant 0 : i32
    %dma_wait3A_597 = arith.constant 0 : i32
    %dma_wait3A_598 = tpu.memref_slice %arg10[%dma_wait3A_596, %dma_wait3A_597] : memref<800x32xf32, #tpu.memory_space<vmem>> -> memref<50x32xf32, #tpu.memory_space<vmem>>
    tpu.wait_dma2 semaphore(%arg16 : memref<!tpu.dma_semaphore, #tpu.memory_space<semaphore_mem>>) src(%dma_wait3A_598 : memref<50x32xf32, #tpu.memory_space<vmem>>) dst(%dma_wait3A_595 : memref<50x32xf32, #tpu.memory_space<hbm>>)
    %dma_wait3A_599 = arith.constant 0 : i32
    %dma_wait3A_600 = arith.constant 0 : i32
    %dma_wait3A_601 = arith.constant 0 : i32
    %dma_wait3A_602 = tpu.memref_slice %arg10[%dma_wait3A_600, %dma_wait3A_601] : memref<800x32xf32, #tpu.memory_space<vmem>> -> memref<50x32xf32, #tpu.memory_space<vmem>>
    %dma_wait3A_603 = arith.constant 0 : i32
    %dma_wait3A_604 = arith.constant 0 : i32
    %dma_wait3A_605 = tpu.memref_slice %arg4[%dma_wait3A_599, %dma_wait3A_603, %dma_wait3A_604] : memref<4096x50x32xf32, #tpu.memory_space<hbm>> -> memref<1x50x32xf32, #tpu.memory_space<hbm>>
    %dma_wait3A_606 = tpu.memref_squeeze %dma_wait3A_605 : memref<1x50x32xf32, #tpu.memory_space<hbm>> -> memref<50x32xf32, #tpu.memory_space<hbm>>
    %dma_wait3A_607 = arith.constant 0 : i32
    %dma_wait3A_608 = arith.constant 0 : i32
    %dma_wait3A_609 = tpu.memref_slice %arg4[%dma_wait3A_599, %dma_wait3A_607, %dma_wait3A_608] : memref<4096x50x32xf32, #tpu.memory_space<hbm>> -> memref<1x50x32xf32, #tpu.memory_space<hbm>>
    %dma_wait3A_610 = tpu.memref_squeeze %dma_wait3A_609 : memref<1x50x32xf32, #tpu.memory_space<hbm>> -> memref<50x32xf32, #tpu.memory_space<hbm>>
    %dma_wait3A_611 = arith.constant 0 : i32
    %dma_wait3A_612 = arith.constant 0 : i32
    %dma_wait3A_613 = tpu.memref_slice %arg10[%dma_wait3A_611, %dma_wait3A_612] : memref<800x32xf32, #tpu.memory_space<vmem>> -> memref<50x32xf32, #tpu.memory_space<vmem>>
    tpu.wait_dma2 semaphore(%arg16 : memref<!tpu.dma_semaphore, #tpu.memory_space<semaphore_mem>>) src(%dma_wait3A_613 : memref<50x32xf32, #tpu.memory_space<vmem>>) dst(%dma_wait3A_610 : memref<50x32xf32, #tpu.memory_space<hbm>>)
    %dma_wait3A_614 = arith.constant 0 : i32
    %dma_wait3A_615 = arith.constant 0 : i32
    %dma_wait3A_616 = arith.constant 0 : i32
    %dma_wait3A_617 = tpu.memref_slice %arg10[%dma_wait3A_615, %dma_wait3A_616] : memref<800x32xf32, #tpu.memory_space<vmem>> -> memref<50x32xf32, #tpu.memory_space<vmem>>
    %dma_wait3A_618 = arith.constant 0 : i32
    %dma_wait3A_619 = arith.constant 0 : i32
    %dma_wait3A_620 = tpu.memref_slice %arg4[%dma_wait3A_614, %dma_wait3A_618, %dma_wait3A_619] : memref<4096x50x32xf32, #tpu.memory_space<hbm>> -> memref<1x50x32xf32, #tpu.memory_space<hbm>>
    %dma_wait3A_621 = tpu.memref_squeeze %dma_wait3A_620 : memref<1x50x32xf32, #tpu.memory_space<hbm>> -> memref<50x32xf32, #tpu.memory_space<hbm>>
    %dma_wait3A_622 = arith.constant 0 : i32
    %dma_wait3A_623 = arith.constant 0 : i32
    %dma_wait3A_624 = tpu.memref_slice %arg4[%dma_wait3A_614, %dma_wait3A_622, %dma_wait3A_623] : memref<4096x50x32xf32, #tpu.memory_space<hbm>> -> memref<1x50x32xf32, #tpu.memory_space<hbm>>
    %dma_wait3A_625 = tpu.memref_squeeze %dma_wait3A_624 : memref<1x50x32xf32, #tpu.memory_space<hbm>> -> memref<50x32xf32, #tpu.memory_space<hbm>>
    %dma_wait3A_626 = arith.constant 0 : i32
    %dma_wait3A_627 = arith.constant 0 : i32
    %dma_wait3A_628 = tpu.memref_slice %arg10[%dma_wait3A_626, %dma_wait3A_627] : memref<800x32xf32, #tpu.memory_space<vmem>> -> memref<50x32xf32, #tpu.memory_space<vmem>>
    tpu.wait_dma2 semaphore(%arg16 : memref<!tpu.dma_semaphore, #tpu.memory_space<semaphore_mem>>) src(%dma_wait3A_628 : memref<50x32xf32, #tpu.memory_space<vmem>>) dst(%dma_wait3A_625 : memref<50x32xf32, #tpu.memory_space<hbm>>)
    %dma_wait3A_629 = arith.constant 0 : i32
    %dma_wait3A_630 = arith.constant 0 : i32
    %dma_wait3A_631 = arith.constant 0 : i32
    %dma_wait3A_632 = tpu.memref_slice %arg10[%dma_wait3A_630, %dma_wait3A_631] : memref<800x32xf32, #tpu.memory_space<vmem>> -> memref<50x32xf32, #tpu.memory_space<vmem>>
    %dma_wait3A_633 = arith.constant 0 : i32
    %dma_wait3A_634 = arith.constant 0 : i32
    %dma_wait3A_635 = tpu.memref_slice %arg4[%dma_wait3A_629, %dma_wait3A_633, %dma_wait3A_634] : memref<4096x50x32xf32, #tpu.memory_space<hbm>> -> memref<1x50x32xf32, #tpu.memory_space<hbm>>
    %dma_wait3A_636 = tpu.memref_squeeze %dma_wait3A_635 : memref<1x50x32xf32, #tpu.memory_space<hbm>> -> memref<50x32xf32, #tpu.memory_space<hbm>>
    %dma_wait3A_637 = arith.constant 0 : i32
    %dma_wait3A_638 = arith.constant 0 : i32
    %dma_wait3A_639 = tpu.memref_slice %arg4[%dma_wait3A_629, %dma_wait3A_637, %dma_wait3A_638] : memref<4096x50x32xf32, #tpu.memory_space<hbm>> -> memref<1x50x32xf32, #tpu.memory_space<hbm>>
    %dma_wait3A_640 = tpu.memref_squeeze %dma_wait3A_639 : memref<1x50x32xf32, #tpu.memory_space<hbm>> -> memref<50x32xf32, #tpu.memory_space<hbm>>
    %dma_wait3A_641 = arith.constant 0 : i32
    %dma_wait3A_642 = arith.constant 0 : i32
    %dma_wait3A_643 = tpu.memref_slice %arg10[%dma_wait3A_641, %dma_wait3A_642] : memref<800x32xf32, #tpu.memory_space<vmem>> -> memref<50x32xf32, #tpu.memory_space<vmem>>
    tpu.wait_dma2 semaphore(%arg16 : memref<!tpu.dma_semaphore, #tpu.memory_space<semaphore_mem>>) src(%dma_wait3A_643 : memref<50x32xf32, #tpu.memory_space<vmem>>) dst(%dma_wait3A_640 : memref<50x32xf32, #tpu.memory_space<hbm>>)
    %dma_wait3A_644 = arith.constant 0 : i32
    %dma_wait3A_645 = arith.constant 0 : i32
    %dma_wait3A_646 = arith.constant 0 : i32
    %dma_wait3A_647 = tpu.memref_slice %arg10[%dma_wait3A_645, %dma_wait3A_646] : memref<800x32xf32, #tpu.memory_space<vmem>> -> memref<50x32xf32, #tpu.memory_space<vmem>>
    %dma_wait3A_648 = arith.constant 0 : i32
    %dma_wait3A_649 = arith.constant 0 : i32
    %dma_wait3A_650 = tpu.memref_slice %arg4[%dma_wait3A_644, %dma_wait3A_648, %dma_wait3A_649] : memref<4096x50x32xf32, #tpu.memory_space<hbm>> -> memref<1x50x32xf32, #tpu.memory_space<hbm>>
    %dma_wait3A_651 = tpu.memref_squeeze %dma_wait3A_650 : memref<1x50x32xf32, #tpu.memory_space<hbm>> -> memref<50x32xf32, #tpu.memory_space<hbm>>
    %dma_wait3A_652 = arith.constant 0 : i32
    %dma_wait3A_653 = arith.constant 0 : i32
    %dma_wait3A_654 = tpu.memref_slice %arg4[%dma_wait3A_644, %dma_wait3A_652, %dma_wait3A_653] : memref<4096x50x32xf32, #tpu.memory_space<hbm>> -> memref<1x50x32xf32, #tpu.memory_space<hbm>>
    %dma_wait3A_655 = tpu.memref_squeeze %dma_wait3A_654 : memref<1x50x32xf32, #tpu.memory_space<hbm>> -> memref<50x32xf32, #tpu.memory_space<hbm>>
    %dma_wait3A_656 = arith.constant 0 : i32
    %dma_wait3A_657 = arith.constant 0 : i32
    %dma_wait3A_658 = tpu.memref_slice %arg10[%dma_wait3A_656, %dma_wait3A_657] : memref<800x32xf32, #tpu.memory_space<vmem>> -> memref<50x32xf32, #tpu.memory_space<vmem>>
    tpu.wait_dma2 semaphore(%arg16 : memref<!tpu.dma_semaphore, #tpu.memory_space<semaphore_mem>>) src(%dma_wait3A_658 : memref<50x32xf32, #tpu.memory_space<vmem>>) dst(%dma_wait3A_655 : memref<50x32xf32, #tpu.memory_space<hbm>>)
    %dma_wait3A_659 = arith.constant 0 : i32
    %dma_wait3A_660 = arith.constant 0 : i32
    %dma_wait3A_661 = arith.constant 0 : i32
    %dma_wait3A_662 = tpu.memref_slice %arg10[%dma_wait3A_660, %dma_wait3A_661] : memref<800x32xf32, #tpu.memory_space<vmem>> -> memref<50x32xf32, #tpu.memory_space<vmem>>
    %dma_wait3A_663 = arith.constant 0 : i32
    %dma_wait3A_664 = arith.constant 0 : i32
    %dma_wait3A_665 = tpu.memref_slice %arg4[%dma_wait3A_659, %dma_wait3A_663, %dma_wait3A_664] : memref<4096x50x32xf32, #tpu.memory_space<hbm>> -> memref<1x50x32xf32, #tpu.memory_space<hbm>>
    %dma_wait3A_666 = tpu.memref_squeeze %dma_wait3A_665 : memref<1x50x32xf32, #tpu.memory_space<hbm>> -> memref<50x32xf32, #tpu.memory_space<hbm>>
    %dma_wait3A_667 = arith.constant 0 : i32
    %dma_wait3A_668 = arith.constant 0 : i32
    %dma_wait3A_669 = tpu.memref_slice %arg4[%dma_wait3A_659, %dma_wait3A_667, %dma_wait3A_668] : memref<4096x50x32xf32, #tpu.memory_space<hbm>> -> memref<1x50x32xf32, #tpu.memory_space<hbm>>
    %dma_wait3A_670 = tpu.memref_squeeze %dma_wait3A_669 : memref<1x50x32xf32, #tpu.memory_space<hbm>> -> memref<50x32xf32, #tpu.memory_space<hbm>>
    %dma_wait3A_671 = arith.constant 0 : i32
    %dma_wait3A_672 = arith.constant 0 : i32
    %dma_wait3A_673 = tpu.memref_slice %arg10[%dma_wait3A_671, %dma_wait3A_672] : memref<800x32xf32, #tpu.memory_space<vmem>> -> memref<50x32xf32, #tpu.memory_space<vmem>>
    tpu.wait_dma2 semaphore(%arg16 : memref<!tpu.dma_semaphore, #tpu.memory_space<semaphore_mem>>) src(%dma_wait3A_673 : memref<50x32xf32, #tpu.memory_space<vmem>>) dst(%dma_wait3A_670 : memref<50x32xf32, #tpu.memory_space<hbm>>)
    %dma_wait3A_674 = arith.constant 0 : i32
    %dma_wait3A_675 = arith.constant 0 : i32
    %dma_wait3A_676 = arith.constant 0 : i32
    %dma_wait3A_677 = tpu.memref_slice %arg10[%dma_wait3A_675, %dma_wait3A_676] : memref<800x32xf32, #tpu.memory_space<vmem>> -> memref<50x32xf32, #tpu.memory_space<vmem>>
    %dma_wait3A_678 = arith.constant 0 : i32
    %dma_wait3A_679 = arith.constant 0 : i32
    %dma_wait3A_680 = tpu.memref_slice %arg4[%dma_wait3A_674, %dma_wait3A_678, %dma_wait3A_679] : memref<4096x50x32xf32, #tpu.memory_space<hbm>> -> memref<1x50x32xf32, #tpu.memory_space<hbm>>
    %dma_wait3A_681 = tpu.memref_squeeze %dma_wait3A_680 : memref<1x50x32xf32, #tpu.memory_space<hbm>> -> memref<50x32xf32, #tpu.memory_space<hbm>>
    %dma_wait3A_682 = arith.constant 0 : i32
    %dma_wait3A_683 = arith.constant 0 : i32
    %dma_wait3A_684 = tpu.memref_slice %arg4[%dma_wait3A_674, %dma_wait3A_682, %dma_wait3A_683] : memref<4096x50x32xf32, #tpu.memory_space<hbm>> -> memref<1x50x32xf32, #tpu.memory_space<hbm>>
    %dma_wait3A_685 = tpu.memref_squeeze %dma_wait3A_684 : memref<1x50x32xf32, #tpu.memory_space<hbm>> -> memref<50x32xf32, #tpu.memory_space<hbm>>
    %dma_wait3A_686 = arith.constant 0 : i32
    %dma_wait3A_687 = arith.constant 0 : i32
    %dma_wait3A_688 = tpu.memref_slice %arg10[%dma_wait3A_686, %dma_wait3A_687] : memref<800x32xf32, #tpu.memory_space<vmem>> -> memref<50x32xf32, #tpu.memory_space<vmem>>
    tpu.wait_dma2 semaphore(%arg16 : memref<!tpu.dma_semaphore, #tpu.memory_space<semaphore_mem>>) src(%dma_wait3A_688 : memref<50x32xf32, #tpu.memory_space<vmem>>) dst(%dma_wait3A_685 : memref<50x32xf32, #tpu.memory_space<hbm>>)
    return
  }
}

</mosaic_0001>

<sc_bundles>
// kernel: _run.3.cloned.1.call-start
scs
__scs_entry_jumppad:
0x0: {  	(pc) =	sbr.rel $0x88, $3  }
0x1: {  	(tag) =	ssettag $0x0;
	lr =	simm.s32 $0x1  }
0x2: {  	[smem:$0x3F9F] =	sst lr;
	_ =	strace $0xD0000000  }
0x3: {  	_ = 	snop  }
0x4: {  	_ = 	snop  }
0x5: {  	_ = 	snop  }
0x6: {  	_ = 	snop  }
0x7: {  	_ = 	snop  }
__scs_overlays_trampoline_lowered:
0x8: {  	[smem:$0x3FAE] =	sst s0  }
0x9: {  	[smem:$0x3FAF] =	sst s1  }
0xa: {  	[smem:$0x3FB0] =	sst s2  }
0xb: {  	[smem:$0x3FB1] =	sst s3  }
0xc: {  	[smem:$0x3FB2] =	sst s4  }
0xd: {  	[smem:$0x3FB3] =	sst s5  }
0xe: {  	[smem:$0x3FB4] =	sst s6  }
0xf: {  	[smem:$0x3FB5] =	sst s7  }
0x10: {  	[smem:$0x3FB6] =	sst s8  }
0x11: {  	[smem:$0x3FB7] =	sst s9;
	s0 =	simm.s32 @!p0 $0x0  }
0x12: {  	s1 =	sld [smem:$0x3F9D];
	s0 =	simm.s32 @p0 $0x1  }
0x13: {  	[smem:$0x3FB8] =	sst s0;
	s0 =	simm.s32 @!p1 $0x0  }
0x14: {  	s2 =	sld [smem:$0x3F9C];
	s0 =	simm.s32 @p1 $0x1  }
0x15: {  	[smem:$0x3FB9] =	sst s0;
	s0 =	simm.s32 @!p2 $0x0  }
0x16: {  	s3 =	sld [smem:$0x3FDB];
	s0 =	simm.s32 @p2 $0x1  }
0x17: {  	s4 =	simm.s32 $0x1BF5;
	[smem:$0x3FBB] =	sst s0  }
0x18: {  	s0 =	sld [smem:$0x3F9E];
	_ =	swait.ge [sflag:s4], $0x0  }
0x19: {  	s7 =	sld [smem:$0x3F9F]  }
0x1a: {  	s8 =	sadd.s32 $0xFFFFE003, lr  }
0x1b: {  	s9 =	sadd.s32 $0xFFFFFEF7, lr;
	s5 =	simm.s32 $0xFFFFFFFF;
	p2 =	slt.u32 s8, $0xFFFFF086  }
0x1c: {  	p1 =	slt.u32 s9, $0xF7A;
	s5 =	simm.s32 @!p2 $0x0  }
0x1d: {  	s5 =	simm.s32 @p1 $0x1;
	p0 =	seq.s32 s7, s2  }
0x1e: {  	s7 =	smul.u32 @!p0 $0xF7A, s2;
	p2 =	seq.s32 @!p0 s5, $0x0  }
0x1f: {  	s9 =	smul.u32 $0xF7A, s1;
	s8 =	simm.s32 @!p0 $0x1BF5;
	p2 =	por !p2, p0  }
0x20: {  	[sflag:s8] =	ssyncset.s32 @!p0 $0xFFFFF086;
	s6 =	sadd.s32 @!p0 s3, s7;
	s7 =	simm.s32 @!p0 $0x108  }
0x21: {  	s3 =	sadd.s32 s3, s9;
	s6 =	sadd.s32 @!p0 $0x88, s6;
	s7 =	simm.s32 @p2 $0x1082  }
0x22: {  	[simem:s7], [sflag:s8] =	dma.local @!p0 [hbm:s6], $0xF7A  }
0x23: {  	s9 =	sor.u32 $0xD0000000, s2;
	s6 =	simm.s32 $0x108;
	_ =	swait.ge @!p0 [sflag:s8], $0x0  }
0x24: {  	s3 =	sadd.s32 $0x88, s3;
	s6 =	simm.s32 @!p1 $0x1082;
	[sflag:s4] =	ssyncset.s32 $0xFFFFF086  }
0x25: {  	[simem:s6], [sflag:s4] =	dma.local [hbm:s3], $0xF7A  }
0x26: {  	[smem:$0x3F9F] =	sst s1;
	(tag) =	ssettag s2;
	_ =	strace s9  }
0x27: {  	s1 =	sld [smem:$0x3FAF]  }
0x28: {  	s2 =	sld [smem:$0x3FB0]  }
0x29: {  	s4 =	sld [smem:$0x3FB2]  }
0x2a: {  	p0 =	seq.s32 s5, $0x0;
	s5 =	sld [smem:$0x3FB3]  }
0x2b: {  	s6 =	sld [smem:$0x3FB4]  }
0x2c: {  	s7 =	sld [smem:$0x3FB5]  }
0x2d: {  	s3 =	simm.s32 $0x108;
	s8 =	sld [smem:$0x3FB6]  }
0x2e: {  	s3 =	simm.s32 @!p0 $0x1082;
	s9 =	sld [smem:$0x3FB7]  }
0x2f: {  	lr =	sadd.s32 s0, s3;
	s0 =	sld [smem:$0x3FAE]  }
0x30: {  	s3 =	sld [smem:$0x3FB1]  }
0x31: {  	[smem:$0x3FBA] =	sst s10  }
0x32: {  	s10 =	sld [smem:$0x3FB8];
	_ =	sdelay $0x3  }
0x33: {  	p0 =	seq.s32 s10, $0x1;
	s10 =	sld [smem:$0x3FBA];
	_ =	sdelay $0x3  }
0x34: {  	[smem:$0x3FBA] =	sst s10  }
0x35: {  	s10 =	sld [smem:$0x3FB9];
	_ =	sdelay $0x3  }
0x36: {  	p1 =	seq.s32 s10, $0x1;
	s10 =	sld [smem:$0x3FBA];
	_ =	sdelay $0x3  }
0x37: {  	[smem:$0x3FBA] =	sst s10  }
0x38: {  	s10 =	sld [smem:$0x3FBB]  }
0x39: {  	_ = 	snop;
	(pc) =	sbr.ind lr, $3  }
0x3a: {  	_ = 	snop  }
0x3b: {  	_ = 	snop  }
0x3c: {  	p2 =	seq.s32 s10, $0x1;
	s10 =	sld [smem:$0x3FBA]  }
0x3d: {  	_ =	shalt  }
0x3e: {  	_ =	shalt  }
0x3f: {  	_ =	shalt  }
0x40: {  	_ =	shalt  }
0x41: {  	_ =	shalt  }
0x42: {  	_ =	shalt  }
0x43: {  	_ =	shalt  }
0x44: {  	_ =	shalt  }
0x45: {  	_ =	shalt  }
0x46: {  	_ =	shalt  }
0x47: {  	_ =	shalt  }
0x48: {  	_ =	shalt  }
0x49: {  	_ =	shalt  }
0x4a: {  	_ =	shalt  }
0x4b: {  	_ =	shalt  }
0x4c: {  	_ =	shalt  }
0x4d: {  	_ =	shalt  }
0x4e: {  	_ =	shalt  }
0x4f: {  	_ =	shalt  }
0x50: {  	_ =	shalt  }
0x51: {  	_ =	shalt  }
0x52: {  	_ =	shalt  }
0x53: {  	_ =	shalt  }
0x54: {  	_ =	shalt  }
0x55: {  	_ =	shalt  }
0x56: {  	_ =	shalt  }
0x57: {  	_ =	shalt  }
0x58: {  	_ =	shalt  }
0x59: {  	_ =	shalt  }
0x5a: {  	_ =	shalt  }
0x5b: {  	_ =	shalt  }
0x5c: {  	_ =	shalt  }
0x5d: {  	_ =	shalt  }
0x5e: {  	_ =	shalt  }
0x5f: {  	_ =	shalt  }
0x60: {  	_ =	shalt  }
0x61: {  	_ =	shalt  }
0x62: {  	_ =	shalt  }
0x63: {  	_ =	shalt  }
0x64: {  	_ =	shalt  }
0x65: {  	_ =	shalt  }
0x66: {  	_ =	shalt  }
0x67: {  	_ =	shalt  }
0x68: {  	_ =	shalt  }
0x69: {  	_ =	shalt  }
0x6a: {  	_ =	shalt  }
0x6b: {  	_ =	shalt  }
0x6c: {  	_ =	shalt  }
0x6d: {  	_ =	shalt  }
0x6e: {  	_ =	shalt  }
0x6f: {  	_ =	shalt  }
0x70: {  	_ =	shalt  }
0x71: {  	_ =	shalt  }
0x72: {  	_ =	shalt  }
0x73: {  	_ =	shalt  }
0x74: {  	_ =	shalt  }
0x75: {  	_ =	shalt  }
0x76: {  	_ =	shalt  }
0x77: {  	_ =	shalt  }
0x78: {  	_ =	shalt  }
0x79: {  	_ =	shalt  }
0x7a: {  	_ =	shalt  }
0x7b: {  	_ =	shalt  }
0x7c: {  	_ =	shalt  }
0x7d: {  	_ =	shalt  }
0x7e: {  	_ =	shalt  }
0x7f: {  	_ =	shalt  }
0x80: {  	_ =	shalt  }
0x81: {  	_ =	shalt  }
0x82: {  	_ =	shalt  }
0x83: {  	_ =	shalt  }
0x84: {  	_ =	shalt  }
0x85: {  	_ =	shalt  }
0x86: {  	_ =	shalt  }
0x87: {  	_ =	shalt  }
.Lfunc_end0:
.L_simem_size_0:
called_computation_lowered:
.L_overlay_start_0:
0x88: {  	s2 =	sld [smem:$0x3FD9]  }
0x89: {  	s3 =	sld [smem:$0x3FFE];
	_ =	sdelay $0x1  }
0x8a: {  	s1 =	srdreg.scid  }
0x8b: {  	s0 =	sand.u32 $0x1, s1  }
0x8c: {  	s17 =	sshll.u32 s0, $0xA;
	s2 =	sadd.s32 s3, s2  }
0x8d: {  	s2 =	sadd.s32 s2, s17  }
0x8e: {  	[smem:$0x3FC6] =	sst s2  }
0x8f: {  	_ = 	snop  }
0x90: {  	s2 =	sld [smem:$0x3FD0];
	(tm) =	ssettm $0x1  }
0x91: {  	s18 =	sld [smem:$0x3FFB];
	_ =	sdelay $0x3  }
0x92: {  	_ =	strace s18  }
0x93: {  	s3 =	sld [smem:$0x3FFC];
	_ =	sdelay $0x3  }
0x94: {  	_ =	strace s3  }
0x95: {  	s3 =	sld [smem:$0x3FFD];
	_ =	sdelay $0x3  }
0x96: {  	_ =	strace s3  }
0x97: {  	_ =	strace $0x8FFFFFFF  }
0x98: {  	s19 =	sld [smem:$0x3FDB];
	_ =	sdelay $0x1  }
0x99: {  	s4 =	simm.s32 $_scs_section_size  }
0x9a: {  	s5 =	simm.s32 $_size__tile_overlayer_lowered;
	s6 =	simm.s32 $_tile_overlayer_lowered  }
0x9b: {  	s22 =	simm.s32 $0x1BFF;
	s21 =	sshll.u32 s6, $0x1;
	s3 =	sadd.s32 s4, s19  }
0x9c: {  	s7 =	simm.s32 $0x0;
	s20 =	sshll.u32 s5, $0x1;
	s5 =	sadd.s32 s21, s3  }
0x9d: {  	[timem:s7], [sflag:s22] =	dma.local [hbm:s5], s20  }
0x9e: {  	_ =	swait.ge [sflag:s22], s20  }
0x9f: {  	s4 =	ssub.s32 $0x0, s20;
	[sflag:s22] =	ssyncset.done $0x0  }
0xa0: {  	[sflag:s22] =	ssyncadd.s32 s4;
	_ =	sdelay $0x1  }
0xa1: {  	s23 =	simm.s32 $0x1B8B  }
0xa2: {  	_ =	swait.ge [sflag:s23], $0x1  }
0xa3: {  	[sflag:s23] =	ssyncset.done $0x0  }
0xa4: {  	s25 =	simm.s32 $0x1B8E;
	s24 =	sld [smem:$0x3FFE];
	[sflag:s23] =	ssyncadd.s32 $0xFFFFFFFF  }
0xa5: {  	s26 =	simm.s32 $execute0_lowered;
	[smem:$0x3FD2] =	sst s25  }
0xa6: {  	s5 =	sshll.u32 s26, $0x1;
	_ =	strace $0x80000046;
	[dreg:$0x1] =	wrdreg $0xFFFFFFFF  }
0xa7: {  	s28 =	simm.s32 $_size_execute0_lowered;
	s3 =	sadd.s32 s3, s5;
	[dreg:$0x0] =	wrdreg $0x0  }
0xa8: {  	s5 =	sshll.u32 s28, $0x1;
	[dreg:$0x2] =	wrdreg s3  }
0xa9: {  	[dreg:$0x3] =	wrdreg s5  }
0xaa: {  	[dreg:$0x4] =	wrdreg $0xC0  }
0xab: {  	_ =	task [dreg:s7], $0x5FFFF  }
0xac: {  	[dreg:$0x1] =	wrdreg $0xFFFFFFFF  }
0xad: {  	[dreg:$0x0] =	wrdreg $0x60  }
0xae: {  	[dreg:$0x2] =	wrdreg s24  }
0xaf: {  	[dreg:$0x3] =	wrdreg s2  }
0xb0: {  	[dreg:$0x4] =	wrdreg $0x9  }
0xb1: {  	_ =	task.clear_ibuf [dreg:s7], $0x5FFFF;
	_ =	strace $0x90000046  }
0xb2: {  	s29 =	simm.s32 $0x9;
	_ =	strace $0x80000048  }
0xb3: {  	_ =	swait.ge [sflag:s29], $0x1  }
0xb4: {  	[sflag:s29] =	ssyncadd.s32 $0xFFFFFFFF  }
0xb5: {  	_ =	strace $0x90000048  }
0xb6: {  	_ =	sfence  }
0xb7: {  	s30 =	sld [smem:$0x0];
	_ =	sdelay $0x2  }
0xb8: {  	s31 =	sshll.u32 s1, $0xD;
	s1 =	sshrl.u32 s1, $0x2  }
0xb9: {  	s3 =	sand.u32 $0x4000, s31;
	s1 =	sadd.s32 s1, s30  }
0xba: {  	s0 =	sor.u32 s3, s0;
	s1 =	sshll.u32 s1, $0x11  }
0xbb: {  	s0 =	sor.u32 s1, s0  }
0xbc: {  	s0 =	sadd.s32 $0x8F2B, s0  }
0xbd: {  	[sflag:s0] =	ssyncadd.remote.s32 $0x1  }
0xbe: {  	_ =	sfence.sel $0xFFFF  }
0xbf: {  	[dreg:$0x0] =	wrdreg $0xFFFFFFFF;
	(pc) =	sbr.abs _section_cstart, $3  }
0xc0: {  	[dreg:$0x1] =	wrdreg $0xFFFFFFFF  }
0xc1: {  	_ =	task.clear_ibuf [dreg:s7], $0x2FFFF;
	_ =	strace $0x9FFFFFFF  }
0xc2: {  	(tm) =	ssettm $0x7FFFFFFF  }
0xc3: {  	_ =	shalt  }
tec
execute0_lowered:
.L_overlay_start_1:
0x0: {  	(tag) =	ssettag $0x1  }
0x1: {  	s0 =	rddreg [dreg:$0x0]  }
0x2: {  	s2 =	rddreg [dreg:$0x1];
	s3 =	simm.s32 $0x0;
	s1 =	srdreg.scid  }
0x3: {  	s4 =	stileid.u32;
	s13 =	simm.s32 $0x10;
	s14 =	simm.s32 $0x1000  }
0x4: {  	s15 =	simm.s32 $0x3;
	s16 =	simm.s32 $0x320;
	s18 =	simm.s32 $0xFA00  }
0x5: {  	s29 =	simm.s32 $0x9C40;
	s20 =	simm.s32 $0x3E80;
	s21 =	simm.s32 $0x4  }
0x6: {  	s23 =	simm.s32 $0x15E00;
	s30 =	simm.s32 $0x1;
	s31 =	simm.s32 $0x1AF40  }
0x7: {  	s12 =	simm.s32 $0x5;
	s17 =	simm.s32 $0x0;
	[smem:$0x7FF] =	sst s3  }
0x8: {  	s1 =	sand.u32 $0x1, s1;
	s4 =	sshll.u32 s4, $0x1;
	s5 =	sadd.s32 $0xF42A00, s0  }
0x9: {  	s9 =	sadd.s32 $0xC8, s2;
	s6 =	sor.u32 s1, s4;
	s1 =	ssub.s32 $0x2, s1  }
0xa: {  	s4 =	sadd.s32 $0x600, s0;
	s7 =	sshll.u32 s6, $0x4;
	s25 =	sshrl.u32 s1, $0x1  }
0xb: {  	_ =	strace $0x80000047;
	s8 =	sadd.s32 s4, s7;
	s0 =	ssub.s32 s1, s25  }
.Ltmp0:
0xc: {  	s7 =	sshll.u32 s6, $0x3;
	s1 =	simm.s32 $0x1B580;
	(pc) =	sbr.rel .LBB2_1-.Ltmp0, $4  }
0xd: {  	s6 =	simm.s32 $0x6;
	[dreg:$0x3] =	wrdreg s8;
	s26 =	sadd.s32 $0x2, s8  }
0xe: {  	s28 =	sor.u32 $0x2, s7;
	s11 =	sor.u32 $0x3, s7;
	[dreg:$0x4] =	wrdreg s26  }
0xf: {  	s0 =	smax.u32 s0, $0x1;
	s8 =	simm.s32 $0x1BBC0;
	[dreg:$0x5] =	wrdreg s28  }
0x10: {  	v0 =	vlaneseq.u32;
	v1 =	vimm.s32 $0x0;
	v2 =	vimm.f32 $0.0e+00;
	[dreg:$0x6] =	wrdreg s0;
	s26 =	simm.s32 $0xBB80;
	s0 =	simm.s32 $0x2  }
.LBB2_18:
0x11: {  	_ =	swait.ge [sflag:s12], $0x640  }
0x12: {  	[sflag:s12] =	ssyncset.done $0x0  }
0x13: {  	[sflag:s12] =	ssyncadd.s32 $0xFFFFF9C0  }
0x14: {  	_ =	swait.ge [sflag:s12], $0x640  }
0x15: {  	[sflag:s12] =	ssyncset.done $0x0  }
0x16: {  	[sflag:s12] =	ssyncadd.s32 $0xFFFFF9C0  }
0x17: {  	_ =	swait.ge [sflag:s12], $0x640  }
0x18: {  	[sflag:s12] =	ssyncset.done $0x0  }
0x19: {  	[sflag:s12] =	ssyncadd.s32 $0xFFFFF9C0  }
0x1a: {  	_ =	swait.ge [sflag:s12], $0x640  }
0x1b: {  	[sflag:s12] =	ssyncset.done $0x0  }
0x1c: {  	[sflag:s12] =	ssyncadd.s32 $0xFFFFF9C0  }
0x1d: {  	_ =	swait.ge [sflag:s12], $0x640  }
0x1e: {  	[sflag:s12] =	ssyncset.done $0x0  }
0x1f: {  	[sflag:s12] =	ssyncadd.s32 $0xFFFFF9C0  }
0x20: {  	_ =	swait.ge [sflag:s12], $0x640  }
0x21: {  	[sflag:s12] =	ssyncset.done $0x0  }
0x22: {  	[sflag:s12] =	ssyncadd.s32 $0xFFFFF9C0  }
0x23: {  	_ =	swait.ge [sflag:s12], $0x640  }
0x24: {  	[sflag:s12] =	ssyncset.done $0x0  }
0x25: {  	[sflag:s12] =	ssyncadd.s32 $0xFFFFF9C0  }
0x26: {  	_ =	swait.ge [sflag:s12], $0x640  }
0x27: {  	[sflag:s12] =	ssyncset.done $0x0  }
0x28: {  	[sflag:s12] =	ssyncadd.s32 $0xFFFFF9C0  }
0x29: {  	_ =	swait.ge [sflag:s12], $0x640  }
0x2a: {  	[sflag:s12] =	ssyncset.done $0x0  }
0x2b: {  	[sflag:s12] =	ssyncadd.s32 $0xFFFFF9C0  }
0x2c: {  	_ =	swait.ge [sflag:s12], $0x640  }
0x2d: {  	[sflag:s12] =	ssyncset.done $0x0  }
0x2e: {  	[sflag:s12] =	ssyncadd.s32 $0xFFFFF9C0  }
0x2f: {  	_ =	swait.ge [sflag:s12], $0x640  }
0x30: {  	[sflag:s12] =	ssyncset.done $0x0  }
0x31: {  	[sflag:s12] =	ssyncadd.s32 $0xFFFFF9C0  }
0x32: {  	_ =	swait.ge [sflag:s12], $0x640  }
0x33: {  	[sflag:s12] =	ssyncset.done $0x0  }
0x34: {  	[sflag:s12] =	ssyncadd.s32 $0xFFFFF9C0  }
0x35: {  	_ =	swait.ge [sflag:s12], $0x640  }
0x36: {  	[sflag:s12] =	ssyncset.done $0x0  }
0x37: {  	[sflag:s12] =	ssyncadd.s32 $0xFFFFF9C0  }
0x38: {  	_ =	swait.ge [sflag:s12], $0x640  }
0x39: {  	[sflag:s12] =	ssyncset.done $0x0  }
0x3a: {  	[sflag:s12] =	ssyncadd.s32 $0xFFFFF9C0  }
0x3b: {  	_ =	swait.ge [sflag:s12], $0x640  }
0x3c: {  	[sflag:s12] =	ssyncset.done $0x0  }
0x3d: {  	[sflag:s12] =	ssyncadd.s32 $0xFFFFF9C0  }
0x3e: {  	_ =	swait.ge [sflag:s12], $0x640  }
0x3f: {  	[sflag:s12] =	ssyncset.done $0x0  }
0x40: {  	[sflag:s12] =	ssyncadd.s32 $0xFFFFF9C0  }
0x41: {  	_ =	swait.ge [sflag:s6], $0x640  }
0x42: {  	[sflag:s6] =	ssyncset.done $0x0  }
0x43: {  	[sflag:s6] =	ssyncadd.s32 $0xFFFFF9C0  }
0x44: {  	_ =	swait.ge [sflag:s6], $0x640  }
0x45: {  	[sflag:s6] =	ssyncset.done $0x0  }
0x46: {  	[sflag:s6] =	ssyncadd.s32 $0xFFFFF9C0  }
0x47: {  	_ =	swait.ge [sflag:s6], $0x640  }
0x48: {  	[sflag:s6] =	ssyncset.done $0x0  }
0x49: {  	[sflag:s6] =	ssyncadd.s32 $0xFFFFF9C0  }
0x4a: {  	_ =	swait.ge [sflag:s6], $0x640  }
0x4b: {  	[sflag:s6] =	ssyncset.done $0x0  }
0x4c: {  	[sflag:s6] =	ssyncadd.s32 $0xFFFFF9C0  }
0x4d: {  	_ =	swait.ge [sflag:s6], $0x640  }
0x4e: {  	[sflag:s6] =	ssyncset.done $0x0  }
0x4f: {  	[sflag:s6] =	ssyncadd.s32 $0xFFFFF9C0  }
0x50: {  	_ =	swait.ge [sflag:s6], $0x640  }
0x51: {  	[sflag:s6] =	ssyncset.done $0x0  }
0x52: {  	[sflag:s6] =	ssyncadd.s32 $0xFFFFF9C0  }
0x53: {  	_ =	swait.ge [sflag:s6], $0x640  }
0x54: {  	[sflag:s6] =	ssyncset.done $0x0  }
0x55: {  	[sflag:s6] =	ssyncadd.s32 $0xFFFFF9C0  }
0x56: {  	_ =	swait.ge [sflag:s6], $0x640  }
0x57: {  	[sflag:s6] =	ssyncset.done $0x0  }
0x58: {  	[sflag:s6] =	ssyncadd.s32 $0xFFFFF9C0  }
0x59: {  	_ =	swait.ge [sflag:s6], $0x640  }
0x5a: {  	[sflag:s6] =	ssyncset.done $0x0  }
0x5b: {  	[sflag:s6] =	ssyncadd.s32 $0xFFFFF9C0  }
0x5c: {  	_ =	swait.ge [sflag:s6], $0x640  }
0x5d: {  	[sflag:s6] =	ssyncset.done $0x0  }
0x5e: {  	[sflag:s6] =	ssyncadd.s32 $0xFFFFF9C0  }
0x5f: {  	_ =	swait.ge [sflag:s6], $0x640  }
0x60: {  	[sflag:s6] =	ssyncset.done $0x0  }
0x61: {  	[sflag:s6] =	ssyncadd.s32 $0xFFFFF9C0  }
0x62: {  	_ =	swait.ge [sflag:s6], $0x640  }
0x63: {  	[sflag:s6] =	ssyncset.done $0x0  }
0x64: {  	[sflag:s6] =	ssyncadd.s32 $0xFFFFF9C0  }
0x65: {  	_ =	swait.ge [sflag:s6], $0x640  }
0x66: {  	[sflag:s6] =	ssyncset.done $0x0  }
0x67: {  	[sflag:s6] =	ssyncadd.s32 $0xFFFFF9C0  }
0x68: {  	_ =	swait.ge [sflag:s6], $0x640  }
0x69: {  	[sflag:s6] =	ssyncset.done $0x0  }
0x6a: {  	[sflag:s6] =	ssyncadd.s32 $0xFFFFF9C0  }
0x6b: {  	_ =	swait.ge [sflag:s6], $0x640  }
0x6c: {  	[sflag:s6] =	ssyncset.done $0x0  }
0x6d: {  	[sflag:s6] =	ssyncadd.s32 $0xFFFFF9C0  }
0x6e: {  	_ =	swait.ge [sflag:s6], $0x640  }
0x6f: {  	s17 =	rddreg [dreg:$0x7]  }
0x70: {  	s10 =	rddreg [dreg:$0x6];
	s17 =	sadd.s32 $0x1, s17  }
0x71: {  	p0 =	sne.s32 s17, s10  }
.Ltmp1:
0x72: {  	_ = 	snop;
	(pc) =	sbr.rel @!p0 .LBB2_19-.Ltmp1, $3  }
0x73: {  	_ =	sdelay $0x1  }
0x74: {  	[sflag:s6] =	ssyncset.done $0x0  }
0x75: {  	[sflag:s6] =	ssyncadd.s32 $0xFFFFF9C0  }
.LBB2_1:
0x76: {  	v3 =	vor.u32 s3, v0  }
0x77: {  	v4 =	vmulhi.u32 $0x51EB851F, v3;
	_ =	sdelay $0x1  }
0x78: {  	v4 =	vshrl.u32 v4, $0x4  }
0x79: {  	v5 =	vmul.u32 $0xFFFFFFCE, v4;
	_ =	sdelay $0x1  }
0x7a: {  	v6 =	vmov s3;
	v3 =	vadd.s32 v3, v5  }
0x7b: {  	vm0 =	veq.s32 v6, v0;
	vm1 =	vne.s32 v3, $0x0  }
0x7c: {  	vm0 =	vmand vm0, vm1  }
0x7d: {  	v5 =	vsel vm0, $0xFFFFFFFF, v1  }
0x7e: {  	v4 =	vadd.s32 v5, v4  }
0x7f: {  	v3 =	vshll.u32 v3, $0x4;
	v5 =	vand.u32 $0xFFFFFFF8, v4  }
0x80: {  	[dreg:$0x7] =	wrdreg s17;
	v4 =	vand.u32 $0x7, v4;
	v3 =	vadd.s32 v3, v5  }
0x81: {  	s10 =	rddreg [dreg:$0x3];
	v3 =	vor.u32 v4, v3  }
0x82: {  	[tilespmem:s3], [sflag:$0x3] =	stream.strided.gather [hbm4b:s10+s13], $0x3E80, s14, s13, $0x38;
	[tilespmem:$0x1C200] =	vst v63  }
0x83: {  	_ =	swait.ge [sflag:s15], $0x3E80  }
0x84: {  	[sflag:s15] =	ssyncset.done $0x0  }
0x85: {  	[sflag:s15] =	ssyncadd.s32 $0xFFFFC180  }
0x86: {  	v4 =	vld.idx.msk [tilespmem:v3+s3+$0x0], $0xffff  }
0x87: {  	v5 =	vadd.s32 $0x320, v3;
	_ =	sdelay $0x3  }
0x88: {  	[tilespmem:s29+$0xFFFFE0C0] =	vst v4  }
0x89: {  	v4 =	vld.idx.msk [tilespmem:v5+s3+$0x0], $0xffff  }
0x8a: {  	v5 =	vadd.s32 $0x640, v3;
	_ =	sdelay $0x3  }
0x8b: {  	[tilespmem:s29+$0xFFFFE3E0] =	vst v4  }
0x8c: {  	v4 =	vld.idx.msk [tilespmem:v5+s3+$0x0], $0xffff  }
0x8d: {  	v5 =	vadd.s32 $0x960, v3;
	_ =	sdelay $0x3  }
0x8e: {  	[tilespmem:s29+$0xFFFFE700] =	vst v4  }
0x8f: {  	v4 =	vld.idx.msk [tilespmem:v5+s3+$0x0], $0xffff  }
0x90: {  	v5 =	vadd.s32 $0xC80, v3;
	_ =	sdelay $0x3  }
0x91: {  	[tilespmem:s29+$0xFFFFEA20] =	vst v4  }
0x92: {  	v4 =	vld.idx.msk [tilespmem:v5+s3+$0x0], $0xffff  }
0x93: {  	v5 =	vadd.s32 $0xFA0, v3;
	_ =	sdelay $0x3  }
0x94: {  	[tilespmem:s29+$0xFFFFED40] =	vst v4  }
0x95: {  	v4 =	vld.idx.msk [tilespmem:v5+s3+$0x0], $0xffff  }
0x96: {  	v5 =	vadd.s32 $0x12C0, v3;
	_ =	sdelay $0x3  }
0x97: {  	[tilespmem:s29+$0xFFFFF060] =	vst v4  }
0x98: {  	v4 =	vld.idx.msk [tilespmem:v5+s3+$0x0], $0xffff  }
0x99: {  	v5 =	vadd.s32 $0x15E0, v3;
	_ =	sdelay $0x3  }
0x9a: {  	[tilespmem:s29+$0xFFFFF380] =	vst v4  }
0x9b: {  	v4 =	vld.idx.msk [tilespmem:v5+s3+$0x0], $0xffff  }
0x9c: {  	v5 =	vadd.s32 $0x1900, v3;
	_ =	sdelay $0x3  }
0x9d: {  	[tilespmem:s29+$0xFFFFF6A0] =	vst v4  }
0x9e: {  	v4 =	vld.idx.msk [tilespmem:v5+s3+$0x0], $0xffff  }
0x9f: {  	v5 =	vadd.s32 $0x1C20, v3;
	_ =	sdelay $0x3  }
0xa0: {  	[tilespmem:s29+$0xFFFFF9C0] =	vst v4  }
0xa1: {  	v4 =	vld.idx.msk [tilespmem:v5+s3+$0x0], $0xffff  }
0xa2: {  	v5 =	vadd.s32 $0x1F40, v3;
	_ =	sdelay $0x3  }
0xa3: {  	[tilespmem:s29+$0xFFFFFCE0] =	vst v4  }
0xa4: {  	v4 =	vld.idx.msk [tilespmem:v5+s3+$0x0], $0xffff  }
0xa5: {  	v5 =	vadd.s32 $0x2260, v3;
	_ =	sdelay $0x3  }
0xa6: {  	[tilespmem:s29+$0x0] =	vst v4  }
0xa7: {  	v4 =	vld.idx.msk [tilespmem:v5+s3+$0x0], $0xffff  }
0xa8: {  	v5 =	vadd.s32 $0x2580, v3;
	_ =	sdelay $0x3  }
0xa9: {  	[tilespmem:s29+$0x320] =	vst v4  }
0xaa: {  	v4 =	vld.idx.msk [tilespmem:v5+s3+$0x0], $0xffff  }
0xab: {  	v5 =	vadd.s32 $0x28A0, v3;
	_ =	sdelay $0x3  }
0xac: {  	[tilespmem:s29+$0x640] =	vst v4  }
0xad: {  	v4 =	vld.idx.msk [tilespmem:v5+s3+$0x0], $0xffff  }
0xae: {  	v5 =	vadd.s32 $0x2BC0, v3;
	_ =	sdelay $0x3  }
0xaf: {  	[tilespmem:s29+$0x960] =	vst v4  }
0xb0: {  	v4 =	vld.idx.msk [tilespmem:v5+s3+$0x0], $0xffff  }
0xb1: {  	v5 =	vadd.s32 $0x2EE0, v3;
	_ =	sdelay $0x3  }
0xb2: {  	[tilespmem:s29+$0xC80] =	vst v4  }
0xb3: {  	v4 =	vld.idx.msk [tilespmem:v5+s3+$0x0], $0xffff  }
0xb4: {  	v5 =	vadd.s32 $0x3200, v3;
	_ =	sdelay $0x3  }
0xb5: {  	[tilespmem:s29+$0xFA0] =	vst v4  }
0xb6: {  	v4 =	vld.idx.msk [tilespmem:v5+s3+$0x0], $0xffff  }
0xb7: {  	v5 =	vadd.s32 $0x3520, v3;
	_ =	sdelay $0x3  }
0xb8: {  	[tilespmem:s29+$0x12C0] =	vst v4  }
0xb9: {  	v5 =	vld.idx.msk [tilespmem:v5+s3+$0x0], $0xffff  }
0xba: {  	s19 =	simm.s32 $0x10;
	v6 =	vadd.s32 $0x3840, v3  }
0xbb: {  	s22 =	simm.s32 $0x20;
	s17 =	simm.s32 $0x9C40;
	s10 =	simm.s32 $0x0;
	v4 =	vor.u32 s19, v0  }
.LBB2_2:
0xbc: {  	p0 =	sne.s32 s22, $0x310;
	v7 =	vmulhi.u32 $0x51EB851F, v4;
	_ =	sdelay $0x1  }
0xbd: {  	v7 =	vshrl.u32 v7, $0x4;
	[tilespmem:s17+$0x15E0] =	vst v5  }
0xbe: {  	v5 =	vmul.u32 $0xFFFFFFCE, v7;
	v6 =	vld.idx.msk [tilespmem:v6+s10+$0x0], $0xffff;
	_ =	sdelay $0x1  }
0xbf: {  	v8 =	vmov s19;
	v3 =	vadd.s32 $0x3B60, v3;
	s19 =	smov.u32 s22;
	v4 =	vadd.s32 v4, v5  }
0xc0: {  	vm0 =	veq.s32 v8, v0;
	vm1 =	vne.s32 v4, $0x0  }
0xc1: {  	vm0 =	vmand vm0, vm1  }
0xc2: {  	v5 =	vsel vm0, $0xFFFFFFFF, v1  }
0xc3: {  	v5 =	vadd.s32 v5, v7;
	[tilespmem:s17+$0x1900] =	vst v6  }
0xc4: {  	v4 =	vshll.u32 v4, $0x4;
	v6 =	vand.u32 $0xFFFFFFF8, v5;
	v7 =	vld.idx.msk [tilespmem:v3+s10+$0x0], $0xffff  }
0xc5: {  	v3 =	vand.u32 $0x7, v5;
	v4 =	vadd.s32 v4, v6  }
0xc6: {  	v3 =	vor.u32 v3, v4;
	_ =	sdelay $0x3  }
0xc7: {  	s10 =	simm.s32 $0x0;
	[tilespmem:s17+$0x1C20] =	vst v7  }
0xc8: {  	v4 =	vld.idx.msk [tilespmem:v3+s10+$0x0], $0xffff;
	_ =	sdelay $0x1  }
0xc9: {  	v5 =	vadd.s32 $0x320, v3;
	_ =	sdelay $0x2  }
0xca: {  	s17 =	sadd.s32 $0x10, s17  }
0xcb: {  	[tilespmem:s17+$0xFFFFE0C0] =	vst v4  }
0xcc: {  	v4 =	vld.idx.msk [tilespmem:v5+s10+$0x0], $0xffff;
	_ =	sdelay $0x1  }
0xcd: {  	v5 =	vadd.s32 $0x640, v3;
	_ =	sdelay $0x3  }
0xce: {  	[tilespmem:s17+$0xFFFFE3E0] =	vst v4  }
0xcf: {  	v4 =	vld.idx.msk [tilespmem:v5+s10+$0x0], $0xffff;
	_ =	sdelay $0x1  }
0xd0: {  	v5 =	vadd.s32 $0x960, v3;
	_ =	sdelay $0x3  }
0xd1: {  	[tilespmem:s17+$0xFFFFE700] =	vst v4  }
0xd2: {  	v4 =	vld.idx.msk [tilespmem:v5+s10+$0x0], $0xffff;
	_ =	sdelay $0x1  }
0xd3: {  	v5 =	vadd.s32 $0xC80, v3;
	_ =	sdelay $0x3  }
0xd4: {  	[tilespmem:s17+$0xFFFFEA20] =	vst v4  }
0xd5: {  	v4 =	vld.idx.msk [tilespmem:v5+s10+$0x0], $0xffff;
	_ =	sdelay $0x1  }
0xd6: {  	v5 =	vadd.s32 $0xFA0, v3;
	_ =	sdelay $0x3  }
0xd7: {  	[tilespmem:s17+$0xFFFFED40] =	vst v4  }
0xd8: {  	v4 =	vld.idx.msk [tilespmem:v5+s10+$0x0], $0xffff;
	_ =	sdelay $0x1  }
0xd9: {  	v5 =	vadd.s32 $0x12C0, v3;
	_ =	sdelay $0x3  }
0xda: {  	[tilespmem:s17+$0xFFFFF060] =	vst v4  }
0xdb: {  	v4 =	vld.idx.msk [tilespmem:v5+s10+$0x0], $0xffff;
	_ =	sdelay $0x1  }
0xdc: {  	v5 =	vadd.s32 $0x15E0, v3;
	_ =	sdelay $0x3  }
0xdd: {  	[tilespmem:s17+$0xFFFFF380] =	vst v4  }
0xde: {  	v4 =	vld.idx.msk [tilespmem:v5+s10+$0x0], $0xffff;
	_ =	sdelay $0x1  }
0xdf: {  	v5 =	vadd.s32 $0x1900, v3;
	_ =	sdelay $0x3  }
0xe0: {  	[tilespmem:s17+$0xFFFFF6A0] =	vst v4  }
0xe1: {  	v4 =	vld.idx.msk [tilespmem:v5+s10+$0x0], $0xffff;
	_ =	sdelay $0x1  }
0xe2: {  	v5 =	vadd.s32 $0x1C20, v3;
	_ =	sdelay $0x3  }
0xe3: {  	[tilespmem:s17+$0xFFFFF9C0] =	vst v4  }
0xe4: {  	v4 =	vld.idx.msk [tilespmem:v5+s10+$0x0], $0xffff;
	_ =	sdelay $0x1  }
0xe5: {  	v5 =	vadd.s32 $0x1F40, v3;
	_ =	sdelay $0x3  }
0xe6: {  	[tilespmem:s17+$0xFFFFFCE0] =	vst v4  }
0xe7: {  	v4 =	vld.idx.msk [tilespmem:v5+s10+$0x0], $0xffff;
	_ =	sdelay $0x1  }
0xe8: {  	v5 =	vadd.s32 $0x2260, v3;
	_ =	sdelay $0x3  }
0xe9: {  	[tilespmem:s17+$0x0] =	vst v4  }
0xea: {  	v4 =	vld.idx.msk [tilespmem:v5+s10+$0x0], $0xffff;
	_ =	sdelay $0x1  }
0xeb: {  	v5 =	vadd.s32 $0x2580, v3;
	_ =	sdelay $0x3  }
0xec: {  	[tilespmem:s17+$0x320] =	vst v4  }
0xed: {  	v4 =	vld.idx.msk [tilespmem:v5+s10+$0x0], $0xffff;
	_ =	sdelay $0x1  }
0xee: {  	v5 =	vadd.s32 $0x28A0, v3;
	_ =	sdelay $0x3  }
0xef: {  	[tilespmem:s17+$0x640] =	vst v4  }
0xf0: {  	v4 =	vld.idx.msk [tilespmem:v5+s10+$0x0], $0xffff;
	_ =	sdelay $0x1  }
0xf1: {  	v5 =	vadd.s32 $0x2BC0, v3;
	_ =	sdelay $0x3  }
0xf2: {  	[tilespmem:s17+$0x960] =	vst v4  }
0xf3: {  	v4 =	vld.idx.msk [tilespmem:v5+s10+$0x0], $0xffff;
	_ =	sdelay $0x1  }
0xf4: {  	v5 =	vadd.s32 $0x2EE0, v3;
	_ =	sdelay $0x3  }
0xf5: {  	[tilespmem:s17+$0xC80] =	vst v4  }
0xf6: {  	v4 =	vld.idx.msk [tilespmem:v5+s10+$0x0], $0xffff;
	_ =	sdelay $0x1  }
0xf7: {  	v5 =	vadd.s32 $0x3200, v3;
	_ =	sdelay $0x3  }
0xf8: {  	[tilespmem:s17+$0xFA0] =	vst v4  }
0xf9: {  	v4 =	vld.idx.msk [tilespmem:v5+s10+$0x0], $0xffff;
	_ =	sdelay $0x1  }
0xfa: {  	v5 =	vadd.s32 $0x3520, v3;
	_ =	sdelay $0x3  }
.Ltmp2:
0xfb: {  	[tilespmem:s17+$0x12C0] =	vst v4;
	(pc) =	sbr.rel @p0 .LBB2_2-.Ltmp2, $3  }
0xfc: {  	v5 =	vld.idx.msk [tilespmem:v5+s10+$0x0], $0xffff;
	_ =	sdelay $0x1  }
0xfd: {  	v6 =	vadd.s32 $0x3840, v3  }
0xfe: {  	s22 =	sadd.s32 $0x10, s22;
	v4 =	vor.u32 s19, v0  }
0xff: {  	v7 =	vmulhi.u32 $0x51EB851F, v4;
	_ =	sdelay $0x1  }
0x100: {  	v7 =	vshrl.u32 v7, $0x4  }
0x101: {  	v8 =	vmul.u32 $0xFFFFFFCE, v7  }
0x102: {  	[tilespmem:s17+$0x15E0] =	vst v5  }
0x103: {  	v42 =	vmov s19;
	v5 =	vld.idx.msk [tilespmem:v6+s10+$0x0], $0xffff;
	v43 =	vadd.s32 v4, v8  }
0x104: {  	v3 =	vadd.s32 $0x3B60, v3;
	vm0 =	veq.s32 v42, v0;
	vm1 =	vne.s32 v43, $0x0  }
0x105: {  	vm0 =	vmand vm0, vm1  }
0x106: {  	v44 =	vsel vm0, $0xFFFFFFFF, v1  }
0x107: {  	v6 =	vadd.s32 v44, v7  }
0x108: {  	v4 =	vshll.u32 v43, $0x4;
	[tilespmem:s17+$0x1900] =	vst v5;
	v45 =	vand.u32 $0xFFFFFFF8, v6  }
0x109: {  	v3 =	vld.idx.msk [tilespmem:v3+s10+$0x0], $0xffff;
	v6 =	vand.u32 $0x7, v6;
	v4 =	vadd.s32 v4, v45  }
0x10a: {  	v4 =	vor.u32 v6, v4;
	_ =	sdelay $0x3  }
0x10b: {  	[tilespmem:s17+$0x1C20] =	vst v3  }
0x10c: {  	v3 =	vld.idx.msk [tilespmem:v4+s10+$0x0], $0xffff  }
0x10d: {  	v46 =	vadd.s32 $0x320, v4;
	_ =	sdelay $0x2  }
0x10e: {  	s28 =	sadd.s32 $0x10, s17  }
0x10f: {  	[tilespmem:s28+$0xFFFFE0C0] =	vst v3  }
0x110: {  	v3 =	vld.idx.msk [tilespmem:v46+s10+$0x0], $0xffff  }
0x111: {  	v47 =	vadd.s32 $0x640, v4;
	_ =	sdelay $0x3  }
0x112: {  	[tilespmem:s28+$0xFFFFE3E0] =	vst v3  }
0x113: {  	v3 =	vld.idx.msk [tilespmem:v47+s10+$0x0], $0xffff  }
0x114: {  	v48 =	vadd.s32 $0x960, v4;
	_ =	sdelay $0x3  }
0x115: {  	[tilespmem:s28+$0xFFFFE700] =	vst v3  }
0x116: {  	v3 =	vld.idx.msk [tilespmem:v48+s10+$0x0], $0xffff  }
0x117: {  	v49 =	vadd.s32 $0xC80, v4;
	_ =	sdelay $0x3  }
0x118: {  	[tilespmem:s28+$0xFFFFEA20] =	vst v3  }
0x119: {  	v3 =	vld.idx.msk [tilespmem:v49+s10+$0x0], $0xffff  }
0x11a: {  	v50 =	vadd.s32 $0xFA0, v4;
	_ =	sdelay $0x3  }
0x11b: {  	[tilespmem:s28+$0xFFFFED40] =	vst v3  }
0x11c: {  	v3 =	vld.idx.msk [tilespmem:v50+s10+$0x0], $0xffff  }
0x11d: {  	v51 =	vadd.s32 $0x12C0, v4;
	_ =	sdelay $0x3  }
0x11e: {  	[tilespmem:s28+$0xFFFFF060] =	vst v3  }
0x11f: {  	v3 =	vld.idx.msk [tilespmem:v51+s10+$0x0], $0xffff  }
0x120: {  	v52 =	vadd.s32 $0x15E0, v4;
	_ =	sdelay $0x3  }
0x121: {  	[tilespmem:s28+$0xFFFFF380] =	vst v3  }
0x122: {  	v3 =	vld.idx.msk [tilespmem:v52+s10+$0x0], $0xffff  }
0x123: {  	v53 =	vadd.s32 $0x1900, v4;
	_ =	sdelay $0x3  }
0x124: {  	[tilespmem:s28+$0xFFFFF6A0] =	vst v3  }
0x125: {  	v3 =	vld.idx.msk [tilespmem:v53+s10+$0x0], $0xffff  }
0x126: {  	v54 =	vadd.s32 $0x1C20, v4;
	_ =	sdelay $0x3  }
0x127: {  	[tilespmem:s28+$0xFFFFF9C0] =	vst v3  }
0x128: {  	v3 =	vld.idx.msk [tilespmem:v54+s10+$0x0], $0xffff  }
0x129: {  	v55 =	vadd.s32 $0x1F40, v4;
	_ =	sdelay $0x3  }
0x12a: {  	[tilespmem:s28+$0xFFFFFCE0] =	vst v3  }
0x12b: {  	v3 =	vld.idx.msk [tilespmem:v55+s10+$0x0], $0xffff  }
0x12c: {  	v56 =	vadd.s32 $0x2260, v4;
	_ =	sdelay $0x3  }
0x12d: {  	[tilespmem:s28+$0x0] =	vst v3  }
0x12e: {  	v3 =	vld.idx.msk [tilespmem:v56+s10+$0x0], $0xffff  }
0x12f: {  	v57 =	vadd.s32 $0x2580, v4;
	_ =	sdelay $0x3  }
0x130: {  	[tilespmem:s28+$0x320] =	vst v3  }
0x131: {  	v3 =	vld.idx.msk [tilespmem:v57+s10+$0x0], $0xffff  }
0x132: {  	v58 =	vadd.s32 $0x28A0, v4;
	_ =	sdelay $0x3  }
0x133: {  	[tilespmem:s28+$0x640] =	vst v3  }
0x134: {  	v3 =	vld.idx.msk [tilespmem:v58+s10+$0x0], $0xffff  }
0x135: {  	v59 =	vadd.s32 $0x2BC0, v4;
	_ =	sdelay $0x3  }
0x136: {  	[tilespmem:s28+$0x960] =	vst v3  }
0x137: {  	v3 =	vld.idx.msk [tilespmem:v59+s10+$0x0], $0xffff  }
0x138: {  	v60 =	vadd.s32 $0x2EE0, v4;
	_ =	sdelay $0x3  }
0x139: {  	[tilespmem:s28+$0xC80] =	vst v3  }
0x13a: {  	v3 =	vld.idx.msk [tilespmem:v60+s10+$0x0], $0xffff  }
0x13b: {  	v61 =	vadd.s32 $0x3200, v4;
	_ =	sdelay $0x3  }
0x13c: {  	[tilespmem:s28+$0xFA0] =	vst v3  }
0x13d: {  	v3 =	vld.idx.msk [tilespmem:v61+s10+$0x0], $0xffff  }
0x13e: {  	v62 =	vadd.s32 $0x3520, v4;
	_ =	sdelay $0x3  }
0x13f: {  	[tilespmem:s28+$0x12C0] =	vst v3  }
0x140: {  	v3 =	vld.idx.msk [tilespmem:v62+s10+$0x0], $0xffff  }
0x141: {  	v63 =	vadd.s32 $0x3840, v4;
	_ =	sdelay $0x3  }
0x142: {  	[tilespmem:s28+$0x15E0] =	vst v3  }
0x143: {  	v3 =	vld.idx.msk [tilespmem:v63+s10+$0x0], $0xffff  }
0x144: {  	v4 =	vadd.s32 $0x3B60, v4;
	_ =	sdelay $0x3  }
0x145: {  	[tilespmem:s28+$0x1900] =	vst v3  }
0x146: {  	p0 =	por $0x1, $0x1;
	v3 =	vld.idx.msk [tilespmem:v4+s10+$0x0], $0xffff  }
.Ltmp3:
0x147: {  	_ = 	snop;
	(pc) =	sbr.rel @!p0 .LBB2_5-.Ltmp3, $2  }
0x148: {  	_ =	sdelay $0x2  }
0x149: {  	s17 =	simm.s32 $0x0;
	s10 =	simm.s32 $0x80;
	[tilespmem:s28+$0x1C20] =	vst v3  }
.LBB2_4:
0x14a: {  	p0 =	sne.s32 s10, $0x18F80;
	[tilespmem:s17+$0xFA00] =	vst v2;
	s19 =	smov.u32 s10;
	s10 =	sadd.s32 $0x80, s10  }
.Ltmp4:
0x14b: {  	[tilespmem:s17+$0xFA10] =	vst v2;
	(pc) =	sbr.rel @p0 .LBB2_4-.Ltmp4, $2  }
0x14c: {  	_ =	sdelay $0x2  }
0x14d: {  	s17 =	sshra.s32 s19, $0x2  }
.LBB2_5:
0x14e: {  	[tilespmem:s17+$0xFA00] =	vst v2  }
0x14f: {  	[tilespmem:s17+$0xFA10] =	vst v2;
	s10 =	simm.s32 $0x7D00  }
0x150: {  	[tilespmem:s18], [sflag:$0x1] =	stream.indirect.gather.add.f32 [hbm:s5], $0x20, s10, s16, $0xb8;
	[tilespmem:$0x1C200] =	vst v63  }
0x151: {  	s28 =	simm.s32 $0x8020  }
0x152: {  	[tilespmem:s18], [sflag:$0x1] =	stream.indirect.gather.add.f32 [hbm:s5], $0x20, s28, s16, $0xb8;
	[tilespmem:$0x1C200] =	vst v63  }
0x153: {  	s17 =	simm.s32 $0x8340  }
0x154: {  	[tilespmem:s18], [sflag:$0x1] =	stream.indirect.gather.add.f32 [hbm:s5], $0x20, s17, s16, $0xb8;
	[tilespmem:$0x1C200] =	vst v63  }
0x155: {  	s19 =	simm.s32 $0x8660  }
0x156: {  	[tilespmem:s18], [sflag:$0x1] =	stream.indirect.gather.add.f32 [hbm:s5], $0x20, s19, s16, $0xb8;
	[tilespmem:$0x1C200] =	vst v63  }
0x157: {  	s22 =	simm.s32 $0x8980  }
0x158: {  	[tilespmem:s18], [sflag:$0x1] =	stream.indirect.gather.add.f32 [hbm:s5], $0x20, s22, s16, $0xb8;
	[tilespmem:$0x1C200] =	vst v63  }
0x159: {  	s24 =	simm.s32 $0x8CA0  }
0x15a: {  	[tilespmem:s18], [sflag:$0x1] =	stream.indirect.gather.add.f32 [hbm:s5], $0x20, s24, s16, $0xb8;
	[tilespmem:$0x1C200] =	vst v63  }
0x15b: {  	s25 =	simm.s32 $0x8FC0  }
0x15c: {  	[tilespmem:s18], [sflag:$0x1] =	stream.indirect.gather.add.f32 [hbm:s5], $0x20, s25, s16, $0xb8;
	[tilespmem:$0x1C200] =	vst v63  }
0x15d: {  	s28 =	simm.s32 $0x92E0  }
0x15e: {  	[tilespmem:s18], [sflag:$0x1] =	stream.indirect.gather.add.f32 [hbm:s5], $0x20, s28, s16, $0xb8;
	[tilespmem:$0x1C200] =	vst v63  }
0x15f: {  	s17 =	simm.s32 $0x9600  }
0x160: {  	[tilespmem:s18], [sflag:$0x1] =	stream.indirect.gather.add.f32 [hbm:s5], $0x20, s17, s16, $0xb8;
	[tilespmem:$0x1C200] =	vst v63  }
0x161: {  	s19 =	simm.s32 $0x9920  }
0x162: {  	[tilespmem:s18], [sflag:$0x1] =	stream.indirect.gather.add.f32 [hbm:s5], $0x20, s19, s16, $0xb8;
	[tilespmem:$0x1C200] =	vst v63  }
0x163: {  	_ = 	snop  }
0x164: {  	[tilespmem:s18], [sflag:$0x1] =	stream.indirect.gather.add.f32 [hbm:s5], $0x20, s29, s16, $0xb8;
	[tilespmem:$0x1C200] =	vst v63  }
0x165: {  	s22 =	simm.s32 $0x9F60  }
0x166: {  	[tilespmem:s18], [sflag:$0x1] =	stream.indirect.gather.add.f32 [hbm:s5], $0x20, s22, s16, $0xb8;
	[tilespmem:$0x1C200] =	vst v63  }
0x167: {  	s24 =	simm.s32 $0xA280  }
0x168: {  	[tilespmem:s18], [sflag:$0x1] =	stream.indirect.gather.add.f32 [hbm:s5], $0x20, s24, s16, $0xb8;
	[tilespmem:$0x1C200] =	vst v63  }
0x169: {  	s25 =	simm.s32 $0xA5A0  }
0x16a: {  	[tilespmem:s18], [sflag:$0x1] =	stream.indirect.gather.add.f32 [hbm:s5], $0x20, s25, s16, $0xb8;
	[tilespmem:$0x1C200] =	vst v63  }
0x16b: {  	s28 =	simm.s32 $0xA8C0  }
0x16c: {  	[tilespmem:s18], [sflag:$0x1] =	stream.indirect.gather.add.f32 [hbm:s5], $0x20, s28, s16, $0xb8;
	[tilespmem:$0x1C200] =	vst v63  }
0x16d: {  	s17 =	simm.s32 $0xABE0  }
0x16e: {  	[tilespmem:s18], [sflag:$0x1] =	stream.indirect.gather.add.f32 [hbm:s5], $0x20, s17, s16, $0xb8;
	[tilespmem:$0x1C200] =	vst v63  }
0x16f: {  	s19 =	simm.s32 $0xAF00  }
0x170: {  	[tilespmem:s18], [sflag:$0x1] =	stream.indirect.gather.add.f32 [hbm:s5], $0x20, s19, s16, $0xb8;
	[tilespmem:$0x1C200] =	vst v63  }
0x171: {  	s22 =	simm.s32 $0xB220  }
0x172: {  	[tilespmem:s18], [sflag:$0x1] =	stream.indirect.gather.add.f32 [hbm:s5], $0x20, s22, s16, $0xb8;
	[tilespmem:$0x1C200] =	vst v63  }
0x173: {  	s24 =	simm.s32 $0xB540  }
0x174: {  	[tilespmem:s18], [sflag:$0x1] =	stream.indirect.gather.add.f32 [hbm:s5], $0x20, s24, s16, $0xb8;
	[tilespmem:$0x1C200] =	vst v63  }
0x175: {  	s25 =	simm.s32 $0xB860  }
0x176: {  	[tilespmem:s18], [sflag:$0x1] =	stream.indirect.gather.add.f32 [hbm:s5], $0x20, s25, s16, $0xb8;
	[tilespmem:$0x1C200] =	vst v63  }
0x177: {  	s28 =	rddreg [dreg:$0x4];
	s17 =	simm.s32 $0x0;
	s19 =	simm.s32 $0x0  }
0x178: {  	[tilespmem:s20], [sflag:$0x4] =	stream.strided.gather [hbm4b:s28+s13], $0x3E80, s14, s13, $0x38;
	[tilespmem:$0x1C200] =	vst v63  }
.LBB2_6:
0x179: {  	v3 =	vor.u32 s17, v0  }
0x17a: {  	v4 =	vmulhi.u32 $0x51EB851F, v3;
	_ =	sdelay $0x1  }
0x17b: {  	v4 =	vshrl.u32 v4, $0x4  }
0x17c: {  	v5 =	vmul.u32 $0xFFFFFFCE, v4;
	_ =	sdelay $0x1  }
0x17d: {  	v6 =	vmov s17;
	v3 =	vadd.s32 v3, v5  }
0x17e: {  	vm0 =	veq.s32 v6, v0;
	vm1 =	vne.s32 v3, $0x0  }
0x17f: {  	vm0 =	vmand vm0, vm1  }
0x180: {  	v5 =	vsel vm0, $0xFFFFFFFF, v1  }
0x181: {  	v4 =	vadd.s32 v5, v4  }
0x182: {  	v3 =	vshll.u32 v3, $0x4;
	v5 =	vand.u32 $0xFFFFFFF8, v4  }
0x183: {  	v4 =	vand.u32 $0x7, v4;
	v3 =	vadd.s32 v3, v5  }
0x184: {  	v3 =	vor.u32 v4, v3;
	_ =	sdelay $0x1  }
0x185: {  	_ =	swait.ge [sflag:s21], $0x3E80  }
0x186: {  	[sflag:s21] =	ssyncset.done $0x0  }
0x187: {  	[sflag:s21] =	ssyncadd.s32 $0xFFFFC180  }
0x188: {  	v4 =	vld.idx.msk [tilespmem:v3+s20+$0x0], $0xffff  }
0x189: {  	v5 =	vadd.s32 $0x320, v3;
	_ =	sdelay $0x2  }
0x18a: {  	s10 =	simm.s32 $0xDAC0  }
0x18b: {  	[tilespmem:s10+$0xFFFFE0C0] =	vst v4  }
0x18c: {  	v4 =	vld.idx.msk [tilespmem:v5+s20+$0x0], $0xffff  }
0x18d: {  	v5 =	vadd.s32 $0x640, v3;
	_ =	sdelay $0x3  }
0x18e: {  	[tilespmem:s10+$0xFFFFE3E0] =	vst v4  }
0x18f: {  	v4 =	vld.idx.msk [tilespmem:v5+s20+$0x0], $0xffff  }
0x190: {  	v5 =	vadd.s32 $0x960, v3;
	_ =	sdelay $0x3  }
0x191: {  	[tilespmem:s10+$0xFFFFE700] =	vst v4  }
0x192: {  	v4 =	vld.idx.msk [tilespmem:v5+s20+$0x0], $0xffff  }
0x193: {  	v5 =	vadd.s32 $0xC80, v3;
	_ =	sdelay $0x3  }
0x194: {  	[tilespmem:s10+$0xFFFFEA20] =	vst v4  }
0x195: {  	v4 =	vld.idx.msk [tilespmem:v5+s20+$0x0], $0xffff  }
0x196: {  	v5 =	vadd.s32 $0xFA0, v3;
	_ =	sdelay $0x3  }
0x197: {  	[tilespmem:s10+$0xFFFFED40] =	vst v4  }
0x198: {  	v4 =	vld.idx.msk [tilespmem:v5+s20+$0x0], $0xffff  }
0x199: {  	v5 =	vadd.s32 $0x12C0, v3;
	_ =	sdelay $0x3  }
0x19a: {  	[tilespmem:s10+$0xFFFFF060] =	vst v4  }
0x19b: {  	v4 =	vld.idx.msk [tilespmem:v5+s20+$0x0], $0xffff  }
0x19c: {  	v5 =	vadd.s32 $0x15E0, v3;
	_ =	sdelay $0x3  }
0x19d: {  	[tilespmem:s10+$0xFFFFF380] =	vst v4  }
0x19e: {  	v4 =	vld.idx.msk [tilespmem:v5+s20+$0x0], $0xffff  }
0x19f: {  	v5 =	vadd.s32 $0x1900, v3;
	_ =	sdelay $0x3  }
0x1a0: {  	[tilespmem:s10+$0xFFFFF6A0] =	vst v4  }
0x1a1: {  	v4 =	vld.idx.msk [tilespmem:v5+s20+$0x0], $0xffff  }
0x1a2: {  	v5 =	vadd.s32 $0x1C20, v3;
	_ =	sdelay $0x3  }
0x1a3: {  	[tilespmem:s10+$0xFFFFF9C0] =	vst v4  }
0x1a4: {  	v4 =	vld.idx.msk [tilespmem:v5+s20+$0x0], $0xffff  }
0x1a5: {  	v5 =	vadd.s32 $0x1F40, v3;
	_ =	sdelay $0x3  }
0x1a6: {  	[tilespmem:s10+$0xFFFFFCE0] =	vst v4  }
0x1a7: {  	v4 =	vld.idx.msk [tilespmem:v5+s20+$0x0], $0xffff  }
0x1a8: {  	v5 =	vadd.s32 $0x2260, v3;
	_ =	sdelay $0x3  }
0x1a9: {  	[tilespmem:s10+$0x0] =	vst v4  }
0x1aa: {  	v4 =	vld.idx.msk [tilespmem:v5+s20+$0x0], $0xffff  }
0x1ab: {  	v5 =	vadd.s32 $0x2580, v3;
	_ =	sdelay $0x3  }
0x1ac: {  	[tilespmem:s10+$0x320] =	vst v4  }
0x1ad: {  	v4 =	vld.idx.msk [tilespmem:v5+s20+$0x0], $0xffff  }
0x1ae: {  	v5 =	vadd.s32 $0x28A0, v3;
	_ =	sdelay $0x3  }
0x1af: {  	[tilespmem:s10+$0x640] =	vst v4  }
0x1b0: {  	v4 =	vld.idx.msk [tilespmem:v5+s20+$0x0], $0xffff  }
0x1b1: {  	v5 =	vadd.s32 $0x2BC0, v3;
	_ =	sdelay $0x3  }
0x1b2: {  	[tilespmem:s10+$0x960] =	vst v4  }
0x1b3: {  	v4 =	vld.idx.msk [tilespmem:v5+s20+$0x0], $0xffff  }
0x1b4: {  	v5 =	vadd.s32 $0x2EE0, v3;
	_ =	sdelay $0x3  }
0x1b5: {  	[tilespmem:s10+$0xC80] =	vst v4  }
0x1b6: {  	v4 =	vld.idx.msk [tilespmem:v5+s20+$0x0], $0xffff  }
0x1b7: {  	v5 =	vadd.s32 $0x3200, v3;
	_ =	sdelay $0x3  }
0x1b8: {  	[tilespmem:s10+$0xFA0] =	vst v4  }
0x1b9: {  	v4 =	vld.idx.msk [tilespmem:v5+s20+$0x0], $0xffff  }
0x1ba: {  	v5 =	vadd.s32 $0x3520, v3;
	_ =	sdelay $0x3  }
0x1bb: {  	[tilespmem:s10+$0x12C0] =	vst v4  }
0x1bc: {  	v5 =	vld.idx.msk [tilespmem:v5+s20+$0x0], $0xffff  }
0x1bd: {  	s22 =	simm.s32 $0x10;
	v6 =	vadd.s32 $0x3840, v3  }
0x1be: {  	s24 =	simm.s32 $0x20;
	v4 =	vor.u32 s22, v0  }
.LBB2_7:
0x1bf: {  	p0 =	sne.s32 s24, $0x310;
	v7 =	vmulhi.u32 $0x51EB851F, v4;
	_ =	sdelay $0x1  }
0x1c0: {  	v7 =	vshrl.u32 v7, $0x4;
	[tilespmem:s10+$0x15E0] =	vst v5  }
0x1c1: {  	v5 =	vmul.u32 $0xFFFFFFCE, v7;
	v6 =	vld.idx.msk [tilespmem:v6+s20+$0x0], $0xffff;
	_ =	sdelay $0x1  }
0x1c2: {  	v8 =	vmov s22;
	v3 =	vadd.s32 $0x3B60, v3;
	s22 =	smov.u32 s24;
	v4 =	vadd.s32 v4, v5  }
0x1c3: {  	vm0 =	veq.s32 v8, v0;
	vm1 =	vne.s32 v4, $0x0  }
0x1c4: {  	vm0 =	vmand vm0, vm1  }
0x1c5: {  	v5 =	vsel vm0, $0xFFFFFFFF, v1  }
0x1c6: {  	v5 =	vadd.s32 v5, v7;
	[tilespmem:s10+$0x1900] =	vst v6  }
0x1c7: {  	v4 =	vshll.u32 v4, $0x4;
	v6 =	vand.u32 $0xFFFFFFF8, v5;
	v7 =	vld.idx.msk [tilespmem:v3+s20+$0x0], $0xffff  }
0x1c8: {  	v3 =	vand.u32 $0x7, v5;
	v4 =	vadd.s32 v4, v6  }
0x1c9: {  	v3 =	vor.u32 v3, v4;
	_ =	sdelay $0x3  }
0x1ca: {  	[tilespmem:s10+$0x1C20] =	vst v7  }
0x1cb: {  	v4 =	vld.idx.msk [tilespmem:v3+s20+$0x0], $0xffff;
	_ =	sdelay $0x1  }
0x1cc: {  	v5 =	vadd.s32 $0x320, v3;
	_ =	sdelay $0x2  }
0x1cd: {  	s10 =	sadd.s32 $0x10, s10  }
0x1ce: {  	[tilespmem:s10+$0xFFFFE0C0] =	vst v4  }
0x1cf: {  	v4 =	vld.idx.msk [tilespmem:v5+s20+$0x0], $0xffff;
	_ =	sdelay $0x1  }
0x1d0: {  	v5 =	vadd.s32 $0x640, v3;
	_ =	sdelay $0x3  }
0x1d1: {  	[tilespmem:s10+$0xFFFFE3E0] =	vst v4  }
0x1d2: {  	v4 =	vld.idx.msk [tilespmem:v5+s20+$0x0], $0xffff;
	_ =	sdelay $0x1  }
0x1d3: {  	v5 =	vadd.s32 $0x960, v3;
	_ =	sdelay $0x3  }
0x1d4: {  	[tilespmem:s10+$0xFFFFE700] =	vst v4  }
0x1d5: {  	v4 =	vld.idx.msk [tilespmem:v5+s20+$0x0], $0xffff;
	_ =	sdelay $0x1  }
0x1d6: {  	v5 =	vadd.s32 $0xC80, v3;
	_ =	sdelay $0x3  }
0x1d7: {  	[tilespmem:s10+$0xFFFFEA20] =	vst v4  }
0x1d8: {  	v4 =	vld.idx.msk [tilespmem:v5+s20+$0x0], $0xffff;
	_ =	sdelay $0x1  }
0x1d9: {  	v5 =	vadd.s32 $0xFA0, v3;
	_ =	sdelay $0x3  }
0x1da: {  	[tilespmem:s10+$0xFFFFED40] =	vst v4  }
0x1db: {  	v4 =	vld.idx.msk [tilespmem:v5+s20+$0x0], $0xffff;
	_ =	sdelay $0x1  }
0x1dc: {  	v5 =	vadd.s32 $0x12C0, v3;
	_ =	sdelay $0x3  }
0x1dd: {  	[tilespmem:s10+$0xFFFFF060] =	vst v4  }
0x1de: {  	v4 =	vld.idx.msk [tilespmem:v5+s20+$0x0], $0xffff;
	_ =	sdelay $0x1  }
0x1df: {  	v5 =	vadd.s32 $0x15E0, v3;
	_ =	sdelay $0x3  }
0x1e0: {  	[tilespmem:s10+$0xFFFFF380] =	vst v4  }
0x1e1: {  	v4 =	vld.idx.msk [tilespmem:v5+s20+$0x0], $0xffff;
	_ =	sdelay $0x1  }
0x1e2: {  	v5 =	vadd.s32 $0x1900, v3;
	_ =	sdelay $0x3  }
0x1e3: {  	[tilespmem:s10+$0xFFFFF6A0] =	vst v4  }
0x1e4: {  	v4 =	vld.idx.msk [tilespmem:v5+s20+$0x0], $0xffff;
	_ =	sdelay $0x1  }
0x1e5: {  	v5 =	vadd.s32 $0x1C20, v3;
	_ =	sdelay $0x3  }
0x1e6: {  	[tilespmem:s10+$0xFFFFF9C0] =	vst v4  }
0x1e7: {  	v4 =	vld.idx.msk [tilespmem:v5+s20+$0x0], $0xffff;
	_ =	sdelay $0x1  }
0x1e8: {  	v5 =	vadd.s32 $0x1F40, v3;
	_ =	sdelay $0x3  }
0x1e9: {  	[tilespmem:s10+$0xFFFFFCE0] =	vst v4  }
0x1ea: {  	v4 =	vld.idx.msk [tilespmem:v5+s20+$0x0], $0xffff;
	_ =	sdelay $0x1  }
0x1eb: {  	v5 =	vadd.s32 $0x2260, v3;
	_ =	sdelay $0x3  }
0x1ec: {  	[tilespmem:s10+$0x0] =	vst v4  }
0x1ed: {  	v4 =	vld.idx.msk [tilespmem:v5+s20+$0x0], $0xffff;
	_ =	sdelay $0x1  }
0x1ee: {  	v5 =	vadd.s32 $0x2580, v3;
	_ =	sdelay $0x3  }
0x1ef: {  	[tilespmem:s10+$0x320] =	vst v4  }
0x1f0: {  	v4 =	vld.idx.msk [tilespmem:v5+s20+$0x0], $0xffff;
	_ =	sdelay $0x1  }
0x1f1: {  	v5 =	vadd.s32 $0x28A0, v3;
	_ =	sdelay $0x3  }
0x1f2: {  	[tilespmem:s10+$0x640] =	vst v4  }
0x1f3: {  	v4 =	vld.idx.msk [tilespmem:v5+s20+$0x0], $0xffff;
	_ =	sdelay $0x1  }
0x1f4: {  	v5 =	vadd.s32 $0x2BC0, v3;
	_ =	sdelay $0x3  }
0x1f5: {  	[tilespmem:s10+$0x960] =	vst v4  }
0x1f6: {  	v4 =	vld.idx.msk [tilespmem:v5+s20+$0x0], $0xffff;
	_ =	sdelay $0x1  }
0x1f7: {  	v5 =	vadd.s32 $0x2EE0, v3;
	_ =	sdelay $0x3  }
0x1f8: {  	[tilespmem:s10+$0xC80] =	vst v4  }
0x1f9: {  	v4 =	vld.idx.msk [tilespmem:v5+s20+$0x0], $0xffff;
	_ =	sdelay $0x1  }
0x1fa: {  	v5 =	vadd.s32 $0x3200, v3;
	_ =	sdelay $0x3  }
0x1fb: {  	[tilespmem:s10+$0xFA0] =	vst v4  }
0x1fc: {  	v4 =	vld.idx.msk [tilespmem:v5+s20+$0x0], $0xffff;
	_ =	sdelay $0x1  }
0x1fd: {  	v5 =	vadd.s32 $0x3520, v3;
	_ =	sdelay $0x3  }
.Ltmp5:
0x1fe: {  	[tilespmem:s10+$0x12C0] =	vst v4;
	(pc) =	sbr.rel @p0 .LBB2_7-.Ltmp5, $3  }
0x1ff: {  	v5 =	vld.idx.msk [tilespmem:v5+s20+$0x0], $0xffff;
	_ =	sdelay $0x1  }
0x200: {  	v6 =	vadd.s32 $0x3840, v3  }
0x201: {  	s24 =	sadd.s32 $0x10, s24;
	v4 =	vor.u32 s22, v0  }
0x202: {  	v7 =	vmulhi.u32 $0x51EB851F, v4;
	_ =	sdelay $0x1  }
0x203: {  	v7 =	vshrl.u32 v7, $0x4  }
0x204: {  	v8 =	vmul.u32 $0xFFFFFFCE, v7  }
0x205: {  	[tilespmem:s10+$0x15E0] =	vst v5  }
0x206: {  	v42 =	vmov s22;
	v5 =	vld.idx.msk [tilespmem:v6+s20+$0x0], $0xffff;
	v43 =	vadd.s32 v4, v8  }
0x207: {  	v3 =	vadd.s32 $0x3B60, v3;
	vm0 =	veq.s32 v42, v0;
	vm1 =	vne.s32 v43, $0x0  }
0x208: {  	vm0 =	vmand vm0, vm1  }
0x209: {  	v44 =	vsel vm0, $0xFFFFFFFF, v1  }
0x20a: {  	v6 =	vadd.s32 v44, v7  }
0x20b: {  	v4 =	vshll.u32 v43, $0x4;
	[tilespmem:s10+$0x1900] =	vst v5;
	v45 =	vand.u32 $0xFFFFFFF8, v6  }
0x20c: {  	v3 =	vld.idx.msk [tilespmem:v3+s20+$0x0], $0xffff;
	v6 =	vand.u32 $0x7, v6;
	v4 =	vadd.s32 v4, v45  }
0x20d: {  	v4 =	vor.u32 v6, v4;
	_ =	sdelay $0x3  }
0x20e: {  	[tilespmem:s10+$0x1C20] =	vst v3  }
0x20f: {  	v3 =	vld.idx.msk [tilespmem:v4+s20+$0x0], $0xffff  }
0x210: {  	v46 =	vadd.s32 $0x320, v4;
	_ =	sdelay $0x2  }
0x211: {  	s28 =	sadd.s32 $0x10, s10  }
0x212: {  	[tilespmem:s28+$0xFFFFE0C0] =	vst v3  }
0x213: {  	v3 =	vld.idx.msk [tilespmem:v46+s20+$0x0], $0xffff  }
0x214: {  	v47 =	vadd.s32 $0x640, v4;
	_ =	sdelay $0x3  }
0x215: {  	[tilespmem:s28+$0xFFFFE3E0] =	vst v3  }
0x216: {  	v3 =	vld.idx.msk [tilespmem:v47+s20+$0x0], $0xffff  }
0x217: {  	v48 =	vadd.s32 $0x960, v4;
	_ =	sdelay $0x3  }
0x218: {  	[tilespmem:s28+$0xFFFFE700] =	vst v3  }
0x219: {  	v3 =	vld.idx.msk [tilespmem:v48+s20+$0x0], $0xffff  }
0x21a: {  	v49 =	vadd.s32 $0xC80, v4;
	_ =	sdelay $0x3  }
0x21b: {  	[tilespmem:s28+$0xFFFFEA20] =	vst v3  }
0x21c: {  	v3 =	vld.idx.msk [tilespmem:v49+s20+$0x0], $0xffff  }
0x21d: {  	v50 =	vadd.s32 $0xFA0, v4;
	_ =	sdelay $0x3  }
0x21e: {  	[tilespmem:s28+$0xFFFFED40] =	vst v3  }
0x21f: {  	v3 =	vld.idx.msk [tilespmem:v50+s20+$0x0], $0xffff  }
0x220: {  	v51 =	vadd.s32 $0x12C0, v4;
	_ =	sdelay $0x3  }
0x221: {  	[tilespmem:s28+$0xFFFFF060] =	vst v3  }
0x222: {  	v3 =	vld.idx.msk [tilespmem:v51+s20+$0x0], $0xffff  }
0x223: {  	v52 =	vadd.s32 $0x15E0, v4;
	_ =	sdelay $0x3  }
0x224: {  	[tilespmem:s28+$0xFFFFF380] =	vst v3  }
0x225: {  	v3 =	vld.idx.msk [tilespmem:v52+s20+$0x0], $0xffff  }
0x226: {  	v53 =	vadd.s32 $0x1900, v4;
	_ =	sdelay $0x3  }
0x227: {  	[tilespmem:s28+$0xFFFFF6A0] =	vst v3  }
0x228: {  	v3 =	vld.idx.msk [tilespmem:v53+s20+$0x0], $0xffff  }
0x229: {  	v54 =	vadd.s32 $0x1C20, v4;
	_ =	sdelay $0x3  }
0x22a: {  	[tilespmem:s28+$0xFFFFF9C0] =	vst v3  }
0x22b: {  	v3 =	vld.idx.msk [tilespmem:v54+s20+$0x0], $0xffff  }
0x22c: {  	v55 =	vadd.s32 $0x1F40, v4;
	_ =	sdelay $0x3  }
0x22d: {  	[tilespmem:s28+$0xFFFFFCE0] =	vst v3  }
0x22e: {  	v3 =	vld.idx.msk [tilespmem:v55+s20+$0x0], $0xffff  }
0x22f: {  	v56 =	vadd.s32 $0x2260, v4;
	_ =	sdelay $0x3  }
0x230: {  	[tilespmem:s28+$0x0] =	vst v3  }
0x231: {  	v3 =	vld.idx.msk [tilespmem:v56+s20+$0x0], $0xffff  }
0x232: {  	v57 =	vadd.s32 $0x2580, v4;
	_ =	sdelay $0x3  }
0x233: {  	[tilespmem:s28+$0x320] =	vst v3  }
0x234: {  	v3 =	vld.idx.msk [tilespmem:v57+s20+$0x0], $0xffff  }
0x235: {  	v58 =	vadd.s32 $0x28A0, v4;
	_ =	sdelay $0x3  }
0x236: {  	[tilespmem:s28+$0x640] =	vst v3  }
0x237: {  	v3 =	vld.idx.msk [tilespmem:v58+s20+$0x0], $0xffff  }
0x238: {  	v59 =	vadd.s32 $0x2BC0, v4;
	_ =	sdelay $0x3  }
0x239: {  	[tilespmem:s28+$0x960] =	vst v3  }
0x23a: {  	v3 =	vld.idx.msk [tilespmem:v59+s20+$0x0], $0xffff  }
0x23b: {  	v60 =	vadd.s32 $0x2EE0, v4;
	_ =	sdelay $0x3  }
0x23c: {  	[tilespmem:s28+$0xC80] =	vst v3  }
0x23d: {  	v3 =	vld.idx.msk [tilespmem:v60+s20+$0x0], $0xffff  }
0x23e: {  	v61 =	vadd.s32 $0x3200, v4;
	_ =	sdelay $0x3  }
0x23f: {  	[tilespmem:s28+$0xFA0] =	vst v3  }
0x240: {  	v3 =	vld.idx.msk [tilespmem:v61+s20+$0x0], $0xffff  }
0x241: {  	v62 =	vadd.s32 $0x3520, v4;
	_ =	sdelay $0x3  }
0x242: {  	[tilespmem:s28+$0x12C0] =	vst v3  }
0x243: {  	v3 =	vld.idx.msk [tilespmem:v62+s20+$0x0], $0xffff  }
0x244: {  	v63 =	vadd.s32 $0x3840, v4;
	_ =	sdelay $0x3  }
0x245: {  	[tilespmem:s28+$0x15E0] =	vst v3  }
0x246: {  	v3 =	vld.idx.msk [tilespmem:v63+s20+$0x0], $0xffff  }
0x247: {  	v4 =	vadd.s32 $0x3B60, v4;
	_ =	sdelay $0x3  }
0x248: {  	[tilespmem:s28+$0x1900] =	vst v3  }
0x249: {  	v3 =	vld.idx.msk [tilespmem:v4+s20+$0x0], $0xffff;
	_ =	sdelay $0x3  }
0x24a: {  	p0 =	seq.s32 s19, $0x0  }
0x24b: {  	s22 =	simm.s32 @!p0 $0x6;
	[tilespmem:s28+$0x1C20] =	vst v3  }
0x24c: {  	_ =	swait.ge @!p0 [sflag:s22], $0x640  }
0x24d: {  	[sflag:s22] =	ssyncset.done @!p0 $0x0  }
0x24e: {  	[sflag:s22] =	ssyncadd.s32 @!p0 $0xFFFFF9C0  }
0x24f: {  	_ =	swait.ge @!p0 [sflag:s22], $0x640  }
0x250: {  	[sflag:s22] =	ssyncset.done @!p0 $0x0  }
0x251: {  	[sflag:s22] =	ssyncadd.s32 @!p0 $0xFFFFF9C0  }
0x252: {  	_ =	swait.ge @!p0 [sflag:s22], $0x640  }
0x253: {  	[sflag:s22] =	ssyncset.done @!p0 $0x0  }
0x254: {  	[sflag:s22] =	ssyncadd.s32 @!p0 $0xFFFFF9C0  }
0x255: {  	_ =	swait.ge @!p0 [sflag:s22], $0x640  }
0x256: {  	[sflag:s22] =	ssyncset.done @!p0 $0x0  }
0x257: {  	[sflag:s22] =	ssyncadd.s32 @!p0 $0xFFFFF9C0  }
0x258: {  	_ =	swait.ge @!p0 [sflag:s22], $0x640  }
0x259: {  	[sflag:s22] =	ssyncset.done @!p0 $0x0  }
0x25a: {  	[sflag:s22] =	ssyncadd.s32 @!p0 $0xFFFFF9C0  }
0x25b: {  	_ =	swait.ge @!p0 [sflag:s22], $0x640  }
0x25c: {  	[sflag:s22] =	ssyncset.done @!p0 $0x0  }
0x25d: {  	[sflag:s22] =	ssyncadd.s32 @!p0 $0xFFFFF9C0  }
0x25e: {  	_ =	swait.ge @!p0 [sflag:s22], $0x640  }
0x25f: {  	[sflag:s22] =	ssyncset.done @!p0 $0x0  }
0x260: {  	[sflag:s22] =	ssyncadd.s32 @!p0 $0xFFFFF9C0  }
0x261: {  	_ =	swait.ge @!p0 [sflag:s22], $0x640  }
0x262: {  	[sflag:s22] =	ssyncset.done @!p0 $0x0  }
0x263: {  	[sflag:s22] =	ssyncadd.s32 @!p0 $0xFFFFF9C0  }
0x264: {  	_ =	swait.ge @!p0 [sflag:s22], $0x640  }
0x265: {  	[sflag:s22] =	ssyncset.done @!p0 $0x0  }
0x266: {  	[sflag:s22] =	ssyncadd.s32 @!p0 $0xFFFFF9C0  }
0x267: {  	_ =	swait.ge @!p0 [sflag:s22], $0x640  }
0x268: {  	[sflag:s22] =	ssyncset.done @!p0 $0x0  }
0x269: {  	[sflag:s22] =	ssyncadd.s32 @!p0 $0xFFFFF9C0  }
0x26a: {  	_ =	swait.ge @!p0 [sflag:s22], $0x640  }
0x26b: {  	[sflag:s22] =	ssyncset.done @!p0 $0x0  }
0x26c: {  	[sflag:s22] =	ssyncadd.s32 @!p0 $0xFFFFF9C0  }
0x26d: {  	_ =	swait.ge @!p0 [sflag:s22], $0x640  }
0x26e: {  	[sflag:s22] =	ssyncset.done @!p0 $0x0  }
0x26f: {  	[sflag:s22] =	ssyncadd.s32 @!p0 $0xFFFFF9C0  }
0x270: {  	_ =	swait.ge @!p0 [sflag:s22], $0x640  }
0x271: {  	[sflag:s22] =	ssyncset.done @!p0 $0x0  }
0x272: {  	[sflag:s22] =	ssyncadd.s32 @!p0 $0xFFFFF9C0  }
0x273: {  	_ =	swait.ge @!p0 [sflag:s22], $0x640  }
0x274: {  	[sflag:s22] =	ssyncset.done @!p0 $0x0  }
0x275: {  	[sflag:s22] =	ssyncadd.s32 @!p0 $0xFFFFF9C0  }
0x276: {  	_ =	swait.ge @!p0 [sflag:s22], $0x640  }
0x277: {  	[sflag:s22] =	ssyncset.done @!p0 $0x0  }
0x278: {  	[sflag:s22] =	ssyncadd.s32 @!p0 $0xFFFFF9C0  }
0x279: {  	_ =	swait.ge @!p0 [sflag:s22], $0x640  }
0x27a: {  	s24 =	simm.s32 $0x0;
	[sflag:s22] =	ssyncset.done @!p0 $0x0  }
0x27b: {  	s10 =	sshll.u32 s19, $0x1;
	[sflag:s22] =	ssyncadd.s32 @!p0 $0xFFFFF9C0;
	s22 =	simm.s32 $0x80  }
.LBB2_9:
0x27c: {  	p0 =	sne.s32 s22, $0x18F80;
	[tilespmem:s24+$0x15E00] =	vst v2;
	s25 =	smov.u32 s22;
	s22 =	sadd.s32 $0x80, s22  }
.Ltmp6:
0x27d: {  	[tilespmem:s24+$0x15E10] =	vst v2;
	(pc) =	sbr.rel @p0 .LBB2_9-.Ltmp6, $2  }
0x27e: {  	_ =	sdelay $0x2  }
0x27f: {  	s24 =	sshra.s32 s25, $0x2  }
0x280: {  	[tilespmem:s24+$0x15E00] =	vst v2  }
0x281: {  	[tilespmem:s24+$0x15E10] =	vst v2  }
0x282: {  	[tilespmem:s23], [sflag:$0x2] =	stream.indirect.gather.add.f32 [hbm:s5], $0x20, s26, s16, $0xb8;
	[tilespmem:$0x1C200] =	vst v63  }
0x283: {  	s22 =	simm.s32 $0xBEA0  }
0x284: {  	[tilespmem:s23], [sflag:$0x2] =	stream.indirect.gather.add.f32 [hbm:s5], $0x20, s22, s16, $0xb8;
	[tilespmem:$0x1C200] =	vst v63  }
0x285: {  	s28 =	simm.s32 $0xC1C0  }
0x286: {  	[tilespmem:s23], [sflag:$0x2] =	stream.indirect.gather.add.f32 [hbm:s5], $0x20, s28, s16, $0xb8;
	[tilespmem:$0x1C200] =	vst v63  }
0x287: {  	s24 =	simm.s32 $0xC4E0  }
0x288: {  	[tilespmem:s23], [sflag:$0x2] =	stream.indirect.gather.add.f32 [hbm:s5], $0x20, s24, s16, $0xb8;
	[tilespmem:$0x1C200] =	vst v63  }
0x289: {  	s25 =	simm.s32 $0xC800  }
0x28a: {  	[tilespmem:s23], [sflag:$0x2] =	stream.indirect.gather.add.f32 [hbm:s5], $0x20, s25, s16, $0xb8;
	[tilespmem:$0x1C200] =	vst v63  }
0x28b: {  	s28 =	simm.s32 $0xCB20  }
0x28c: {  	[tilespmem:s23], [sflag:$0x2] =	stream.indirect.gather.add.f32 [hbm:s5], $0x20, s28, s16, $0xb8;
	[tilespmem:$0x1C200] =	vst v63  }
0x28d: {  	s24 =	simm.s32 $0xCE40  }
0x28e: {  	[tilespmem:s23], [sflag:$0x2] =	stream.indirect.gather.add.f32 [hbm:s5], $0x20, s24, s16, $0xb8;
	[tilespmem:$0x1C200] =	vst v63  }
0x28f: {  	s25 =	simm.s32 $0xD160  }
0x290: {  	[tilespmem:s23], [sflag:$0x2] =	stream.indirect.gather.add.f32 [hbm:s5], $0x20, s25, s16, $0xb8;
	[tilespmem:$0x1C200] =	vst v63  }
0x291: {  	s28 =	simm.s32 $0xD480  }
0x292: {  	[tilespmem:s23], [sflag:$0x2] =	stream.indirect.gather.add.f32 [hbm:s5], $0x20, s28, s16, $0xb8;
	[tilespmem:$0x1C200] =	vst v63  }
0x293: {  	s24 =	simm.s32 $0xD7A0  }
0x294: {  	[tilespmem:s23], [sflag:$0x2] =	stream.indirect.gather.add.f32 [hbm:s5], $0x20, s24, s16, $0xb8;
	[tilespmem:$0x1C200] =	vst v63  }
0x295: {  	s25 =	simm.s32 $0xDAC0  }
0x296: {  	[tilespmem:s23], [sflag:$0x2] =	stream.indirect.gather.add.f32 [hbm:s5], $0x20, s25, s16, $0xb8;
	[tilespmem:$0x1C200] =	vst v63  }
0x297: {  	s28 =	simm.s32 $0xDDE0  }
0x298: {  	[tilespmem:s23], [sflag:$0x2] =	stream.indirect.gather.add.f32 [hbm:s5], $0x20, s28, s16, $0xb8;
	[tilespmem:$0x1C200] =	vst v63  }
0x299: {  	s24 =	simm.s32 $0xE100  }
0x29a: {  	[tilespmem:s23], [sflag:$0x2] =	stream.indirect.gather.add.f32 [hbm:s5], $0x20, s24, s16, $0xb8;
	[tilespmem:$0x1C200] =	vst v63  }
0x29b: {  	s25 =	simm.s32 $0xE420  }
0x29c: {  	[tilespmem:s23], [sflag:$0x2] =	stream.indirect.gather.add.f32 [hbm:s5], $0x20, s25, s16, $0xb8;
	[tilespmem:$0x1C200] =	vst v63  }
0x29d: {  	s28 =	simm.s32 $0xE740  }
0x29e: {  	[tilespmem:s23], [sflag:$0x2] =	stream.indirect.gather.add.f32 [hbm:s5], $0x20, s28, s16, $0xb8;
	[tilespmem:$0x1C200] =	vst v63  }
0x29f: {  	s24 =	simm.s32 $0xEA60  }
0x2a0: {  	[tilespmem:s23], [sflag:$0x2] =	stream.indirect.gather.add.f32 [hbm:s5], $0x20, s24, s16, $0xb8;
	[tilespmem:$0x1C200] =	vst v63  }
0x2a1: {  	s25 =	simm.s32 $0xED80  }
0x2a2: {  	[tilespmem:s23], [sflag:$0x2] =	stream.indirect.gather.add.f32 [hbm:s5], $0x20, s25, s16, $0xb8;
	[tilespmem:$0x1C200] =	vst v63  }
0x2a3: {  	s28 =	simm.s32 $0xF0A0  }
0x2a4: {  	[tilespmem:s23], [sflag:$0x2] =	stream.indirect.gather.add.f32 [hbm:s5], $0x20, s28, s16, $0xb8;
	[tilespmem:$0x1C200] =	vst v63  }
0x2a5: {  	s24 =	simm.s32 $0xF3C0  }
0x2a6: {  	[tilespmem:s23], [sflag:$0x2] =	stream.indirect.gather.add.f32 [hbm:s5], $0x20, s24, s16, $0xb8;
	[tilespmem:$0x1C200] =	vst v63  }
0x2a7: {  	s25 =	simm.s32 $0xF6E0  }
0x2a8: {  	[tilespmem:s23], [sflag:$0x2] =	stream.indirect.gather.add.f32 [hbm:s5], $0x20, s25, s16, $0xb8;
	[tilespmem:$0x1C200] =	vst v63  }
0x2a9: {  	_ =	swait.ge [sflag:s30], $0x6400  }
0x2aa: {  	[sflag:s30] =	ssyncset.done $0x0  }
0x2ab: {  	[sflag:s30] =	ssyncadd.s32 $0xFFFF9C00  }
0x2ac: {  	_ =	swait.ge [sflag:s30], $0x6400  }
0x2ad: {  	[sflag:s30] =	ssyncset.done $0x0  }
0x2ae: {  	[sflag:s30] =	ssyncadd.s32 $0xFFFF9C00  }
0x2af: {  	_ =	swait.ge [sflag:s30], $0x6400  }
0x2b0: {  	[sflag:s30] =	ssyncset.done $0x0  }
0x2b1: {  	[sflag:s30] =	ssyncadd.s32 $0xFFFF9C00  }
0x2b2: {  	_ =	swait.ge [sflag:s30], $0x6400  }
0x2b3: {  	[sflag:s30] =	ssyncset.done $0x0  }
0x2b4: {  	[sflag:s30] =	ssyncadd.s32 $0xFFFF9C00  }
0x2b5: {  	_ =	swait.ge [sflag:s30], $0x6400  }
0x2b6: {  	[sflag:s30] =	ssyncset.done $0x0  }
0x2b7: {  	[sflag:s30] =	ssyncadd.s32 $0xFFFF9C00  }
0x2b8: {  	_ =	swait.ge [sflag:s30], $0x6400  }
0x2b9: {  	[sflag:s30] =	ssyncset.done $0x0  }
0x2ba: {  	[sflag:s30] =	ssyncadd.s32 $0xFFFF9C00  }
0x2bb: {  	_ =	swait.ge [sflag:s30], $0x6400  }
0x2bc: {  	[sflag:s30] =	ssyncset.done $0x0  }
0x2bd: {  	[sflag:s30] =	ssyncadd.s32 $0xFFFF9C00  }
0x2be: {  	_ =	swait.ge [sflag:s30], $0x6400  }
0x2bf: {  	[sflag:s30] =	ssyncset.done $0x0  }
0x2c0: {  	[sflag:s30] =	ssyncadd.s32 $0xFFFF9C00  }
0x2c1: {  	_ =	swait.ge [sflag:s30], $0x6400  }
0x2c2: {  	[sflag:s30] =	ssyncset.done $0x0  }
0x2c3: {  	[sflag:s30] =	ssyncadd.s32 $0xFFFF9C00  }
0x2c4: {  	_ =	swait.ge [sflag:s30], $0x6400  }
0x2c5: {  	[sflag:s30] =	ssyncset.done $0x0  }
0x2c6: {  	[sflag:s30] =	ssyncadd.s32 $0xFFFF9C00  }
0x2c7: {  	_ =	swait.ge [sflag:s30], $0x6400  }
0x2c8: {  	[sflag:s30] =	ssyncset.done $0x0  }
0x2c9: {  	[sflag:s30] =	ssyncadd.s32 $0xFFFF9C00  }
0x2ca: {  	_ =	swait.ge [sflag:s30], $0x6400  }
0x2cb: {  	[sflag:s30] =	ssyncset.done $0x0  }
0x2cc: {  	[sflag:s30] =	ssyncadd.s32 $0xFFFF9C00  }
0x2cd: {  	_ =	swait.ge [sflag:s30], $0x6400  }
0x2ce: {  	[sflag:s30] =	ssyncset.done $0x0  }
0x2cf: {  	[sflag:s30] =	ssyncadd.s32 $0xFFFF9C00  }
0x2d0: {  	_ =	swait.ge [sflag:s30], $0x6400  }
0x2d1: {  	[sflag:s30] =	ssyncset.done $0x0  }
0x2d2: {  	[sflag:s30] =	ssyncadd.s32 $0xFFFF9C00  }
0x2d3: {  	_ =	swait.ge [sflag:s30], $0x6400  }
0x2d4: {  	[sflag:s30] =	ssyncset.done $0x0  }
0x2d5: {  	[sflag:s30] =	ssyncadd.s32 $0xFFFF9C00  }
0x2d6: {  	_ =	swait.ge [sflag:s30], $0x6400  }
0x2d7: {  	[sflag:s30] =	ssyncset.done $0x0  }
0x2d8: {  	[sflag:s30] =	ssyncadd.s32 $0xFFFF9C00  }
0x2d9: {  	_ =	swait.ge [sflag:s30], $0x6400  }
0x2da: {  	[sflag:s30] =	ssyncset.done $0x0  }
0x2db: {  	[sflag:s30] =	ssyncadd.s32 $0xFFFF9C00  }
0x2dc: {  	_ =	swait.ge [sflag:s30], $0x6400  }
0x2dd: {  	[sflag:s30] =	ssyncset.done $0x0  }
0x2de: {  	[sflag:s30] =	ssyncadd.s32 $0xFFFF9C00  }
0x2df: {  	_ =	swait.ge [sflag:s30], $0x6400  }
0x2e0: {  	[sflag:s30] =	ssyncset.done $0x0  }
0x2e1: {  	s22 =	sor.u32 s7, s10;
	[sflag:s30] =	ssyncadd.s32 $0xFFFF9C00  }
0x2e2: {  	s28 =	smul.u32 $0xC80, s22;
	_ =	swait.ge [sflag:s30], $0x6400  }
0x2e3: {  	[sflag:s30] =	ssyncset.done $0x0  }
0x2e4: {  	s25 =	sadd.s32 s2, s28;
	[sflag:s30] =	ssyncadd.s32 $0xFFFF9C00  }
0x2e5: {  	[hbm4b:s25+s3] =	stream.linear.scatter [tilespmem:s18], [sflag:$0x5], $0x640, $0x38;
	[tilespmem:$0x1C200] =	vst v63  }
0x2e6: {  	s24 =	sadd.s32 s28, s9;
	s28 =	simm.s32 $0x10040;
	s25 =	smul.u32 $0x6400, s22  }
0x2e7: {  	[hbm4b:s24+s3] =	stream.linear.scatter [tilespmem:s28], [sflag:$0x5], $0x640, $0x38;
	[tilespmem:$0x1C200] =	vst v63  }
0x2e8: {  	s25 =	sshrl.u32 s25, $0x3  }
0x2e9: {  	s24 =	sadd.s32 s2, s25  }
0x2ea: {  	s28 =	simm.s32 $0x10680;
	s25 =	sadd.s32 $0x190, s24  }
0x2eb: {  	[hbm4b:s25+s3] =	stream.linear.scatter [tilespmem:s28], [sflag:$0x5], $0x640, $0x38;
	[tilespmem:$0x1C200] =	vst v63  }
0x2ec: {  	s25 =	sadd.s32 $0x258, s24;
	s28 =	simm.s32 $0x10CC0  }
0x2ed: {  	[hbm4b:s25+s3] =	stream.linear.scatter [tilespmem:s28], [sflag:$0x5], $0x640, $0x38;
	[tilespmem:$0x1C200] =	vst v63  }
0x2ee: {  	s25 =	sadd.s32 $0x320, s24;
	s28 =	simm.s32 $0x11300  }
0x2ef: {  	[hbm4b:s25+s3] =	stream.linear.scatter [tilespmem:s28], [sflag:$0x5], $0x640, $0x38;
	[tilespmem:$0x1C200] =	vst v63  }
0x2f0: {  	s25 =	sadd.s32 $0x3E8, s24;
	s28 =	simm.s32 $0x11940  }
0x2f1: {  	[hbm4b:s25+s3] =	stream.linear.scatter [tilespmem:s28], [sflag:$0x5], $0x640, $0x38;
	[tilespmem:$0x1C200] =	vst v63  }
0x2f2: {  	s25 =	sadd.s32 $0x4B0, s24;
	s28 =	simm.s32 $0x11F80  }
0x2f3: {  	[hbm4b:s25+s3] =	stream.linear.scatter [tilespmem:s28], [sflag:$0x5], $0x640, $0x38;
	[tilespmem:$0x1C200] =	vst v63  }
0x2f4: {  	s25 =	sadd.s32 $0x578, s24;
	s28 =	simm.s32 $0x125C0  }
0x2f5: {  	[hbm4b:s25+s3] =	stream.linear.scatter [tilespmem:s28], [sflag:$0x5], $0x640, $0x38;
	[tilespmem:$0x1C200] =	vst v63  }
0x2f6: {  	s25 =	sadd.s32 $0x640, s24;
	s28 =	simm.s32 $0x12C00  }
0x2f7: {  	[hbm4b:s25+s3] =	stream.linear.scatter [tilespmem:s28], [sflag:$0x5], $0x640, $0x38;
	[tilespmem:$0x1C200] =	vst v63  }
0x2f8: {  	s25 =	sadd.s32 $0x708, s24;
	s28 =	simm.s32 $0x13240  }
0x2f9: {  	[hbm4b:s25+s3] =	stream.linear.scatter [tilespmem:s28], [sflag:$0x5], $0x640, $0x38;
	[tilespmem:$0x1C200] =	vst v63  }
0x2fa: {  	s25 =	sadd.s32 $0x7D0, s24;
	s28 =	simm.s32 $0x13880  }
0x2fb: {  	[hbm4b:s25+s3] =	stream.linear.scatter [tilespmem:s28], [sflag:$0x5], $0x640, $0x38;
	[tilespmem:$0x1C200] =	vst v63  }
0x2fc: {  	s25 =	sadd.s32 $0x898, s24;
	s28 =	simm.s32 $0x13EC0  }
0x2fd: {  	[hbm4b:s25+s3] =	stream.linear.scatter [tilespmem:s28], [sflag:$0x5], $0x640, $0x38;
	[tilespmem:$0x1C200] =	vst v63  }
0x2fe: {  	s25 =	sadd.s32 $0x960, s24;
	s28 =	simm.s32 $0x14500  }
0x2ff: {  	[hbm4b:s25+s3] =	stream.linear.scatter [tilespmem:s28], [sflag:$0x5], $0x640, $0x38;
	[tilespmem:$0x1C200] =	vst v63  }
0x300: {  	p0 =	seq.s32 s19, $0x3;
	s25 =	sadd.s32 $0xA28, s24;
	s28 =	simm.s32 $0x14B40  }
0x301: {  	[hbm4b:s25+s3] =	stream.linear.scatter [tilespmem:s28], [sflag:$0x5], $0x640, $0x38;
	[tilespmem:$0x1C200] =	vst v63  }
.Ltmp7:
0x302: {  	_ = 	snop;
	(pc) =	sbr.rel @p0 .LBB2_16-.Ltmp7, $4  }
0x303: {  	s25 =	sadd.s32 $0xAF0, s24;
	s28 =	simm.s32 $0x15180  }
0x304: {  	[hbm4b:s25+s3] =	stream.linear.scatter [tilespmem:s28], [sflag:$0x5], $0x640, $0x38;
	[tilespmem:$0x1C200] =	vst v63  }
0x305: {  	s24 =	sadd.s32 $0xBB8, s24;
	s28 =	simm.s32 $0x157C0  }
0x306: {  	[hbm4b:s24+s3] =	stream.linear.scatter [tilespmem:s28], [sflag:$0x5], $0x640, $0x38;
	[tilespmem:$0x1C200] =	vst v63  }
0x307: {  	s24 =	simm.s32 $0x0  }
0x308: {  	v3 =	vor.u32 s24, v0  }
0x309: {  	v4 =	vmulhi.u32 $0x51EB851F, v3;
	_ =	sdelay $0x1  }
0x30a: {  	v4 =	vshrl.u32 v4, $0x4  }
0x30b: {  	v5 =	vmul.u32 $0xFFFFFFCE, v4;
	_ =	sdelay $0x1  }
0x30c: {  	v6 =	vmov s24;
	v3 =	vadd.s32 v3, v5  }
0x30d: {  	vm0 =	veq.s32 v6, v0;
	vm1 =	vne.s32 v3, $0x0  }
0x30e: {  	vm0 =	vmand vm0, vm1  }
0x30f: {  	s25 =	rddreg [dreg:$0x5];
	v5 =	vsel vm0, $0xFFFFFFFF, v1  }
0x310: {  	s25 =	sadd.s32 s10, s25;
	v4 =	vadd.s32 v5, v4  }
0x311: {  	s25 =	sshll.u32 s25, $0x1;
	v3 =	vshll.u32 v3, $0x4;
	v5 =	vand.u32 $0xFFFFFFF8, v4  }
0x312: {  	s25 =	sand.u32 $0x1FFFFFFC, s25;
	v4 =	vand.u32 $0x7, v4;
	v3 =	vadd.s32 v3, v5  }
0x313: {  	s25 =	sadd.s32 s4, s25;
	v3 =	vor.u32 v4, v3  }
0x314: {  	[tilespmem:s24], [sflag:$0x3] =	stream.strided.gather [hbm4b:s25+s13], $0x3E80, s14, s13, $0x38;
	[tilespmem:$0x1C200] =	vst v63  }
0x315: {  	_ =	swait.ge [sflag:s15], $0x3E80  }
0x316: {  	[sflag:s15] =	ssyncset.done $0x0  }
0x317: {  	[sflag:s15] =	ssyncadd.s32 $0xFFFFC180  }
0x318: {  	v4 =	vld.idx.msk [tilespmem:v3+s3+$0x0], $0xffff  }
0x319: {  	v5 =	vadd.s32 $0x320, v3;
	_ =	sdelay $0x2  }
0x31a: {  	s24 =	simm.s32 $0x9C40  }
0x31b: {  	[tilespmem:s24+$0xFFFFE0C0] =	vst v4  }
0x31c: {  	v4 =	vld.idx.msk [tilespmem:v5+s3+$0x0], $0xffff  }
0x31d: {  	v5 =	vadd.s32 $0x640, v3;
	_ =	sdelay $0x3  }
0x31e: {  	[tilespmem:s24+$0xFFFFE3E0] =	vst v4  }
0x31f: {  	v4 =	vld.idx.msk [tilespmem:v5+s3+$0x0], $0xffff  }
0x320: {  	v5 =	vadd.s32 $0x960, v3;
	_ =	sdelay $0x3  }
0x321: {  	[tilespmem:s24+$0xFFFFE700] =	vst v4  }
0x322: {  	v4 =	vld.idx.msk [tilespmem:v5+s3+$0x0], $0xffff  }
0x323: {  	v5 =	vadd.s32 $0xC80, v3;
	_ =	sdelay $0x3  }
0x324: {  	[tilespmem:s24+$0xFFFFEA20] =	vst v4  }
0x325: {  	v4 =	vld.idx.msk [tilespmem:v5+s3+$0x0], $0xffff  }
0x326: {  	v5 =	vadd.s32 $0xFA0, v3;
	_ =	sdelay $0x3  }
0x327: {  	[tilespmem:s24+$0xFFFFED40] =	vst v4  }
0x328: {  	v4 =	vld.idx.msk [tilespmem:v5+s3+$0x0], $0xffff  }
0x329: {  	v5 =	vadd.s32 $0x12C0, v3;
	_ =	sdelay $0x3  }
0x32a: {  	[tilespmem:s24+$0xFFFFF060] =	vst v4  }
0x32b: {  	v4 =	vld.idx.msk [tilespmem:v5+s3+$0x0], $0xffff  }
0x32c: {  	v5 =	vadd.s32 $0x15E0, v3;
	_ =	sdelay $0x3  }
0x32d: {  	[tilespmem:s24+$0xFFFFF380] =	vst v4  }
0x32e: {  	v4 =	vld.idx.msk [tilespmem:v5+s3+$0x0], $0xffff  }
0x32f: {  	v5 =	vadd.s32 $0x1900, v3;
	_ =	sdelay $0x3  }
0x330: {  	[tilespmem:s24+$0xFFFFF6A0] =	vst v4  }
0x331: {  	v4 =	vld.idx.msk [tilespmem:v5+s3+$0x0], $0xffff  }
0x332: {  	v5 =	vadd.s32 $0x1C20, v3;
	_ =	sdelay $0x3  }
0x333: {  	[tilespmem:s24+$0xFFFFF9C0] =	vst v4  }
0x334: {  	v4 =	vld.idx.msk [tilespmem:v5+s3+$0x0], $0xffff  }
0x335: {  	v5 =	vadd.s32 $0x1F40, v3;
	_ =	sdelay $0x3  }
0x336: {  	[tilespmem:s24+$0xFFFFFCE0] =	vst v4  }
0x337: {  	v4 =	vld.idx.msk [tilespmem:v5+s3+$0x0], $0xffff  }
0x338: {  	v5 =	vadd.s32 $0x2260, v3;
	_ =	sdelay $0x3  }
0x339: {  	[tilespmem:s24+$0x0] =	vst v4  }
0x33a: {  	v4 =	vld.idx.msk [tilespmem:v5+s3+$0x0], $0xffff  }
0x33b: {  	v5 =	vadd.s32 $0x2580, v3;
	_ =	sdelay $0x3  }
0x33c: {  	[tilespmem:s24+$0x320] =	vst v4  }
0x33d: {  	v4 =	vld.idx.msk [tilespmem:v5+s3+$0x0], $0xffff  }
0x33e: {  	v5 =	vadd.s32 $0x28A0, v3;
	_ =	sdelay $0x3  }
0x33f: {  	[tilespmem:s24+$0x640] =	vst v4  }
0x340: {  	v4 =	vld.idx.msk [tilespmem:v5+s3+$0x0], $0xffff  }
0x341: {  	v5 =	vadd.s32 $0x2BC0, v3;
	_ =	sdelay $0x3  }
0x342: {  	[tilespmem:s24+$0x960] =	vst v4  }
0x343: {  	v4 =	vld.idx.msk [tilespmem:v5+s3+$0x0], $0xffff  }
0x344: {  	v5 =	vadd.s32 $0x2EE0, v3;
	_ =	sdelay $0x3  }
0x345: {  	[tilespmem:s24+$0xC80] =	vst v4  }
0x346: {  	v4 =	vld.idx.msk [tilespmem:v5+s3+$0x0], $0xffff  }
0x347: {  	v5 =	vadd.s32 $0x3200, v3;
	_ =	sdelay $0x3  }
0x348: {  	[tilespmem:s24+$0xFA0] =	vst v4  }
0x349: {  	v4 =	vld.idx.msk [tilespmem:v5+s3+$0x0], $0xffff  }
0x34a: {  	v5 =	vadd.s32 $0x3520, v3;
	_ =	sdelay $0x3  }
0x34b: {  	[tilespmem:s24+$0x12C0] =	vst v4  }
0x34c: {  	v5 =	vld.idx.msk [tilespmem:v5+s3+$0x0], $0xffff  }
0x34d: {  	s25 =	simm.s32 $0x10;
	v6 =	vadd.s32 $0x3840, v3  }
0x34e: {  	s26 =	simm.s32 $0x20;
	v4 =	vor.u32 s25, v0  }
.LBB2_12:
0x34f: {  	p1 =	sne.s32 s26, $0x310;
	v7 =	vmulhi.u32 $0x51EB851F, v4;
	_ =	sdelay $0x1  }
0x350: {  	v7 =	vshrl.u32 v7, $0x4;
	[tilespmem:s24+$0x15E0] =	vst v5  }
0x351: {  	v5 =	vmul.u32 $0xFFFFFFCE, v7;
	v6 =	vld.idx.msk [tilespmem:v6+s3+$0x0], $0xffff;
	_ =	sdelay $0x1  }
0x352: {  	v8 =	vmov s25;
	v3 =	vadd.s32 $0x3B60, v3;
	s25 =	smov.u32 s26;
	v4 =	vadd.s32 v4, v5  }
0x353: {  	vm0 =	veq.s32 v8, v0;
	vm1 =	vne.s32 v4, $0x0  }
0x354: {  	vm0 =	vmand vm0, vm1  }
0x355: {  	v5 =	vsel vm0, $0xFFFFFFFF, v1  }
0x356: {  	v5 =	vadd.s32 v5, v7;
	[tilespmem:s24+$0x1900] =	vst v6  }
0x357: {  	v4 =	vshll.u32 v4, $0x4;
	v6 =	vand.u32 $0xFFFFFFF8, v5;
	v7 =	vld.idx.msk [tilespmem:v3+s3+$0x0], $0xffff  }
0x358: {  	v3 =	vand.u32 $0x7, v5;
	v4 =	vadd.s32 v4, v6  }
0x359: {  	v3 =	vor.u32 v3, v4;
	_ =	sdelay $0x3  }
0x35a: {  	[tilespmem:s24+$0x1C20] =	vst v7  }
0x35b: {  	v4 =	vld.idx.msk [tilespmem:v3+s3+$0x0], $0xffff;
	_ =	sdelay $0x1  }
0x35c: {  	v5 =	vadd.s32 $0x320, v3;
	_ =	sdelay $0x2  }
0x35d: {  	s24 =	sadd.s32 $0x10, s24  }
0x35e: {  	[tilespmem:s24+$0xFFFFE0C0] =	vst v4  }
0x35f: {  	v4 =	vld.idx.msk [tilespmem:v5+s3+$0x0], $0xffff;
	_ =	sdelay $0x1  }
0x360: {  	v5 =	vadd.s32 $0x640, v3;
	_ =	sdelay $0x3  }
0x361: {  	[tilespmem:s24+$0xFFFFE3E0] =	vst v4  }
0x362: {  	v4 =	vld.idx.msk [tilespmem:v5+s3+$0x0], $0xffff;
	_ =	sdelay $0x1  }
0x363: {  	v5 =	vadd.s32 $0x960, v3;
	_ =	sdelay $0x3  }
0x364: {  	[tilespmem:s24+$0xFFFFE700] =	vst v4  }
0x365: {  	v4 =	vld.idx.msk [tilespmem:v5+s3+$0x0], $0xffff;
	_ =	sdelay $0x1  }
0x366: {  	v5 =	vadd.s32 $0xC80, v3;
	_ =	sdelay $0x3  }
0x367: {  	[tilespmem:s24+$0xFFFFEA20] =	vst v4  }
0x368: {  	v4 =	vld.idx.msk [tilespmem:v5+s3+$0x0], $0xffff;
	_ =	sdelay $0x1  }
0x369: {  	v5 =	vadd.s32 $0xFA0, v3;
	_ =	sdelay $0x3  }
0x36a: {  	[tilespmem:s24+$0xFFFFED40] =	vst v4  }
0x36b: {  	v4 =	vld.idx.msk [tilespmem:v5+s3+$0x0], $0xffff;
	_ =	sdelay $0x1  }
0x36c: {  	v5 =	vadd.s32 $0x12C0, v3;
	_ =	sdelay $0x3  }
0x36d: {  	[tilespmem:s24+$0xFFFFF060] =	vst v4  }
0x36e: {  	v4 =	vld.idx.msk [tilespmem:v5+s3+$0x0], $0xffff;
	_ =	sdelay $0x1  }
0x36f: {  	v5 =	vadd.s32 $0x15E0, v3;
	_ =	sdelay $0x3  }
0x370: {  	[tilespmem:s24+$0xFFFFF380] =	vst v4  }
0x371: {  	v4 =	vld.idx.msk [tilespmem:v5+s3+$0x0], $0xffff;
	_ =	sdelay $0x1  }
0x372: {  	v5 =	vadd.s32 $0x1900, v3;
	_ =	sdelay $0x3  }
0x373: {  	[tilespmem:s24+$0xFFFFF6A0] =	vst v4  }
0x374: {  	v4 =	vld.idx.msk [tilespmem:v5+s3+$0x0], $0xffff;
	_ =	sdelay $0x1  }
0x375: {  	v5 =	vadd.s32 $0x1C20, v3;
	_ =	sdelay $0x3  }
0x376: {  	[tilespmem:s24+$0xFFFFF9C0] =	vst v4  }
0x377: {  	v4 =	vld.idx.msk [tilespmem:v5+s3+$0x0], $0xffff;
	_ =	sdelay $0x1  }
0x378: {  	v5 =	vadd.s32 $0x1F40, v3;
	_ =	sdelay $0x3  }
0x379: {  	[tilespmem:s24+$0xFFFFFCE0] =	vst v4  }
0x37a: {  	v4 =	vld.idx.msk [tilespmem:v5+s3+$0x0], $0xffff;
	_ =	sdelay $0x1  }
0x37b: {  	v5 =	vadd.s32 $0x2260, v3;
	_ =	sdelay $0x3  }
0x37c: {  	[tilespmem:s24+$0x0] =	vst v4  }
0x37d: {  	v4 =	vld.idx.msk [tilespmem:v5+s3+$0x0], $0xffff;
	_ =	sdelay $0x1  }
0x37e: {  	v5 =	vadd.s32 $0x2580, v3;
	_ =	sdelay $0x3  }
0x37f: {  	[tilespmem:s24+$0x320] =	vst v4  }
0x380: {  	v4 =	vld.idx.msk [tilespmem:v5+s3+$0x0], $0xffff;
	_ =	sdelay $0x1  }
0x381: {  	v5 =	vadd.s32 $0x28A0, v3;
	_ =	sdelay $0x3  }
0x382: {  	[tilespmem:s24+$0x640] =	vst v4  }
0x383: {  	v4 =	vld.idx.msk [tilespmem:v5+s3+$0x0], $0xffff;
	_ =	sdelay $0x1  }
0x384: {  	v5 =	vadd.s32 $0x2BC0, v3;
	_ =	sdelay $0x3  }
0x385: {  	[tilespmem:s24+$0x960] =	vst v4  }
0x386: {  	v4 =	vld.idx.msk [tilespmem:v5+s3+$0x0], $0xffff;
	_ =	sdelay $0x1  }
0x387: {  	v5 =	vadd.s32 $0x2EE0, v3;
	_ =	sdelay $0x3  }
0x388: {  	[tilespmem:s24+$0xC80] =	vst v4  }
0x389: {  	v4 =	vld.idx.msk [tilespmem:v5+s3+$0x0], $0xffff;
	_ =	sdelay $0x1  }
0x38a: {  	v5 =	vadd.s32 $0x3200, v3;
	_ =	sdelay $0x3  }
0x38b: {  	[tilespmem:s24+$0xFA0] =	vst v4  }
0x38c: {  	v4 =	vld.idx.msk [tilespmem:v5+s3+$0x0], $0xffff;
	_ =	sdelay $0x1  }
0x38d: {  	v5 =	vadd.s32 $0x3520, v3;
	_ =	sdelay $0x3  }
.Ltmp8:
0x38e: {  	[tilespmem:s24+$0x12C0] =	vst v4;
	(pc) =	sbr.rel @p1 .LBB2_12-.Ltmp8, $3  }
0x38f: {  	v5 =	vld.idx.msk [tilespmem:v5+s3+$0x0], $0xffff;
	_ =	sdelay $0x1  }
0x390: {  	v6 =	vadd.s32 $0x3840, v3  }
0x391: {  	s26 =	sadd.s32 $0x10, s26;
	v4 =	vor.u32 s25, v0  }
0x392: {  	v7 =	vmulhi.u32 $0x51EB851F, v4;
	_ =	sdelay $0x1  }
0x393: {  	v7 =	vshrl.u32 v7, $0x4  }
0x394: {  	v8 =	vmul.u32 $0xFFFFFFCE, v7  }
0x395: {  	[tilespmem:s24+$0x15E0] =	vst v5  }
0x396: {  	v42 =	vmov s25;
	v5 =	vld.idx.msk [tilespmem:v6+s3+$0x0], $0xffff;
	v43 =	vadd.s32 v4, v8  }
0x397: {  	v3 =	vadd.s32 $0x3B60, v3;
	vm0 =	veq.s32 v42, v0;
	vm1 =	vne.s32 v43, $0x0  }
0x398: {  	vm0 =	vmand vm0, vm1  }
0x399: {  	v44 =	vsel vm0, $0xFFFFFFFF, v1  }
0x39a: {  	v6 =	vadd.s32 v44, v7  }
0x39b: {  	v4 =	vshll.u32 v43, $0x4;
	[tilespmem:s24+$0x1900] =	vst v5;
	v45 =	vand.u32 $0xFFFFFFF8, v6  }
0x39c: {  	v3 =	vld.idx.msk [tilespmem:v3+s3+$0x0], $0xffff;
	v6 =	vand.u32 $0x7, v6;
	v4 =	vadd.s32 v4, v45  }
0x39d: {  	v4 =	vor.u32 v6, v4;
	_ =	sdelay $0x3  }
0x39e: {  	[tilespmem:s24+$0x1C20] =	vst v3  }
0x39f: {  	v3 =	vld.idx.msk [tilespmem:v4+s3+$0x0], $0xffff  }
0x3a0: {  	v46 =	vadd.s32 $0x320, v4;
	_ =	sdelay $0x2  }
0x3a1: {  	s28 =	sadd.s32 $0x10, s24  }
0x3a2: {  	[tilespmem:s28+$0xFFFFE0C0] =	vst v3  }
0x3a3: {  	v3 =	vld.idx.msk [tilespmem:v46+s3+$0x0], $0xffff  }
0x3a4: {  	v47 =	vadd.s32 $0x640, v4;
	_ =	sdelay $0x3  }
0x3a5: {  	[tilespmem:s28+$0xFFFFE3E0] =	vst v3  }
0x3a6: {  	v3 =	vld.idx.msk [tilespmem:v47+s3+$0x0], $0xffff  }
0x3a7: {  	v48 =	vadd.s32 $0x960, v4;
	_ =	sdelay $0x3  }
0x3a8: {  	[tilespmem:s28+$0xFFFFE700] =	vst v3  }
0x3a9: {  	v3 =	vld.idx.msk [tilespmem:v48+s3+$0x0], $0xffff  }
0x3aa: {  	v49 =	vadd.s32 $0xC80, v4;
	_ =	sdelay $0x3  }
0x3ab: {  	[tilespmem:s28+$0xFFFFEA20] =	vst v3  }
0x3ac: {  	v3 =	vld.idx.msk [tilespmem:v49+s3+$0x0], $0xffff  }
0x3ad: {  	v50 =	vadd.s32 $0xFA0, v4;
	_ =	sdelay $0x3  }
0x3ae: {  	[tilespmem:s28+$0xFFFFED40] =	vst v3  }
0x3af: {  	v3 =	vld.idx.msk [tilespmem:v50+s3+$0x0], $0xffff  }
0x3b0: {  	v51 =	vadd.s32 $0x12C0, v4;
	_ =	sdelay $0x3  }
0x3b1: {  	[tilespmem:s28+$0xFFFFF060] =	vst v3  }
0x3b2: {  	v3 =	vld.idx.msk [tilespmem:v51+s3+$0x0], $0xffff  }
0x3b3: {  	v52 =	vadd.s32 $0x15E0, v4;
	_ =	sdelay $0x3  }
0x3b4: {  	[tilespmem:s28+$0xFFFFF380] =	vst v3  }
0x3b5: {  	v3 =	vld.idx.msk [tilespmem:v52+s3+$0x0], $0xffff  }
0x3b6: {  	v53 =	vadd.s32 $0x1900, v4;
	_ =	sdelay $0x3  }
0x3b7: {  	[tilespmem:s28+$0xFFFFF6A0] =	vst v3  }
0x3b8: {  	v3 =	vld.idx.msk [tilespmem:v53+s3+$0x0], $0xffff  }
0x3b9: {  	v54 =	vadd.s32 $0x1C20, v4;
	_ =	sdelay $0x3  }
0x3ba: {  	[tilespmem:s28+$0xFFFFF9C0] =	vst v3  }
0x3bb: {  	v3 =	vld.idx.msk [tilespmem:v54+s3+$0x0], $0xffff  }
0x3bc: {  	v55 =	vadd.s32 $0x1F40, v4;
	_ =	sdelay $0x3  }
0x3bd: {  	[tilespmem:s28+$0xFFFFFCE0] =	vst v3  }
0x3be: {  	v3 =	vld.idx.msk [tilespmem:v55+s3+$0x0], $0xffff  }
0x3bf: {  	v56 =	vadd.s32 $0x2260, v4;
	_ =	sdelay $0x3  }
0x3c0: {  	[tilespmem:s28+$0x0] =	vst v3  }
0x3c1: {  	v3 =	vld.idx.msk [tilespmem:v56+s3+$0x0], $0xffff  }
0x3c2: {  	v57 =	vadd.s32 $0x2580, v4;
	_ =	sdelay $0x3  }
0x3c3: {  	[tilespmem:s28+$0x320] =	vst v3  }
0x3c4: {  	v3 =	vld.idx.msk [tilespmem:v57+s3+$0x0], $0xffff  }
0x3c5: {  	v58 =	vadd.s32 $0x28A0, v4;
	_ =	sdelay $0x3  }
0x3c6: {  	[tilespmem:s28+$0x640] =	vst v3  }
0x3c7: {  	v3 =	vld.idx.msk [tilespmem:v58+s3+$0x0], $0xffff  }
0x3c8: {  	v59 =	vadd.s32 $0x2BC0, v4;
	_ =	sdelay $0x3  }
0x3c9: {  	[tilespmem:s28+$0x960] =	vst v3  }
0x3ca: {  	v3 =	vld.idx.msk [tilespmem:v59+s3+$0x0], $0xffff  }
0x3cb: {  	v60 =	vadd.s32 $0x2EE0, v4;
	_ =	sdelay $0x3  }
0x3cc: {  	[tilespmem:s28+$0xC80] =	vst v3  }
0x3cd: {  	v3 =	vld.idx.msk [tilespmem:v60+s3+$0x0], $0xffff  }
0x3ce: {  	v61 =	vadd.s32 $0x3200, v4;
	_ =	sdelay $0x3  }
0x3cf: {  	[tilespmem:s28+$0xFA0] =	vst v3  }
0x3d0: {  	v3 =	vld.idx.msk [tilespmem:v61+s3+$0x0], $0xffff  }
0x3d1: {  	v62 =	vadd.s32 $0x3520, v4;
	_ =	sdelay $0x3  }
0x3d2: {  	[tilespmem:s28+$0x12C0] =	vst v3  }
0x3d3: {  	v3 =	vld.idx.msk [tilespmem:v62+s3+$0x0], $0xffff  }
0x3d4: {  	v63 =	vadd.s32 $0x3840, v4;
	_ =	sdelay $0x3  }
0x3d5: {  	[tilespmem:s28+$0x15E0] =	vst v3  }
0x3d6: {  	v3 =	vld.idx.msk [tilespmem:v63+s3+$0x0], $0xffff  }
0x3d7: {  	v4 =	vadd.s32 $0x3B60, v4;
	_ =	sdelay $0x3  }
0x3d8: {  	[tilespmem:s28+$0x1900] =	vst v3  }
0x3d9: {  	v3 =	vld.idx.msk [tilespmem:v4+s3+$0x0], $0xffff;
	_ =	sdelay $0x4  }
0x3da: {  	[tilespmem:s28+$0x1C20] =	vst v3  }
0x3db: {  	_ =	swait.ge [sflag:s12], $0x640  }
0x3dc: {  	[sflag:s12] =	ssyncset.done $0x0  }
0x3dd: {  	[sflag:s12] =	ssyncadd.s32 $0xFFFFF9C0  }
0x3de: {  	_ =	swait.ge [sflag:s12], $0x640  }
0x3df: {  	[sflag:s12] =	ssyncset.done $0x0  }
0x3e0: {  	[sflag:s12] =	ssyncadd.s32 $0xFFFFF9C0  }
0x3e1: {  	_ =	swait.ge [sflag:s12], $0x640  }
0x3e2: {  	[sflag:s12] =	ssyncset.done $0x0  }
0x3e3: {  	[sflag:s12] =	ssyncadd.s32 $0xFFFFF9C0  }
0x3e4: {  	_ =	swait.ge [sflag:s12], $0x640  }
0x3e5: {  	[sflag:s12] =	ssyncset.done $0x0  }
0x3e6: {  	[sflag:s12] =	ssyncadd.s32 $0xFFFFF9C0  }
0x3e7: {  	_ =	swait.ge [sflag:s12], $0x640  }
0x3e8: {  	[sflag:s12] =	ssyncset.done $0x0  }
0x3e9: {  	[sflag:s12] =	ssyncadd.s32 $0xFFFFF9C0  }
0x3ea: {  	_ =	swait.ge [sflag:s12], $0x640  }
0x3eb: {  	[sflag:s12] =	ssyncset.done $0x0  }
0x3ec: {  	[sflag:s12] =	ssyncadd.s32 $0xFFFFF9C0  }
0x3ed: {  	_ =	swait.ge [sflag:s12], $0x640  }
0x3ee: {  	[sflag:s12] =	ssyncset.done $0x0  }
0x3ef: {  	[sflag:s12] =	ssyncadd.s32 $0xFFFFF9C0  }
0x3f0: {  	_ =	swait.ge [sflag:s12], $0x640  }
0x3f1: {  	[sflag:s12] =	ssyncset.done $0x0  }
0x3f2: {  	[sflag:s12] =	ssyncadd.s32 $0xFFFFF9C0  }
0x3f3: {  	_ =	swait.ge [sflag:s12], $0x640  }
0x3f4: {  	[sflag:s12] =	ssyncset.done $0x0  }
0x3f5: {  	[sflag:s12] =	ssyncadd.s32 $0xFFFFF9C0  }
0x3f6: {  	_ =	swait.ge [sflag:s12], $0x640  }
0x3f7: {  	[sflag:s12] =	ssyncset.done $0x0  }
0x3f8: {  	[sflag:s12] =	ssyncadd.s32 $0xFFFFF9C0  }
0x3f9: {  	_ =	swait.ge [sflag:s12], $0x640  }
0x3fa: {  	[sflag:s12] =	ssyncset.done $0x0  }
0x3fb: {  	[sflag:s12] =	ssyncadd.s32 $0xFFFFF9C0  }
0x3fc: {  	_ =	swait.ge [sflag:s12], $0x640  }
0x3fd: {  	[sflag:s12] =	ssyncset.done $0x0  }
0x3fe: {  	[sflag:s12] =	ssyncadd.s32 $0xFFFFF9C0  }
0x3ff: {  	_ =	swait.ge [sflag:s12], $0x640  }
0x400: {  	[sflag:s12] =	ssyncset.done $0x0  }
0x401: {  	[sflag:s12] =	ssyncadd.s32 $0xFFFFF9C0  }
0x402: {  	_ =	swait.ge [sflag:s12], $0x640  }
0x403: {  	[sflag:s12] =	ssyncset.done $0x0  }
0x404: {  	[sflag:s12] =	ssyncadd.s32 $0xFFFFF9C0  }
0x405: {  	_ =	swait.ge [sflag:s12], $0x640  }
0x406: {  	[sflag:s12] =	ssyncset.done $0x0  }
0x407: {  	[sflag:s12] =	ssyncadd.s32 $0xFFFFF9C0  }
0x408: {  	_ =	swait.ge [sflag:s12], $0x640  }
0x409: {  	[sflag:s12] =	ssyncset.done $0x0  }
0x40a: {  	s25 =	simm.s32 $0x0;
	s24 =	simm.s32 $0x80;
	[sflag:s12] =	ssyncadd.s32 $0xFFFFF9C0  }
.LBB2_14:
0x40b: {  	p1 =	sne.s32 s24, $0x18F80;
	[tilespmem:s25+$0xFA00] =	vst v2;
	s26 =	smov.u32 s24;
	s24 =	sadd.s32 $0x80, s24  }
.Ltmp9:
0x40c: {  	[tilespmem:s25+$0xFA10] =	vst v2;
	(pc) =	sbr.rel @p1 .LBB2_14-.Ltmp9, $2  }
0x40d: {  	_ =	sdelay $0x2  }
0x40e: {  	s25 =	sshra.s32 s26, $0x2  }
0x40f: {  	[tilespmem:s25+$0xFA00] =	vst v2  }
0x410: {  	[tilespmem:s25+$0xFA10] =	vst v2;
	s24 =	simm.s32 $0x7D00  }
0x411: {  	[tilespmem:s18], [sflag:$0x1] =	stream.indirect.gather.add.f32 [hbm:s5], $0x20, s24, s16, $0xb8;
	[tilespmem:$0x1C200] =	vst v63  }
0x412: {  	s25 =	simm.s32 $0x8020  }
0x413: {  	[tilespmem:s18], [sflag:$0x1] =	stream.indirect.gather.add.f32 [hbm:s5], $0x20, s25, s16, $0xb8;
	[tilespmem:$0x1C200] =	vst v63  }
0x414: {  	s26 =	simm.s32 $0x8340  }
0x415: {  	[tilespmem:s18], [sflag:$0x1] =	stream.indirect.gather.add.f32 [hbm:s5], $0x20, s26, s16, $0xb8;
	[tilespmem:$0x1C200] =	vst v63  }
0x416: {  	s28 =	simm.s32 $0x8660  }
0x417: {  	[tilespmem:s18], [sflag:$0x1] =	stream.indirect.gather.add.f32 [hbm:s5], $0x20, s28, s16, $0xb8;
	[tilespmem:$0x1C200] =	vst v63  }
0x418: {  	s25 =	simm.s32 $0x8980  }
0x419: {  	[tilespmem:s18], [sflag:$0x1] =	stream.indirect.gather.add.f32 [hbm:s5], $0x20, s25, s16, $0xb8;
	[tilespmem:$0x1C200] =	vst v63  }
0x41a: {  	s26 =	simm.s32 $0x8CA0  }
0x41b: {  	[tilespmem:s18], [sflag:$0x1] =	stream.indirect.gather.add.f32 [hbm:s5], $0x20, s26, s16, $0xb8;
	[tilespmem:$0x1C200] =	vst v63  }
0x41c: {  	s28 =	simm.s32 $0x8FC0  }
0x41d: {  	[tilespmem:s18], [sflag:$0x1] =	stream.indirect.gather.add.f32 [hbm:s5], $0x20, s28, s16, $0xb8;
	[tilespmem:$0x1C200] =	vst v63  }
0x41e: {  	s25 =	simm.s32 $0x92E0  }
0x41f: {  	[tilespmem:s18], [sflag:$0x1] =	stream.indirect.gather.add.f32 [hbm:s5], $0x20, s25, s16, $0xb8;
	[tilespmem:$0x1C200] =	vst v63  }
0x420: {  	s26 =	simm.s32 $0x9600  }
0x421: {  	[tilespmem:s18], [sflag:$0x1] =	stream.indirect.gather.add.f32 [hbm:s5], $0x20, s26, s16, $0xb8;
	[tilespmem:$0x1C200] =	vst v63  }
0x422: {  	s28 =	simm.s32 $0x9920  }
0x423: {  	[tilespmem:s18], [sflag:$0x1] =	stream.indirect.gather.add.f32 [hbm:s5], $0x20, s28, s16, $0xb8;
	[tilespmem:$0x1C200] =	vst v63  }
0x424: {  	_ = 	snop  }
0x425: {  	[tilespmem:s18], [sflag:$0x1] =	stream.indirect.gather.add.f32 [hbm:s5], $0x20, s29, s16, $0xb8;
	[tilespmem:$0x1C200] =	vst v63  }
0x426: {  	s25 =	simm.s32 $0x9F60  }
0x427: {  	[tilespmem:s18], [sflag:$0x1] =	stream.indirect.gather.add.f32 [hbm:s5], $0x20, s25, s16, $0xb8;
	[tilespmem:$0x1C200] =	vst v63  }
0x428: {  	s26 =	simm.s32 $0xA280  }
0x429: {  	[tilespmem:s18], [sflag:$0x1] =	stream.indirect.gather.add.f32 [hbm:s5], $0x20, s26, s16, $0xb8;
	[tilespmem:$0x1C200] =	vst v63  }
0x42a: {  	s28 =	simm.s32 $0xA5A0  }
0x42b: {  	[tilespmem:s18], [sflag:$0x1] =	stream.indirect.gather.add.f32 [hbm:s5], $0x20, s28, s16, $0xb8;
	[tilespmem:$0x1C200] =	vst v63  }
0x42c: {  	s25 =	simm.s32 $0xA8C0  }
0x42d: {  	[tilespmem:s18], [sflag:$0x1] =	stream.indirect.gather.add.f32 [hbm:s5], $0x20, s25, s16, $0xb8;
	[tilespmem:$0x1C200] =	vst v63  }
0x42e: {  	s26 =	simm.s32 $0xABE0  }
0x42f: {  	[tilespmem:s18], [sflag:$0x1] =	stream.indirect.gather.add.f32 [hbm:s5], $0x20, s26, s16, $0xb8;
	[tilespmem:$0x1C200] =	vst v63  }
0x430: {  	s28 =	simm.s32 $0xAF00  }
0x431: {  	[tilespmem:s18], [sflag:$0x1] =	stream.indirect.gather.add.f32 [hbm:s5], $0x20, s28, s16, $0xb8;
	[tilespmem:$0x1C200] =	vst v63  }
0x432: {  	s25 =	simm.s32 $0xB220  }
0x433: {  	[tilespmem:s18], [sflag:$0x1] =	stream.indirect.gather.add.f32 [hbm:s5], $0x20, s25, s16, $0xb8;
	[tilespmem:$0x1C200] =	vst v63  }
0x434: {  	s26 =	simm.s32 $0xB540  }
0x435: {  	[tilespmem:s18], [sflag:$0x1] =	stream.indirect.gather.add.f32 [hbm:s5], $0x20, s26, s16, $0xb8;
	[tilespmem:$0x1C200] =	vst v63  }
0x436: {  	s28 =	simm.s32 $0xB860;
	s26 =	simm.s32 $0xBB80  }
0x437: {  	[tilespmem:s18], [sflag:$0x1] =	stream.indirect.gather.add.f32 [hbm:s5], $0x20, s28, s16, $0xb8;
	[tilespmem:$0x1C200] =	vst v63  }
.LBB2_16:
0x438: {  	_ =	swait.ge [sflag:s0], $0x6400  }
0x439: {  	[sflag:s0] =	ssyncset.done $0x0  }
0x43a: {  	[sflag:s0] =	ssyncadd.s32 $0xFFFF9C00  }
0x43b: {  	_ =	swait.ge [sflag:s0], $0x6400  }
0x43c: {  	[sflag:s0] =	ssyncset.done $0x0  }
0x43d: {  	[sflag:s0] =	ssyncadd.s32 $0xFFFF9C00  }
0x43e: {  	_ =	swait.ge [sflag:s0], $0x6400  }
0x43f: {  	[sflag:s0] =	ssyncset.done $0x0  }
0x440: {  	[sflag:s0] =	ssyncadd.s32 $0xFFFF9C00  }
0x441: {  	_ =	swait.ge [sflag:s0], $0x6400  }
0x442: {  	[sflag:s0] =	ssyncset.done $0x0  }
0x443: {  	[sflag:s0] =	ssyncadd.s32 $0xFFFF9C00  }
0x444: {  	_ =	swait.ge [sflag:s0], $0x6400  }
0x445: {  	[sflag:s0] =	ssyncset.done $0x0  }
0x446: {  	[sflag:s0] =	ssyncadd.s32 $0xFFFF9C00  }
0x447: {  	_ =	swait.ge [sflag:s0], $0x6400  }
0x448: {  	[sflag:s0] =	ssyncset.done $0x0  }
0x449: {  	[sflag:s0] =	ssyncadd.s32 $0xFFFF9C00  }
0x44a: {  	_ =	swait.ge [sflag:s0], $0x6400  }
0x44b: {  	[sflag:s0] =	ssyncset.done $0x0  }
0x44c: {  	[sflag:s0] =	ssyncadd.s32 $0xFFFF9C00  }
0x44d: {  	_ =	swait.ge [sflag:s0], $0x6400  }
0x44e: {  	[sflag:s0] =	ssyncset.done $0x0  }
0x44f: {  	[sflag:s0] =	ssyncadd.s32 $0xFFFF9C00  }
0x450: {  	_ =	swait.ge [sflag:s0], $0x6400  }
0x451: {  	[sflag:s0] =	ssyncset.done $0x0  }
0x452: {  	[sflag:s0] =	ssyncadd.s32 $0xFFFF9C00  }
0x453: {  	_ =	swait.ge [sflag:s0], $0x6400  }
0x454: {  	[sflag:s0] =	ssyncset.done $0x0  }
0x455: {  	[sflag:s0] =	ssyncadd.s32 $0xFFFF9C00  }
0x456: {  	_ =	swait.ge [sflag:s0], $0x6400  }
0x457: {  	[sflag:s0] =	ssyncset.done $0x0  }
0x458: {  	[sflag:s0] =	ssyncadd.s32 $0xFFFF9C00  }
0x459: {  	_ =	swait.ge [sflag:s0], $0x6400  }
0x45a: {  	[sflag:s0] =	ssyncset.done $0x0  }
0x45b: {  	[sflag:s0] =	ssyncadd.s32 $0xFFFF9C00  }
0x45c: {  	_ =	swait.ge [sflag:s0], $0x6400  }
0x45d: {  	[sflag:s0] =	ssyncset.done $0x0  }
0x45e: {  	[sflag:s0] =	ssyncadd.s32 $0xFFFF9C00  }
0x45f: {  	_ =	swait.ge [sflag:s0], $0x6400  }
0x460: {  	[sflag:s0] =	ssyncset.done $0x0  }
0x461: {  	[sflag:s0] =	ssyncadd.s32 $0xFFFF9C00  }
0x462: {  	_ =	swait.ge [sflag:s0], $0x6400  }
0x463: {  	[sflag:s0] =	ssyncset.done $0x0  }
0x464: {  	[sflag:s0] =	ssyncadd.s32 $0xFFFF9C00  }
0x465: {  	_ =	swait.ge [sflag:s0], $0x6400  }
0x466: {  	[sflag:s0] =	ssyncset.done $0x0  }
0x467: {  	[sflag:s0] =	ssyncadd.s32 $0xFFFF9C00  }
0x468: {  	_ =	swait.ge [sflag:s0], $0x6400  }
0x469: {  	[sflag:s0] =	ssyncset.done $0x0  }
0x46a: {  	[sflag:s0] =	ssyncadd.s32 $0xFFFF9C00  }
0x46b: {  	_ =	swait.ge [sflag:s0], $0x6400  }
0x46c: {  	[sflag:s0] =	ssyncset.done $0x0  }
0x46d: {  	[sflag:s0] =	ssyncadd.s32 $0xFFFF9C00  }
0x46e: {  	s22 =	sor.u32 $0x1, s22;
	_ =	swait.ge [sflag:s0], $0x6400  }
0x46f: {  	s24 =	smul.u32 $0xC80, s22;
	[sflag:s0] =	ssyncset.done $0x0  }
0x470: {  	s22 =	smul.u32 $0x6400, s22;
	[sflag:s0] =	ssyncadd.s32 $0xFFFF9C00  }
0x471: {  	_ =	swait.ge [sflag:s0], $0x6400  }
0x472: {  	s22 =	sshrl.u32 s22, $0x3;
	[sflag:s0] =	ssyncset.done $0x0  }
0x473: {  	s24 =	sadd.s32 s2, s24;
	s22 =	sadd.s32 s2, s22;
	[sflag:s0] =	ssyncadd.s32 $0xFFFF9C00  }
0x474: {  	[hbm4b:s24+s3] =	stream.linear.scatter [tilespmem:s23], [sflag:$0x6], $0x640, $0x38;
	[tilespmem:$0x1C200] =	vst v63  }
0x475: {  	s25 =	simm.s32 $0x16440;
	s28 =	sadd.s32 $0xC8, s22  }
0x476: {  	[hbm4b:s28+s3] =	stream.linear.scatter [tilespmem:s25], [sflag:$0x6], $0x640, $0x38;
	[tilespmem:$0x1C200] =	vst v63  }
0x477: {  	s25 =	sadd.s32 $0x190, s22;
	s28 =	simm.s32 $0x16A80  }
0x478: {  	[hbm4b:s25+s3] =	stream.linear.scatter [tilespmem:s28], [sflag:$0x6], $0x640, $0x38;
	[tilespmem:$0x1C200] =	vst v63  }
0x479: {  	s25 =	sadd.s32 $0x258, s22;
	s28 =	simm.s32 $0x170C0  }
0x47a: {  	[hbm4b:s25+s3] =	stream.linear.scatter [tilespmem:s28], [sflag:$0x6], $0x640, $0x38;
	[tilespmem:$0x1C200] =	vst v63  }
0x47b: {  	s25 =	sadd.s32 $0x320, s22;
	s28 =	simm.s32 $0x17700  }
0x47c: {  	[hbm4b:s25+s3] =	stream.linear.scatter [tilespmem:s28], [sflag:$0x6], $0x640, $0x38;
	[tilespmem:$0x1C200] =	vst v63  }
0x47d: {  	s25 =	sadd.s32 $0x3E8, s22;
	s28 =	simm.s32 $0x17D40  }
0x47e: {  	[hbm4b:s25+s3] =	stream.linear.scatter [tilespmem:s28], [sflag:$0x6], $0x640, $0x38;
	[tilespmem:$0x1C200] =	vst v63  }
0x47f: {  	s25 =	sadd.s32 $0x4B0, s22;
	s28 =	simm.s32 $0x18380  }
0x480: {  	[hbm4b:s25+s3] =	stream.linear.scatter [tilespmem:s28], [sflag:$0x6], $0x640, $0x38;
	[tilespmem:$0x1C200] =	vst v63  }
0x481: {  	s25 =	sadd.s32 $0x578, s22;
	s28 =	simm.s32 $0x189C0  }
0x482: {  	[hbm4b:s25+s3] =	stream.linear.scatter [tilespmem:s28], [sflag:$0x6], $0x640, $0x38;
	[tilespmem:$0x1C200] =	vst v63  }
0x483: {  	s25 =	sadd.s32 $0x640, s22;
	s28 =	simm.s32 $0x19000  }
0x484: {  	[hbm4b:s25+s3] =	stream.linear.scatter [tilespmem:s28], [sflag:$0x6], $0x640, $0x38;
	[tilespmem:$0x1C200] =	vst v63  }
0x485: {  	s25 =	sadd.s32 $0x708, s22;
	s28 =	simm.s32 $0x19640  }
0x486: {  	[hbm4b:s25+s3] =	stream.linear.scatter [tilespmem:s28], [sflag:$0x6], $0x640, $0x38;
	[tilespmem:$0x1C200] =	vst v63  }
0x487: {  	s25 =	sadd.s32 $0x7D0, s22;
	s28 =	simm.s32 $0x19C80  }
0x488: {  	[hbm4b:s25+s3] =	stream.linear.scatter [tilespmem:s28], [sflag:$0x6], $0x640, $0x38;
	[tilespmem:$0x1C200] =	vst v63  }
0x489: {  	s25 =	sadd.s32 $0x898, s22;
	s28 =	simm.s32 $0x1A2C0  }
0x48a: {  	[hbm4b:s25+s3] =	stream.linear.scatter [tilespmem:s28], [sflag:$0x6], $0x640, $0x38;
	[tilespmem:$0x1C200] =	vst v63  }
0x48b: {  	s25 =	sadd.s32 $0x960, s22;
	s28 =	simm.s32 $0x1A900  }
0x48c: {  	[hbm4b:s25+s3] =	stream.linear.scatter [tilespmem:s28], [sflag:$0x6], $0x640, $0x38;
	[tilespmem:$0x1C200] =	vst v63  }
0x48d: {  	s25 =	sadd.s32 $0xA28, s22  }
0x48e: {  	[hbm4b:s25+s3] =	stream.linear.scatter [tilespmem:s31], [sflag:$0x6], $0x640, $0x38;
	[tilespmem:$0x1C200] =	vst v63  }
.Ltmp10:
0x48f: {  	_ = 	snop;
	(pc) =	sbr.rel @p0 .LBB2_18-.Ltmp10, $4  }
0x490: {  	s28 =	sadd.s32 $0xAF0, s22  }
0x491: {  	[hbm4b:s28+s3] =	stream.linear.scatter [tilespmem:s1], [sflag:$0x6], $0x640, $0x38;
	[tilespmem:$0x1C200] =	vst v63  }
0x492: {  	s22 =	sadd.s32 $0xBB8, s22  }
0x493: {  	[hbm4b:s22+s3] =	stream.linear.scatter [tilespmem:s8], [sflag:$0x6], $0x640, $0x38;
	[tilespmem:$0x1C200] =	vst v63  }
.Ltmp11:
0x494: {  	s10 =	sadd.s32 s10, s11;
	(pc) =	sbr.rel .LBB2_6-.Ltmp11, $4  }
0x495: {  	s10 =	sshll.u32 s10, $0x1  }
0x496: {  	s10 =	sand.u32 $0x1FFFFFFE, s10  }
0x497: {  	s19 =	sadd.s32 $0x1, s19;
	s10 =	sadd.s32 s4, s10  }
0x498: {  	[tilespmem:s20], [sflag:$0x4] =	stream.strided.gather [hbm4b:s10+s13], $0x3E80, s14, s13, $0x38;
	[tilespmem:$0x1C200] =	vst v63  }
.LBB2_19:
0x499: {  	_ =	sfence.sel $0x180000  }
0x49a: {  	[bflag:$0x0] =	sbarrier.arrive $0xFFFF  }
0x49b: {  	_ =	strace $0x90000047  }
0x49c: {  	s0 =	stileid.u32;
	[bflag:$0x2] =	sbarrier.arrive $0xFFFF  }
0x49d: {  	p0 =	sne.s32 s0, $0x0;
	s0 =	rddreg [dreg:$0x2]  }
0x49e: {  	s0 =	sadd.s32 @!p0 $0x100000, s0  }
0x49f: {  	[sflag:s0] =	ssyncadd.tile.s32 @!p0 $0x1;
	_ =	shalt  }
.Lfunc_end2:
_tile_overlayer_lowered:
.L_overlay_start_2:
0x4a0: {  	(tag) =	ssettag $0x2  }
0x4a1: {  	s0 =	rddreg [dreg:$0x0];
	s2 =	stileid.u32  }
0x4a2: {  	s1 =	rddreg [dreg:$0x1];
	p0 =	sne.s32 s2, $0x0  }
0x4a3: {  	s3 =	rddreg [dreg:$0x2];
	[bflag:$0x3] =	sbarrier.arrive $0xFFFF;
	s2 =	simm.s32 @!p0 $0x1C07  }
0x4a4: {  	[timem:s3], [sflag:s2] =	dma.local @!p0 [hbm:s0], s1  }
0x4a5: {  	s0 =	simm.s32 @!p0 $0x7  }
0x4a6: {  	_ =	swait.ge @!p0 [sflag:s0], s1  }
0x4a7: {  	s1 =	ssub.s32 @!p0 $0x0, s1;
	[sflag:s0] =	ssyncset.done @!p0 $0x0  }
0x4a8: {  	[sflag:s0] =	ssyncadd.s32 @!p0 s1  }
0x4a9: {  	[bflag:$0x3] =	sbarrier.arrive $0xFFFF  }
0x4aa: {  	_ =	shalt  }

</sc_bundles>
